<compile_context>
chip_gen: v7x
topology: tpu7x:2x2x1
jax: 0.10.2.dev20260603
libtpu: 0.0.44.dev20260713+nightly
codegen_flags: <defaults>
</compile_context>

<pallas_src>
import functools

import jax
import jax.numpy as jnp
from jax import lax
from jax.experimental import pallas as pl
from jax.experimental.pallas import tpu as pltpu
from jax.experimental.pallas import tpu_sc as plsc

_K = 4096
_B = 1048576
_R, _C = 32, 128

_NC = 2
_NS = 16
_L = 16
_NW = _NC * _NS
_S = _B // _NW


def _counts_body(sym_ref, lam_ref, cum_ref):
    lam = lam_ref[0, 0]
    re = sym_ref[0]
    im = sym_ref[1]
    abs2 = re * re + im * im
    mb = jnp.exp(-lam * abs2)
    p = mb / jnp.sum(mb)
    scaled = p * jnp.float32(_B)
    fl = jnp.floor(scaled)
    frac = scaled - fl
    rem = jnp.float32(_B) - jnp.sum(fl)

    fq = lax.bitcast_convert_type(frac, jnp.int32)
    def _step(_, lh):
        lo, hi = lh
        mid = (lo + hi) >> 1
        cnt = jnp.sum((fq > mid).astype(jnp.float32))
        pred = cnt < rem
        return jnp.where(pred, lo, mid + 1), jnp.where(pred, mid, hi)

    _, t = lax.fori_loop(0, 31, _step, (jnp.int32(0), jnp.int32(0x3F800000)))

    gt = fq > t
    eq = fq == t
    n_gt = jnp.sum(gt.astype(jnp.float32))
    tie_need = rem - n_gt

    br = lax.broadcasted_iota(jnp.int32, (_C, _C), 0)
    bc = lax.broadcasted_iota(jnp.int32, (_C, _C), 1)
    t_incl = (br <= bc).astype(jnp.float32)
    ar = lax.broadcasted_iota(jnp.int32, (_R, _R), 0)
    ac = lax.broadcasted_iota(jnp.int32, (_R, _R), 1)
    s_strict = (ac < ar).astype(jnp.float32)

    def _cumsum_incl(x):
        row_incl = jnp.dot(x, t_incl, precision=lax.Precision.HIGHEST)
        rt = jnp.sum(x, axis=1, keepdims=True)
        pref = jnp.dot(s_strict, rt, precision=lax.Precision.HIGHEST)
        return row_incl + pref

    eqf = eq.astype(jnp.float32)
    eq_excl = _cumsum_incl(eqf) - eqf
    bonus = gt.astype(jnp.float32) + jnp.where(
        eq & (eq_excl < tie_need), 1.0, 0.0)
    counts = fl + bonus
    cum_ref[...] = _cumsum_incl(counts).astype(jnp.int32)


_counts_call = pl.pallas_call(
    _counts_body,
    out_shape=jax.ShapeDtypeStruct((_R, _C), jnp.int32),
    in_specs=[
        pl.BlockSpec(memory_space=pltpu.VMEM),
        pl.BlockSpec(memory_space=pltpu.SMEM),
    ],
    out_specs=pl.BlockSpec(memory_space=pltpu.VMEM),
)


_NG = _S // _L
_GB = 512
_NB = _S // _GB
_KP = _K + _L


def _expand_body(cum_hbm, out_hbm, cum_v, b_v, out_v, sem):
    wid = lax.axis_index("s") * _NC + lax.axis_index("c")
    j0 = wid * _S
    pltpu.sync_copy(cum_hbm, cum_v.at[pl.ds(0, _K)])
    cum_v[pl.ds(_K, _L)] = jnp.full((_L,), _B, jnp.int32)

    zeros = jnp.zeros((_L,), jnp.int32)
    full_k = jnp.full((_L,), _K, jnp.int32)
    iota = lax.iota(jnp.int32, _L)

    def _bsearch(j, lo, hi):
        for _ in range(13):
            mid = (lo + hi) >> 1
            v = plsc.load_gather(cum_v, [mid])
            le = v <= j
            lo = jnp.where(le, mid + 1, lo)
            hi = jnp.where(le, hi, mid)
        return lo

    for t in range(_NB // _L):
        j_b = j0 + (t * _L + iota) * _GB
        b_v[pl.ds(t * _L, _L)] = _bsearch(j_b, zeros, full_k)
    j_tail = j0 + (_NB - 15 + iota) * _GB
    b_v[pl.ds(_NB - 15, _L)] = _bsearch(j_tail, zeros, full_k)

    def _p2(mb, carry):
        v2 = b_v[pl.ds(mb, _L)]
        s0 = v2[0]
        s1 = v2[1]
        base = mb * _GB
        s0v = jnp.broadcast_to(s0, (_L,))

        @pl.when(s1 - s0 <= 4)
        def _():
            cv = cum_v[pl.ds(s0, _L)]
            c0 = jnp.broadcast_to(cv[0], (_L,))
            c1 = jnp.broadcast_to(cv[1], (_L,))
            c2 = jnp.broadcast_to(cv[2], (_L,))
            c3 = jnp.broadcast_to(cv[3], (_L,))
            for g in range(_GB // _L):
                j = j0 + base + g * _L + iota
                out_v[pl.ds(base + g * _L, _L)] = (
                    s0v + (c0 <= j).astype(jnp.int32)
                    + (c1 <= j).astype(jnp.int32)
                    + (c2 <= j).astype(jnp.int32)
                    + (c3 <= j).astype(jnp.int32))

        @pl.when(s1 - s0 > 4)
        def _():
            s1v = jnp.broadcast_to(s1, (_L,))

            def _grp(g, c):
                j = j0 + base + g * _L + iota
                out_v[pl.ds(base + g * _L, _L)] = _bsearch(j, s0v, s1v)
                return c

            lax.fori_loop(0, _GB // _L, _grp, 0)

        return carry

    _Q = _S // 4
    handles = []
    for q in range(4):
        lax.fori_loop(q * (_NB // 4), (q + 1) * (_NB // 4), _p2, 0)
        handles.append(pltpu.async_copy(
            out_v.at[pl.ds(q * _Q, _Q)],
            out_hbm.at[pl.ds(j0 + q * _Q, _Q)],
            sem))
    for h in handles:
        h.wait()


_expand_call = pl.kernel(
    _expand_body,
    out_type=jax.ShapeDtypeStruct((_B,), jnp.int32),
    mesh=plsc.VectorSubcoreMesh(
        core_axis_name="c", subcore_axis_name="s",
        num_cores=_NC, num_subcores=_NS),
    scratch_types=[
        pltpu.VMEM((_KP,), jnp.int32),
        pltpu.VMEM((_NB + 1 + 15,), jnp.int32),
        pltpu.VMEM((_S,), jnp.int32),
        pltpu.SemaphoreType.DMA,
    ],
    compiler_params=pltpu.CompilerParams(
        needs_layout_passes=False,
        use_tc_tiling_on_sc=False,
    ),
)


def kernel(symbols, logits, batchsize):
    del batchsize
    sym = symbols.T.reshape(2, _R, _C)
    lam = logits.reshape(1, 1)
    cum = _counts_call(sym, lam).reshape(_K)
    return _expand_call(cum)

# --- scband reference (transcript-rebuilt; emitter-appended) ---
"""Pipeline reference for scband-mbpcssampler-29351806501278 (READ-ONLY COPY).

The authoritative reference and input builder live on the scoring server;
editing this copy changes nothing except your own understanding.
"""

import jax, jax.numpy as jnp
import numpy as np

K = 4096
BATCH = 1048576


def setup_inputs(seed: int = 0) -> dict:
    key = jax.random.key(seed)
    # 4096-QAM constellation: 64x64 grid of (real, imag) levels, unit average energy
    m = 64
    levels = jnp.arange(-(m - 1), m, 2, dtype=jnp.float32)
    re, im = jnp.meshgrid(levels, levels, indexing='ij')
    symbols = jnp.stack([re.reshape(-1), im.reshape(-1)], axis=-1)  # [K, 2]
    energy = jnp.mean(jnp.sum(symbols ** 2, axis=-1))
    symbols = symbols / jnp.sqrt(energy)
    # learned scalar logits parameter (lambda of the Maxwell-Boltzmann dist)
    logits = jax.random.normal(jax.random.fold_in(key, 1), (1,), dtype=jnp.float32) * 0.1 + 0.2
    return {"symbols": symbols, "logits": logits, "batchsize": BATCH}


def reference(symbols, logits, batchsize):
    # lambda_mb: pcs_extra_params is empty -> logit = self.logits (returned raw)
    lam = logits[0]
    # MB_dist: exp(-lambda * |symbols|^2), normalized
    abs2 = jnp.sum(symbols ** 2, axis=-1)  # |s|^2 with complex stored as [K,2]
    mb = jnp.exp(-lam * abs2)
    p = mb / jnp.sum(mb)
    # distribution_quantization: integer counts summing exactly to batchsize
    # (largest-remainder / Hamilton quantization)
    scaled = p * jnp.float32(batchsize)
    floors = jnp.floor(scaled)
    rem = (jnp.float32(batchsize) - jnp.sum(floors)).astype(jnp.int32)
    frac = scaled - floors
    order = jnp.argsort(-frac)
    k = symbols.shape[0]
    rank = jnp.zeros((k,), jnp.int32).at[order].set(jnp.arange(k, dtype=jnp.int32))
    counts = floors.astype(jnp.int32) + (rank < rem).astype(jnp.int32)
    # torch.repeat_interleave(arange(K), num_symbols)
    idx = jnp.repeat(jnp.arange(k, dtype=jnp.int64), counts, total_repeat_length=BATCH)
    return idx

if __name__ == "__main__":
    import jax
    _d = setup_inputs()
    print(jax.jit(kernel)(*tuple(_d.values())))

</pallas_src>

<mosaic_0001>
#map = affine_map<(d0, d1) -> (0)>
module attributes {stable_mosaic.version = 14 : i64} {
  func.func @_expand_body(%arg0: i32, %arg1: i32, %arg2: memref<4096xi32, #tpu.memory_space<hbm>>, %arg3: memref<1048576xi32, #tpu.memory_space<hbm>>, %arg4: memref<4112xi32, #tpu.memory_space<vmem>>, %arg5: memref<80xi32, #tpu.memory_space<vmem>>, %arg6: memref<32768xi32, #tpu.memory_space<vmem>>, %arg7: memref<!tpu.dma_semaphore, #tpu.memory_space<semaphore_mem>>) attributes {dimension_semantics = [#tpu.dimension_semantics<core_parallel>, #tpu.dimension_semantics<subcore_parallel>], iteration_bounds = array<i64: 2, 16>, scalar_prefetch = 0 : i64, scratch_operands = 4 : i64, tpu.core_type = #tpu.core_type<sc_vector_subcore>, window_params = [{transform_indices = #map}, {transform_indices = #map}]} {
    %mul3A = arith.constant 2 : i32
    %mul3A_0 = arith.muli %arg1, %mul3A : i32
    %add3A = arith.addi %mul3A_0, %arg0 : i32
    %mul3A_1 = arith.constant 32768 : i32
    %mul3A_2 = arith.muli %add3A, %mul3A_1 : i32
    "tpu.region"() ({
      %run_scoped3A = tpu.sem_alloc : memref<!tpu.dma_semaphore, #tpu.memory_space<semaphore_mem>>
      %dma_start3A_847 = arith.constant 0 : i32
      %dma_start3A_848 = tpu.memref_slice %arg4[%dma_start3A_847] : memref<4112xi32, #tpu.memory_space<vmem>> -> memref<4096xi32, #tpu.memory_space<vmem>>
      %dma_start3A_849 = arith.constant 0 : i32
      %dma_start3A_850 = tpu.memref_slice %arg4[%dma_start3A_849] : memref<4112xi32, #tpu.memory_space<vmem>> -> memref<4096xi32, #tpu.memory_space<vmem>>
      tpu.enqueue_dma source(%arg2 : memref<4096xi32, #tpu.memory_space<hbm>>) target(%dma_start3A_850 : memref<4096xi32, #tpu.memory_space<vmem>>) target_semaphore(%run_scoped3A : memref<!tpu.dma_semaphore, #tpu.memory_space<semaphore_mem>>)
      %dma_wait3A_851 = arith.constant 0 : i32
      %dma_wait3A_852 = tpu.memref_slice %arg4[%dma_wait3A_851] : memref<4112xi32, #tpu.memory_space<vmem>> -> memref<4096xi32, #tpu.memory_space<vmem>>
      %dma_wait3A_853 = arith.constant 0 : i32
      %dma_wait3A_854 = tpu.memref_slice %arg4[%dma_wait3A_853] : memref<4112xi32, #tpu.memory_space<vmem>> -> memref<4096xi32, #tpu.memory_space<vmem>>
      tpu.wait_dma2 semaphore(%run_scoped3A : memref<!tpu.dma_semaphore, #tpu.memory_space<semaphore_mem>>) src(%arg2 : memref<4096xi32, #tpu.memory_space<hbm>>) dst(%dma_wait3A_854 : memref<4096xi32, #tpu.memory_space<vmem>>)
      tpu.yield
    }) : () -> ()
    %broadcast_in_dim3A = arith.constant 1048576 : i32
    %broadcast_in_dim3A_3 = vector.broadcast %broadcast_in_dim3A : i32 to vector<16xi32>
    %swap3A = arith.constant 4096 : index
    %swap3A_4 = tpu.vector_load %arg4[%swap3A] {strides = array<i32>} : memref<4112xi32, #tpu.memory_space<vmem>>, vector<16xi32>,
    tpu.vector_store %arg4[%swap3A], %broadcast_in_dim3A_3 {strides = array<i32>} : memref<4112xi32, #tpu.memory_space<vmem>>, vector<16xi32>,
    %broadcast_in_dim3A_5 = arith.constant 0 : i32
    %broadcast_in_dim3A_6 = vector.broadcast %broadcast_in_dim3A_5 : i32 to vector<16xi32>
    %broadcast_in_dim3A_7 = arith.constant 4096 : i32
    %broadcast_in_dim3A_8 = vector.broadcast %broadcast_in_dim3A_7 : i32 to vector<16xi32>
    %iota3A = tpu.iota {dimensions = array<i32: 0>} : vector<16xi32>
    %add3A_9 = arith.constant 0 : i32
    %add3A_10 = vector.broadcast %add3A_9 : i32 to vector<16xi32>
    %add3A_11 = arith.addi %add3A_10, %iota3A : vector<16xi32>
    %mul3A_12 = arith.constant 512 : i32
    %mul3A_13 = vector.broadcast %mul3A_12 : i32 to vector<16xi32>
    %mul3A_14 = arith.muli %add3A_11, %mul3A_13 : vector<16xi32>
    %add3A_15 = vector.broadcast %mul3A_2 : i32 to vector<16xi32>
    %add3A_16 = arith.addi %add3A_15, %mul3A_14 : vector<16xi32>
    %add3A_17 = arith.addi %broadcast_in_dim3A_6, %broadcast_in_dim3A_8 : vector<16xi32>
    %shift_right_arithmetic3A = arith.constant 1 : i32
    %shift_right_arithmetic3A_18 = vector.broadcast %shift_right_arithmetic3A : i32 to vector<16xi32>
    %shift_right_arithmetic3A_19 = arith.shrsi %add3A_17, %shift_right_arithmetic3A_18 : vector<16xi32>
    %gather3A = tpu.vector_load_idx %arg4[%shift_right_arithmetic3A_19] : memref<4112xi32, #tpu.memory_space<vmem>>[vector<16xi32>], vector<16xi32>,
    %le3A = arith.cmpi sle, %gather3A, %add3A_16 : vector<16xi32>
    %add3A_20 = arith.constant 1 : i32
    %add3A_21 = vector.broadcast %add3A_20 : i32 to vector<16xi32>
    %add3A_22 = arith.addi %shift_right_arithmetic3A_19, %add3A_21 : vector<16xi32>
    %select_n3A = arith.select %le3A, %add3A_22, %broadcast_in_dim3A_6 : vector<16xi1>, vector<16xi32>
    %select_n3A_23 = arith.select %le3A, %broadcast_in_dim3A_8, %shift_right_arithmetic3A_19 : vector<16xi1>, vector<16xi32>
    %add3A_24 = arith.addi %select_n3A, %select_n3A_23 : vector<16xi32>
    %shift_right_arithmetic3A_25 = arith.constant 1 : i32
    %shift_right_arithmetic3A_26 = vector.broadcast %shift_right_arithmetic3A_25 : i32 to vector<16xi32>
    %shift_right_arithmetic3A_27 = arith.shrsi %add3A_24, %shift_right_arithmetic3A_26 : vector<16xi32>
    %gather3A_28 = tpu.vector_load_idx %arg4[%shift_right_arithmetic3A_27] : memref<4112xi32, #tpu.memory_space<vmem>>[vector<16xi32>], vector<16xi32>,
    %le3A_29 = arith.cmpi sle, %gather3A_28, %add3A_16 : vector<16xi32>
    %add3A_30 = arith.constant 1 : i32
    %add3A_31 = vector.broadcast %add3A_30 : i32 to vector<16xi32>
    %add3A_32 = arith.addi %shift_right_arithmetic3A_27, %add3A_31 : vector<16xi32>
    %select_n3A_33 = arith.select %le3A_29, %add3A_32, %select_n3A : vector<16xi1>, vector<16xi32>
    %select_n3A_34 = arith.select %le3A_29, %select_n3A_23, %shift_right_arithmetic3A_27 : vector<16xi1>, vector<16xi32>
    %add3A_35 = arith.addi %select_n3A_33, %select_n3A_34 : vector<16xi32>
    %shift_right_arithmetic3A_36 = arith.constant 1 : i32
    %shift_right_arithmetic3A_37 = vector.broadcast %shift_right_arithmetic3A_36 : i32 to vector<16xi32>
    %shift_right_arithmetic3A_38 = arith.shrsi %add3A_35, %shift_right_arithmetic3A_37 : vector<16xi32>
    %gather3A_39 = tpu.vector_load_idx %arg4[%shift_right_arithmetic3A_38] : memref<4112xi32, #tpu.memory_space<vmem>>[vector<16xi32>], vector<16xi32>,
    %le3A_40 = arith.cmpi sle, %gather3A_39, %add3A_16 : vector<16xi32>
    %add3A_41 = arith.constant 1 : i32
    %add3A_42 = vector.broadcast %add3A_41 : i32 to vector<16xi32>
    %add3A_43 = arith.addi %shift_right_arithmetic3A_38, %add3A_42 : vector<16xi32>
    %select_n3A_44 = arith.select %le3A_40, %add3A_43, %select_n3A_33 : vector<16xi1>, vector<16xi32>
    %select_n3A_45 = arith.select %le3A_40, %select_n3A_34, %shift_right_arithmetic3A_38 : vector<16xi1>, vector<16xi32>
    %add3A_46 = arith.addi %select_n3A_44, %select_n3A_45 : vector<16xi32>
    %shift_right_arithmetic3A_47 = arith.constant 1 : i32
    %shift_right_arithmetic3A_48 = vector.broadcast %shift_right_arithmetic3A_47 : i32 to vector<16xi32>
    %shift_right_arithmetic3A_49 = arith.shrsi %add3A_46, %shift_right_arithmetic3A_48 : vector<16xi32>
    %gather3A_50 = tpu.vector_load_idx %arg4[%shift_right_arithmetic3A_49] : memref<4112xi32, #tpu.memory_space<vmem>>[vector<16xi32>], vector<16xi32>,
    %le3A_51 = arith.cmpi sle, %gather3A_50, %add3A_16 : vector<16xi32>
    %add3A_52 = arith.constant 1 : i32
    %add3A_53 = vector.broadcast %add3A_52 : i32 to vector<16xi32>
    %add3A_54 = arith.addi %shift_right_arithmetic3A_49, %add3A_53 : vector<16xi32>
    %select_n3A_55 = arith.select %le3A_51, %add3A_54, %select_n3A_44 : vector<16xi1>, vector<16xi32>
    %select_n3A_56 = arith.select %le3A_51, %select_n3A_45, %shift_right_arithmetic3A_49 : vector<16xi1>, vector<16xi32>
    %add3A_57 = arith.addi %select_n3A_55, %select_n3A_56 : vector<16xi32>
    %shift_right_arithmetic3A_58 = arith.constant 1 : i32
    %shift_right_arithmetic3A_59 = vector.broadcast %shift_right_arithmetic3A_58 : i32 to vector<16xi32>
    %shift_right_arithmetic3A_60 = arith.shrsi %add3A_57, %shift_right_arithmetic3A_59 : vector<16xi32>
    %gather3A_61 = tpu.vector_load_idx %arg4[%shift_right_arithmetic3A_60] : memref<4112xi32, #tpu.memory_space<vmem>>[vector<16xi32>], vector<16xi32>,
    %le3A_62 = arith.cmpi sle, %gather3A_61, %add3A_16 : vector<16xi32>
    %add3A_63 = arith.constant 1 : i32
    %add3A_64 = vector.broadcast %add3A_63 : i32 to vector<16xi32>
    %add3A_65 = arith.addi %shift_right_arithmetic3A_60, %add3A_64 : vector<16xi32>
    %select_n3A_66 = arith.select %le3A_62, %add3A_65, %select_n3A_55 : vector<16xi1>, vector<16xi32>
    %select_n3A_67 = arith.select %le3A_62, %select_n3A_56, %shift_right_arithmetic3A_60 : vector<16xi1>, vector<16xi32>
    %add3A_68 = arith.addi %select_n3A_66, %select_n3A_67 : vector<16xi32>
    %shift_right_arithmetic3A_69 = arith.constant 1 : i32
    %shift_right_arithmetic3A_70 = vector.broadcast %shift_right_arithmetic3A_69 : i32 to vector<16xi32>
    %shift_right_arithmetic3A_71 = arith.shrsi %add3A_68, %shift_right_arithmetic3A_70 : vector<16xi32>
    %gather3A_72 = tpu.vector_load_idx %arg4[%shift_right_arithmetic3A_71] : memref<4112xi32, #tpu.memory_space<vmem>>[vector<16xi32>], vector<16xi32>,
    %le3A_73 = arith.cmpi sle, %gather3A_72, %add3A_16 : vector<16xi32>
    %add3A_74 = arith.constant 1 : i32
    %add3A_75 = vector.broadcast %add3A_74 : i32 to vector<16xi32>
    %add3A_76 = arith.addi %shift_right_arithmetic3A_71, %add3A_75 : vector<16xi32>
    %select_n3A_77 = arith.select %le3A_73, %add3A_76, %select_n3A_66 : vector<16xi1>, vector<16xi32>
    %select_n3A_78 = arith.select %le3A_73, %select_n3A_67, %shift_right_arithmetic3A_71 : vector<16xi1>, vector<16xi32>
    %add3A_79 = arith.addi %select_n3A_77, %select_n3A_78 : vector<16xi32>
    %shift_right_arithmetic3A_80 = arith.constant 1 : i32
    %shift_right_arithmetic3A_81 = vector.broadcast %shift_right_arithmetic3A_80 : i32 to vector<16xi32>
    %shift_right_arithmetic3A_82 = arith.shrsi %add3A_79, %shift_right_arithmetic3A_81 : vector<16xi32>
    %gather3A_83 = tpu.vector_load_idx %arg4[%shift_right_arithmetic3A_82] : memref<4112xi32, #tpu.memory_space<vmem>>[vector<16xi32>], vector<16xi32>,
    %le3A_84 = arith.cmpi sle, %gather3A_83, %add3A_16 : vector<16xi32>
    %add3A_85 = arith.constant 1 : i32
    %add3A_86 = vector.broadcast %add3A_85 : i32 to vector<16xi32>
    %add3A_87 = arith.addi %shift_right_arithmetic3A_82, %add3A_86 : vector<16xi32>
    %select_n3A_88 = arith.select %le3A_84, %add3A_87, %select_n3A_77 : vector<16xi1>, vector<16xi32>
    %select_n3A_89 = arith.select %le3A_84, %select_n3A_78, %shift_right_arithmetic3A_82 : vector<16xi1>, vector<16xi32>
    %add3A_90 = arith.addi %select_n3A_88, %select_n3A_89 : vector<16xi32>
    %shift_right_arithmetic3A_91 = arith.constant 1 : i32
    %shift_right_arithmetic3A_92 = vector.broadcast %shift_right_arithmetic3A_91 : i32 to vector<16xi32>
    %shift_right_arithmetic3A_93 = arith.shrsi %add3A_90, %shift_right_arithmetic3A_92 : vector<16xi32>
    %gather3A_94 = tpu.vector_load_idx %arg4[%shift_right_arithmetic3A_93] : memref<4112xi32, #tpu.memory_space<vmem>>[vector<16xi32>], vector<16xi32>,
    %le3A_95 = arith.cmpi sle, %gather3A_94, %add3A_16 : vector<16xi32>
    %add3A_96 = arith.constant 1 : i32
    %add3A_97 = vector.broadcast %add3A_96 : i32 to vector<16xi32>
    %add3A_98 = arith.addi %shift_right_arithmetic3A_93, %add3A_97 : vector<16xi32>
    %select_n3A_99 = arith.select %le3A_95, %add3A_98, %select_n3A_88 : vector<16xi1>, vector<16xi32>
    %select_n3A_100 = arith.select %le3A_95, %select_n3A_89, %shift_right_arithmetic3A_93 : vector<16xi1>, vector<16xi32>
    %add3A_101 = arith.addi %select_n3A_99, %select_n3A_100 : vector<16xi32>
    %shift_right_arithmetic3A_102 = arith.constant 1 : i32
    %shift_right_arithmetic3A_103 = vector.broadcast %shift_right_arithmetic3A_102 : i32 to vector<16xi32>
    %shift_right_arithmetic3A_104 = arith.shrsi %add3A_101, %shift_right_arithmetic3A_103 : vector<16xi32>
    %gather3A_105 = tpu.vector_load_idx %arg4[%shift_right_arithmetic3A_104] : memref<4112xi32, #tpu.memory_space<vmem>>[vector<16xi32>], vector<16xi32>,
    %le3A_106 = arith.cmpi sle, %gather3A_105, %add3A_16 : vector<16xi32>
    %add3A_107 = arith.constant 1 : i32
    %add3A_108 = vector.broadcast %add3A_107 : i32 to vector<16xi32>
    %add3A_109 = arith.addi %shift_right_arithmetic3A_104, %add3A_108 : vector<16xi32>
    %select_n3A_110 = arith.select %le3A_106, %add3A_109, %select_n3A_99 : vector<16xi1>, vector<16xi32>
    %select_n3A_111 = arith.select %le3A_106, %select_n3A_100, %shift_right_arithmetic3A_104 : vector<16xi1>, vector<16xi32>
    %add3A_112 = arith.addi %select_n3A_110, %select_n3A_111 : vector<16xi32>
    %shift_right_arithmetic3A_113 = arith.constant 1 : i32
    %shift_right_arithmetic3A_114 = vector.broadcast %shift_right_arithmetic3A_113 : i32 to vector<16xi32>
    %shift_right_arithmetic3A_115 = arith.shrsi %add3A_112, %shift_right_arithmetic3A_114 : vector<16xi32>
    %gather3A_116 = tpu.vector_load_idx %arg4[%shift_right_arithmetic3A_115] : memref<4112xi32, #tpu.memory_space<vmem>>[vector<16xi32>], vector<16xi32>,
    %le3A_117 = arith.cmpi sle, %gather3A_116, %add3A_16 : vector<16xi32>
    %add3A_118 = arith.constant 1 : i32
    %add3A_119 = vector.broadcast %add3A_118 : i32 to vector<16xi32>
    %add3A_120 = arith.addi %shift_right_arithmetic3A_115, %add3A_119 : vector<16xi32>
    %select_n3A_121 = arith.select %le3A_117, %add3A_120, %select_n3A_110 : vector<16xi1>, vector<16xi32>
    %select_n3A_122 = arith.select %le3A_117, %select_n3A_111, %shift_right_arithmetic3A_115 : vector<16xi1>, vector<16xi32>
    %add3A_123 = arith.addi %select_n3A_121, %select_n3A_122 : vector<16xi32>
    %shift_right_arithmetic3A_124 = arith.constant 1 : i32
    %shift_right_arithmetic3A_125 = vector.broadcast %shift_right_arithmetic3A_124 : i32 to vector<16xi32>
    %shift_right_arithmetic3A_126 = arith.shrsi %add3A_123, %shift_right_arithmetic3A_125 : vector<16xi32>
    %gather3A_127 = tpu.vector_load_idx %arg4[%shift_right_arithmetic3A_126] : memref<4112xi32, #tpu.memory_space<vmem>>[vector<16xi32>], vector<16xi32>,
    %le3A_128 = arith.cmpi sle, %gather3A_127, %add3A_16 : vector<16xi32>
    %add3A_129 = arith.constant 1 : i32
    %add3A_130 = vector.broadcast %add3A_129 : i32 to vector<16xi32>
    %add3A_131 = arith.addi %shift_right_arithmetic3A_126, %add3A_130 : vector<16xi32>
    %select_n3A_132 = arith.select %le3A_128, %add3A_131, %select_n3A_121 : vector<16xi1>, vector<16xi32>
    %select_n3A_133 = arith.select %le3A_128, %select_n3A_122, %shift_right_arithmetic3A_126 : vector<16xi1>, vector<16xi32>
    %add3A_134 = arith.addi %select_n3A_132, %select_n3A_133 : vector<16xi32>
    %shift_right_arithmetic3A_135 = arith.constant 1 : i32
    %shift_right_arithmetic3A_136 = vector.broadcast %shift_right_arithmetic3A_135 : i32 to vector<16xi32>
    %shift_right_arithmetic3A_137 = arith.shrsi %add3A_134, %shift_right_arithmetic3A_136 : vector<16xi32>
    %gather3A_138 = tpu.vector_load_idx %arg4[%shift_right_arithmetic3A_137] : memref<4112xi32, #tpu.memory_space<vmem>>[vector<16xi32>], vector<16xi32>,
    %le3A_139 = arith.cmpi sle, %gather3A_138, %add3A_16 : vector<16xi32>
    %add3A_140 = arith.constant 1 : i32
    %add3A_141 = vector.broadcast %add3A_140 : i32 to vector<16xi32>
    %add3A_142 = arith.addi %shift_right_arithmetic3A_137, %add3A_141 : vector<16xi32>
    %select_n3A_143 = arith.select %le3A_139, %add3A_142, %select_n3A_132 : vector<16xi1>, vector<16xi32>
    %select_n3A_144 = arith.select %le3A_139, %select_n3A_133, %shift_right_arithmetic3A_137 : vector<16xi1>, vector<16xi32>
    %add3A_145 = arith.addi %select_n3A_143, %select_n3A_144 : vector<16xi32>
    %shift_right_arithmetic3A_146 = arith.constant 1 : i32
    %shift_right_arithmetic3A_147 = vector.broadcast %shift_right_arithmetic3A_146 : i32 to vector<16xi32>
    %shift_right_arithmetic3A_148 = arith.shrsi %add3A_145, %shift_right_arithmetic3A_147 : vector<16xi32>
    %gather3A_149 = tpu.vector_load_idx %arg4[%shift_right_arithmetic3A_148] : memref<4112xi32, #tpu.memory_space<vmem>>[vector<16xi32>], vector<16xi32>,
    %le3A_150 = arith.cmpi sle, %gather3A_149, %add3A_16 : vector<16xi32>
    %add3A_151 = arith.constant 1 : i32
    %add3A_152 = vector.broadcast %add3A_151 : i32 to vector<16xi32>
    %add3A_153 = arith.addi %shift_right_arithmetic3A_148, %add3A_152 : vector<16xi32>
    %select_n3A_154 = arith.select %le3A_150, %add3A_153, %select_n3A_143 : vector<16xi1>, vector<16xi32>
    %select_n3A_155 = arith.select %le3A_150, %select_n3A_144, %shift_right_arithmetic3A_148 : vector<16xi1>, vector<16xi32>
    %swap3A_156 = arith.constant 0 : index
    %swap3A_157 = tpu.vector_load %arg5[%swap3A_156] {strides = array<i32>} : memref<80xi32, #tpu.memory_space<vmem>>, vector<16xi32>,
    tpu.vector_store %arg5[%swap3A_156], %select_n3A_154 {strides = array<i32>} : memref<80xi32, #tpu.memory_space<vmem>>, vector<16xi32>,
    %add3A_158 = arith.constant 16 : i32
    %add3A_159 = vector.broadcast %add3A_158 : i32 to vector<16xi32>
    %add3A_160 = arith.addi %add3A_159, %iota3A : vector<16xi32>
    %mul3A_161 = arith.constant 512 : i32
    %mul3A_162 = vector.broadcast %mul3A_161 : i32 to vector<16xi32>
    %mul3A_163 = arith.muli %add3A_160, %mul3A_162 : vector<16xi32>
    %add3A_164 = vector.broadcast %mul3A_2 : i32 to vector<16xi32>
    %add3A_165 = arith.addi %add3A_164, %mul3A_163 : vector<16xi32>
    %add3A_166 = arith.addi %broadcast_in_dim3A_6, %broadcast_in_dim3A_8 : vector<16xi32>
    %shift_right_arithmetic3A_167 = arith.constant 1 : i32
    %shift_right_arithmetic3A_168 = vector.broadcast %shift_right_arithmetic3A_167 : i32 to vector<16xi32>
    %shift_right_arithmetic3A_169 = arith.shrsi %add3A_166, %shift_right_arithmetic3A_168 : vector<16xi32>
    %gather3A_170 = tpu.vector_load_idx %arg4[%shift_right_arithmetic3A_169] : memref<4112xi32, #tpu.memory_space<vmem>>[vector<16xi32>], vector<16xi32>,
    %le3A_171 = arith.cmpi sle, %gather3A_170, %add3A_165 : vector<16xi32>
    %add3A_172 = arith.constant 1 : i32
    %add3A_173 = vector.broadcast %add3A_172 : i32 to vector<16xi32>
    %add3A_174 = arith.addi %shift_right_arithmetic3A_169, %add3A_173 : vector<16xi32>
    %select_n3A_175 = arith.select %le3A_171, %add3A_174, %broadcast_in_dim3A_6 : vector<16xi1>, vector<16xi32>
    %select_n3A_176 = arith.select %le3A_171, %broadcast_in_dim3A_8, %shift_right_arithmetic3A_169 : vector<16xi1>, vector<16xi32>
    %add3A_177 = arith.addi %select_n3A_175, %select_n3A_176 : vector<16xi32>
    %shift_right_arithmetic3A_178 = arith.constant 1 : i32
    %shift_right_arithmetic3A_179 = vector.broadcast %shift_right_arithmetic3A_178 : i32 to vector<16xi32>
    %shift_right_arithmetic3A_180 = arith.shrsi %add3A_177, %shift_right_arithmetic3A_179 : vector<16xi32>
    %gather3A_181 = tpu.vector_load_idx %arg4[%shift_right_arithmetic3A_180] : memref<4112xi32, #tpu.memory_space<vmem>>[vector<16xi32>], vector<16xi32>,
    %le3A_182 = arith.cmpi sle, %gather3A_181, %add3A_165 : vector<16xi32>
    %add3A_183 = arith.constant 1 : i32
    %add3A_184 = vector.broadcast %add3A_183 : i32 to vector<16xi32>
    %add3A_185 = arith.addi %shift_right_arithmetic3A_180, %add3A_184 : vector<16xi32>
    %select_n3A_186 = arith.select %le3A_182, %add3A_185, %select_n3A_175 : vector<16xi1>, vector<16xi32>
    %select_n3A_187 = arith.select %le3A_182, %select_n3A_176, %shift_right_arithmetic3A_180 : vector<16xi1>, vector<16xi32>
    %add3A_188 = arith.addi %select_n3A_186, %select_n3A_187 : vector<16xi32>
    %shift_right_arithmetic3A_189 = arith.constant 1 : i32
    %shift_right_arithmetic3A_190 = vector.broadcast %shift_right_arithmetic3A_189 : i32 to vector<16xi32>
    %shift_right_arithmetic3A_191 = arith.shrsi %add3A_188, %shift_right_arithmetic3A_190 : vector<16xi32>
    %gather3A_192 = tpu.vector_load_idx %arg4[%shift_right_arithmetic3A_191] : memref<4112xi32, #tpu.memory_space<vmem>>[vector<16xi32>], vector<16xi32>,
    %le3A_193 = arith.cmpi sle, %gather3A_192, %add3A_165 : vector<16xi32>
    %add3A_194 = arith.constant 1 : i32
    %add3A_195 = vector.broadcast %add3A_194 : i32 to vector<16xi32>
    %add3A_196 = arith.addi %shift_right_arithmetic3A_191, %add3A_195 : vector<16xi32>
    %select_n3A_197 = arith.select %le3A_193, %add3A_196, %select_n3A_186 : vector<16xi1>, vector<16xi32>
    %select_n3A_198 = arith.select %le3A_193, %select_n3A_187, %shift_right_arithmetic3A_191 : vector<16xi1>, vector<16xi32>
    %add3A_199 = arith.addi %select_n3A_197, %select_n3A_198 : vector<16xi32>
    %shift_right_arithmetic3A_200 = arith.constant 1 : i32
    %shift_right_arithmetic3A_201 = vector.broadcast %shift_right_arithmetic3A_200 : i32 to vector<16xi32>
    %shift_right_arithmetic3A_202 = arith.shrsi %add3A_199, %shift_right_arithmetic3A_201 : vector<16xi32>
    %gather3A_203 = tpu.vector_load_idx %arg4[%shift_right_arithmetic3A_202] : memref<4112xi32, #tpu.memory_space<vmem>>[vector<16xi32>], vector<16xi32>,
    %le3A_204 = arith.cmpi sle, %gather3A_203, %add3A_165 : vector<16xi32>
    %add3A_205 = arith.constant 1 : i32
    %add3A_206 = vector.broadcast %add3A_205 : i32 to vector<16xi32>
    %add3A_207 = arith.addi %shift_right_arithmetic3A_202, %add3A_206 : vector<16xi32>
    %select_n3A_208 = arith.select %le3A_204, %add3A_207, %select_n3A_197 : vector<16xi1>, vector<16xi32>
    %select_n3A_209 = arith.select %le3A_204, %select_n3A_198, %shift_right_arithmetic3A_202 : vector<16xi1>, vector<16xi32>
    %add3A_210 = arith.addi %select_n3A_208, %select_n3A_209 : vector<16xi32>
    %shift_right_arithmetic3A_211 = arith.constant 1 : i32
    %shift_right_arithmetic3A_212 = vector.broadcast %shift_right_arithmetic3A_211 : i32 to vector<16xi32>
    %shift_right_arithmetic3A_213 = arith.shrsi %add3A_210, %shift_right_arithmetic3A_212 : vector<16xi32>
    %gather3A_214 = tpu.vector_load_idx %arg4[%shift_right_arithmetic3A_213] : memref<4112xi32, #tpu.memory_space<vmem>>[vector<16xi32>], vector<16xi32>,
    %le3A_215 = arith.cmpi sle, %gather3A_214, %add3A_165 : vector<16xi32>
    %add3A_216 = arith.constant 1 : i32
    %add3A_217 = vector.broadcast %add3A_216 : i32 to vector<16xi32>
    %add3A_218 = arith.addi %shift_right_arithmetic3A_213, %add3A_217 : vector<16xi32>
    %select_n3A_219 = arith.select %le3A_215, %add3A_218, %select_n3A_208 : vector<16xi1>, vector<16xi32>
    %select_n3A_220 = arith.select %le3A_215, %select_n3A_209, %shift_right_arithmetic3A_213 : vector<16xi1>, vector<16xi32>
    %add3A_221 = arith.addi %select_n3A_219, %select_n3A_220 : vector<16xi32>
    %shift_right_arithmetic3A_222 = arith.constant 1 : i32
    %shift_right_arithmetic3A_223 = vector.broadcast %shift_right_arithmetic3A_222 : i32 to vector<16xi32>
    %shift_right_arithmetic3A_224 = arith.shrsi %add3A_221, %shift_right_arithmetic3A_223 : vector<16xi32>
    %gather3A_225 = tpu.vector_load_idx %arg4[%shift_right_arithmetic3A_224] : memref<4112xi32, #tpu.memory_space<vmem>>[vector<16xi32>], vector<16xi32>,
    %le3A_226 = arith.cmpi sle, %gather3A_225, %add3A_165 : vector<16xi32>
    %add3A_227 = arith.constant 1 : i32
    %add3A_228 = vector.broadcast %add3A_227 : i32 to vector<16xi32>
    %add3A_229 = arith.addi %shift_right_arithmetic3A_224, %add3A_228 : vector<16xi32>
    %select_n3A_230 = arith.select %le3A_226, %add3A_229, %select_n3A_219 : vector<16xi1>, vector<16xi32>
    %select_n3A_231 = arith.select %le3A_226, %select_n3A_220, %shift_right_arithmetic3A_224 : vector<16xi1>, vector<16xi32>
    %add3A_232 = arith.addi %select_n3A_230, %select_n3A_231 : vector<16xi32>
    %shift_right_arithmetic3A_233 = arith.constant 1 : i32
    %shift_right_arithmetic3A_234 = vector.broadcast %shift_right_arithmetic3A_233 : i32 to vector<16xi32>
    %shift_right_arithmetic3A_235 = arith.shrsi %add3A_232, %shift_right_arithmetic3A_234 : vector<16xi32>
    %gather3A_236 = tpu.vector_load_idx %arg4[%shift_right_arithmetic3A_235] : memref<4112xi32, #tpu.memory_space<vmem>>[vector<16xi32>], vector<16xi32>,
    %le3A_237 = arith.cmpi sle, %gather3A_236, %add3A_165 : vector<16xi32>
    %add3A_238 = arith.constant 1 : i32
    %add3A_239 = vector.broadcast %add3A_238 : i32 to vector<16xi32>
    %add3A_240 = arith.addi %shift_right_arithmetic3A_235, %add3A_239 : vector<16xi32>
    %select_n3A_241 = arith.select %le3A_237, %add3A_240, %select_n3A_230 : vector<16xi1>, vector<16xi32>
    %select_n3A_242 = arith.select %le3A_237, %select_n3A_231, %shift_right_arithmetic3A_235 : vector<16xi1>, vector<16xi32>
    %add3A_243 = arith.addi %select_n3A_241, %select_n3A_242 : vector<16xi32>
    %shift_right_arithmetic3A_244 = arith.constant 1 : i32
    %shift_right_arithmetic3A_245 = vector.broadcast %shift_right_arithmetic3A_244 : i32 to vector<16xi32>
    %shift_right_arithmetic3A_246 = arith.shrsi %add3A_243, %shift_right_arithmetic3A_245 : vector<16xi32>
    %gather3A_247 = tpu.vector_load_idx %arg4[%shift_right_arithmetic3A_246] : memref<4112xi32, #tpu.memory_space<vmem>>[vector<16xi32>], vector<16xi32>,
    %le3A_248 = arith.cmpi sle, %gather3A_247, %add3A_165 : vector<16xi32>
    %add3A_249 = arith.constant 1 : i32
    %add3A_250 = vector.broadcast %add3A_249 : i32 to vector<16xi32>
    %add3A_251 = arith.addi %shift_right_arithmetic3A_246, %add3A_250 : vector<16xi32>
    %select_n3A_252 = arith.select %le3A_248, %add3A_251, %select_n3A_241 : vector<16xi1>, vector<16xi32>
    %select_n3A_253 = arith.select %le3A_248, %select_n3A_242, %shift_right_arithmetic3A_246 : vector<16xi1>, vector<16xi32>
    %add3A_254 = arith.addi %select_n3A_252, %select_n3A_253 : vector<16xi32>
    %shift_right_arithmetic3A_255 = arith.constant 1 : i32
    %shift_right_arithmetic3A_256 = vector.broadcast %shift_right_arithmetic3A_255 : i32 to vector<16xi32>
    %shift_right_arithmetic3A_257 = arith.shrsi %add3A_254, %shift_right_arithmetic3A_256 : vector<16xi32>
    %gather3A_258 = tpu.vector_load_idx %arg4[%shift_right_arithmetic3A_257] : memref<4112xi32, #tpu.memory_space<vmem>>[vector<16xi32>], vector<16xi32>,
    %le3A_259 = arith.cmpi sle, %gather3A_258, %add3A_165 : vector<16xi32>
    %add3A_260 = arith.constant 1 : i32
    %add3A_261 = vector.broadcast %add3A_260 : i32 to vector<16xi32>
    %add3A_262 = arith.addi %shift_right_arithmetic3A_257, %add3A_261 : vector<16xi32>
    %select_n3A_263 = arith.select %le3A_259, %add3A_262, %select_n3A_252 : vector<16xi1>, vector<16xi32>
    %select_n3A_264 = arith.select %le3A_259, %select_n3A_253, %shift_right_arithmetic3A_257 : vector<16xi1>, vector<16xi32>
    %add3A_265 = arith.addi %select_n3A_263, %select_n3A_264 : vector<16xi32>
    %shift_right_arithmetic3A_266 = arith.constant 1 : i32
    %shift_right_arithmetic3A_267 = vector.broadcast %shift_right_arithmetic3A_266 : i32 to vector<16xi32>
    %shift_right_arithmetic3A_268 = arith.shrsi %add3A_265, %shift_right_arithmetic3A_267 : vector<16xi32>
    %gather3A_269 = tpu.vector_load_idx %arg4[%shift_right_arithmetic3A_268] : memref<4112xi32, #tpu.memory_space<vmem>>[vector<16xi32>], vector<16xi32>,
    %le3A_270 = arith.cmpi sle, %gather3A_269, %add3A_165 : vector<16xi32>
    %add3A_271 = arith.constant 1 : i32
    %add3A_272 = vector.broadcast %add3A_271 : i32 to vector<16xi32>
    %add3A_273 = arith.addi %shift_right_arithmetic3A_268, %add3A_272 : vector<16xi32>
    %select_n3A_274 = arith.select %le3A_270, %add3A_273, %select_n3A_263 : vector<16xi1>, vector<16xi32>
    %select_n3A_275 = arith.select %le3A_270, %select_n3A_264, %shift_right_arithmetic3A_268 : vector<16xi1>, vector<16xi32>
    %add3A_276 = arith.addi %select_n3A_274, %select_n3A_275 : vector<16xi32>
    %shift_right_arithmetic3A_277 = arith.constant 1 : i32
    %shift_right_arithmetic3A_278 = vector.broadcast %shift_right_arithmetic3A_277 : i32 to vector<16xi32>
    %shift_right_arithmetic3A_279 = arith.shrsi %add3A_276, %shift_right_arithmetic3A_278 : vector<16xi32>
    %gather3A_280 = tpu.vector_load_idx %arg4[%shift_right_arithmetic3A_279] : memref<4112xi32, #tpu.memory_space<vmem>>[vector<16xi32>], vector<16xi32>,
    %le3A_281 = arith.cmpi sle, %gather3A_280, %add3A_165 : vector<16xi32>
    %add3A_282 = arith.constant 1 : i32
    %add3A_283 = vector.broadcast %add3A_282 : i32 to vector<16xi32>
    %add3A_284 = arith.addi %shift_right_arithmetic3A_279, %add3A_283 : vector<16xi32>
    %select_n3A_285 = arith.select %le3A_281, %add3A_284, %select_n3A_274 : vector<16xi1>, vector<16xi32>
    %select_n3A_286 = arith.select %le3A_281, %select_n3A_275, %shift_right_arithmetic3A_279 : vector<16xi1>, vector<16xi32>
    %add3A_287 = arith.addi %select_n3A_285, %select_n3A_286 : vector<16xi32>
    %shift_right_arithmetic3A_288 = arith.constant 1 : i32
    %shift_right_arithmetic3A_289 = vector.broadcast %shift_right_arithmetic3A_288 : i32 to vector<16xi32>
    %shift_right_arithmetic3A_290 = arith.shrsi %add3A_287, %shift_right_arithmetic3A_289 : vector<16xi32>
    %gather3A_291 = tpu.vector_load_idx %arg4[%shift_right_arithmetic3A_290] : memref<4112xi32, #tpu.memory_space<vmem>>[vector<16xi32>], vector<16xi32>,
    %le3A_292 = arith.cmpi sle, %gather3A_291, %add3A_165 : vector<16xi32>
    %add3A_293 = arith.constant 1 : i32
    %add3A_294 = vector.broadcast %add3A_293 : i32 to vector<16xi32>
    %add3A_295 = arith.addi %shift_right_arithmetic3A_290, %add3A_294 : vector<16xi32>
    %select_n3A_296 = arith.select %le3A_292, %add3A_295, %select_n3A_285 : vector<16xi1>, vector<16xi32>
    %select_n3A_297 = arith.select %le3A_292, %select_n3A_286, %shift_right_arithmetic3A_290 : vector<16xi1>, vector<16xi32>
    %add3A_298 = arith.addi %select_n3A_296, %select_n3A_297 : vector<16xi32>
    %shift_right_arithmetic3A_299 = arith.constant 1 : i32
    %shift_right_arithmetic3A_300 = vector.broadcast %shift_right_arithmetic3A_299 : i32 to vector<16xi32>
    %shift_right_arithmetic3A_301 = arith.shrsi %add3A_298, %shift_right_arithmetic3A_300 : vector<16xi32>
    %gather3A_302 = tpu.vector_load_idx %arg4[%shift_right_arithmetic3A_301] : memref<4112xi32, #tpu.memory_space<vmem>>[vector<16xi32>], vector<16xi32>,
    %le3A_303 = arith.cmpi sle, %gather3A_302, %add3A_165 : vector<16xi32>
    %add3A_304 = arith.constant 1 : i32
    %add3A_305 = vector.broadcast %add3A_304 : i32 to vector<16xi32>
    %add3A_306 = arith.addi %shift_right_arithmetic3A_301, %add3A_305 : vector<16xi32>
    %select_n3A_307 = arith.select %le3A_303, %add3A_306, %select_n3A_296 : vector<16xi1>, vector<16xi32>
    %select_n3A_308 = arith.select %le3A_303, %select_n3A_297, %shift_right_arithmetic3A_301 : vector<16xi1>, vector<16xi32>
    %swap3A_309 = arith.constant 16 : index
    %swap3A_310 = tpu.vector_load %arg5[%swap3A_309] {strides = array<i32>} : memref<80xi32, #tpu.memory_space<vmem>>, vector<16xi32>,
    tpu.vector_store %arg5[%swap3A_309], %select_n3A_307 {strides = array<i32>} : memref<80xi32, #tpu.memory_space<vmem>>, vector<16xi32>,
    %add3A_311 = arith.constant 32 : i32
    %add3A_312 = vector.broadcast %add3A_311 : i32 to vector<16xi32>
    %add3A_313 = arith.addi %add3A_312, %iota3A : vector<16xi32>
    %mul3A_314 = arith.constant 512 : i32
    %mul3A_315 = vector.broadcast %mul3A_314 : i32 to vector<16xi32>
    %mul3A_316 = arith.muli %add3A_313, %mul3A_315 : vector<16xi32>
    %add3A_317 = vector.broadcast %mul3A_2 : i32 to vector<16xi32>
    %add3A_318 = arith.addi %add3A_317, %mul3A_316 : vector<16xi32>
    %add3A_319 = arith.addi %broadcast_in_dim3A_6, %broadcast_in_dim3A_8 : vector<16xi32>
    %shift_right_arithmetic3A_320 = arith.constant 1 : i32
    %shift_right_arithmetic3A_321 = vector.broadcast %shift_right_arithmetic3A_320 : i32 to vector<16xi32>
    %shift_right_arithmetic3A_322 = arith.shrsi %add3A_319, %shift_right_arithmetic3A_321 : vector<16xi32>
    %gather3A_323 = tpu.vector_load_idx %arg4[%shift_right_arithmetic3A_322] : memref<4112xi32, #tpu.memory_space<vmem>>[vector<16xi32>], vector<16xi32>,
    %le3A_324 = arith.cmpi sle, %gather3A_323, %add3A_318 : vector<16xi32>
    %add3A_325 = arith.constant 1 : i32
    %add3A_326 = vector.broadcast %add3A_325 : i32 to vector<16xi32>
    %add3A_327 = arith.addi %shift_right_arithmetic3A_322, %add3A_326 : vector<16xi32>
    %select_n3A_328 = arith.select %le3A_324, %add3A_327, %broadcast_in_dim3A_6 : vector<16xi1>, vector<16xi32>
    %select_n3A_329 = arith.select %le3A_324, %broadcast_in_dim3A_8, %shift_right_arithmetic3A_322 : vector<16xi1>, vector<16xi32>
    %add3A_330 = arith.addi %select_n3A_328, %select_n3A_329 : vector<16xi32>
    %shift_right_arithmetic3A_331 = arith.constant 1 : i32
    %shift_right_arithmetic3A_332 = vector.broadcast %shift_right_arithmetic3A_331 : i32 to vector<16xi32>
    %shift_right_arithmetic3A_333 = arith.shrsi %add3A_330, %shift_right_arithmetic3A_332 : vector<16xi32>
    %gather3A_334 = tpu.vector_load_idx %arg4[%shift_right_arithmetic3A_333] : memref<4112xi32, #tpu.memory_space<vmem>>[vector<16xi32>], vector<16xi32>,
    %le3A_335 = arith.cmpi sle, %gather3A_334, %add3A_318 : vector<16xi32>
    %add3A_336 = arith.constant 1 : i32
    %add3A_337 = vector.broadcast %add3A_336 : i32 to vector<16xi32>
    %add3A_338 = arith.addi %shift_right_arithmetic3A_333, %add3A_337 : vector<16xi32>
    %select_n3A_339 = arith.select %le3A_335, %add3A_338, %select_n3A_328 : vector<16xi1>, vector<16xi32>
    %select_n3A_340 = arith.select %le3A_335, %select_n3A_329, %shift_right_arithmetic3A_333 : vector<16xi1>, vector<16xi32>
    %add3A_341 = arith.addi %select_n3A_339, %select_n3A_340 : vector<16xi32>
    %shift_right_arithmetic3A_342 = arith.constant 1 : i32
    %shift_right_arithmetic3A_343 = vector.broadcast %shift_right_arithmetic3A_342 : i32 to vector<16xi32>
    %shift_right_arithmetic3A_344 = arith.shrsi %add3A_341, %shift_right_arithmetic3A_343 : vector<16xi32>
    %gather3A_345 = tpu.vector_load_idx %arg4[%shift_right_arithmetic3A_344] : memref<4112xi32, #tpu.memory_space<vmem>>[vector<16xi32>], vector<16xi32>,
    %le3A_346 = arith.cmpi sle, %gather3A_345, %add3A_318 : vector<16xi32>
    %add3A_347 = arith.constant 1 : i32
    %add3A_348 = vector.broadcast %add3A_347 : i32 to vector<16xi32>
    %add3A_349 = arith.addi %shift_right_arithmetic3A_344, %add3A_348 : vector<16xi32>
    %select_n3A_350 = arith.select %le3A_346, %add3A_349, %select_n3A_339 : vector<16xi1>, vector<16xi32>
    %select_n3A_351 = arith.select %le3A_346, %select_n3A_340, %shift_right_arithmetic3A_344 : vector<16xi1>, vector<16xi32>
    %add3A_352 = arith.addi %select_n3A_350, %select_n3A_351 : vector<16xi32>
    %shift_right_arithmetic3A_353 = arith.constant 1 : i32
    %shift_right_arithmetic3A_354 = vector.broadcast %shift_right_arithmetic3A_353 : i32 to vector<16xi32>
    %shift_right_arithmetic3A_355 = arith.shrsi %add3A_352, %shift_right_arithmetic3A_354 : vector<16xi32>
    %gather3A_356 = tpu.vector_load_idx %arg4[%shift_right_arithmetic3A_355] : memref<4112xi32, #tpu.memory_space<vmem>>[vector<16xi32>], vector<16xi32>,
    %le3A_357 = arith.cmpi sle, %gather3A_356, %add3A_318 : vector<16xi32>
    %add3A_358 = arith.constant 1 : i32
    %add3A_359 = vector.broadcast %add3A_358 : i32 to vector<16xi32>
    %add3A_360 = arith.addi %shift_right_arithmetic3A_355, %add3A_359 : vector<16xi32>
    %select_n3A_361 = arith.select %le3A_357, %add3A_360, %select_n3A_350 : vector<16xi1>, vector<16xi32>
    %select_n3A_362 = arith.select %le3A_357, %select_n3A_351, %shift_right_arithmetic3A_355 : vector<16xi1>, vector<16xi32>
    %add3A_363 = arith.addi %select_n3A_361, %select_n3A_362 : vector<16xi32>
    %shift_right_arithmetic3A_364 = arith.constant 1 : i32
    %shift_right_arithmetic3A_365 = vector.broadcast %shift_right_arithmetic3A_364 : i32 to vector<16xi32>
    %shift_right_arithmetic3A_366 = arith.shrsi %add3A_363, %shift_right_arithmetic3A_365 : vector<16xi32>
    %gather3A_367 = tpu.vector_load_idx %arg4[%shift_right_arithmetic3A_366] : memref<4112xi32, #tpu.memory_space<vmem>>[vector<16xi32>], vector<16xi32>,
    %le3A_368 = arith.cmpi sle, %gather3A_367, %add3A_318 : vector<16xi32>
    %add3A_369 = arith.constant 1 : i32
    %add3A_370 = vector.broadcast %add3A_369 : i32 to vector<16xi32>
    %add3A_371 = arith.addi %shift_right_arithmetic3A_366, %add3A_370 : vector<16xi32>
    %select_n3A_372 = arith.select %le3A_368, %add3A_371, %select_n3A_361 : vector<16xi1>, vector<16xi32>
    %select_n3A_373 = arith.select %le3A_368, %select_n3A_362, %shift_right_arithmetic3A_366 : vector<16xi1>, vector<16xi32>
    %add3A_374 = arith.addi %select_n3A_372, %select_n3A_373 : vector<16xi32>
    %shift_right_arithmetic3A_375 = arith.constant 1 : i32
    %shift_right_arithmetic3A_376 = vector.broadcast %shift_right_arithmetic3A_375 : i32 to vector<16xi32>
    %shift_right_arithmetic3A_377 = arith.shrsi %add3A_374, %shift_right_arithmetic3A_376 : vector<16xi32>
    %gather3A_378 = tpu.vector_load_idx %arg4[%shift_right_arithmetic3A_377] : memref<4112xi32, #tpu.memory_space<vmem>>[vector<16xi32>], vector<16xi32>,
    %le3A_379 = arith.cmpi sle, %gather3A_378, %add3A_318 : vector<16xi32>
    %add3A_380 = arith.constant 1 : i32
    %add3A_381 = vector.broadcast %add3A_380 : i32 to vector<16xi32>
    %add3A_382 = arith.addi %shift_right_arithmetic3A_377, %add3A_381 : vector<16xi32>
    %select_n3A_383 = arith.select %le3A_379, %add3A_382, %select_n3A_372 : vector<16xi1>, vector<16xi32>
    %select_n3A_384 = arith.select %le3A_379, %select_n3A_373, %shift_right_arithmetic3A_377 : vector<16xi1>, vector<16xi32>
    %add3A_385 = arith.addi %select_n3A_383, %select_n3A_384 : vector<16xi32>
    %shift_right_arithmetic3A_386 = arith.constant 1 : i32
    %shift_right_arithmetic3A_387 = vector.broadcast %shift_right_arithmetic3A_386 : i32 to vector<16xi32>
    %shift_right_arithmetic3A_388 = arith.shrsi %add3A_385, %shift_right_arithmetic3A_387 : vector<16xi32>
    %gather3A_389 = tpu.vector_load_idx %arg4[%shift_right_arithmetic3A_388] : memref<4112xi32, #tpu.memory_space<vmem>>[vector<16xi32>], vector<16xi32>,
    %le3A_390 = arith.cmpi sle, %gather3A_389, %add3A_318 : vector<16xi32>
    %add3A_391 = arith.constant 1 : i32
    %add3A_392 = vector.broadcast %add3A_391 : i32 to vector<16xi32>
    %add3A_393 = arith.addi %shift_right_arithmetic3A_388, %add3A_392 : vector<16xi32>
    %select_n3A_394 = arith.select %le3A_390, %add3A_393, %select_n3A_383 : vector<16xi1>, vector<16xi32>
    %select_n3A_395 = arith.select %le3A_390, %select_n3A_384, %shift_right_arithmetic3A_388 : vector<16xi1>, vector<16xi32>
    %add3A_396 = arith.addi %select_n3A_394, %select_n3A_395 : vector<16xi32>
    %shift_right_arithmetic3A_397 = arith.constant 1 : i32
    %shift_right_arithmetic3A_398 = vector.broadcast %shift_right_arithmetic3A_397 : i32 to vector<16xi32>
    %shift_right_arithmetic3A_399 = arith.shrsi %add3A_396, %shift_right_arithmetic3A_398 : vector<16xi32>
    %gather3A_400 = tpu.vector_load_idx %arg4[%shift_right_arithmetic3A_399] : memref<4112xi32, #tpu.memory_space<vmem>>[vector<16xi32>], vector<16xi32>,
    %le3A_401 = arith.cmpi sle, %gather3A_400, %add3A_318 : vector<16xi32>
    %add3A_402 = arith.constant 1 : i32
    %add3A_403 = vector.broadcast %add3A_402 : i32 to vector<16xi32>
    %add3A_404 = arith.addi %shift_right_arithmetic3A_399, %add3A_403 : vector<16xi32>
    %select_n3A_405 = arith.select %le3A_401, %add3A_404, %select_n3A_394 : vector<16xi1>, vector<16xi32>
    %select_n3A_406 = arith.select %le3A_401, %select_n3A_395, %shift_right_arithmetic3A_399 : vector<16xi1>, vector<16xi32>
    %add3A_407 = arith.addi %select_n3A_405, %select_n3A_406 : vector<16xi32>
    %shift_right_arithmetic3A_408 = arith.constant 1 : i32
    %shift_right_arithmetic3A_409 = vector.broadcast %shift_right_arithmetic3A_408 : i32 to vector<16xi32>
    %shift_right_arithmetic3A_410 = arith.shrsi %add3A_407, %shift_right_arithmetic3A_409 : vector<16xi32>
    %gather3A_411 = tpu.vector_load_idx %arg4[%shift_right_arithmetic3A_410] : memref<4112xi32, #tpu.memory_space<vmem>>[vector<16xi32>], vector<16xi32>,
    %le3A_412 = arith.cmpi sle, %gather3A_411, %add3A_318 : vector<16xi32>
    %add3A_413 = arith.constant 1 : i32
    %add3A_414 = vector.broadcast %add3A_413 : i32 to vector<16xi32>
    %add3A_415 = arith.addi %shift_right_arithmetic3A_410, %add3A_414 : vector<16xi32>
    %select_n3A_416 = arith.select %le3A_412, %add3A_415, %select_n3A_405 : vector<16xi1>, vector<16xi32>
    %select_n3A_417 = arith.select %le3A_412, %select_n3A_406, %shift_right_arithmetic3A_410 : vector<16xi1>, vector<16xi32>
    %add3A_418 = arith.addi %select_n3A_416, %select_n3A_417 : vector<16xi32>
    %shift_right_arithmetic3A_419 = arith.constant 1 : i32
    %shift_right_arithmetic3A_420 = vector.broadcast %shift_right_arithmetic3A_419 : i32 to vector<16xi32>
    %shift_right_arithmetic3A_421 = arith.shrsi %add3A_418, %shift_right_arithmetic3A_420 : vector<16xi32>
    %gather3A_422 = tpu.vector_load_idx %arg4[%shift_right_arithmetic3A_421] : memref<4112xi32, #tpu.memory_space<vmem>>[vector<16xi32>], vector<16xi32>,
    %le3A_423 = arith.cmpi sle, %gather3A_422, %add3A_318 : vector<16xi32>
    %add3A_424 = arith.constant 1 : i32
    %add3A_425 = vector.broadcast %add3A_424 : i32 to vector<16xi32>
    %add3A_426 = arith.addi %shift_right_arithmetic3A_421, %add3A_425 : vector<16xi32>
    %select_n3A_427 = arith.select %le3A_423, %add3A_426, %select_n3A_416 : vector<16xi1>, vector<16xi32>
    %select_n3A_428 = arith.select %le3A_423, %select_n3A_417, %shift_right_arithmetic3A_421 : vector<16xi1>, vector<16xi32>
    %add3A_429 = arith.addi %select_n3A_427, %select_n3A_428 : vector<16xi32>
    %shift_right_arithmetic3A_430 = arith.constant 1 : i32
    %shift_right_arithmetic3A_431 = vector.broadcast %shift_right_arithmetic3A_430 : i32 to vector<16xi32>
    %shift_right_arithmetic3A_432 = arith.shrsi %add3A_429, %shift_right_arithmetic3A_431 : vector<16xi32>
    %gather3A_433 = tpu.vector_load_idx %arg4[%shift_right_arithmetic3A_432] : memref<4112xi32, #tpu.memory_space<vmem>>[vector<16xi32>], vector<16xi32>,
    %le3A_434 = arith.cmpi sle, %gather3A_433, %add3A_318 : vector<16xi32>
    %add3A_435 = arith.constant 1 : i32
    %add3A_436 = vector.broadcast %add3A_435 : i32 to vector<16xi32>
    %add3A_437 = arith.addi %shift_right_arithmetic3A_432, %add3A_436 : vector<16xi32>
    %select_n3A_438 = arith.select %le3A_434, %add3A_437, %select_n3A_427 : vector<16xi1>, vector<16xi32>
    %select_n3A_439 = arith.select %le3A_434, %select_n3A_428, %shift_right_arithmetic3A_432 : vector<16xi1>, vector<16xi32>
    %add3A_440 = arith.addi %select_n3A_438, %select_n3A_439 : vector<16xi32>
    %shift_right_arithmetic3A_441 = arith.constant 1 : i32
    %shift_right_arithmetic3A_442 = vector.broadcast %shift_right_arithmetic3A_441 : i32 to vector<16xi32>
    %shift_right_arithmetic3A_443 = arith.shrsi %add3A_440, %shift_right_arithmetic3A_442 : vector<16xi32>
    %gather3A_444 = tpu.vector_load_idx %arg4[%shift_right_arithmetic3A_443] : memref<4112xi32, #tpu.memory_space<vmem>>[vector<16xi32>], vector<16xi32>,
    %le3A_445 = arith.cmpi sle, %gather3A_444, %add3A_318 : vector<16xi32>
    %add3A_446 = arith.constant 1 : i32
    %add3A_447 = vector.broadcast %add3A_446 : i32 to vector<16xi32>
    %add3A_448 = arith.addi %shift_right_arithmetic3A_443, %add3A_447 : vector<16xi32>
    %select_n3A_449 = arith.select %le3A_445, %add3A_448, %select_n3A_438 : vector<16xi1>, vector<16xi32>
    %select_n3A_450 = arith.select %le3A_445, %select_n3A_439, %shift_right_arithmetic3A_443 : vector<16xi1>, vector<16xi32>
    %add3A_451 = arith.addi %select_n3A_449, %select_n3A_450 : vector<16xi32>
    %shift_right_arithmetic3A_452 = arith.constant 1 : i32
    %shift_right_arithmetic3A_453 = vector.broadcast %shift_right_arithmetic3A_452 : i32 to vector<16xi32>
    %shift_right_arithmetic3A_454 = arith.shrsi %add3A_451, %shift_right_arithmetic3A_453 : vector<16xi32>
    %gather3A_455 = tpu.vector_load_idx %arg4[%shift_right_arithmetic3A_454] : memref<4112xi32, #tpu.memory_space<vmem>>[vector<16xi32>], vector<16xi32>,
    %le3A_456 = arith.cmpi sle, %gather3A_455, %add3A_318 : vector<16xi32>
    %add3A_457 = arith.constant 1 : i32
    %add3A_458 = vector.broadcast %add3A_457 : i32 to vector<16xi32>
    %add3A_459 = arith.addi %shift_right_arithmetic3A_454, %add3A_458 : vector<16xi32>
    %select_n3A_460 = arith.select %le3A_456, %add3A_459, %select_n3A_449 : vector<16xi1>, vector<16xi32>
    %select_n3A_461 = arith.select %le3A_456, %select_n3A_450, %shift_right_arithmetic3A_454 : vector<16xi1>, vector<16xi32>
    %swap3A_462 = arith.constant 32 : index
    %swap3A_463 = tpu.vector_load %arg5[%swap3A_462] {strides = array<i32>} : memref<80xi32, #tpu.memory_space<vmem>>, vector<16xi32>,
    tpu.vector_store %arg5[%swap3A_462], %select_n3A_460 {strides = array<i32>} : memref<80xi32, #tpu.memory_space<vmem>>, vector<16xi32>,
    %add3A_464 = arith.constant 48 : i32
    %add3A_465 = vector.broadcast %add3A_464 : i32 to vector<16xi32>
    %add3A_466 = arith.addi %add3A_465, %iota3A : vector<16xi32>
    %mul3A_467 = arith.constant 512 : i32
    %mul3A_468 = vector.broadcast %mul3A_467 : i32 to vector<16xi32>
    %mul3A_469 = arith.muli %add3A_466, %mul3A_468 : vector<16xi32>
    %add3A_470 = vector.broadcast %mul3A_2 : i32 to vector<16xi32>
    %add3A_471 = arith.addi %add3A_470, %mul3A_469 : vector<16xi32>
    %add3A_472 = arith.addi %broadcast_in_dim3A_6, %broadcast_in_dim3A_8 : vector<16xi32>
    %shift_right_arithmetic3A_473 = arith.constant 1 : i32
    %shift_right_arithmetic3A_474 = vector.broadcast %shift_right_arithmetic3A_473 : i32 to vector<16xi32>
    %shift_right_arithmetic3A_475 = arith.shrsi %add3A_472, %shift_right_arithmetic3A_474 : vector<16xi32>
    %gather3A_476 = tpu.vector_load_idx %arg4[%shift_right_arithmetic3A_475] : memref<4112xi32, #tpu.memory_space<vmem>>[vector<16xi32>], vector<16xi32>,
    %le3A_477 = arith.cmpi sle, %gather3A_476, %add3A_471 : vector<16xi32>
    %add3A_478 = arith.constant 1 : i32
    %add3A_479 = vector.broadcast %add3A_478 : i32 to vector<16xi32>
    %add3A_480 = arith.addi %shift_right_arithmetic3A_475, %add3A_479 : vector<16xi32>
    %select_n3A_481 = arith.select %le3A_477, %add3A_480, %broadcast_in_dim3A_6 : vector<16xi1>, vector<16xi32>
    %select_n3A_482 = arith.select %le3A_477, %broadcast_in_dim3A_8, %shift_right_arithmetic3A_475 : vector<16xi1>, vector<16xi32>
    %add3A_483 = arith.addi %select_n3A_481, %select_n3A_482 : vector<16xi32>
    %shift_right_arithmetic3A_484 = arith.constant 1 : i32
    %shift_right_arithmetic3A_485 = vector.broadcast %shift_right_arithmetic3A_484 : i32 to vector<16xi32>
    %shift_right_arithmetic3A_486 = arith.shrsi %add3A_483, %shift_right_arithmetic3A_485 : vector<16xi32>
    %gather3A_487 = tpu.vector_load_idx %arg4[%shift_right_arithmetic3A_486] : memref<4112xi32, #tpu.memory_space<vmem>>[vector<16xi32>], vector<16xi32>,
    %le3A_488 = arith.cmpi sle, %gather3A_487, %add3A_471 : vector<16xi32>
    %add3A_489 = arith.constant 1 : i32
    %add3A_490 = vector.broadcast %add3A_489 : i32 to vector<16xi32>
    %add3A_491 = arith.addi %shift_right_arithmetic3A_486, %add3A_490 : vector<16xi32>
    %select_n3A_492 = arith.select %le3A_488, %add3A_491, %select_n3A_481 : vector<16xi1>, vector<16xi32>
    %select_n3A_493 = arith.select %le3A_488, %select_n3A_482, %shift_right_arithmetic3A_486 : vector<16xi1>, vector<16xi32>
    %add3A_494 = arith.addi %select_n3A_492, %select_n3A_493 : vector<16xi32>
    %shift_right_arithmetic3A_495 = arith.constant 1 : i32
    %shift_right_arithmetic3A_496 = vector.broadcast %shift_right_arithmetic3A_495 : i32 to vector<16xi32>
    %shift_right_arithmetic3A_497 = arith.shrsi %add3A_494, %shift_right_arithmetic3A_496 : vector<16xi32>
    %gather3A_498 = tpu.vector_load_idx %arg4[%shift_right_arithmetic3A_497] : memref<4112xi32, #tpu.memory_space<vmem>>[vector<16xi32>], vector<16xi32>,
    %le3A_499 = arith.cmpi sle, %gather3A_498, %add3A_471 : vector<16xi32>
    %add3A_500 = arith.constant 1 : i32
    %add3A_501 = vector.broadcast %add3A_500 : i32 to vector<16xi32>
    %add3A_502 = arith.addi %shift_right_arithmetic3A_497, %add3A_501 : vector<16xi32>
    %select_n3A_503 = arith.select %le3A_499, %add3A_502, %select_n3A_492 : vector<16xi1>, vector<16xi32>
    %select_n3A_504 = arith.select %le3A_499, %select_n3A_493, %shift_right_arithmetic3A_497 : vector<16xi1>, vector<16xi32>
    %add3A_505 = arith.addi %select_n3A_503, %select_n3A_504 : vector<16xi32>
    %shift_right_arithmetic3A_506 = arith.constant 1 : i32
    %shift_right_arithmetic3A_507 = vector.broadcast %shift_right_arithmetic3A_506 : i32 to vector<16xi32>
    %shift_right_arithmetic3A_508 = arith.shrsi %add3A_505, %shift_right_arithmetic3A_507 : vector<16xi32>
    %gather3A_509 = tpu.vector_load_idx %arg4[%shift_right_arithmetic3A_508] : memref<4112xi32, #tpu.memory_space<vmem>>[vector<16xi32>], vector<16xi32>,
    %le3A_510 = arith.cmpi sle, %gather3A_509, %add3A_471 : vector<16xi32>
    %add3A_511 = arith.constant 1 : i32
    %add3A_512 = vector.broadcast %add3A_511 : i32 to vector<16xi32>
    %add3A_513 = arith.addi %shift_right_arithmetic3A_508, %add3A_512 : vector<16xi32>
    %select_n3A_514 = arith.select %le3A_510, %add3A_513, %select_n3A_503 : vector<16xi1>, vector<16xi32>
    %select_n3A_515 = arith.select %le3A_510, %select_n3A_504, %shift_right_arithmetic3A_508 : vector<16xi1>, vector<16xi32>
    %add3A_516 = arith.addi %select_n3A_514, %select_n3A_515 : vector<16xi32>
    %shift_right_arithmetic3A_517 = arith.constant 1 : i32
    %shift_right_arithmetic3A_518 = vector.broadcast %shift_right_arithmetic3A_517 : i32 to vector<16xi32>
    %shift_right_arithmetic3A_519 = arith.shrsi %add3A_516, %shift_right_arithmetic3A_518 : vector<16xi32>
    %gather3A_520 = tpu.vector_load_idx %arg4[%shift_right_arithmetic3A_519] : memref<4112xi32, #tpu.memory_space<vmem>>[vector<16xi32>], vector<16xi32>,
    %le3A_521 = arith.cmpi sle, %gather3A_520, %add3A_471 : vector<16xi32>
    %add3A_522 = arith.constant 1 : i32
    %add3A_523 = vector.broadcast %add3A_522 : i32 to vector<16xi32>
    %add3A_524 = arith.addi %shift_right_arithmetic3A_519, %add3A_523 : vector<16xi32>
    %select_n3A_525 = arith.select %le3A_521, %add3A_524, %select_n3A_514 : vector<16xi1>, vector<16xi32>
    %select_n3A_526 = arith.select %le3A_521, %select_n3A_515, %shift_right_arithmetic3A_519 : vector<16xi1>, vector<16xi32>
    %add3A_527 = arith.addi %select_n3A_525, %select_n3A_526 : vector<16xi32>
    %shift_right_arithmetic3A_528 = arith.constant 1 : i32
    %shift_right_arithmetic3A_529 = vector.broadcast %shift_right_arithmetic3A_528 : i32 to vector<16xi32>
    %shift_right_arithmetic3A_530 = arith.shrsi %add3A_527, %shift_right_arithmetic3A_529 : vector<16xi32>
    %gather3A_531 = tpu.vector_load_idx %arg4[%shift_right_arithmetic3A_530] : memref<4112xi32, #tpu.memory_space<vmem>>[vector<16xi32>], vector<16xi32>,
    %le3A_532 = arith.cmpi sle, %gather3A_531, %add3A_471 : vector<16xi32>
    %add3A_533 = arith.constant 1 : i32
    %add3A_534 = vector.broadcast %add3A_533 : i32 to vector<16xi32>
    %add3A_535 = arith.addi %shift_right_arithmetic3A_530, %add3A_534 : vector<16xi32>
    %select_n3A_536 = arith.select %le3A_532, %add3A_535, %select_n3A_525 : vector<16xi1>, vector<16xi32>
    %select_n3A_537 = arith.select %le3A_532, %select_n3A_526, %shift_right_arithmetic3A_530 : vector<16xi1>, vector<16xi32>
    %add3A_538 = arith.addi %select_n3A_536, %select_n3A_537 : vector<16xi32>
    %shift_right_arithmetic3A_539 = arith.constant 1 : i32
    %shift_right_arithmetic3A_540 = vector.broadcast %shift_right_arithmetic3A_539 : i32 to vector<16xi32>
    %shift_right_arithmetic3A_541 = arith.shrsi %add3A_538, %shift_right_arithmetic3A_540 : vector<16xi32>
    %gather3A_542 = tpu.vector_load_idx %arg4[%shift_right_arithmetic3A_541] : memref<4112xi32, #tpu.memory_space<vmem>>[vector<16xi32>], vector<16xi32>,
    %le3A_543 = arith.cmpi sle, %gather3A_542, %add3A_471 : vector<16xi32>
    %add3A_544 = arith.constant 1 : i32
    %add3A_545 = vector.broadcast %add3A_544 : i32 to vector<16xi32>
    %add3A_546 = arith.addi %shift_right_arithmetic3A_541, %add3A_545 : vector<16xi32>
    %select_n3A_547 = arith.select %le3A_543, %add3A_546, %select_n3A_536 : vector<16xi1>, vector<16xi32>
    %select_n3A_548 = arith.select %le3A_543, %select_n3A_537, %shift_right_arithmetic3A_541 : vector<16xi1>, vector<16xi32>
    %add3A_549 = arith.addi %select_n3A_547, %select_n3A_548 : vector<16xi32>
    %shift_right_arithmetic3A_550 = arith.constant 1 : i32
    %shift_right_arithmetic3A_551 = vector.broadcast %shift_right_arithmetic3A_550 : i32 to vector<16xi32>
    %shift_right_arithmetic3A_552 = arith.shrsi %add3A_549, %shift_right_arithmetic3A_551 : vector<16xi32>
    %gather3A_553 = tpu.vector_load_idx %arg4[%shift_right_arithmetic3A_552] : memref<4112xi32, #tpu.memory_space<vmem>>[vector<16xi32>], vector<16xi32>,
    %le3A_554 = arith.cmpi sle, %gather3A_553, %add3A_471 : vector<16xi32>
    %add3A_555 = arith.constant 1 : i32
    %add3A_556 = vector.broadcast %add3A_555 : i32 to vector<16xi32>
    %add3A_557 = arith.addi %shift_right_arithmetic3A_552, %add3A_556 : vector<16xi32>
    %select_n3A_558 = arith.select %le3A_554, %add3A_557, %select_n3A_547 : vector<16xi1>, vector<16xi32>
    %select_n3A_559 = arith.select %le3A_554, %select_n3A_548, %shift_right_arithmetic3A_552 : vector<16xi1>, vector<16xi32>
    %add3A_560 = arith.addi %select_n3A_558, %select_n3A_559 : vector<16xi32>
    %shift_right_arithmetic3A_561 = arith.constant 1 : i32
    %shift_right_arithmetic3A_562 = vector.broadcast %shift_right_arithmetic3A_561 : i32 to vector<16xi32>
    %shift_right_arithmetic3A_563 = arith.shrsi %add3A_560, %shift_right_arithmetic3A_562 : vector<16xi32>
    %gather3A_564 = tpu.vector_load_idx %arg4[%shift_right_arithmetic3A_563] : memref<4112xi32, #tpu.memory_space<vmem>>[vector<16xi32>], vector<16xi32>,
    %le3A_565 = arith.cmpi sle, %gather3A_564, %add3A_471 : vector<16xi32>
    %add3A_566 = arith.constant 1 : i32
    %add3A_567 = vector.broadcast %add3A_566 : i32 to vector<16xi32>
    %add3A_568 = arith.addi %shift_right_arithmetic3A_563, %add3A_567 : vector<16xi32>
    %select_n3A_569 = arith.select %le3A_565, %add3A_568, %select_n3A_558 : vector<16xi1>, vector<16xi32>
    %select_n3A_570 = arith.select %le3A_565, %select_n3A_559, %shift_right_arithmetic3A_563 : vector<16xi1>, vector<16xi32>
    %add3A_571 = arith.addi %select_n3A_569, %select_n3A_570 : vector<16xi32>
    %shift_right_arithmetic3A_572 = arith.constant 1 : i32
    %shift_right_arithmetic3A_573 = vector.broadcast %shift_right_arithmetic3A_572 : i32 to vector<16xi32>
    %shift_right_arithmetic3A_574 = arith.shrsi %add3A_571, %shift_right_arithmetic3A_573 : vector<16xi32>
    %gather3A_575 = tpu.vector_load_idx %arg4[%shift_right_arithmetic3A_574] : memref<4112xi32, #tpu.memory_space<vmem>>[vector<16xi32>], vector<16xi32>,
    %le3A_576 = arith.cmpi sle, %gather3A_575, %add3A_471 : vector<16xi32>
    %add3A_577 = arith.constant 1 : i32
    %add3A_578 = vector.broadcast %add3A_577 : i32 to vector<16xi32>
    %add3A_579 = arith.addi %shift_right_arithmetic3A_574, %add3A_578 : vector<16xi32>
    %select_n3A_580 = arith.select %le3A_576, %add3A_579, %select_n3A_569 : vector<16xi1>, vector<16xi32>
    %select_n3A_581 = arith.select %le3A_576, %select_n3A_570, %shift_right_arithmetic3A_574 : vector<16xi1>, vector<16xi32>
    %add3A_582 = arith.addi %select_n3A_580, %select_n3A_581 : vector<16xi32>
    %shift_right_arithmetic3A_583 = arith.constant 1 : i32
    %shift_right_arithmetic3A_584 = vector.broadcast %shift_right_arithmetic3A_583 : i32 to vector<16xi32>
    %shift_right_arithmetic3A_585 = arith.shrsi %add3A_582, %shift_right_arithmetic3A_584 : vector<16xi32>
    %gather3A_586 = tpu.vector_load_idx %arg4[%shift_right_arithmetic3A_585] : memref<4112xi32, #tpu.memory_space<vmem>>[vector<16xi32>], vector<16xi32>,
    %le3A_587 = arith.cmpi sle, %gather3A_586, %add3A_471 : vector<16xi32>
    %add3A_588 = arith.constant 1 : i32
    %add3A_589 = vector.broadcast %add3A_588 : i32 to vector<16xi32>
    %add3A_590 = arith.addi %shift_right_arithmetic3A_585, %add3A_589 : vector<16xi32>
    %select_n3A_591 = arith.select %le3A_587, %add3A_590, %select_n3A_580 : vector<16xi1>, vector<16xi32>
    %select_n3A_592 = arith.select %le3A_587, %select_n3A_581, %shift_right_arithmetic3A_585 : vector<16xi1>, vector<16xi32>
    %add3A_593 = arith.addi %select_n3A_591, %select_n3A_592 : vector<16xi32>
    %shift_right_arithmetic3A_594 = arith.constant 1 : i32
    %shift_right_arithmetic3A_595 = vector.broadcast %shift_right_arithmetic3A_594 : i32 to vector<16xi32>
    %shift_right_arithmetic3A_596 = arith.shrsi %add3A_593, %shift_right_arithmetic3A_595 : vector<16xi32>
    %gather3A_597 = tpu.vector_load_idx %arg4[%shift_right_arithmetic3A_596] : memref<4112xi32, #tpu.memory_space<vmem>>[vector<16xi32>], vector<16xi32>,
    %le3A_598 = arith.cmpi sle, %gather3A_597, %add3A_471 : vector<16xi32>
    %add3A_599 = arith.constant 1 : i32
    %add3A_600 = vector.broadcast %add3A_599 : i32 to vector<16xi32>
    %add3A_601 = arith.addi %shift_right_arithmetic3A_596, %add3A_600 : vector<16xi32>
    %select_n3A_602 = arith.select %le3A_598, %add3A_601, %select_n3A_591 : vector<16xi1>, vector<16xi32>
    %select_n3A_603 = arith.select %le3A_598, %select_n3A_592, %shift_right_arithmetic3A_596 : vector<16xi1>, vector<16xi32>
    %add3A_604 = arith.addi %select_n3A_602, %select_n3A_603 : vector<16xi32>
    %shift_right_arithmetic3A_605 = arith.constant 1 : i32
    %shift_right_arithmetic3A_606 = vector.broadcast %shift_right_arithmetic3A_605 : i32 to vector<16xi32>
    %shift_right_arithmetic3A_607 = arith.shrsi %add3A_604, %shift_right_arithmetic3A_606 : vector<16xi32>
    %gather3A_608 = tpu.vector_load_idx %arg4[%shift_right_arithmetic3A_607] : memref<4112xi32, #tpu.memory_space<vmem>>[vector<16xi32>], vector<16xi32>,
    %le3A_609 = arith.cmpi sle, %gather3A_608, %add3A_471 : vector<16xi32>
    %add3A_610 = arith.constant 1 : i32
    %add3A_611 = vector.broadcast %add3A_610 : i32 to vector<16xi32>
    %add3A_612 = arith.addi %shift_right_arithmetic3A_607, %add3A_611 : vector<16xi32>
    %select_n3A_613 = arith.select %le3A_609, %add3A_612, %select_n3A_602 : vector<16xi1>, vector<16xi32>
    %select_n3A_614 = arith.select %le3A_609, %select_n3A_603, %shift_right_arithmetic3A_607 : vector<16xi1>, vector<16xi32>
    %swap3A_615 = arith.constant 48 : index
    %swap3A_616 = tpu.vector_load %arg5[%swap3A_615] {strides = array<i32>} : memref<80xi32, #tpu.memory_space<vmem>>, vector<16xi32>,
    tpu.vector_store %arg5[%swap3A_615], %select_n3A_613 {strides = array<i32>} : memref<80xi32, #tpu.memory_space<vmem>>, vector<16xi32>,
    %add3A_617 = arith.constant 49 : i32
    %add3A_618 = vector.broadcast %add3A_617 : i32 to vector<16xi32>
    %add3A_619 = arith.addi %add3A_618, %iota3A : vector<16xi32>
    %mul3A_620 = arith.constant 512 : i32
    %mul3A_621 = vector.broadcast %mul3A_620 : i32 to vector<16xi32>
    %mul3A_622 = arith.muli %add3A_619, %mul3A_621 : vector<16xi32>
    %add3A_623 = vector.broadcast %mul3A_2 : i32 to vector<16xi32>
    %add3A_624 = arith.addi %add3A_623, %mul3A_622 : vector<16xi32>
    %add3A_625 = arith.addi %broadcast_in_dim3A_6, %broadcast_in_dim3A_8 : vector<16xi32>
    %shift_right_arithmetic3A_626 = arith.constant 1 : i32
    %shift_right_arithmetic3A_627 = vector.broadcast %shift_right_arithmetic3A_626 : i32 to vector<16xi32>
    %shift_right_arithmetic3A_628 = arith.shrsi %add3A_625, %shift_right_arithmetic3A_627 : vector<16xi32>
    %gather3A_629 = tpu.vector_load_idx %arg4[%shift_right_arithmetic3A_628] : memref<4112xi32, #tpu.memory_space<vmem>>[vector<16xi32>], vector<16xi32>,
    %le3A_630 = arith.cmpi sle, %gather3A_629, %add3A_624 : vector<16xi32>
    %add3A_631 = arith.constant 1 : i32
    %add3A_632 = vector.broadcast %add3A_631 : i32 to vector<16xi32>
    %add3A_633 = arith.addi %shift_right_arithmetic3A_628, %add3A_632 : vector<16xi32>
    %select_n3A_634 = arith.select %le3A_630, %add3A_633, %broadcast_in_dim3A_6 : vector<16xi1>, vector<16xi32>
    %select_n3A_635 = arith.select %le3A_630, %broadcast_in_dim3A_8, %shift_right_arithmetic3A_628 : vector<16xi1>, vector<16xi32>
    %add3A_636 = arith.addi %select_n3A_634, %select_n3A_635 : vector<16xi32>
    %shift_right_arithmetic3A_637 = arith.constant 1 : i32
    %shift_right_arithmetic3A_638 = vector.broadcast %shift_right_arithmetic3A_637 : i32 to vector<16xi32>
    %shift_right_arithmetic3A_639 = arith.shrsi %add3A_636, %shift_right_arithmetic3A_638 : vector<16xi32>
    %gather3A_640 = tpu.vector_load_idx %arg4[%shift_right_arithmetic3A_639] : memref<4112xi32, #tpu.memory_space<vmem>>[vector<16xi32>], vector<16xi32>,
    %le3A_641 = arith.cmpi sle, %gather3A_640, %add3A_624 : vector<16xi32>
    %add3A_642 = arith.constant 1 : i32
    %add3A_643 = vector.broadcast %add3A_642 : i32 to vector<16xi32>
    %add3A_644 = arith.addi %shift_right_arithmetic3A_639, %add3A_643 : vector<16xi32>
    %select_n3A_645 = arith.select %le3A_641, %add3A_644, %select_n3A_634 : vector<16xi1>, vector<16xi32>
    %select_n3A_646 = arith.select %le3A_641, %select_n3A_635, %shift_right_arithmetic3A_639 : vector<16xi1>, vector<16xi32>
    %add3A_647 = arith.addi %select_n3A_645, %select_n3A_646 : vector<16xi32>
    %shift_right_arithmetic3A_648 = arith.constant 1 : i32
    %shift_right_arithmetic3A_649 = vector.broadcast %shift_right_arithmetic3A_648 : i32 to vector<16xi32>
    %shift_right_arithmetic3A_650 = arith.shrsi %add3A_647, %shift_right_arithmetic3A_649 : vector<16xi32>
    %gather3A_651 = tpu.vector_load_idx %arg4[%shift_right_arithmetic3A_650] : memref<4112xi32, #tpu.memory_space<vmem>>[vector<16xi32>], vector<16xi32>,
    %le3A_652 = arith.cmpi sle, %gather3A_651, %add3A_624 : vector<16xi32>
    %add3A_653 = arith.constant 1 : i32
    %add3A_654 = vector.broadcast %add3A_653 : i32 to vector<16xi32>
    %add3A_655 = arith.addi %shift_right_arithmetic3A_650, %add3A_654 : vector<16xi32>
    %select_n3A_656 = arith.select %le3A_652, %add3A_655, %select_n3A_645 : vector<16xi1>, vector<16xi32>
    %select_n3A_657 = arith.select %le3A_652, %select_n3A_646, %shift_right_arithmetic3A_650 : vector<16xi1>, vector<16xi32>
    %add3A_658 = arith.addi %select_n3A_656, %select_n3A_657 : vector<16xi32>
    %shift_right_arithmetic3A_659 = arith.constant 1 : i32
    %shift_right_arithmetic3A_660 = vector.broadcast %shift_right_arithmetic3A_659 : i32 to vector<16xi32>
    %shift_right_arithmetic3A_661 = arith.shrsi %add3A_658, %shift_right_arithmetic3A_660 : vector<16xi32>
    %gather3A_662 = tpu.vector_load_idx %arg4[%shift_right_arithmetic3A_661] : memref<4112xi32, #tpu.memory_space<vmem>>[vector<16xi32>], vector<16xi32>,
    %le3A_663 = arith.cmpi sle, %gather3A_662, %add3A_624 : vector<16xi32>
    %add3A_664 = arith.constant 1 : i32
    %add3A_665 = vector.broadcast %add3A_664 : i32 to vector<16xi32>
    %add3A_666 = arith.addi %shift_right_arithmetic3A_661, %add3A_665 : vector<16xi32>
    %select_n3A_667 = arith.select %le3A_663, %add3A_666, %select_n3A_656 : vector<16xi1>, vector<16xi32>
    %select_n3A_668 = arith.select %le3A_663, %select_n3A_657, %shift_right_arithmetic3A_661 : vector<16xi1>, vector<16xi32>
    %add3A_669 = arith.addi %select_n3A_667, %select_n3A_668 : vector<16xi32>
    %shift_right_arithmetic3A_670 = arith.constant 1 : i32
    %shift_right_arithmetic3A_671 = vector.broadcast %shift_right_arithmetic3A_670 : i32 to vector<16xi32>
    %shift_right_arithmetic3A_672 = arith.shrsi %add3A_669, %shift_right_arithmetic3A_671 : vector<16xi32>
    %gather3A_673 = tpu.vector_load_idx %arg4[%shift_right_arithmetic3A_672] : memref<4112xi32, #tpu.memory_space<vmem>>[vector<16xi32>], vector<16xi32>,
    %le3A_674 = arith.cmpi sle, %gather3A_673, %add3A_624 : vector<16xi32>
    %add3A_675 = arith.constant 1 : i32
    %add3A_676 = vector.broadcast %add3A_675 : i32 to vector<16xi32>
    %add3A_677 = arith.addi %shift_right_arithmetic3A_672, %add3A_676 : vector<16xi32>
    %select_n3A_678 = arith.select %le3A_674, %add3A_677, %select_n3A_667 : vector<16xi1>, vector<16xi32>
    %select_n3A_679 = arith.select %le3A_674, %select_n3A_668, %shift_right_arithmetic3A_672 : vector<16xi1>, vector<16xi32>
    %add3A_680 = arith.addi %select_n3A_678, %select_n3A_679 : vector<16xi32>
    %shift_right_arithmetic3A_681 = arith.constant 1 : i32
    %shift_right_arithmetic3A_682 = vector.broadcast %shift_right_arithmetic3A_681 : i32 to vector<16xi32>
    %shift_right_arithmetic3A_683 = arith.shrsi %add3A_680, %shift_right_arithmetic3A_682 : vector<16xi32>
    %gather3A_684 = tpu.vector_load_idx %arg4[%shift_right_arithmetic3A_683] : memref<4112xi32, #tpu.memory_space<vmem>>[vector<16xi32>], vector<16xi32>,
    %le3A_685 = arith.cmpi sle, %gather3A_684, %add3A_624 : vector<16xi32>
    %add3A_686 = arith.constant 1 : i32
    %add3A_687 = vector.broadcast %add3A_686 : i32 to vector<16xi32>
    %add3A_688 = arith.addi %shift_right_arithmetic3A_683, %add3A_687 : vector<16xi32>
    %select_n3A_689 = arith.select %le3A_685, %add3A_688, %select_n3A_678 : vector<16xi1>, vector<16xi32>
    %select_n3A_690 = arith.select %le3A_685, %select_n3A_679, %shift_right_arithmetic3A_683 : vector<16xi1>, vector<16xi32>
    %add3A_691 = arith.addi %select_n3A_689, %select_n3A_690 : vector<16xi32>
    %shift_right_arithmetic3A_692 = arith.constant 1 : i32
    %shift_right_arithmetic3A_693 = vector.broadcast %shift_right_arithmetic3A_692 : i32 to vector<16xi32>
    %shift_right_arithmetic3A_694 = arith.shrsi %add3A_691, %shift_right_arithmetic3A_693 : vector<16xi32>
    %gather3A_695 = tpu.vector_load_idx %arg4[%shift_right_arithmetic3A_694] : memref<4112xi32, #tpu.memory_space<vmem>>[vector<16xi32>], vector<16xi32>,
    %le3A_696 = arith.cmpi sle, %gather3A_695, %add3A_624 : vector<16xi32>
    %add3A_697 = arith.constant 1 : i32
    %add3A_698 = vector.broadcast %add3A_697 : i32 to vector<16xi32>
    %add3A_699 = arith.addi %shift_right_arithmetic3A_694, %add3A_698 : vector<16xi32>
    %select_n3A_700 = arith.select %le3A_696, %add3A_699, %select_n3A_689 : vector<16xi1>, vector<16xi32>
    %select_n3A_701 = arith.select %le3A_696, %select_n3A_690, %shift_right_arithmetic3A_694 : vector<16xi1>, vector<16xi32>
    %add3A_702 = arith.addi %select_n3A_700, %select_n3A_701 : vector<16xi32>
    %shift_right_arithmetic3A_703 = arith.constant 1 : i32
    %shift_right_arithmetic3A_704 = vector.broadcast %shift_right_arithmetic3A_703 : i32 to vector<16xi32>
    %shift_right_arithmetic3A_705 = arith.shrsi %add3A_702, %shift_right_arithmetic3A_704 : vector<16xi32>
    %gather3A_706 = tpu.vector_load_idx %arg4[%shift_right_arithmetic3A_705] : memref<4112xi32, #tpu.memory_space<vmem>>[vector<16xi32>], vector<16xi32>,
    %le3A_707 = arith.cmpi sle, %gather3A_706, %add3A_624 : vector<16xi32>
    %add3A_708 = arith.constant 1 : i32
    %add3A_709 = vector.broadcast %add3A_708 : i32 to vector<16xi32>
    %add3A_710 = arith.addi %shift_right_arithmetic3A_705, %add3A_709 : vector<16xi32>
    %select_n3A_711 = arith.select %le3A_707, %add3A_710, %select_n3A_700 : vector<16xi1>, vector<16xi32>
    %select_n3A_712 = arith.select %le3A_707, %select_n3A_701, %shift_right_arithmetic3A_705 : vector<16xi1>, vector<16xi32>
    %add3A_713 = arith.addi %select_n3A_711, %select_n3A_712 : vector<16xi32>
    %shift_right_arithmetic3A_714 = arith.constant 1 : i32
    %shift_right_arithmetic3A_715 = vector.broadcast %shift_right_arithmetic3A_714 : i32 to vector<16xi32>
    %shift_right_arithmetic3A_716 = arith.shrsi %add3A_713, %shift_right_arithmetic3A_715 : vector<16xi32>
    %gather3A_717 = tpu.vector_load_idx %arg4[%shift_right_arithmetic3A_716] : memref<4112xi32, #tpu.memory_space<vmem>>[vector<16xi32>], vector<16xi32>,
    %le3A_718 = arith.cmpi sle, %gather3A_717, %add3A_624 : vector<16xi32>
    %add3A_719 = arith.constant 1 : i32
    %add3A_720 = vector.broadcast %add3A_719 : i32 to vector<16xi32>
    %add3A_721 = arith.addi %shift_right_arithmetic3A_716, %add3A_720 : vector<16xi32>
    %select_n3A_722 = arith.select %le3A_718, %add3A_721, %select_n3A_711 : vector<16xi1>, vector<16xi32>
    %select_n3A_723 = arith.select %le3A_718, %select_n3A_712, %shift_right_arithmetic3A_716 : vector<16xi1>, vector<16xi32>
    %add3A_724 = arith.addi %select_n3A_722, %select_n3A_723 : vector<16xi32>
    %shift_right_arithmetic3A_725 = arith.constant 1 : i32
    %shift_right_arithmetic3A_726 = vector.broadcast %shift_right_arithmetic3A_725 : i32 to vector<16xi32>
    %shift_right_arithmetic3A_727 = arith.shrsi %add3A_724, %shift_right_arithmetic3A_726 : vector<16xi32>
    %gather3A_728 = tpu.vector_load_idx %arg4[%shift_right_arithmetic3A_727] : memref<4112xi32, #tpu.memory_space<vmem>>[vector<16xi32>], vector<16xi32>,
    %le3A_729 = arith.cmpi sle, %gather3A_728, %add3A_624 : vector<16xi32>
    %add3A_730 = arith.constant 1 : i32
    %add3A_731 = vector.broadcast %add3A_730 : i32 to vector<16xi32>
    %add3A_732 = arith.addi %shift_right_arithmetic3A_727, %add3A_731 : vector<16xi32>
    %select_n3A_733 = arith.select %le3A_729, %add3A_732, %select_n3A_722 : vector<16xi1>, vector<16xi32>
    %select_n3A_734 = arith.select %le3A_729, %select_n3A_723, %shift_right_arithmetic3A_727 : vector<16xi1>, vector<16xi32>
    %add3A_735 = arith.addi %select_n3A_733, %select_n3A_734 : vector<16xi32>
    %shift_right_arithmetic3A_736 = arith.constant 1 : i32
    %shift_right_arithmetic3A_737 = vector.broadcast %shift_right_arithmetic3A_736 : i32 to vector<16xi32>
    %shift_right_arithmetic3A_738 = arith.shrsi %add3A_735, %shift_right_arithmetic3A_737 : vector<16xi32>
    %gather3A_739 = tpu.vector_load_idx %arg4[%shift_right_arithmetic3A_738] : memref<4112xi32, #tpu.memory_space<vmem>>[vector<16xi32>], vector<16xi32>,
    %le3A_740 = arith.cmpi sle, %gather3A_739, %add3A_624 : vector<16xi32>
    %add3A_741 = arith.constant 1 : i32
    %add3A_742 = vector.broadcast %add3A_741 : i32 to vector<16xi32>
    %add3A_743 = arith.addi %shift_right_arithmetic3A_738, %add3A_742 : vector<16xi32>
    %select_n3A_744 = arith.select %le3A_740, %add3A_743, %select_n3A_733 : vector<16xi1>, vector<16xi32>
    %select_n3A_745 = arith.select %le3A_740, %select_n3A_734, %shift_right_arithmetic3A_738 : vector<16xi1>, vector<16xi32>
    %add3A_746 = arith.addi %select_n3A_744, %select_n3A_745 : vector<16xi32>
    %shift_right_arithmetic3A_747 = arith.constant 1 : i32
    %shift_right_arithmetic3A_748 = vector.broadcast %shift_right_arithmetic3A_747 : i32 to vector<16xi32>
    %shift_right_arithmetic3A_749 = arith.shrsi %add3A_746, %shift_right_arithmetic3A_748 : vector<16xi32>
    %gather3A_750 = tpu.vector_load_idx %arg4[%shift_right_arithmetic3A_749] : memref<4112xi32, #tpu.memory_space<vmem>>[vector<16xi32>], vector<16xi32>,
    %le3A_751 = arith.cmpi sle, %gather3A_750, %add3A_624 : vector<16xi32>
    %add3A_752 = arith.constant 1 : i32
    %add3A_753 = vector.broadcast %add3A_752 : i32 to vector<16xi32>
    %add3A_754 = arith.addi %shift_right_arithmetic3A_749, %add3A_753 : vector<16xi32>
    %select_n3A_755 = arith.select %le3A_751, %add3A_754, %select_n3A_744 : vector<16xi1>, vector<16xi32>
    %select_n3A_756 = arith.select %le3A_751, %select_n3A_745, %shift_right_arithmetic3A_749 : vector<16xi1>, vector<16xi32>
    %add3A_757 = arith.addi %select_n3A_755, %select_n3A_756 : vector<16xi32>
    %shift_right_arithmetic3A_758 = arith.constant 1 : i32
    %shift_right_arithmetic3A_759 = vector.broadcast %shift_right_arithmetic3A_758 : i32 to vector<16xi32>
    %shift_right_arithmetic3A_760 = arith.shrsi %add3A_757, %shift_right_arithmetic3A_759 : vector<16xi32>
    %gather3A_761 = tpu.vector_load_idx %arg4[%shift_right_arithmetic3A_760] : memref<4112xi32, #tpu.memory_space<vmem>>[vector<16xi32>], vector<16xi32>,
    %le3A_762 = arith.cmpi sle, %gather3A_761, %add3A_624 : vector<16xi32>
    %add3A_763 = arith.constant 1 : i32
    %add3A_764 = vector.broadcast %add3A_763 : i32 to vector<16xi32>
    %add3A_765 = arith.addi %shift_right_arithmetic3A_760, %add3A_764 : vector<16xi32>
    %select_n3A_766 = arith.select %le3A_762, %add3A_765, %select_n3A_755 : vector<16xi1>, vector<16xi32>
    %select_n3A_767 = arith.select %le3A_762, %select_n3A_756, %shift_right_arithmetic3A_760 : vector<16xi1>, vector<16xi32>
    %swap3A_768 = arith.constant 49 : index
    %swap3A_769 = tpu.vector_load %arg5[%swap3A_768] {strides = array<i32>} : memref<80xi32, #tpu.memory_space<vmem>>, vector<16xi32>,
    tpu.vector_store %arg5[%swap3A_768], %select_n3A_766 {strides = array<i32>} : memref<80xi32, #tpu.memory_space<vmem>>, vector<16xi32>,
    %scan3A = arith.constant 0 : i32
    %scan3A_770 = arith.constant 0 : i32
    %scan3A_771 = arith.constant 16 : i32
    %scan3A_772 = arith.addi %scan3A_770, %scan3A_771 : i32
    %scan3A_773 = arith.constant 1 : i32
    scf.for %scan3A_847 = %scan3A_770 to %scan3A_772 step %scan3A_773  : i32 {
      %get3A = arith.index_cast %scan3A_847 : i32 to index
      %get3A_848 = tpu.vector_load %arg5[%get3A] {strides = array<i32>} : memref<80xi32, #tpu.memory_space<vmem>>, vector<16xi32>,
      %slice3A = vector.extract_strided_slice %get3A_848 {offsets = [0], sizes = [1], strides = [1]} : vector<16xi32> to vector<1xi32>
      %squeeze3A = vector.extract %slice3A[0] : i32 from vector<1xi32>
      %slice3A_849 = vector.extract_strided_slice %get3A_848 {offsets = [1], sizes = [1], strides = [1]} : vector<16xi32> to vector<1xi32>
      %squeeze3A_850 = vector.extract %slice3A_849[0] : i32 from vector<1xi32>
      %mul3A_851 = arith.constant 512 : i32
      %mul3A_852 = arith.muli %scan3A_847, %mul3A_851 : i32
      %broadcast_in_dim3A_853 = vector.broadcast %squeeze3A : i32 to vector<16xi32>
      %sub3A = arith.subi %squeeze3A_850, %squeeze3A : i32
      %le3A_854 = arith.constant 4 : i32
      %le3A_855 = arith.cmpi sle, %sub3A, %le3A_854 : i32
      %convert_element_type3A = arith.extui %le3A_855 : i1 to i32
      %cond3A = arith.constant 0 : i32
      %cond3A_856 = arith.cmpi ne, %convert_element_type3A, %cond3A : i32
      scf.if %cond3A_856 {
        %get3A_862 = arith.index_cast %squeeze3A : i32 to index
        %get3A_863 = tpu.vector_load %arg4[%get3A_862] {strides = array<i32>} : memref<4112xi32, #tpu.memory_space<vmem>>, vector<16xi32>,
        %slice3A_864 = vector.extract_strided_slice %get3A_863 {offsets = [0], sizes = [1], strides = [1]} : vector<16xi32> to vector<1xi32>
        %squeeze3A_865 = vector.extract %slice3A_864[0] : i32 from vector<1xi32>
        %broadcast_in_dim3A_866 = vector.broadcast %squeeze3A_865 : i32 to vector<16xi32>
        %slice3A_867 = vector.extract_strided_slice %get3A_863 {offsets = [1], sizes = [1], strides = [1]} : vector<16xi32> to vector<1xi32>
        %squeeze3A_868 = vector.extract %slice3A_867[0] : i32 from vector<1xi32>
        %broadcast_in_dim3A_869 = vector.broadcast %squeeze3A_868 : i32 to vector<16xi32>
        %slice3A_870 = vector.extract_strided_slice %get3A_863 {offsets = [2], sizes = [1], strides = [1]} : vector<16xi32> to vector<1xi32>
        %squeeze3A_871 = vector.extract %slice3A_870[0] : i32 from vector<1xi32>
        %broadcast_in_dim3A_872 = vector.broadcast %squeeze3A_871 : i32 to vector<16xi32>
        %slice3A_873 = vector.extract_strided_slice %get3A_863 {offsets = [3], sizes = [1], strides = [1]} : vector<16xi32> to vector<1xi32>
        %squeeze3A_874 = vector.extract %slice3A_873[0] : i32 from vector<1xi32>
        %broadcast_in_dim3A_875 = vector.broadcast %squeeze3A_874 : i32 to vector<16xi32>
        %add3A_876 = arith.addi %mul3A_2, %mul3A_852 : i32
        %add3A_877 = arith.constant 0 : i32
        %add3A_878 = arith.addi %add3A_876, %add3A_877 : i32
        %add3A_879 = vector.broadcast %add3A_878 : i32 to vector<16xi32>
        %add3A_880 = arith.addi %add3A_879, %iota3A : vector<16xi32>
        %le3A_881 = arith.cmpi sle, %broadcast_in_dim3A_866, %add3A_880 : vector<16xi32>
        %convert_element_type3A_882 = arith.extui %le3A_881 : vector<16xi1> to vector<16xi32>
        %add3A_883 = arith.addi %broadcast_in_dim3A_853, %convert_element_type3A_882 : vector<16xi32>
        %le3A_884 = arith.cmpi sle, %broadcast_in_dim3A_869, %add3A_880 : vector<16xi32>
        %convert_element_type3A_885 = arith.extui %le3A_884 : vector<16xi1> to vector<16xi32>
        %add3A_886 = arith.addi %add3A_883, %convert_element_type3A_885 : vector<16xi32>
        %le3A_887 = arith.cmpi sle, %broadcast_in_dim3A_872, %add3A_880 : vector<16xi32>
        %convert_element_type3A_888 = arith.extui %le3A_887 : vector<16xi1> to vector<16xi32>
        %add3A_889 = arith.addi %add3A_886, %convert_element_type3A_888 : vector<16xi32>
        %le3A_890 = arith.cmpi sle, %broadcast_in_dim3A_875, %add3A_880 : vector<16xi32>
        %convert_element_type3A_891 = arith.extui %le3A_890 : vector<16xi1> to vector<16xi32>
        %add3A_892 = arith.addi %add3A_889, %convert_element_type3A_891 : vector<16xi32>
        %add3A_893 = arith.constant 0 : i32
        %add3A_894 = arith.addi %mul3A_852, %add3A_893 : i32
        %swap3A_895 = arith.index_cast %add3A_894 : i32 to index
        %swap3A_896 = tpu.vector_load %arg6[%swap3A_895] {strides = array<i32>} : memref<32768xi32, #tpu.memory_space<vmem>>, vector<16xi32>,
        tpu.vector_store %arg6[%swap3A_895], %add3A_892 {strides = array<i32>} : memref<32768xi32, #tpu.memory_space<vmem>>, vector<16xi32>,
        %add3A_897 = arith.addi %mul3A_2, %mul3A_852 : i32
        %add3A_898 = arith.constant 16 : i32
        %add3A_899 = arith.addi %add3A_897, %add3A_898 : i32
        %add3A_900 = vector.broadcast %add3A_899 : i32 to vector<16xi32>
        %add3A_901 = arith.addi %add3A_900, %iota3A : vector<16xi32>
        %le3A_902 = arith.cmpi sle, %broadcast_in_dim3A_866, %add3A_901 : vector<16xi32>
        %convert_element_type3A_903 = arith.extui %le3A_902 : vector<16xi1> to vector<16xi32>
        %add3A_904 = arith.addi %broadcast_in_dim3A_853, %convert_element_type3A_903 : vector<16xi32>
        %le3A_905 = arith.cmpi sle, %broadcast_in_dim3A_869, %add3A_901 : vector<16xi32>
        %convert_element_type3A_906 = arith.extui %le3A_905 : vector<16xi1> to vector<16xi32>
        %add3A_907 = arith.addi %add3A_904, %convert_element_type3A_906 : vector<16xi32>
        %le3A_908 = arith.cmpi sle, %broadcast_in_dim3A_872, %add3A_901 : vector<16xi32>
        %convert_element_type3A_909 = arith.extui %le3A_908 : vector<16xi1> to vector<16xi32>
        %add3A_910 = arith.addi %add3A_907, %convert_element_type3A_909 : vector<16xi32>
        %le3A_911 = arith.cmpi sle, %broadcast_in_dim3A_875, %add3A_901 : vector<16xi32>
        %convert_element_type3A_912 = arith.extui %le3A_911 : vector<16xi1> to vector<16xi32>
        %add3A_913 = arith.addi %add3A_910, %convert_element_type3A_912 : vector<16xi32>
        %add3A_914 = arith.constant 16 : i32
        %add3A_915 = arith.addi %mul3A_852, %add3A_914 : i32
        %swap3A_916 = arith.index_cast %add3A_915 : i32 to index
        %swap3A_917 = tpu.vector_load %arg6[%swap3A_916] {strides = array<i32>} : memref<32768xi32, #tpu.memory_space<vmem>>, vector<16xi32>,
        tpu.vector_store %arg6[%swap3A_916], %add3A_913 {strides = array<i32>} : memref<32768xi32, #tpu.memory_space<vmem>>, vector<16xi32>,
        %add3A_918 = arith.addi %mul3A_2, %mul3A_852 : i32
        %add3A_919 = arith.constant 32 : i32
        %add3A_920 = arith.addi %add3A_918, %add3A_919 : i32
        %add3A_921 = vector.broadcast %add3A_920 : i32 to vector<16xi32>
        %add3A_922 = arith.addi %add3A_921, %iota3A : vector<16xi32>
        %le3A_923 = arith.cmpi sle, %broadcast_in_dim3A_866, %add3A_922 : vector<16xi32>
        %convert_element_type3A_924 = arith.extui %le3A_923 : vector<16xi1> to vector<16xi32>
        %add3A_925 = arith.addi %broadcast_in_dim3A_853, %convert_element_type3A_924 : vector<16xi32>
        %le3A_926 = arith.cmpi sle, %broadcast_in_dim3A_869, %add3A_922 : vector<16xi32>
        %convert_element_type3A_927 = arith.extui %le3A_926 : vector<16xi1> to vector<16xi32>
        %add3A_928 = arith.addi %add3A_925, %convert_element_type3A_927 : vector<16xi32>
        %le3A_929 = arith.cmpi sle, %broadcast_in_dim3A_872, %add3A_922 : vector<16xi32>
        %convert_element_type3A_930 = arith.extui %le3A_929 : vector<16xi1> to vector<16xi32>
        %add3A_931 = arith.addi %add3A_928, %convert_element_type3A_930 : vector<16xi32>
        %le3A_932 = arith.cmpi sle, %broadcast_in_dim3A_875, %add3A_922 : vector<16xi32>
        %convert_element_type3A_933 = arith.extui %le3A_932 : vector<16xi1> to vector<16xi32>
        %add3A_934 = arith.addi %add3A_931, %convert_element_type3A_933 : vector<16xi32>
        %add3A_935 = arith.constant 32 : i32
        %add3A_936 = arith.addi %mul3A_852, %add3A_935 : i32
        %swap3A_937 = arith.index_cast %add3A_936 : i32 to index
        %swap3A_938 = tpu.vector_load %arg6[%swap3A_937] {strides = array<i32>} : memref<32768xi32, #tpu.memory_space<vmem>>, vector<16xi32>,
        tpu.vector_store %arg6[%swap3A_937], %add3A_934 {strides = array<i32>} : memref<32768xi32, #tpu.memory_space<vmem>>, vector<16xi32>,
        %add3A_939 = arith.addi %mul3A_2, %mul3A_852 : i32
        %add3A_940 = arith.constant 48 : i32
        %add3A_941 = arith.addi %add3A_939, %add3A_940 : i32
        %add3A_942 = vector.broadcast %add3A_941 : i32 to vector<16xi32>
        %add3A_943 = arith.addi %add3A_942, %iota3A : vector<16xi32>
        %le3A_944 = arith.cmpi sle, %broadcast_in_dim3A_866, %add3A_943 : vector<16xi32>
        %convert_element_type3A_945 = arith.extui %le3A_944 : vector<16xi1> to vector<16xi32>
        %add3A_946 = arith.addi %broadcast_in_dim3A_853, %convert_element_type3A_945 : vector<16xi32>
        %le3A_947 = arith.cmpi sle, %broadcast_in_dim3A_869, %add3A_943 : vector<16xi32>
        %convert_element_type3A_948 = arith.extui %le3A_947 : vector<16xi1> to vector<16xi32>
        %add3A_949 = arith.addi %add3A_946, %convert_element_type3A_948 : vector<16xi32>
        %le3A_950 = arith.cmpi sle, %broadcast_in_dim3A_872, %add3A_943 : vector<16xi32>
        %convert_element_type3A_951 = arith.extui %le3A_950 : vector<16xi1> to vector<16xi32>
        %add3A_952 = arith.addi %add3A_949, %convert_element_type3A_951 : vector<16xi32>
        %le3A_953 = arith.cmpi sle, %broadcast_in_dim3A_875, %add3A_943 : vector<16xi32>
        %convert_element_type3A_954 = arith.extui %le3A_953 : vector<16xi1> to vector<16xi32>
        %add3A_955 = arith.addi %add3A_952, %convert_element_type3A_954 : vector<16xi32>
        %add3A_956 = arith.constant 48 : i32
        %add3A_957 = arith.addi %mul3A_852, %add3A_956 : i32
        %swap3A_958 = arith.index_cast %add3A_957 : i32 to index
        %swap3A_959 = tpu.vector_load %arg6[%swap3A_958] {strides = array<i32>} : memref<32768xi32, #tpu.memory_space<vmem>>, vector<16xi32>,
        tpu.vector_store %arg6[%swap3A_958], %add3A_955 {strides = array<i32>} : memref<32768xi32, #tpu.memory_space<vmem>>, vector<16xi32>,
        %add3A_960 = arith.addi %mul3A_2, %mul3A_852 : i32
        %add3A_961 = arith.constant 64 : i32
        %add3A_962 = arith.addi %add3A_960, %add3A_961 : i32
        %add3A_963 = vector.broadcast %add3A_962 : i32 to vector<16xi32>
        %add3A_964 = arith.addi %add3A_963, %iota3A : vector<16xi32>
        %le3A_965 = arith.cmpi sle, %broadcast_in_dim3A_866, %add3A_964 : vector<16xi32>
        %convert_element_type3A_966 = arith.extui %le3A_965 : vector<16xi1> to vector<16xi32>
        %add3A_967 = arith.addi %broadcast_in_dim3A_853, %convert_element_type3A_966 : vector<16xi32>
        %le3A_968 = arith.cmpi sle, %broadcast_in_dim3A_869, %add3A_964 : vector<16xi32>
        %convert_element_type3A_969 = arith.extui %le3A_968 : vector<16xi1> to vector<16xi32>
        %add3A_970 = arith.addi %add3A_967, %convert_element_type3A_969 : vector<16xi32>
        %le3A_971 = arith.cmpi sle, %broadcast_in_dim3A_872, %add3A_964 : vector<16xi32>
        %convert_element_type3A_972 = arith.extui %le3A_971 : vector<16xi1> to vector<16xi32>
        %add3A_973 = arith.addi %add3A_970, %convert_element_type3A_972 : vector<16xi32>
        %le3A_974 = arith.cmpi sle, %broadcast_in_dim3A_875, %add3A_964 : vector<16xi32>
        %convert_element_type3A_975 = arith.extui %le3A_974 : vector<16xi1> to vector<16xi32>
        %add3A_976 = arith.addi %add3A_973, %convert_element_type3A_975 : vector<16xi32>
        %add3A_977 = arith.constant 64 : i32
        %add3A_978 = arith.addi %mul3A_852, %add3A_977 : i32
        %swap3A_979 = arith.index_cast %add3A_978 : i32 to index
        %swap3A_980 = tpu.vector_load %arg6[%swap3A_979] {strides = array<i32>} : memref<32768xi32, #tpu.memory_space<vmem>>, vector<16xi32>,
        tpu.vector_store %arg6[%swap3A_979], %add3A_976 {strides = array<i32>} : memref<32768xi32, #tpu.memory_space<vmem>>, vector<16xi32>,
        %add3A_981 = arith.addi %mul3A_2, %mul3A_852 : i32
        %add3A_982 = arith.constant 80 : i32
        %add3A_983 = arith.addi %add3A_981, %add3A_982 : i32
        %add3A_984 = vector.broadcast %add3A_983 : i32 to vector<16xi32>
        %add3A_985 = arith.addi %add3A_984, %iota3A : vector<16xi32>
        %le3A_986 = arith.cmpi sle, %broadcast_in_dim3A_866, %add3A_985 : vector<16xi32>
        %convert_element_type3A_987 = arith.extui %le3A_986 : vector<16xi1> to vector<16xi32>
        %add3A_988 = arith.addi %broadcast_in_dim3A_853, %convert_element_type3A_987 : vector<16xi32>
        %le3A_989 = arith.cmpi sle, %broadcast_in_dim3A_869, %add3A_985 : vector<16xi32>
        %convert_element_type3A_990 = arith.extui %le3A_989 : vector<16xi1> to vector<16xi32>
        %add3A_991 = arith.addi %add3A_988, %convert_element_type3A_990 : vector<16xi32>
        %le3A_992 = arith.cmpi sle, %broadcast_in_dim3A_872, %add3A_985 : vector<16xi32>
        %convert_element_type3A_993 = arith.extui %le3A_992 : vector<16xi1> to vector<16xi32>
        %add3A_994 = arith.addi %add3A_991, %convert_element_type3A_993 : vector<16xi32>
        %le3A_995 = arith.cmpi sle, %broadcast_in_dim3A_875, %add3A_985 : vector<16xi32>
        %convert_element_type3A_996 = arith.extui %le3A_995 : vector<16xi1> to vector<16xi32>
        %add3A_997 = arith.addi %add3A_994, %convert_element_type3A_996 : vector<16xi32>
        %add3A_998 = arith.constant 80 : i32
        %add3A_999 = arith.addi %mul3A_852, %add3A_998 : i32
        %swap3A_1000 = arith.index_cast %add3A_999 : i32 to index
        %swap3A_1001 = tpu.vector_load %arg6[%swap3A_1000] {strides = array<i32>} : memref<32768xi32, #tpu.memory_space<vmem>>, vector<16xi32>,
        tpu.vector_store %arg6[%swap3A_1000], %add3A_997 {strides = array<i32>} : memref<32768xi32, #tpu.memory_space<vmem>>, vector<16xi32>,
        %add3A_1002 = arith.addi %mul3A_2, %mul3A_852 : i32
        %add3A_1003 = arith.constant 96 : i32
        %add3A_1004 = arith.addi %add3A_1002, %add3A_1003 : i32
        %add3A_1005 = vector.broadcast %add3A_1004 : i32 to vector<16xi32>
        %add3A_1006 = arith.addi %add3A_1005, %iota3A : vector<16xi32>
        %le3A_1007 = arith.cmpi sle, %broadcast_in_dim3A_866, %add3A_1006 : vector<16xi32>
        %convert_element_type3A_1008 = arith.extui %le3A_1007 : vector<16xi1> to vector<16xi32>
        %add3A_1009 = arith.addi %broadcast_in_dim3A_853, %convert_element_type3A_1008 : vector<16xi32>
        %le3A_1010 = arith.cmpi sle, %broadcast_in_dim3A_869, %add3A_1006 : vector<16xi32>
        %convert_element_type3A_1011 = arith.extui %le3A_1010 : vector<16xi1> to vector<16xi32>
        %add3A_1012 = arith.addi %add3A_1009, %convert_element_type3A_1011 : vector<16xi32>
        %le3A_1013 = arith.cmpi sle, %broadcast_in_dim3A_872, %add3A_1006 : vector<16xi32>
        %convert_element_type3A_1014 = arith.extui %le3A_1013 : vector<16xi1> to vector<16xi32>
        %add3A_1015 = arith.addi %add3A_1012, %convert_element_type3A_1014 : vector<16xi32>
        %le3A_1016 = arith.cmpi sle, %broadcast_in_dim3A_875, %add3A_1006 : vector<16xi32>
        %convert_element_type3A_1017 = arith.extui %le3A_1016 : vector<16xi1> to vector<16xi32>
        %add3A_1018 = arith.addi %add3A_1015, %convert_element_type3A_1017 : vector<16xi32>
        %add3A_1019 = arith.constant 96 : i32
        %add3A_1020 = arith.addi %mul3A_852, %add3A_1019 : i32
        %swap3A_1021 = arith.index_cast %add3A_1020 : i32 to index
        %swap3A_1022 = tpu.vector_load %arg6[%swap3A_1021] {strides = array<i32>} : memref<32768xi32, #tpu.memory_space<vmem>>, vector<16xi32>,
        tpu.vector_store %arg6[%swap3A_1021], %add3A_1018 {strides = array<i32>} : memref<32768xi32, #tpu.memory_space<vmem>>, vector<16xi32>,
        %add3A_1023 = arith.addi %mul3A_2, %mul3A_852 : i32
        %add3A_1024 = arith.constant 112 : i32
        %add3A_1025 = arith.addi %add3A_1023, %add3A_1024 : i32
        %add3A_1026 = vector.broadcast %add3A_1025 : i32 to vector<16xi32>
        %add3A_1027 = arith.addi %add3A_1026, %iota3A : vector<16xi32>
        %le3A_1028 = arith.cmpi sle, %broadcast_in_dim3A_866, %add3A_1027 : vector<16xi32>
        %convert_element_type3A_1029 = arith.extui %le3A_1028 : vector<16xi1> to vector<16xi32>
        %add3A_1030 = arith.addi %broadcast_in_dim3A_853, %convert_element_type3A_1029 : vector<16xi32>
        %le3A_1031 = arith.cmpi sle, %broadcast_in_dim3A_869, %add3A_1027 : vector<16xi32>
        %convert_element_type3A_1032 = arith.extui %le3A_1031 : vector<16xi1> to vector<16xi32>
        %add3A_1033 = arith.addi %add3A_1030, %convert_element_type3A_1032 : vector<16xi32>
        %le3A_1034 = arith.cmpi sle, %broadcast_in_dim3A_872, %add3A_1027 : vector<16xi32>
        %convert_element_type3A_1035 = arith.extui %le3A_1034 : vector<16xi1> to vector<16xi32>
        %add3A_1036 = arith.addi %add3A_1033, %convert_element_type3A_1035 : vector<16xi32>
        %le3A_1037 = arith.cmpi sle, %broadcast_in_dim3A_875, %add3A_1027 : vector<16xi32>
        %convert_element_type3A_1038 = arith.extui %le3A_1037 : vector<16xi1> to vector<16xi32>
        %add3A_1039 = arith.addi %add3A_1036, %convert_element_type3A_1038 : vector<16xi32>
        %add3A_1040 = arith.constant 112 : i32
        %add3A_1041 = arith.addi %mul3A_852, %add3A_1040 : i32
        %swap3A_1042 = arith.index_cast %add3A_1041 : i32 to index
        %swap3A_1043 = tpu.vector_load %arg6[%swap3A_1042] {strides = array<i32>} : memref<32768xi32, #tpu.memory_space<vmem>>, vector<16xi32>,
        tpu.vector_store %arg6[%swap3A_1042], %add3A_1039 {strides = array<i32>} : memref<32768xi32, #tpu.memory_space<vmem>>, vector<16xi32>,
        %add3A_1044 = arith.addi %mul3A_2, %mul3A_852 : i32
        %add3A_1045 = arith.constant 128 : i32
        %add3A_1046 = arith.addi %add3A_1044, %add3A_1045 : i32
        %add3A_1047 = vector.broadcast %add3A_1046 : i32 to vector<16xi32>
        %add3A_1048 = arith.addi %add3A_1047, %iota3A : vector<16xi32>
        %le3A_1049 = arith.cmpi sle, %broadcast_in_dim3A_866, %add3A_1048 : vector<16xi32>
        %convert_element_type3A_1050 = arith.extui %le3A_1049 : vector<16xi1> to vector<16xi32>
        %add3A_1051 = arith.addi %broadcast_in_dim3A_853, %convert_element_type3A_1050 : vector<16xi32>
        %le3A_1052 = arith.cmpi sle, %broadcast_in_dim3A_869, %add3A_1048 : vector<16xi32>
        %convert_element_type3A_1053 = arith.extui %le3A_1052 : vector<16xi1> to vector<16xi32>
        %add3A_1054 = arith.addi %add3A_1051, %convert_element_type3A_1053 : vector<16xi32>
        %le3A_1055 = arith.cmpi sle, %broadcast_in_dim3A_872, %add3A_1048 : vector<16xi32>
        %convert_element_type3A_1056 = arith.extui %le3A_1055 : vector<16xi1> to vector<16xi32>
        %add3A_1057 = arith.addi %add3A_1054, %convert_element_type3A_1056 : vector<16xi32>
        %le3A_1058 = arith.cmpi sle, %broadcast_in_dim3A_875, %add3A_1048 : vector<16xi32>
        %convert_element_type3A_1059 = arith.extui %le3A_1058 : vector<16xi1> to vector<16xi32>
        %add3A_1060 = arith.addi %add3A_1057, %convert_element_type3A_1059 : vector<16xi32>
        %add3A_1061 = arith.constant 128 : i32
        %add3A_1062 = arith.addi %mul3A_852, %add3A_1061 : i32
        %swap3A_1063 = arith.index_cast %add3A_1062 : i32 to index
        %swap3A_1064 = tpu.vector_load %arg6[%swap3A_1063] {strides = array<i32>} : memref<32768xi32, #tpu.memory_space<vmem>>, vector<16xi32>,
        tpu.vector_store %arg6[%swap3A_1063], %add3A_1060 {strides = array<i32>} : memref<32768xi32, #tpu.memory_space<vmem>>, vector<16xi32>,
        %add3A_1065 = arith.addi %mul3A_2, %mul3A_852 : i32
        %add3A_1066 = arith.constant 144 : i32
        %add3A_1067 = arith.addi %add3A_1065, %add3A_1066 : i32
        %add3A_1068 = vector.broadcast %add3A_1067 : i32 to vector<16xi32>
        %add3A_1069 = arith.addi %add3A_1068, %iota3A : vector<16xi32>
        %le3A_1070 = arith.cmpi sle, %broadcast_in_dim3A_866, %add3A_1069 : vector<16xi32>
        %convert_element_type3A_1071 = arith.extui %le3A_1070 : vector<16xi1> to vector<16xi32>
        %add3A_1072 = arith.addi %broadcast_in_dim3A_853, %convert_element_type3A_1071 : vector<16xi32>
        %le3A_1073 = arith.cmpi sle, %broadcast_in_dim3A_869, %add3A_1069 : vector<16xi32>
        %convert_element_type3A_1074 = arith.extui %le3A_1073 : vector<16xi1> to vector<16xi32>
        %add3A_1075 = arith.addi %add3A_1072, %convert_element_type3A_1074 : vector<16xi32>
        %le3A_1076 = arith.cmpi sle, %broadcast_in_dim3A_872, %add3A_1069 : vector<16xi32>
        %convert_element_type3A_1077 = arith.extui %le3A_1076 : vector<16xi1> to vector<16xi32>
        %add3A_1078 = arith.addi %add3A_1075, %convert_element_type3A_1077 : vector<16xi32>
        %le3A_1079 = arith.cmpi sle, %broadcast_in_dim3A_875, %add3A_1069 : vector<16xi32>
        %convert_element_type3A_1080 = arith.extui %le3A_1079 : vector<16xi1> to vector<16xi32>
        %add3A_1081 = arith.addi %add3A_1078, %convert_element_type3A_1080 : vector<16xi32>
        %add3A_1082 = arith.constant 144 : i32
        %add3A_1083 = arith.addi %mul3A_852, %add3A_1082 : i32
        %swap3A_1084 = arith.index_cast %add3A_1083 : i32 to index
        %swap3A_1085 = tpu.vector_load %arg6[%swap3A_1084] {strides = array<i32>} : memref<32768xi32, #tpu.memory_space<vmem>>, vector<16xi32>,
        tpu.vector_store %arg6[%swap3A_1084], %add3A_1081 {strides = array<i32>} : memref<32768xi32, #tpu.memory_space<vmem>>, vector<16xi32>,
        %add3A_1086 = arith.addi %mul3A_2, %mul3A_852 : i32
        %add3A_1087 = arith.constant 160 : i32
        %add3A_1088 = arith.addi %add3A_1086, %add3A_1087 : i32
        %add3A_1089 = vector.broadcast %add3A_1088 : i32 to vector<16xi32>
        %add3A_1090 = arith.addi %add3A_1089, %iota3A : vector<16xi32>
        %le3A_1091 = arith.cmpi sle, %broadcast_in_dim3A_866, %add3A_1090 : vector<16xi32>
        %convert_element_type3A_1092 = arith.extui %le3A_1091 : vector<16xi1> to vector<16xi32>
        %add3A_1093 = arith.addi %broadcast_in_dim3A_853, %convert_element_type3A_1092 : vector<16xi32>
        %le3A_1094 = arith.cmpi sle, %broadcast_in_dim3A_869, %add3A_1090 : vector<16xi32>
        %convert_element_type3A_1095 = arith.extui %le3A_1094 : vector<16xi1> to vector<16xi32>
        %add3A_1096 = arith.addi %add3A_1093, %convert_element_type3A_1095 : vector<16xi32>
        %le3A_1097 = arith.cmpi sle, %broadcast_in_dim3A_872, %add3A_1090 : vector<16xi32>
        %convert_element_type3A_1098 = arith.extui %le3A_1097 : vector<16xi1> to vector<16xi32>
        %add3A_1099 = arith.addi %add3A_1096, %convert_element_type3A_1098 : vector<16xi32>
        %le3A_1100 = arith.cmpi sle, %broadcast_in_dim3A_875, %add3A_1090 : vector<16xi32>
        %convert_element_type3A_1101 = arith.extui %le3A_1100 : vector<16xi1> to vector<16xi32>
        %add3A_1102 = arith.addi %add3A_1099, %convert_element_type3A_1101 : vector<16xi32>
        %add3A_1103 = arith.constant 160 : i32
        %add3A_1104 = arith.addi %mul3A_852, %add3A_1103 : i32
        %swap3A_1105 = arith.index_cast %add3A_1104 : i32 to index
        %swap3A_1106 = tpu.vector_load %arg6[%swap3A_1105] {strides = array<i32>} : memref<32768xi32, #tpu.memory_space<vmem>>, vector<16xi32>,
        tpu.vector_store %arg6[%swap3A_1105], %add3A_1102 {strides = array<i32>} : memref<32768xi32, #tpu.memory_space<vmem>>, vector<16xi32>,
        %add3A_1107 = arith.addi %mul3A_2, %mul3A_852 : i32
        %add3A_1108 = arith.constant 176 : i32
        %add3A_1109 = arith.addi %add3A_1107, %add3A_1108 : i32
        %add3A_1110 = vector.broadcast %add3A_1109 : i32 to vector<16xi32>
        %add3A_1111 = arith.addi %add3A_1110, %iota3A : vector<16xi32>
        %le3A_1112 = arith.cmpi sle, %broadcast_in_dim3A_866, %add3A_1111 : vector<16xi32>
        %convert_element_type3A_1113 = arith.extui %le3A_1112 : vector<16xi1> to vector<16xi32>
        %add3A_1114 = arith.addi %broadcast_in_dim3A_853, %convert_element_type3A_1113 : vector<16xi32>
        %le3A_1115 = arith.cmpi sle, %broadcast_in_dim3A_869, %add3A_1111 : vector<16xi32>
        %convert_element_type3A_1116 = arith.extui %le3A_1115 : vector<16xi1> to vector<16xi32>
        %add3A_1117 = arith.addi %add3A_1114, %convert_element_type3A_1116 : vector<16xi32>
        %le3A_1118 = arith.cmpi sle, %broadcast_in_dim3A_872, %add3A_1111 : vector<16xi32>
        %convert_element_type3A_1119 = arith.extui %le3A_1118 : vector<16xi1> to vector<16xi32>
        %add3A_1120 = arith.addi %add3A_1117, %convert_element_type3A_1119 : vector<16xi32>
        %le3A_1121 = arith.cmpi sle, %broadcast_in_dim3A_875, %add3A_1111 : vector<16xi32>
        %convert_element_type3A_1122 = arith.extui %le3A_1121 : vector<16xi1> to vector<16xi32>
        %add3A_1123 = arith.addi %add3A_1120, %convert_element_type3A_1122 : vector<16xi32>
        %add3A_1124 = arith.constant 176 : i32
        %add3A_1125 = arith.addi %mul3A_852, %add3A_1124 : i32
        %swap3A_1126 = arith.index_cast %add3A_1125 : i32 to index
        %swap3A_1127 = tpu.vector_load %arg6[%swap3A_1126] {strides = array<i32>} : memref<32768xi32, #tpu.memory_space<vmem>>, vector<16xi32>,
        tpu.vector_store %arg6[%swap3A_1126], %add3A_1123 {strides = array<i32>} : memref<32768xi32, #tpu.memory_space<vmem>>, vector<16xi32>,
        %add3A_1128 = arith.addi %mul3A_2, %mul3A_852 : i32
        %add3A_1129 = arith.constant 192 : i32
        %add3A_1130 = arith.addi %add3A_1128, %add3A_1129 : i32
        %add3A_1131 = vector.broadcast %add3A_1130 : i32 to vector<16xi32>
        %add3A_1132 = arith.addi %add3A_1131, %iota3A : vector<16xi32>
        %le3A_1133 = arith.cmpi sle, %broadcast_in_dim3A_866, %add3A_1132 : vector<16xi32>
        %convert_element_type3A_1134 = arith.extui %le3A_1133 : vector<16xi1> to vector<16xi32>
        %add3A_1135 = arith.addi %broadcast_in_dim3A_853, %convert_element_type3A_1134 : vector<16xi32>
        %le3A_1136 = arith.cmpi sle, %broadcast_in_dim3A_869, %add3A_1132 : vector<16xi32>
        %convert_element_type3A_1137 = arith.extui %le3A_1136 : vector<16xi1> to vector<16xi32>
        %add3A_1138 = arith.addi %add3A_1135, %convert_element_type3A_1137 : vector<16xi32>
        %le3A_1139 = arith.cmpi sle, %broadcast_in_dim3A_872, %add3A_1132 : vector<16xi32>
        %convert_element_type3A_1140 = arith.extui %le3A_1139 : vector<16xi1> to vector<16xi32>
        %add3A_1141 = arith.addi %add3A_1138, %convert_element_type3A_1140 : vector<16xi32>
        %le3A_1142 = arith.cmpi sle, %broadcast_in_dim3A_875, %add3A_1132 : vector<16xi32>
        %convert_element_type3A_1143 = arith.extui %le3A_1142 : vector<16xi1> to vector<16xi32>
        %add3A_1144 = arith.addi %add3A_1141, %convert_element_type3A_1143 : vector<16xi32>
        %add3A_1145 = arith.constant 192 : i32
        %add3A_1146 = arith.addi %mul3A_852, %add3A_1145 : i32
        %swap3A_1147 = arith.index_cast %add3A_1146 : i32 to index
        %swap3A_1148 = tpu.vector_load %arg6[%swap3A_1147] {strides = array<i32>} : memref<32768xi32, #tpu.memory_space<vmem>>, vector<16xi32>,
        tpu.vector_store %arg6[%swap3A_1147], %add3A_1144 {strides = array<i32>} : memref<32768xi32, #tpu.memory_space<vmem>>, vector<16xi32>,
        %add3A_1149 = arith.addi %mul3A_2, %mul3A_852 : i32
        %add3A_1150 = arith.constant 208 : i32
        %add3A_1151 = arith.addi %add3A_1149, %add3A_1150 : i32
        %add3A_1152 = vector.broadcast %add3A_1151 : i32 to vector<16xi32>
        %add3A_1153 = arith.addi %add3A_1152, %iota3A : vector<16xi32>
        %le3A_1154 = arith.cmpi sle, %broadcast_in_dim3A_866, %add3A_1153 : vector<16xi32>
        %convert_element_type3A_1155 = arith.extui %le3A_1154 : vector<16xi1> to vector<16xi32>
        %add3A_1156 = arith.addi %broadcast_in_dim3A_853, %convert_element_type3A_1155 : vector<16xi32>
        %le3A_1157 = arith.cmpi sle, %broadcast_in_dim3A_869, %add3A_1153 : vector<16xi32>
        %convert_element_type3A_1158 = arith.extui %le3A_1157 : vector<16xi1> to vector<16xi32>
        %add3A_1159 = arith.addi %add3A_1156, %convert_element_type3A_1158 : vector<16xi32>
        %le3A_1160 = arith.cmpi sle, %broadcast_in_dim3A_872, %add3A_1153 : vector<16xi32>
        %convert_element_type3A_1161 = arith.extui %le3A_1160 : vector<16xi1> to vector<16xi32>
        %add3A_1162 = arith.addi %add3A_1159, %convert_element_type3A_1161 : vector<16xi32>
        %le3A_1163 = arith.cmpi sle, %broadcast_in_dim3A_875, %add3A_1153 : vector<16xi32>
        %convert_element_type3A_1164 = arith.extui %le3A_1163 : vector<16xi1> to vector<16xi32>
        %add3A_1165 = arith.addi %add3A_1162, %convert_element_type3A_1164 : vector<16xi32>
        %add3A_1166 = arith.constant 208 : i32
        %add3A_1167 = arith.addi %mul3A_852, %add3A_1166 : i32
        %swap3A_1168 = arith.index_cast %add3A_1167 : i32 to index
        %swap3A_1169 = tpu.vector_load %arg6[%swap3A_1168] {strides = array<i32>} : memref<32768xi32, #tpu.memory_space<vmem>>, vector<16xi32>,
        tpu.vector_store %arg6[%swap3A_1168], %add3A_1165 {strides = array<i32>} : memref<32768xi32, #tpu.memory_space<vmem>>, vector<16xi32>,
        %add3A_1170 = arith.addi %mul3A_2, %mul3A_852 : i32
        %add3A_1171 = arith.constant 224 : i32
        %add3A_1172 = arith.addi %add3A_1170, %add3A_1171 : i32
        %add3A_1173 = vector.broadcast %add3A_1172 : i32 to vector<16xi32>
        %add3A_1174 = arith.addi %add3A_1173, %iota3A : vector<16xi32>
        %le3A_1175 = arith.cmpi sle, %broadcast_in_dim3A_866, %add3A_1174 : vector<16xi32>
        %convert_element_type3A_1176 = arith.extui %le3A_1175 : vector<16xi1> to vector<16xi32>
        %add3A_1177 = arith.addi %broadcast_in_dim3A_853, %convert_element_type3A_1176 : vector<16xi32>
        %le3A_1178 = arith.cmpi sle, %broadcast_in_dim3A_869, %add3A_1174 : vector<16xi32>
        %convert_element_type3A_1179 = arith.extui %le3A_1178 : vector<16xi1> to vector<16xi32>
        %add3A_1180 = arith.addi %add3A_1177, %convert_element_type3A_1179 : vector<16xi32>
        %le3A_1181 = arith.cmpi sle, %broadcast_in_dim3A_872, %add3A_1174 : vector<16xi32>
        %convert_element_type3A_1182 = arith.extui %le3A_1181 : vector<16xi1> to vector<16xi32>
        %add3A_1183 = arith.addi %add3A_1180, %convert_element_type3A_1182 : vector<16xi32>
        %le3A_1184 = arith.cmpi sle, %broadcast_in_dim3A_875, %add3A_1174 : vector<16xi32>
        %convert_element_type3A_1185 = arith.extui %le3A_1184 : vector<16xi1> to vector<16xi32>
        %add3A_1186 = arith.addi %add3A_1183, %convert_element_type3A_1185 : vector<16xi32>
        %add3A_1187 = arith.constant 224 : i32
        %add3A_1188 = arith.addi %mul3A_852, %add3A_1187 : i32
        %swap3A_1189 = arith.index_cast %add3A_1188 : i32 to index
        %swap3A_1190 = tpu.vector_load %arg6[%swap3A_1189] {strides = array<i32>} : memref<32768xi32, #tpu.memory_space<vmem>>, vector<16xi32>,
        tpu.vector_store %arg6[%swap3A_1189], %add3A_1186 {strides = array<i32>} : memref<32768xi32, #tpu.memory_space<vmem>>, vector<16xi32>,
        %add3A_1191 = arith.addi %mul3A_2, %mul3A_852 : i32
        %add3A_1192 = arith.constant 240 : i32
        %add3A_1193 = arith.addi %add3A_1191, %add3A_1192 : i32
        %add3A_1194 = vector.broadcast %add3A_1193 : i32 to vector<16xi32>
        %add3A_1195 = arith.addi %add3A_1194, %iota3A : vector<16xi32>
        %le3A_1196 = arith.cmpi sle, %broadcast_in_dim3A_866, %add3A_1195 : vector<16xi32>
        %convert_element_type3A_1197 = arith.extui %le3A_1196 : vector<16xi1> to vector<16xi32>
        %add3A_1198 = arith.addi %broadcast_in_dim3A_853, %convert_element_type3A_1197 : vector<16xi32>
        %le3A_1199 = arith.cmpi sle, %broadcast_in_dim3A_869, %add3A_1195 : vector<16xi32>
        %convert_element_type3A_1200 = arith.extui %le3A_1199 : vector<16xi1> to vector<16xi32>
        %add3A_1201 = arith.addi %add3A_1198, %convert_element_type3A_1200 : vector<16xi32>
        %le3A_1202 = arith.cmpi sle, %broadcast_in_dim3A_872, %add3A_1195 : vector<16xi32>
        %convert_element_type3A_1203 = arith.extui %le3A_1202 : vector<16xi1> to vector<16xi32>
        %add3A_1204 = arith.addi %add3A_1201, %convert_element_type3A_1203 : vector<16xi32>
        %le3A_1205 = arith.cmpi sle, %broadcast_in_dim3A_875, %add3A_1195 : vector<16xi32>
        %convert_element_type3A_1206 = arith.extui %le3A_1205 : vector<16xi1> to vector<16xi32>
        %add3A_1207 = arith.addi %add3A_1204, %convert_element_type3A_1206 : vector<16xi32>
        %add3A_1208 = arith.constant 240 : i32
        %add3A_1209 = arith.addi %mul3A_852, %add3A_1208 : i32
        %swap3A_1210 = arith.index_cast %add3A_1209 : i32 to index
        %swap3A_1211 = tpu.vector_load %arg6[%swap3A_1210] {strides = array<i32>} : memref<32768xi32, #tpu.memory_space<vmem>>, vector<16xi32>,
        tpu.vector_store %arg6[%swap3A_1210], %add3A_1207 {strides = array<i32>} : memref<32768xi32, #tpu.memory_space<vmem>>, vector<16xi32>,
        %add3A_1212 = arith.addi %mul3A_2, %mul3A_852 : i32
        %add3A_1213 = arith.constant 256 : i32
        %add3A_1214 = arith.addi %add3A_1212, %add3A_1213 : i32
        %add3A_1215 = vector.broadcast %add3A_1214 : i32 to vector<16xi32>
        %add3A_1216 = arith.addi %add3A_1215, %iota3A : vector<16xi32>
        %le3A_1217 = arith.cmpi sle, %broadcast_in_dim3A_866, %add3A_1216 : vector<16xi32>
        %convert_element_type3A_1218 = arith.extui %le3A_1217 : vector<16xi1> to vector<16xi32>
        %add3A_1219 = arith.addi %broadcast_in_dim3A_853, %convert_element_type3A_1218 : vector<16xi32>
        %le3A_1220 = arith.cmpi sle, %broadcast_in_dim3A_869, %add3A_1216 : vector<16xi32>
        %convert_element_type3A_1221 = arith.extui %le3A_1220 : vector<16xi1> to vector<16xi32>
        %add3A_1222 = arith.addi %add3A_1219, %convert_element_type3A_1221 : vector<16xi32>
        %le3A_1223 = arith.cmpi sle, %broadcast_in_dim3A_872, %add3A_1216 : vector<16xi32>
        %convert_element_type3A_1224 = arith.extui %le3A_1223 : vector<16xi1> to vector<16xi32>
        %add3A_1225 = arith.addi %add3A_1222, %convert_element_type3A_1224 : vector<16xi32>
        %le3A_1226 = arith.cmpi sle, %broadcast_in_dim3A_875, %add3A_1216 : vector<16xi32>
        %convert_element_type3A_1227 = arith.extui %le3A_1226 : vector<16xi1> to vector<16xi32>
        %add3A_1228 = arith.addi %add3A_1225, %convert_element_type3A_1227 : vector<16xi32>
        %add3A_1229 = arith.constant 256 : i32
        %add3A_1230 = arith.addi %mul3A_852, %add3A_1229 : i32
        %swap3A_1231 = arith.index_cast %add3A_1230 : i32 to index
        %swap3A_1232 = tpu.vector_load %arg6[%swap3A_1231] {strides = array<i32>} : memref<32768xi32, #tpu.memory_space<vmem>>, vector<16xi32>,
        tpu.vector_store %arg6[%swap3A_1231], %add3A_1228 {strides = array<i32>} : memref<32768xi32, #tpu.memory_space<vmem>>, vector<16xi32>,
        %add3A_1233 = arith.addi %mul3A_2, %mul3A_852 : i32
        %add3A_1234 = arith.constant 272 : i32
        %add3A_1235 = arith.addi %add3A_1233, %add3A_1234 : i32
        %add3A_1236 = vector.broadcast %add3A_1235 : i32 to vector<16xi32>
        %add3A_1237 = arith.addi %add3A_1236, %iota3A : vector<16xi32>
        %le3A_1238 = arith.cmpi sle, %broadcast_in_dim3A_866, %add3A_1237 : vector<16xi32>
        %convert_element_type3A_1239 = arith.extui %le3A_1238 : vector<16xi1> to vector<16xi32>
        %add3A_1240 = arith.addi %broadcast_in_dim3A_853, %convert_element_type3A_1239 : vector<16xi32>
        %le3A_1241 = arith.cmpi sle, %broadcast_in_dim3A_869, %add3A_1237 : vector<16xi32>
        %convert_element_type3A_1242 = arith.extui %le3A_1241 : vector<16xi1> to vector<16xi32>
        %add3A_1243 = arith.addi %add3A_1240, %convert_element_type3A_1242 : vector<16xi32>
        %le3A_1244 = arith.cmpi sle, %broadcast_in_dim3A_872, %add3A_1237 : vector<16xi32>
        %convert_element_type3A_1245 = arith.extui %le3A_1244 : vector<16xi1> to vector<16xi32>
        %add3A_1246 = arith.addi %add3A_1243, %convert_element_type3A_1245 : vector<16xi32>
        %le3A_1247 = arith.cmpi sle, %broadcast_in_dim3A_875, %add3A_1237 : vector<16xi32>
        %convert_element_type3A_1248 = arith.extui %le3A_1247 : vector<16xi1> to vector<16xi32>
        %add3A_1249 = arith.addi %add3A_1246, %convert_element_type3A_1248 : vector<16xi32>
        %add3A_1250 = arith.constant 272 : i32
        %add3A_1251 = arith.addi %mul3A_852, %add3A_1250 : i32
        %swap3A_1252 = arith.index_cast %add3A_1251 : i32 to index
        %swap3A_1253 = tpu.vector_load %arg6[%swap3A_1252] {strides = array<i32>} : memref<32768xi32, #tpu.memory_space<vmem>>, vector<16xi32>,
        tpu.vector_store %arg6[%swap3A_1252], %add3A_1249 {strides = array<i32>} : memref<32768xi32, #tpu.memory_space<vmem>>, vector<16xi32>,
        %add3A_1254 = arith.addi %mul3A_2, %mul3A_852 : i32
        %add3A_1255 = arith.constant 288 : i32
        %add3A_1256 = arith.addi %add3A_1254, %add3A_1255 : i32
        %add3A_1257 = vector.broadcast %add3A_1256 : i32 to vector<16xi32>
        %add3A_1258 = arith.addi %add3A_1257, %iota3A : vector<16xi32>
        %le3A_1259 = arith.cmpi sle, %broadcast_in_dim3A_866, %add3A_1258 : vector<16xi32>
        %convert_element_type3A_1260 = arith.extui %le3A_1259 : vector<16xi1> to vector<16xi32>
        %add3A_1261 = arith.addi %broadcast_in_dim3A_853, %convert_element_type3A_1260 : vector<16xi32>
        %le3A_1262 = arith.cmpi sle, %broadcast_in_dim3A_869, %add3A_1258 : vector<16xi32>
        %convert_element_type3A_1263 = arith.extui %le3A_1262 : vector<16xi1> to vector<16xi32>
        %add3A_1264 = arith.addi %add3A_1261, %convert_element_type3A_1263 : vector<16xi32>
        %le3A_1265 = arith.cmpi sle, %broadcast_in_dim3A_872, %add3A_1258 : vector<16xi32>
        %convert_element_type3A_1266 = arith.extui %le3A_1265 : vector<16xi1> to vector<16xi32>
        %add3A_1267 = arith.addi %add3A_1264, %convert_element_type3A_1266 : vector<16xi32>
        %le3A_1268 = arith.cmpi sle, %broadcast_in_dim3A_875, %add3A_1258 : vector<16xi32>
        %convert_element_type3A_1269 = arith.extui %le3A_1268 : vector<16xi1> to vector<16xi32>
        %add3A_1270 = arith.addi %add3A_1267, %convert_element_type3A_1269 : vector<16xi32>
        %add3A_1271 = arith.constant 288 : i32
        %add3A_1272 = arith.addi %mul3A_852, %add3A_1271 : i32
        %swap3A_1273 = arith.index_cast %add3A_1272 : i32 to index
        %swap3A_1274 = tpu.vector_load %arg6[%swap3A_1273] {strides = array<i32>} : memref<32768xi32, #tpu.memory_space<vmem>>, vector<16xi32>,
        tpu.vector_store %arg6[%swap3A_1273], %add3A_1270 {strides = array<i32>} : memref<32768xi32, #tpu.memory_space<vmem>>, vector<16xi32>,
        %add3A_1275 = arith.addi %mul3A_2, %mul3A_852 : i32
        %add3A_1276 = arith.constant 304 : i32
        %add3A_1277 = arith.addi %add3A_1275, %add3A_1276 : i32
        %add3A_1278 = vector.broadcast %add3A_1277 : i32 to vector<16xi32>
        %add3A_1279 = arith.addi %add3A_1278, %iota3A : vector<16xi32>
        %le3A_1280 = arith.cmpi sle, %broadcast_in_dim3A_866, %add3A_1279 : vector<16xi32>
        %convert_element_type3A_1281 = arith.extui %le3A_1280 : vector<16xi1> to vector<16xi32>
        %add3A_1282 = arith.addi %broadcast_in_dim3A_853, %convert_element_type3A_1281 : vector<16xi32>
        %le3A_1283 = arith.cmpi sle, %broadcast_in_dim3A_869, %add3A_1279 : vector<16xi32>
        %convert_element_type3A_1284 = arith.extui %le3A_1283 : vector<16xi1> to vector<16xi32>
        %add3A_1285 = arith.addi %add3A_1282, %convert_element_type3A_1284 : vector<16xi32>
        %le3A_1286 = arith.cmpi sle, %broadcast_in_dim3A_872, %add3A_1279 : vector<16xi32>
        %convert_element_type3A_1287 = arith.extui %le3A_1286 : vector<16xi1> to vector<16xi32>
        %add3A_1288 = arith.addi %add3A_1285, %convert_element_type3A_1287 : vector<16xi32>
        %le3A_1289 = arith.cmpi sle, %broadcast_in_dim3A_875, %add3A_1279 : vector<16xi32>
        %convert_element_type3A_1290 = arith.extui %le3A_1289 : vector<16xi1> to vector<16xi32>
        %add3A_1291 = arith.addi %add3A_1288, %convert_element_type3A_1290 : vector<16xi32>
        %add3A_1292 = arith.constant 304 : i32
        %add3A_1293 = arith.addi %mul3A_852, %add3A_1292 : i32
        %swap3A_1294 = arith.index_cast %add3A_1293 : i32 to index
        %swap3A_1295 = tpu.vector_load %arg6[%swap3A_1294] {strides = array<i32>} : memref<32768xi32, #tpu.memory_space<vmem>>, vector<16xi32>,
        tpu.vector_store %arg6[%swap3A_1294], %add3A_1291 {strides = array<i32>} : memref<32768xi32, #tpu.memory_space<vmem>>, vector<16xi32>,
        %add3A_1296 = arith.addi %mul3A_2, %mul3A_852 : i32
        %add3A_1297 = arith.constant 320 : i32
        %add3A_1298 = arith.addi %add3A_1296, %add3A_1297 : i32
        %add3A_1299 = vector.broadcast %add3A_1298 : i32 to vector<16xi32>
        %add3A_1300 = arith.addi %add3A_1299, %iota3A : vector<16xi32>
        %le3A_1301 = arith.cmpi sle, %broadcast_in_dim3A_866, %add3A_1300 : vector<16xi32>
        %convert_element_type3A_1302 = arith.extui %le3A_1301 : vector<16xi1> to vector<16xi32>
        %add3A_1303 = arith.addi %broadcast_in_dim3A_853, %convert_element_type3A_1302 : vector<16xi32>
        %le3A_1304 = arith.cmpi sle, %broadcast_in_dim3A_869, %add3A_1300 : vector<16xi32>
        %convert_element_type3A_1305 = arith.extui %le3A_1304 : vector<16xi1> to vector<16xi32>
        %add3A_1306 = arith.addi %add3A_1303, %convert_element_type3A_1305 : vector<16xi32>
        %le3A_1307 = arith.cmpi sle, %broadcast_in_dim3A_872, %add3A_1300 : vector<16xi32>
        %convert_element_type3A_1308 = arith.extui %le3A_1307 : vector<16xi1> to vector<16xi32>
        %add3A_1309 = arith.addi %add3A_1306, %convert_element_type3A_1308 : vector<16xi32>
        %le3A_1310 = arith.cmpi sle, %broadcast_in_dim3A_875, %add3A_1300 : vector<16xi32>
        %convert_element_type3A_1311 = arith.extui %le3A_1310 : vector<16xi1> to vector<16xi32>
        %add3A_1312 = arith.addi %add3A_1309, %convert_element_type3A_1311 : vector<16xi32>
        %add3A_1313 = arith.constant 320 : i32
        %add3A_1314 = arith.addi %mul3A_852, %add3A_1313 : i32
        %swap3A_1315 = arith.index_cast %add3A_1314 : i32 to index
        %swap3A_1316 = tpu.vector_load %arg6[%swap3A_1315] {strides = array<i32>} : memref<32768xi32, #tpu.memory_space<vmem>>, vector<16xi32>,
        tpu.vector_store %arg6[%swap3A_1315], %add3A_1312 {strides = array<i32>} : memref<32768xi32, #tpu.memory_space<vmem>>, vector<16xi32>,
        %add3A_1317 = arith.addi %mul3A_2, %mul3A_852 : i32
        %add3A_1318 = arith.constant 336 : i32
        %add3A_1319 = arith.addi %add3A_1317, %add3A_1318 : i32
        %add3A_1320 = vector.broadcast %add3A_1319 : i32 to vector<16xi32>
        %add3A_1321 = arith.addi %add3A_1320, %iota3A : vector<16xi32>
        %le3A_1322 = arith.cmpi sle, %broadcast_in_dim3A_866, %add3A_1321 : vector<16xi32>
        %convert_element_type3A_1323 = arith.extui %le3A_1322 : vector<16xi1> to vector<16xi32>
        %add3A_1324 = arith.addi %broadcast_in_dim3A_853, %convert_element_type3A_1323 : vector<16xi32>
        %le3A_1325 = arith.cmpi sle, %broadcast_in_dim3A_869, %add3A_1321 : vector<16xi32>
        %convert_element_type3A_1326 = arith.extui %le3A_1325 : vector<16xi1> to vector<16xi32>
        %add3A_1327 = arith.addi %add3A_1324, %convert_element_type3A_1326 : vector<16xi32>
        %le3A_1328 = arith.cmpi sle, %broadcast_in_dim3A_872, %add3A_1321 : vector<16xi32>
        %convert_element_type3A_1329 = arith.extui %le3A_1328 : vector<16xi1> to vector<16xi32>
        %add3A_1330 = arith.addi %add3A_1327, %convert_element_type3A_1329 : vector<16xi32>
        %le3A_1331 = arith.cmpi sle, %broadcast_in_dim3A_875, %add3A_1321 : vector<16xi32>
        %convert_element_type3A_1332 = arith.extui %le3A_1331 : vector<16xi1> to vector<16xi32>
        %add3A_1333 = arith.addi %add3A_1330, %convert_element_type3A_1332 : vector<16xi32>
        %add3A_1334 = arith.constant 336 : i32
        %add3A_1335 = arith.addi %mul3A_852, %add3A_1334 : i32
        %swap3A_1336 = arith.index_cast %add3A_1335 : i32 to index
        %swap3A_1337 = tpu.vector_load %arg6[%swap3A_1336] {strides = array<i32>} : memref<32768xi32, #tpu.memory_space<vmem>>, vector<16xi32>,
        tpu.vector_store %arg6[%swap3A_1336], %add3A_1333 {strides = array<i32>} : memref<32768xi32, #tpu.memory_space<vmem>>, vector<16xi32>,
        %add3A_1338 = arith.addi %mul3A_2, %mul3A_852 : i32
        %add3A_1339 = arith.constant 352 : i32
        %add3A_1340 = arith.addi %add3A_1338, %add3A_1339 : i32
        %add3A_1341 = vector.broadcast %add3A_1340 : i32 to vector<16xi32>
        %add3A_1342 = arith.addi %add3A_1341, %iota3A : vector<16xi32>
        %le3A_1343 = arith.cmpi sle, %broadcast_in_dim3A_866, %add3A_1342 : vector<16xi32>
        %convert_element_type3A_1344 = arith.extui %le3A_1343 : vector<16xi1> to vector<16xi32>
        %add3A_1345 = arith.addi %broadcast_in_dim3A_853, %convert_element_type3A_1344 : vector<16xi32>
        %le3A_1346 = arith.cmpi sle, %broadcast_in_dim3A_869, %add3A_1342 : vector<16xi32>
        %convert_element_type3A_1347 = arith.extui %le3A_1346 : vector<16xi1> to vector<16xi32>
        %add3A_1348 = arith.addi %add3A_1345, %convert_element_type3A_1347 : vector<16xi32>
        %le3A_1349 = arith.cmpi sle, %broadcast_in_dim3A_872, %add3A_1342 : vector<16xi32>
        %convert_element_type3A_1350 = arith.extui %le3A_1349 : vector<16xi1> to vector<16xi32>
        %add3A_1351 = arith.addi %add3A_1348, %convert_element_type3A_1350 : vector<16xi32>
        %le3A_1352 = arith.cmpi sle, %broadcast_in_dim3A_875, %add3A_1342 : vector<16xi32>
        %convert_element_type3A_1353 = arith.extui %le3A_1352 : vector<16xi1> to vector<16xi32>
        %add3A_1354 = arith.addi %add3A_1351, %convert_element_type3A_1353 : vector<16xi32>
        %add3A_1355 = arith.constant 352 : i32
        %add3A_1356 = arith.addi %mul3A_852, %add3A_1355 : i32
        %swap3A_1357 = arith.index_cast %add3A_1356 : i32 to index
        %swap3A_1358 = tpu.vector_load %arg6[%swap3A_1357] {strides = array<i32>} : memref<32768xi32, #tpu.memory_space<vmem>>, vector<16xi32>,
        tpu.vector_store %arg6[%swap3A_1357], %add3A_1354 {strides = array<i32>} : memref<32768xi32, #tpu.memory_space<vmem>>, vector<16xi32>,
        %add3A_1359 = arith.addi %mul3A_2, %mul3A_852 : i32
        %add3A_1360 = arith.constant 368 : i32
        %add3A_1361 = arith.addi %add3A_1359, %add3A_1360 : i32
        %add3A_1362 = vector.broadcast %add3A_1361 : i32 to vector<16xi32>
        %add3A_1363 = arith.addi %add3A_1362, %iota3A : vector<16xi32>
        %le3A_1364 = arith.cmpi sle, %broadcast_in_dim3A_866, %add3A_1363 : vector<16xi32>
        %convert_element_type3A_1365 = arith.extui %le3A_1364 : vector<16xi1> to vector<16xi32>
        %add3A_1366 = arith.addi %broadcast_in_dim3A_853, %convert_element_type3A_1365 : vector<16xi32>
        %le3A_1367 = arith.cmpi sle, %broadcast_in_dim3A_869, %add3A_1363 : vector<16xi32>
        %convert_element_type3A_1368 = arith.extui %le3A_1367 : vector<16xi1> to vector<16xi32>
        %add3A_1369 = arith.addi %add3A_1366, %convert_element_type3A_1368 : vector<16xi32>
        %le3A_1370 = arith.cmpi sle, %broadcast_in_dim3A_872, %add3A_1363 : vector<16xi32>
        %convert_element_type3A_1371 = arith.extui %le3A_1370 : vector<16xi1> to vector<16xi32>
        %add3A_1372 = arith.addi %add3A_1369, %convert_element_type3A_1371 : vector<16xi32>
        %le3A_1373 = arith.cmpi sle, %broadcast_in_dim3A_875, %add3A_1363 : vector<16xi32>
        %convert_element_type3A_1374 = arith.extui %le3A_1373 : vector<16xi1> to vector<16xi32>
        %add3A_1375 = arith.addi %add3A_1372, %convert_element_type3A_1374 : vector<16xi32>
        %add3A_1376 = arith.constant 368 : i32
        %add3A_1377 = arith.addi %mul3A_852, %add3A_1376 : i32
        %swap3A_1378 = arith.index_cast %add3A_1377 : i32 to index
        %swap3A_1379 = tpu.vector_load %arg6[%swap3A_1378] {strides = array<i32>} : memref<32768xi32, #tpu.memory_space<vmem>>, vector<16xi32>,
        tpu.vector_store %arg6[%swap3A_1378], %add3A_1375 {strides = array<i32>} : memref<32768xi32, #tpu.memory_space<vmem>>, vector<16xi32>,
        %add3A_1380 = arith.addi %mul3A_2, %mul3A_852 : i32
        %add3A_1381 = arith.constant 384 : i32
        %add3A_1382 = arith.addi %add3A_1380, %add3A_1381 : i32
        %add3A_1383 = vector.broadcast %add3A_1382 : i32 to vector<16xi32>
        %add3A_1384 = arith.addi %add3A_1383, %iota3A : vector<16xi32>
        %le3A_1385 = arith.cmpi sle, %broadcast_in_dim3A_866, %add3A_1384 : vector<16xi32>
        %convert_element_type3A_1386 = arith.extui %le3A_1385 : vector<16xi1> to vector<16xi32>
        %add3A_1387 = arith.addi %broadcast_in_dim3A_853, %convert_element_type3A_1386 : vector<16xi32>
        %le3A_1388 = arith.cmpi sle, %broadcast_in_dim3A_869, %add3A_1384 : vector<16xi32>
        %convert_element_type3A_1389 = arith.extui %le3A_1388 : vector<16xi1> to vector<16xi32>
        %add3A_1390 = arith.addi %add3A_1387, %convert_element_type3A_1389 : vector<16xi32>
        %le3A_1391 = arith.cmpi sle, %broadcast_in_dim3A_872, %add3A_1384 : vector<16xi32>
        %convert_element_type3A_1392 = arith.extui %le3A_1391 : vector<16xi1> to vector<16xi32>
        %add3A_1393 = arith.addi %add3A_1390, %convert_element_type3A_1392 : vector<16xi32>
        %le3A_1394 = arith.cmpi sle, %broadcast_in_dim3A_875, %add3A_1384 : vector<16xi32>
        %convert_element_type3A_1395 = arith.extui %le3A_1394 : vector<16xi1> to vector<16xi32>
        %add3A_1396 = arith.addi %add3A_1393, %convert_element_type3A_1395 : vector<16xi32>
        %add3A_1397 = arith.constant 384 : i32
        %add3A_1398 = arith.addi %mul3A_852, %add3A_1397 : i32
        %swap3A_1399 = arith.index_cast %add3A_1398 : i32 to index
        %swap3A_1400 = tpu.vector_load %arg6[%swap3A_1399] {strides = array<i32>} : memref<32768xi32, #tpu.memory_space<vmem>>, vector<16xi32>,
        tpu.vector_store %arg6[%swap3A_1399], %add3A_1396 {strides = array<i32>} : memref<32768xi32, #tpu.memory_space<vmem>>, vector<16xi32>,
        %add3A_1401 = arith.addi %mul3A_2, %mul3A_852 : i32
        %add3A_1402 = arith.constant 400 : i32
        %add3A_1403 = arith.addi %add3A_1401, %add3A_1402 : i32
        %add3A_1404 = vector.broadcast %add3A_1403 : i32 to vector<16xi32>
        %add3A_1405 = arith.addi %add3A_1404, %iota3A : vector<16xi32>
        %le3A_1406 = arith.cmpi sle, %broadcast_in_dim3A_866, %add3A_1405 : vector<16xi32>
        %convert_element_type3A_1407 = arith.extui %le3A_1406 : vector<16xi1> to vector<16xi32>
        %add3A_1408 = arith.addi %broadcast_in_dim3A_853, %convert_element_type3A_1407 : vector<16xi32>
        %le3A_1409 = arith.cmpi sle, %broadcast_in_dim3A_869, %add3A_1405 : vector<16xi32>
        %convert_element_type3A_1410 = arith.extui %le3A_1409 : vector<16xi1> to vector<16xi32>
        %add3A_1411 = arith.addi %add3A_1408, %convert_element_type3A_1410 : vector<16xi32>
        %le3A_1412 = arith.cmpi sle, %broadcast_in_dim3A_872, %add3A_1405 : vector<16xi32>
        %convert_element_type3A_1413 = arith.extui %le3A_1412 : vector<16xi1> to vector<16xi32>
        %add3A_1414 = arith.addi %add3A_1411, %convert_element_type3A_1413 : vector<16xi32>
        %le3A_1415 = arith.cmpi sle, %broadcast_in_dim3A_875, %add3A_1405 : vector<16xi32>
        %convert_element_type3A_1416 = arith.extui %le3A_1415 : vector<16xi1> to vector<16xi32>
        %add3A_1417 = arith.addi %add3A_1414, %convert_element_type3A_1416 : vector<16xi32>
        %add3A_1418 = arith.constant 400 : i32
        %add3A_1419 = arith.addi %mul3A_852, %add3A_1418 : i32
        %swap3A_1420 = arith.index_cast %add3A_1419 : i32 to index
        %swap3A_1421 = tpu.vector_load %arg6[%swap3A_1420] {strides = array<i32>} : memref<32768xi32, #tpu.memory_space<vmem>>, vector<16xi32>,
        tpu.vector_store %arg6[%swap3A_1420], %add3A_1417 {strides = array<i32>} : memref<32768xi32, #tpu.memory_space<vmem>>, vector<16xi32>,
        %add3A_1422 = arith.addi %mul3A_2, %mul3A_852 : i32
        %add3A_1423 = arith.constant 416 : i32
        %add3A_1424 = arith.addi %add3A_1422, %add3A_1423 : i32
        %add3A_1425 = vector.broadcast %add3A_1424 : i32 to vector<16xi32>
        %add3A_1426 = arith.addi %add3A_1425, %iota3A : vector<16xi32>
        %le3A_1427 = arith.cmpi sle, %broadcast_in_dim3A_866, %add3A_1426 : vector<16xi32>
        %convert_element_type3A_1428 = arith.extui %le3A_1427 : vector<16xi1> to vector<16xi32>
        %add3A_1429 = arith.addi %broadcast_in_dim3A_853, %convert_element_type3A_1428 : vector<16xi32>
        %le3A_1430 = arith.cmpi sle, %broadcast_in_dim3A_869, %add3A_1426 : vector<16xi32>
        %convert_element_type3A_1431 = arith.extui %le3A_1430 : vector<16xi1> to vector<16xi32>
        %add3A_1432 = arith.addi %add3A_1429, %convert_element_type3A_1431 : vector<16xi32>
        %le3A_1433 = arith.cmpi sle, %broadcast_in_dim3A_872, %add3A_1426 : vector<16xi32>
        %convert_element_type3A_1434 = arith.extui %le3A_1433 : vector<16xi1> to vector<16xi32>
        %add3A_1435 = arith.addi %add3A_1432, %convert_element_type3A_1434 : vector<16xi32>
        %le3A_1436 = arith.cmpi sle, %broadcast_in_dim3A_875, %add3A_1426 : vector<16xi32>
        %convert_element_type3A_1437 = arith.extui %le3A_1436 : vector<16xi1> to vector<16xi32>
        %add3A_1438 = arith.addi %add3A_1435, %convert_element_type3A_1437 : vector<16xi32>
        %add3A_1439 = arith.constant 416 : i32
        %add3A_1440 = arith.addi %mul3A_852, %add3A_1439 : i32
        %swap3A_1441 = arith.index_cast %add3A_1440 : i32 to index
        %swap3A_1442 = tpu.vector_load %arg6[%swap3A_1441] {strides = array<i32>} : memref<32768xi32, #tpu.memory_space<vmem>>, vector<16xi32>,
        tpu.vector_store %arg6[%swap3A_1441], %add3A_1438 {strides = array<i32>} : memref<32768xi32, #tpu.memory_space<vmem>>, vector<16xi32>,
        %add3A_1443 = arith.addi %mul3A_2, %mul3A_852 : i32
        %add3A_1444 = arith.constant 432 : i32
        %add3A_1445 = arith.addi %add3A_1443, %add3A_1444 : i32
        %add3A_1446 = vector.broadcast %add3A_1445 : i32 to vector<16xi32>
        %add3A_1447 = arith.addi %add3A_1446, %iota3A : vector<16xi32>
        %le3A_1448 = arith.cmpi sle, %broadcast_in_dim3A_866, %add3A_1447 : vector<16xi32>
        %convert_element_type3A_1449 = arith.extui %le3A_1448 : vector<16xi1> to vector<16xi32>
        %add3A_1450 = arith.addi %broadcast_in_dim3A_853, %convert_element_type3A_1449 : vector<16xi32>
        %le3A_1451 = arith.cmpi sle, %broadcast_in_dim3A_869, %add3A_1447 : vector<16xi32>
        %convert_element_type3A_1452 = arith.extui %le3A_1451 : vector<16xi1> to vector<16xi32>
        %add3A_1453 = arith.addi %add3A_1450, %convert_element_type3A_1452 : vector<16xi32>
        %le3A_1454 = arith.cmpi sle, %broadcast_in_dim3A_872, %add3A_1447 : vector<16xi32>
        %convert_element_type3A_1455 = arith.extui %le3A_1454 : vector<16xi1> to vector<16xi32>
        %add3A_1456 = arith.addi %add3A_1453, %convert_element_type3A_1455 : vector<16xi32>
        %le3A_1457 = arith.cmpi sle, %broadcast_in_dim3A_875, %add3A_1447 : vector<16xi32>
        %convert_element_type3A_1458 = arith.extui %le3A_1457 : vector<16xi1> to vector<16xi32>
        %add3A_1459 = arith.addi %add3A_1456, %convert_element_type3A_1458 : vector<16xi32>
        %add3A_1460 = arith.constant 432 : i32
        %add3A_1461 = arith.addi %mul3A_852, %add3A_1460 : i32
        %swap3A_1462 = arith.index_cast %add3A_1461 : i32 to index
        %swap3A_1463 = tpu.vector_load %arg6[%swap3A_1462] {strides = array<i32>} : memref<32768xi32, #tpu.memory_space<vmem>>, vector<16xi32>,
        tpu.vector_store %arg6[%swap3A_1462], %add3A_1459 {strides = array<i32>} : memref<32768xi32, #tpu.memory_space<vmem>>, vector<16xi32>,
        %add3A_1464 = arith.addi %mul3A_2, %mul3A_852 : i32
        %add3A_1465 = arith.constant 448 : i32
        %add3A_1466 = arith.addi %add3A_1464, %add3A_1465 : i32
        %add3A_1467 = vector.broadcast %add3A_1466 : i32 to vector<16xi32>
        %add3A_1468 = arith.addi %add3A_1467, %iota3A : vector<16xi32>
        %le3A_1469 = arith.cmpi sle, %broadcast_in_dim3A_866, %add3A_1468 : vector<16xi32>
        %convert_element_type3A_1470 = arith.extui %le3A_1469 : vector<16xi1> to vector<16xi32>
        %add3A_1471 = arith.addi %broadcast_in_dim3A_853, %convert_element_type3A_1470 : vector<16xi32>
        %le3A_1472 = arith.cmpi sle, %broadcast_in_dim3A_869, %add3A_1468 : vector<16xi32>
        %convert_element_type3A_1473 = arith.extui %le3A_1472 : vector<16xi1> to vector<16xi32>
        %add3A_1474 = arith.addi %add3A_1471, %convert_element_type3A_1473 : vector<16xi32>
        %le3A_1475 = arith.cmpi sle, %broadcast_in_dim3A_872, %add3A_1468 : vector<16xi32>
        %convert_element_type3A_1476 = arith.extui %le3A_1475 : vector<16xi1> to vector<16xi32>
        %add3A_1477 = arith.addi %add3A_1474, %convert_element_type3A_1476 : vector<16xi32>
        %le3A_1478 = arith.cmpi sle, %broadcast_in_dim3A_875, %add3A_1468 : vector<16xi32>
        %convert_element_type3A_1479 = arith.extui %le3A_1478 : vector<16xi1> to vector<16xi32>
        %add3A_1480 = arith.addi %add3A_1477, %convert_element_type3A_1479 : vector<16xi32>
        %add3A_1481 = arith.constant 448 : i32
        %add3A_1482 = arith.addi %mul3A_852, %add3A_1481 : i32
        %swap3A_1483 = arith.index_cast %add3A_1482 : i32 to index
        %swap3A_1484 = tpu.vector_load %arg6[%swap3A_1483] {strides = array<i32>} : memref<32768xi32, #tpu.memory_space<vmem>>, vector<16xi32>,
        tpu.vector_store %arg6[%swap3A_1483], %add3A_1480 {strides = array<i32>} : memref<32768xi32, #tpu.memory_space<vmem>>, vector<16xi32>,
        %add3A_1485 = arith.addi %mul3A_2, %mul3A_852 : i32
        %add3A_1486 = arith.constant 464 : i32
        %add3A_1487 = arith.addi %add3A_1485, %add3A_1486 : i32
        %add3A_1488 = vector.broadcast %add3A_1487 : i32 to vector<16xi32>
        %add3A_1489 = arith.addi %add3A_1488, %iota3A : vector<16xi32>
        %le3A_1490 = arith.cmpi sle, %broadcast_in_dim3A_866, %add3A_1489 : vector<16xi32>
        %convert_element_type3A_1491 = arith.extui %le3A_1490 : vector<16xi1> to vector<16xi32>
        %add3A_1492 = arith.addi %broadcast_in_dim3A_853, %convert_element_type3A_1491 : vector<16xi32>
        %le3A_1493 = arith.cmpi sle, %broadcast_in_dim3A_869, %add3A_1489 : vector<16xi32>
        %convert_element_type3A_1494 = arith.extui %le3A_1493 : vector<16xi1> to vector<16xi32>
        %add3A_1495 = arith.addi %add3A_1492, %convert_element_type3A_1494 : vector<16xi32>
        %le3A_1496 = arith.cmpi sle, %broadcast_in_dim3A_872, %add3A_1489 : vector<16xi32>
        %convert_element_type3A_1497 = arith.extui %le3A_1496 : vector<16xi1> to vector<16xi32>
        %add3A_1498 = arith.addi %add3A_1495, %convert_element_type3A_1497 : vector<16xi32>
        %le3A_1499 = arith.cmpi sle, %broadcast_in_dim3A_875, %add3A_1489 : vector<16xi32>
        %convert_element_type3A_1500 = arith.extui %le3A_1499 : vector<16xi1> to vector<16xi32>
        %add3A_1501 = arith.addi %add3A_1498, %convert_element_type3A_1500 : vector<16xi32>
        %add3A_1502 = arith.constant 464 : i32
        %add3A_1503 = arith.addi %mul3A_852, %add3A_1502 : i32
        %swap3A_1504 = arith.index_cast %add3A_1503 : i32 to index
        %swap3A_1505 = tpu.vector_load %arg6[%swap3A_1504] {strides = array<i32>} : memref<32768xi32, #tpu.memory_space<vmem>>, vector<16xi32>,
        tpu.vector_store %arg6[%swap3A_1504], %add3A_1501 {strides = array<i32>} : memref<32768xi32, #tpu.memory_space<vmem>>, vector<16xi32>,
        %add3A_1506 = arith.addi %mul3A_2, %mul3A_852 : i32
        %add3A_1507 = arith.constant 480 : i32
        %add3A_1508 = arith.addi %add3A_1506, %add3A_1507 : i32
        %add3A_1509 = vector.broadcast %add3A_1508 : i32 to vector<16xi32>
        %add3A_1510 = arith.addi %add3A_1509, %iota3A : vector<16xi32>
        %le3A_1511 = arith.cmpi sle, %broadcast_in_dim3A_866, %add3A_1510 : vector<16xi32>
        %convert_element_type3A_1512 = arith.extui %le3A_1511 : vector<16xi1> to vector<16xi32>
        %add3A_1513 = arith.addi %broadcast_in_dim3A_853, %convert_element_type3A_1512 : vector<16xi32>
        %le3A_1514 = arith.cmpi sle, %broadcast_in_dim3A_869, %add3A_1510 : vector<16xi32>
        %convert_element_type3A_1515 = arith.extui %le3A_1514 : vector<16xi1> to vector<16xi32>
        %add3A_1516 = arith.addi %add3A_1513, %convert_element_type3A_1515 : vector<16xi32>
        %le3A_1517 = arith.cmpi sle, %broadcast_in_dim3A_872, %add3A_1510 : vector<16xi32>
        %convert_element_type3A_1518 = arith.extui %le3A_1517 : vector<16xi1> to vector<16xi32>
        %add3A_1519 = arith.addi %add3A_1516, %convert_element_type3A_1518 : vector<16xi32>
        %le3A_1520 = arith.cmpi sle, %broadcast_in_dim3A_875, %add3A_1510 : vector<16xi32>
        %convert_element_type3A_1521 = arith.extui %le3A_1520 : vector<16xi1> to vector<16xi32>
        %add3A_1522 = arith.addi %add3A_1519, %convert_element_type3A_1521 : vector<16xi32>
        %add3A_1523 = arith.constant 480 : i32
        %add3A_1524 = arith.addi %mul3A_852, %add3A_1523 : i32
        %swap3A_1525 = arith.index_cast %add3A_1524 : i32 to index
        %swap3A_1526 = tpu.vector_load %arg6[%swap3A_1525] {strides = array<i32>} : memref<32768xi32, #tpu.memory_space<vmem>>, vector<16xi32>,
        tpu.vector_store %arg6[%swap3A_1525], %add3A_1522 {strides = array<i32>} : memref<32768xi32, #tpu.memory_space<vmem>>, vector<16xi32>,
        %add3A_1527 = arith.addi %mul3A_2, %mul3A_852 : i32
        %add3A_1528 = arith.constant 496 : i32
        %add3A_1529 = arith.addi %add3A_1527, %add3A_1528 : i32
        %add3A_1530 = vector.broadcast %add3A_1529 : i32 to vector<16xi32>
        %add3A_1531 = arith.addi %add3A_1530, %iota3A : vector<16xi32>
        %le3A_1532 = arith.cmpi sle, %broadcast_in_dim3A_866, %add3A_1531 : vector<16xi32>
        %convert_element_type3A_1533 = arith.extui %le3A_1532 : vector<16xi1> to vector<16xi32>
        %add3A_1534 = arith.addi %broadcast_in_dim3A_853, %convert_element_type3A_1533 : vector<16xi32>
        %le3A_1535 = arith.cmpi sle, %broadcast_in_dim3A_869, %add3A_1531 : vector<16xi32>
        %convert_element_type3A_1536 = arith.extui %le3A_1535 : vector<16xi1> to vector<16xi32>
        %add3A_1537 = arith.addi %add3A_1534, %convert_element_type3A_1536 : vector<16xi32>
        %le3A_1538 = arith.cmpi sle, %broadcast_in_dim3A_872, %add3A_1531 : vector<16xi32>
        %convert_element_type3A_1539 = arith.extui %le3A_1538 : vector<16xi1> to vector<16xi32>
        %add3A_1540 = arith.addi %add3A_1537, %convert_element_type3A_1539 : vector<16xi32>
        %le3A_1541 = arith.cmpi sle, %broadcast_in_dim3A_875, %add3A_1531 : vector<16xi32>
        %convert_element_type3A_1542 = arith.extui %le3A_1541 : vector<16xi1> to vector<16xi32>
        %add3A_1543 = arith.addi %add3A_1540, %convert_element_type3A_1542 : vector<16xi32>
        %add3A_1544 = arith.constant 496 : i32
        %add3A_1545 = arith.addi %mul3A_852, %add3A_1544 : i32
        %swap3A_1546 = arith.index_cast %add3A_1545 : i32 to index
        %swap3A_1547 = tpu.vector_load %arg6[%swap3A_1546] {strides = array<i32>} : memref<32768xi32, #tpu.memory_space<vmem>>, vector<16xi32>,
        tpu.vector_store %arg6[%swap3A_1546], %add3A_1543 {strides = array<i32>} : memref<32768xi32, #tpu.memory_space<vmem>>, vector<16xi32>,
      } else {
      }
      %sub3A_857 = arith.subi %squeeze3A_850, %squeeze3A : i32
      %gt3A = arith.constant 4 : i32
      %gt3A_858 = arith.cmpi sgt, %sub3A_857, %gt3A : i32
      %convert_element_type3A_859 = arith.extui %gt3A_858 : i1 to i32
      %cond3A_860 = arith.constant 0 : i32
      %cond3A_861 = arith.cmpi ne, %convert_element_type3A_859, %cond3A_860 : i32
      scf.if %cond3A_861 {
        %broadcast_in_dim3A_862 = vector.broadcast %squeeze3A_850 : i32 to vector<16xi32>
        %scan3A_863 = arith.constant 0 : i32
        %scan3A_864 = arith.constant 0 : i32
        %scan3A_865 = arith.constant 32 : i32
        %scan3A_866 = arith.addi %scan3A_864, %scan3A_865 : i32
        %scan3A_867 = arith.constant 1 : i32
        scf.for %scan3A_869 = %scan3A_864 to %scan3A_866 step %scan3A_867  : i32 {
          %add3A_870 = arith.addi %mul3A_2, %mul3A_852 : i32
          %mul3A_871 = arith.constant 16 : i32
          %mul3A_872 = arith.muli %scan3A_869, %mul3A_871 : i32
          %add3A_873 = arith.addi %add3A_870, %mul3A_872 : i32
          %add3A_874 = vector.broadcast %add3A_873 : i32 to vector<16xi32>
          %add3A_875 = arith.addi %add3A_874, %iota3A : vector<16xi32>
          %add3A_876 = arith.addi %broadcast_in_dim3A_853, %broadcast_in_dim3A_862 : vector<16xi32>
          %shift_right_arithmetic3A_877 = arith.constant 1 : i32
          %shift_right_arithmetic3A_878 = vector.broadcast %shift_right_arithmetic3A_877 : i32 to vector<16xi32>
          %shift_right_arithmetic3A_879 = arith.shrsi %add3A_876, %shift_right_arithmetic3A_878 : vector<16xi32>
          %gather3A_880 = tpu.vector_load_idx %arg4[%shift_right_arithmetic3A_879] : memref<4112xi32, #tpu.memory_space<vmem>>[vector<16xi32>], vector<16xi32>,
          %le3A_881 = arith.cmpi sle, %gather3A_880, %add3A_875 : vector<16xi32>
          %add3A_882 = arith.constant 1 : i32
          %add3A_883 = vector.broadcast %add3A_882 : i32 to vector<16xi32>
          %add3A_884 = arith.addi %shift_right_arithmetic3A_879, %add3A_883 : vector<16xi32>
          %select_n3A_885 = arith.select %le3A_881, %add3A_884, %broadcast_in_dim3A_853 : vector<16xi1>, vector<16xi32>
          %select_n3A_886 = arith.select %le3A_881, %broadcast_in_dim3A_862, %shift_right_arithmetic3A_879 : vector<16xi1>, vector<16xi32>
          %add3A_887 = arith.addi %select_n3A_885, %select_n3A_886 : vector<16xi32>
          %shift_right_arithmetic3A_888 = arith.constant 1 : i32
          %shift_right_arithmetic3A_889 = vector.broadcast %shift_right_arithmetic3A_888 : i32 to vector<16xi32>
          %shift_right_arithmetic3A_890 = arith.shrsi %add3A_887, %shift_right_arithmetic3A_889 : vector<16xi32>
          %gather3A_891 = tpu.vector_load_idx %arg4[%shift_right_arithmetic3A_890] : memref<4112xi32, #tpu.memory_space<vmem>>[vector<16xi32>], vector<16xi32>,
          %le3A_892 = arith.cmpi sle, %gather3A_891, %add3A_875 : vector<16xi32>
          %add3A_893 = arith.constant 1 : i32
          %add3A_894 = vector.broadcast %add3A_893 : i32 to vector<16xi32>
          %add3A_895 = arith.addi %shift_right_arithmetic3A_890, %add3A_894 : vector<16xi32>
          %select_n3A_896 = arith.select %le3A_892, %add3A_895, %select_n3A_885 : vector<16xi1>, vector<16xi32>
          %select_n3A_897 = arith.select %le3A_892, %select_n3A_886, %shift_right_arithmetic3A_890 : vector<16xi1>, vector<16xi32>
          %add3A_898 = arith.addi %select_n3A_896, %select_n3A_897 : vector<16xi32>
          %shift_right_arithmetic3A_899 = arith.constant 1 : i32
          %shift_right_arithmetic3A_900 = vector.broadcast %shift_right_arithmetic3A_899 : i32 to vector<16xi32>
          %shift_right_arithmetic3A_901 = arith.shrsi %add3A_898, %shift_right_arithmetic3A_900 : vector<16xi32>
          %gather3A_902 = tpu.vector_load_idx %arg4[%shift_right_arithmetic3A_901] : memref<4112xi32, #tpu.memory_space<vmem>>[vector<16xi32>], vector<16xi32>,
          %le3A_903 = arith.cmpi sle, %gather3A_902, %add3A_875 : vector<16xi32>
          %add3A_904 = arith.constant 1 : i32
          %add3A_905 = vector.broadcast %add3A_904 : i32 to vector<16xi32>
          %add3A_906 = arith.addi %shift_right_arithmetic3A_901, %add3A_905 : vector<16xi32>
          %select_n3A_907 = arith.select %le3A_903, %add3A_906, %select_n3A_896 : vector<16xi1>, vector<16xi32>
          %select_n3A_908 = arith.select %le3A_903, %select_n3A_897, %shift_right_arithmetic3A_901 : vector<16xi1>, vector<16xi32>
          %add3A_909 = arith.addi %select_n3A_907, %select_n3A_908 : vector<16xi32>
          %shift_right_arithmetic3A_910 = arith.constant 1 : i32
          %shift_right_arithmetic3A_911 = vector.broadcast %shift_right_arithmetic3A_910 : i32 to vector<16xi32>
          %shift_right_arithmetic3A_912 = arith.shrsi %add3A_909, %shift_right_arithmetic3A_911 : vector<16xi32>
          %gather3A_913 = tpu.vector_load_idx %arg4[%shift_right_arithmetic3A_912] : memref<4112xi32, #tpu.memory_space<vmem>>[vector<16xi32>], vector<16xi32>,
          %le3A_914 = arith.cmpi sle, %gather3A_913, %add3A_875 : vector<16xi32>
          %add3A_915 = arith.constant 1 : i32
          %add3A_916 = vector.broadcast %add3A_915 : i32 to vector<16xi32>
          %add3A_917 = arith.addi %shift_right_arithmetic3A_912, %add3A_916 : vector<16xi32>
          %select_n3A_918 = arith.select %le3A_914, %add3A_917, %select_n3A_907 : vector<16xi1>, vector<16xi32>
          %select_n3A_919 = arith.select %le3A_914, %select_n3A_908, %shift_right_arithmetic3A_912 : vector<16xi1>, vector<16xi32>
          %add3A_920 = arith.addi %select_n3A_918, %select_n3A_919 : vector<16xi32>
          %shift_right_arithmetic3A_921 = arith.constant 1 : i32
          %shift_right_arithmetic3A_922 = vector.broadcast %shift_right_arithmetic3A_921 : i32 to vector<16xi32>
          %shift_right_arithmetic3A_923 = arith.shrsi %add3A_920, %shift_right_arithmetic3A_922 : vector<16xi32>
          %gather3A_924 = tpu.vector_load_idx %arg4[%shift_right_arithmetic3A_923] : memref<4112xi32, #tpu.memory_space<vmem>>[vector<16xi32>], vector<16xi32>,
          %le3A_925 = arith.cmpi sle, %gather3A_924, %add3A_875 : vector<16xi32>
          %add3A_926 = arith.constant 1 : i32
          %add3A_927 = vector.broadcast %add3A_926 : i32 to vector<16xi32>
          %add3A_928 = arith.addi %shift_right_arithmetic3A_923, %add3A_927 : vector<16xi32>
          %select_n3A_929 = arith.select %le3A_925, %add3A_928, %select_n3A_918 : vector<16xi1>, vector<16xi32>
          %select_n3A_930 = arith.select %le3A_925, %select_n3A_919, %shift_right_arithmetic3A_923 : vector<16xi1>, vector<16xi32>
          %add3A_931 = arith.addi %select_n3A_929, %select_n3A_930 : vector<16xi32>
          %shift_right_arithmetic3A_932 = arith.constant 1 : i32
          %shift_right_arithmetic3A_933 = vector.broadcast %shift_right_arithmetic3A_932 : i32 to vector<16xi32>
          %shift_right_arithmetic3A_934 = arith.shrsi %add3A_931, %shift_right_arithmetic3A_933 : vector<16xi32>
          %gather3A_935 = tpu.vector_load_idx %arg4[%shift_right_arithmetic3A_934] : memref<4112xi32, #tpu.memory_space<vmem>>[vector<16xi32>], vector<16xi32>,
          %le3A_936 = arith.cmpi sle, %gather3A_935, %add3A_875 : vector<16xi32>
          %add3A_937 = arith.constant 1 : i32
          %add3A_938 = vector.broadcast %add3A_937 : i32 to vector<16xi32>
          %add3A_939 = arith.addi %shift_right_arithmetic3A_934, %add3A_938 : vector<16xi32>
          %select_n3A_940 = arith.select %le3A_936, %add3A_939, %select_n3A_929 : vector<16xi1>, vector<16xi32>
          %select_n3A_941 = arith.select %le3A_936, %select_n3A_930, %shift_right_arithmetic3A_934 : vector<16xi1>, vector<16xi32>
          %add3A_942 = arith.addi %select_n3A_940, %select_n3A_941 : vector<16xi32>
          %shift_right_arithmetic3A_943 = arith.constant 1 : i32
          %shift_right_arithmetic3A_944 = vector.broadcast %shift_right_arithmetic3A_943 : i32 to vector<16xi32>
          %shift_right_arithmetic3A_945 = arith.shrsi %add3A_942, %shift_right_arithmetic3A_944 : vector<16xi32>
          %gather3A_946 = tpu.vector_load_idx %arg4[%shift_right_arithmetic3A_945] : memref<4112xi32, #tpu.memory_space<vmem>>[vector<16xi32>], vector<16xi32>,
          %le3A_947 = arith.cmpi sle, %gather3A_946, %add3A_875 : vector<16xi32>
          %add3A_948 = arith.constant 1 : i32
          %add3A_949 = vector.broadcast %add3A_948 : i32 to vector<16xi32>
          %add3A_950 = arith.addi %shift_right_arithmetic3A_945, %add3A_949 : vector<16xi32>
          %select_n3A_951 = arith.select %le3A_947, %add3A_950, %select_n3A_940 : vector<16xi1>, vector<16xi32>
          %select_n3A_952 = arith.select %le3A_947, %select_n3A_941, %shift_right_arithmetic3A_945 : vector<16xi1>, vector<16xi32>
          %add3A_953 = arith.addi %select_n3A_951, %select_n3A_952 : vector<16xi32>
          %shift_right_arithmetic3A_954 = arith.constant 1 : i32
          %shift_right_arithmetic3A_955 = vector.broadcast %shift_right_arithmetic3A_954 : i32 to vector<16xi32>
          %shift_right_arithmetic3A_956 = arith.shrsi %add3A_953, %shift_right_arithmetic3A_955 : vector<16xi32>
          %gather3A_957 = tpu.vector_load_idx %arg4[%shift_right_arithmetic3A_956] : memref<4112xi32, #tpu.memory_space<vmem>>[vector<16xi32>], vector<16xi32>,
          %le3A_958 = arith.cmpi sle, %gather3A_957, %add3A_875 : vector<16xi32>
          %add3A_959 = arith.constant 1 : i32
          %add3A_960 = vector.broadcast %add3A_959 : i32 to vector<16xi32>
          %add3A_961 = arith.addi %shift_right_arithmetic3A_956, %add3A_960 : vector<16xi32>
          %select_n3A_962 = arith.select %le3A_958, %add3A_961, %select_n3A_951 : vector<16xi1>, vector<16xi32>
          %select_n3A_963 = arith.select %le3A_958, %select_n3A_952, %shift_right_arithmetic3A_956 : vector<16xi1>, vector<16xi32>
          %add3A_964 = arith.addi %select_n3A_962, %select_n3A_963 : vector<16xi32>
          %shift_right_arithmetic3A_965 = arith.constant 1 : i32
          %shift_right_arithmetic3A_966 = vector.broadcast %shift_right_arithmetic3A_965 : i32 to vector<16xi32>
          %shift_right_arithmetic3A_967 = arith.shrsi %add3A_964, %shift_right_arithmetic3A_966 : vector<16xi32>
          %gather3A_968 = tpu.vector_load_idx %arg4[%shift_right_arithmetic3A_967] : memref<4112xi32, #tpu.memory_space<vmem>>[vector<16xi32>], vector<16xi32>,
          %le3A_969 = arith.cmpi sle, %gather3A_968, %add3A_875 : vector<16xi32>
          %add3A_970 = arith.constant 1 : i32
          %add3A_971 = vector.broadcast %add3A_970 : i32 to vector<16xi32>
          %add3A_972 = arith.addi %shift_right_arithmetic3A_967, %add3A_971 : vector<16xi32>
          %select_n3A_973 = arith.select %le3A_969, %add3A_972, %select_n3A_962 : vector<16xi1>, vector<16xi32>
          %select_n3A_974 = arith.select %le3A_969, %select_n3A_963, %shift_right_arithmetic3A_967 : vector<16xi1>, vector<16xi32>
          %add3A_975 = arith.addi %select_n3A_973, %select_n3A_974 : vector<16xi32>
          %shift_right_arithmetic3A_976 = arith.constant 1 : i32
          %shift_right_arithmetic3A_977 = vector.broadcast %shift_right_arithmetic3A_976 : i32 to vector<16xi32>
          %shift_right_arithmetic3A_978 = arith.shrsi %add3A_975, %shift_right_arithmetic3A_977 : vector<16xi32>
          %gather3A_979 = tpu.vector_load_idx %arg4[%shift_right_arithmetic3A_978] : memref<4112xi32, #tpu.memory_space<vmem>>[vector<16xi32>], vector<16xi32>,
          %le3A_980 = arith.cmpi sle, %gather3A_979, %add3A_875 : vector<16xi32>
          %add3A_981 = arith.constant 1 : i32
          %add3A_982 = vector.broadcast %add3A_981 : i32 to vector<16xi32>
          %add3A_983 = arith.addi %shift_right_arithmetic3A_978, %add3A_982 : vector<16xi32>
          %select_n3A_984 = arith.select %le3A_980, %add3A_983, %select_n3A_973 : vector<16xi1>, vector<16xi32>
          %select_n3A_985 = arith.select %le3A_980, %select_n3A_974, %shift_right_arithmetic3A_978 : vector<16xi1>, vector<16xi32>
          %add3A_986 = arith.addi %select_n3A_984, %select_n3A_985 : vector<16xi32>
          %shift_right_arithmetic3A_987 = arith.constant 1 : i32
          %shift_right_arithmetic3A_988 = vector.broadcast %shift_right_arithmetic3A_987 : i32 to vector<16xi32>
          %shift_right_arithmetic3A_989 = arith.shrsi %add3A_986, %shift_right_arithmetic3A_988 : vector<16xi32>
          %gather3A_990 = tpu.vector_load_idx %arg4[%shift_right_arithmetic3A_989] : memref<4112xi32, #tpu.memory_space<vmem>>[vector<16xi32>], vector<16xi32>,
          %le3A_991 = arith.cmpi sle, %gather3A_990, %add3A_875 : vector<16xi32>
          %add3A_992 = arith.constant 1 : i32
          %add3A_993 = vector.broadcast %add3A_992 : i32 to vector<16xi32>
          %add3A_994 = arith.addi %shift_right_arithmetic3A_989, %add3A_993 : vector<16xi32>
          %select_n3A_995 = arith.select %le3A_991, %add3A_994, %select_n3A_984 : vector<16xi1>, vector<16xi32>
          %select_n3A_996 = arith.select %le3A_991, %select_n3A_985, %shift_right_arithmetic3A_989 : vector<16xi1>, vector<16xi32>
          %add3A_997 = arith.addi %select_n3A_995, %select_n3A_996 : vector<16xi32>
          %shift_right_arithmetic3A_998 = arith.constant 1 : i32
          %shift_right_arithmetic3A_999 = vector.broadcast %shift_right_arithmetic3A_998 : i32 to vector<16xi32>
          %shift_right_arithmetic3A_1000 = arith.shrsi %add3A_997, %shift_right_arithmetic3A_999 : vector<16xi32>
          %gather3A_1001 = tpu.vector_load_idx %arg4[%shift_right_arithmetic3A_1000] : memref<4112xi32, #tpu.memory_space<vmem>>[vector<16xi32>], vector<16xi32>,
          %le3A_1002 = arith.cmpi sle, %gather3A_1001, %add3A_875 : vector<16xi32>
          %add3A_1003 = arith.constant 1 : i32
          %add3A_1004 = vector.broadcast %add3A_1003 : i32 to vector<16xi32>
          %add3A_1005 = arith.addi %shift_right_arithmetic3A_1000, %add3A_1004 : vector<16xi32>
          %select_n3A_1006 = arith.select %le3A_1002, %add3A_1005, %select_n3A_995 : vector<16xi1>, vector<16xi32>
          %select_n3A_1007 = arith.select %le3A_1002, %select_n3A_996, %shift_right_arithmetic3A_1000 : vector<16xi1>, vector<16xi32>
          %add3A_1008 = arith.addi %select_n3A_1006, %select_n3A_1007 : vector<16xi32>
          %shift_right_arithmetic3A_1009 = arith.constant 1 : i32
          %shift_right_arithmetic3A_1010 = vector.broadcast %shift_right_arithmetic3A_1009 : i32 to vector<16xi32>
          %shift_right_arithmetic3A_1011 = arith.shrsi %add3A_1008, %shift_right_arithmetic3A_1010 : vector<16xi32>
          %gather3A_1012 = tpu.vector_load_idx %arg4[%shift_right_arithmetic3A_1011] : memref<4112xi32, #tpu.memory_space<vmem>>[vector<16xi32>], vector<16xi32>,
          %le3A_1013 = arith.cmpi sle, %gather3A_1012, %add3A_875 : vector<16xi32>
          %add3A_1014 = arith.constant 1 : i32
          %add3A_1015 = vector.broadcast %add3A_1014 : i32 to vector<16xi32>
          %add3A_1016 = arith.addi %shift_right_arithmetic3A_1011, %add3A_1015 : vector<16xi32>
          %select_n3A_1017 = arith.select %le3A_1013, %add3A_1016, %select_n3A_1006 : vector<16xi1>, vector<16xi32>
          %select_n3A_1018 = arith.select %le3A_1013, %select_n3A_1007, %shift_right_arithmetic3A_1011 : vector<16xi1>, vector<16xi32>
          %mul3A_1019 = arith.constant 16 : i32
          %mul3A_1020 = arith.muli %scan3A_869, %mul3A_1019 : i32
          %add3A_1021 = arith.addi %mul3A_852, %mul3A_1020 : i32
          %swap3A_1022 = arith.index_cast %add3A_1021 : i32 to index
          %swap3A_1023 = tpu.vector_load %arg6[%swap3A_1022] {strides = array<i32>} : memref<32768xi32, #tpu.memory_space<vmem>>, vector<16xi32>,
          tpu.vector_store %arg6[%swap3A_1022], %select_n3A_1017 {strides = array<i32>} : memref<32768xi32, #tpu.memory_space<vmem>>, vector<16xi32>,
        }
        %scan3A_868 = arith.constant 32 : i32
      } else {
      }
    }
    %scan3A_774 = arith.constant 16 : i32
    %add3A_775 = arith.constant 0 : i32
    %add3A_776 = arith.addi %mul3A_2, %add3A_775 : i32
    %dma_start3A = arith.constant 0 : i32
    %dma_start3A_777 = tpu.memref_slice %arg6[%dma_start3A] : memref<32768xi32, #tpu.memory_space<vmem>> -> memref<8192xi32, #tpu.memory_space<vmem>>
    %dma_start3A_778 = tpu.memref_slice %arg3[%add3A_776] : memref<1048576xi32, #tpu.memory_space<hbm>> -> memref<8192xi32, #tpu.memory_space<hbm>>
    %dma_start3A_779 = tpu.memref_slice %arg3[%add3A_776] : memref<1048576xi32, #tpu.memory_space<hbm>> -> memref<8192xi32, #tpu.memory_space<hbm>>
    %dma_start3A_780 = arith.constant 0 : i32
    %dma_start3A_781 = tpu.memref_slice %arg6[%dma_start3A_780] : memref<32768xi32, #tpu.memory_space<vmem>> -> memref<8192xi32, #tpu.memory_space<vmem>>
    tpu.enqueue_dma source(%dma_start3A_781 : memref<8192xi32, #tpu.memory_space<vmem>>) target(%dma_start3A_779 : memref<8192xi32, #tpu.memory_space<hbm>>) target_semaphore(%arg7 : memref<!tpu.dma_semaphore, #tpu.memory_space<semaphore_mem>>)
    %scan3A_782 = arith.constant 0 : i32
    %scan3A_783 = arith.constant 16 : i32
    %scan3A_784 = arith.constant 16 : i32
    %scan3A_785 = arith.addi %scan3A_783, %scan3A_784 : i32
    %scan3A_786 = arith.constant 1 : i32
    scf.for %scan3A_847 = %scan3A_783 to %scan3A_785 step %scan3A_786  : i32 {
      %get3A = arith.index_cast %scan3A_847 : i32 to index
      %get3A_848 = tpu.vector_load %arg5[%get3A] {strides = array<i32>} : memref<80xi32, #tpu.memory_space<vmem>>, vector<16xi32>,
      %slice3A = vector.extract_strided_slice %get3A_848 {offsets = [0], sizes = [1], strides = [1]} : vector<16xi32> to vector<1xi32>
      %squeeze3A = vector.extract %slice3A[0] : i32 from vector<1xi32>
      %slice3A_849 = vector.extract_strided_slice %get3A_848 {offsets = [1], sizes = [1], strides = [1]} : vector<16xi32> to vector<1xi32>
      %squeeze3A_850 = vector.extract %slice3A_849[0] : i32 from vector<1xi32>
      %mul3A_851 = arith.constant 512 : i32
      %mul3A_852 = arith.muli %scan3A_847, %mul3A_851 : i32
      %broadcast_in_dim3A_853 = vector.broadcast %squeeze3A : i32 to vector<16xi32>
      %sub3A = arith.subi %squeeze3A_850, %squeeze3A : i32
      %le3A_854 = arith.constant 4 : i32
      %le3A_855 = arith.cmpi sle, %sub3A, %le3A_854 : i32
      %convert_element_type3A = arith.extui %le3A_855 : i1 to i32
      %cond3A = arith.constant 0 : i32
      %cond3A_856 = arith.cmpi ne, %convert_element_type3A, %cond3A : i32
      scf.if %cond3A_856 {
        %get3A_862 = arith.index_cast %squeeze3A : i32 to index
        %get3A_863 = tpu.vector_load %arg4[%get3A_862] {strides = array<i32>} : memref<4112xi32, #tpu.memory_space<vmem>>, vector<16xi32>,
        %slice3A_864 = vector.extract_strided_slice %get3A_863 {offsets = [0], sizes = [1], strides = [1]} : vector<16xi32> to vector<1xi32>
        %squeeze3A_865 = vector.extract %slice3A_864[0] : i32 from vector<1xi32>
        %broadcast_in_dim3A_866 = vector.broadcast %squeeze3A_865 : i32 to vector<16xi32>
        %slice3A_867 = vector.extract_strided_slice %get3A_863 {offsets = [1], sizes = [1], strides = [1]} : vector<16xi32> to vector<1xi32>
        %squeeze3A_868 = vector.extract %slice3A_867[0] : i32 from vector<1xi32>
        %broadcast_in_dim3A_869 = vector.broadcast %squeeze3A_868 : i32 to vector<16xi32>
        %slice3A_870 = vector.extract_strided_slice %get3A_863 {offsets = [2], sizes = [1], strides = [1]} : vector<16xi32> to vector<1xi32>
        %squeeze3A_871 = vector.extract %slice3A_870[0] : i32 from vector<1xi32>
        %broadcast_in_dim3A_872 = vector.broadcast %squeeze3A_871 : i32 to vector<16xi32>
        %slice3A_873 = vector.extract_strided_slice %get3A_863 {offsets = [3], sizes = [1], strides = [1]} : vector<16xi32> to vector<1xi32>
        %squeeze3A_874 = vector.extract %slice3A_873[0] : i32 from vector<1xi32>
        %broadcast_in_dim3A_875 = vector.broadcast %squeeze3A_874 : i32 to vector<16xi32>
        %add3A_876 = arith.addi %mul3A_2, %mul3A_852 : i32
        %add3A_877 = arith.constant 0 : i32
        %add3A_878 = arith.addi %add3A_876, %add3A_877 : i32
        %add3A_879 = vector.broadcast %add3A_878 : i32 to vector<16xi32>
        %add3A_880 = arith.addi %add3A_879, %iota3A : vector<16xi32>
        %le3A_881 = arith.cmpi sle, %broadcast_in_dim3A_866, %add3A_880 : vector<16xi32>
        %convert_element_type3A_882 = arith.extui %le3A_881 : vector<16xi1> to vector<16xi32>
        %add3A_883 = arith.addi %broadcast_in_dim3A_853, %convert_element_type3A_882 : vector<16xi32>
        %le3A_884 = arith.cmpi sle, %broadcast_in_dim3A_869, %add3A_880 : vector<16xi32>
        %convert_element_type3A_885 = arith.extui %le3A_884 : vector<16xi1> to vector<16xi32>
        %add3A_886 = arith.addi %add3A_883, %convert_element_type3A_885 : vector<16xi32>
        %le3A_887 = arith.cmpi sle, %broadcast_in_dim3A_872, %add3A_880 : vector<16xi32>
        %convert_element_type3A_888 = arith.extui %le3A_887 : vector<16xi1> to vector<16xi32>
        %add3A_889 = arith.addi %add3A_886, %convert_element_type3A_888 : vector<16xi32>
        %le3A_890 = arith.cmpi sle, %broadcast_in_dim3A_875, %add3A_880 : vector<16xi32>
        %convert_element_type3A_891 = arith.extui %le3A_890 : vector<16xi1> to vector<16xi32>
        %add3A_892 = arith.addi %add3A_889, %convert_element_type3A_891 : vector<16xi32>
        %add3A_893 = arith.constant 0 : i32
        %add3A_894 = arith.addi %mul3A_852, %add3A_893 : i32
        %swap3A_895 = arith.index_cast %add3A_894 : i32 to index
        %swap3A_896 = tpu.vector_load %arg6[%swap3A_895] {strides = array<i32>} : memref<32768xi32, #tpu.memory_space<vmem>>, vector<16xi32>,
        tpu.vector_store %arg6[%swap3A_895], %add3A_892 {strides = array<i32>} : memref<32768xi32, #tpu.memory_space<vmem>>, vector<16xi32>,
        %add3A_897 = arith.addi %mul3A_2, %mul3A_852 : i32
        %add3A_898 = arith.constant 16 : i32
        %add3A_899 = arith.addi %add3A_897, %add3A_898 : i32
        %add3A_900 = vector.broadcast %add3A_899 : i32 to vector<16xi32>
        %add3A_901 = arith.addi %add3A_900, %iota3A : vector<16xi32>
        %le3A_902 = arith.cmpi sle, %broadcast_in_dim3A_866, %add3A_901 : vector<16xi32>
        %convert_element_type3A_903 = arith.extui %le3A_902 : vector<16xi1> to vector<16xi32>
        %add3A_904 = arith.addi %broadcast_in_dim3A_853, %convert_element_type3A_903 : vector<16xi32>
        %le3A_905 = arith.cmpi sle, %broadcast_in_dim3A_869, %add3A_901 : vector<16xi32>
        %convert_element_type3A_906 = arith.extui %le3A_905 : vector<16xi1> to vector<16xi32>
        %add3A_907 = arith.addi %add3A_904, %convert_element_type3A_906 : vector<16xi32>
        %le3A_908 = arith.cmpi sle, %broadcast_in_dim3A_872, %add3A_901 : vector<16xi32>
        %convert_element_type3A_909 = arith.extui %le3A_908 : vector<16xi1> to vector<16xi32>
        %add3A_910 = arith.addi %add3A_907, %convert_element_type3A_909 : vector<16xi32>
        %le3A_911 = arith.cmpi sle, %broadcast_in_dim3A_875, %add3A_901 : vector<16xi32>
        %convert_element_type3A_912 = arith.extui %le3A_911 : vector<16xi1> to vector<16xi32>
        %add3A_913 = arith.addi %add3A_910, %convert_element_type3A_912 : vector<16xi32>
        %add3A_914 = arith.constant 16 : i32
        %add3A_915 = arith.addi %mul3A_852, %add3A_914 : i32
        %swap3A_916 = arith.index_cast %add3A_915 : i32 to index
        %swap3A_917 = tpu.vector_load %arg6[%swap3A_916] {strides = array<i32>} : memref<32768xi32, #tpu.memory_space<vmem>>, vector<16xi32>,
        tpu.vector_store %arg6[%swap3A_916], %add3A_913 {strides = array<i32>} : memref<32768xi32, #tpu.memory_space<vmem>>, vector<16xi32>,
        %add3A_918 = arith.addi %mul3A_2, %mul3A_852 : i32
        %add3A_919 = arith.constant 32 : i32
        %add3A_920 = arith.addi %add3A_918, %add3A_919 : i32
        %add3A_921 = vector.broadcast %add3A_920 : i32 to vector<16xi32>
        %add3A_922 = arith.addi %add3A_921, %iota3A : vector<16xi32>
        %le3A_923 = arith.cmpi sle, %broadcast_in_dim3A_866, %add3A_922 : vector<16xi32>
        %convert_element_type3A_924 = arith.extui %le3A_923 : vector<16xi1> to vector<16xi32>
        %add3A_925 = arith.addi %broadcast_in_dim3A_853, %convert_element_type3A_924 : vector<16xi32>
        %le3A_926 = arith.cmpi sle, %broadcast_in_dim3A_869, %add3A_922 : vector<16xi32>
        %convert_element_type3A_927 = arith.extui %le3A_926 : vector<16xi1> to vector<16xi32>
        %add3A_928 = arith.addi %add3A_925, %convert_element_type3A_927 : vector<16xi32>
        %le3A_929 = arith.cmpi sle, %broadcast_in_dim3A_872, %add3A_922 : vector<16xi32>
        %convert_element_type3A_930 = arith.extui %le3A_929 : vector<16xi1> to vector<16xi32>
        %add3A_931 = arith.addi %add3A_928, %convert_element_type3A_930 : vector<16xi32>
        %le3A_932 = arith.cmpi sle, %broadcast_in_dim3A_875, %add3A_922 : vector<16xi32>
        %convert_element_type3A_933 = arith.extui %le3A_932 : vector<16xi1> to vector<16xi32>
        %add3A_934 = arith.addi %add3A_931, %convert_element_type3A_933 : vector<16xi32>
        %add3A_935 = arith.constant 32 : i32
        %add3A_936 = arith.addi %mul3A_852, %add3A_935 : i32
        %swap3A_937 = arith.index_cast %add3A_936 : i32 to index
        %swap3A_938 = tpu.vector_load %arg6[%swap3A_937] {strides = array<i32>} : memref<32768xi32, #tpu.memory_space<vmem>>, vector<16xi32>,
        tpu.vector_store %arg6[%swap3A_937], %add3A_934 {strides = array<i32>} : memref<32768xi32, #tpu.memory_space<vmem>>, vector<16xi32>,
        %add3A_939 = arith.addi %mul3A_2, %mul3A_852 : i32
        %add3A_940 = arith.constant 48 : i32
        %add3A_941 = arith.addi %add3A_939, %add3A_940 : i32
        %add3A_942 = vector.broadcast %add3A_941 : i32 to vector<16xi32>
        %add3A_943 = arith.addi %add3A_942, %iota3A : vector<16xi32>
        %le3A_944 = arith.cmpi sle, %broadcast_in_dim3A_866, %add3A_943 : vector<16xi32>
        %convert_element_type3A_945 = arith.extui %le3A_944 : vector<16xi1> to vector<16xi32>
        %add3A_946 = arith.addi %broadcast_in_dim3A_853, %convert_element_type3A_945 : vector<16xi32>
        %le3A_947 = arith.cmpi sle, %broadcast_in_dim3A_869, %add3A_943 : vector<16xi32>
        %convert_element_type3A_948 = arith.extui %le3A_947 : vector<16xi1> to vector<16xi32>
        %add3A_949 = arith.addi %add3A_946, %convert_element_type3A_948 : vector<16xi32>
        %le3A_950 = arith.cmpi sle, %broadcast_in_dim3A_872, %add3A_943 : vector<16xi32>
        %convert_element_type3A_951 = arith.extui %le3A_950 : vector<16xi1> to vector<16xi32>
        %add3A_952 = arith.addi %add3A_949, %convert_element_type3A_951 : vector<16xi32>
        %le3A_953 = arith.cmpi sle, %broadcast_in_dim3A_875, %add3A_943 : vector<16xi32>
        %convert_element_type3A_954 = arith.extui %le3A_953 : vector<16xi1> to vector<16xi32>
        %add3A_955 = arith.addi %add3A_952, %convert_element_type3A_954 : vector<16xi32>
        %add3A_956 = arith.constant 48 : i32
        %add3A_957 = arith.addi %mul3A_852, %add3A_956 : i32
        %swap3A_958 = arith.index_cast %add3A_957 : i32 to index
        %swap3A_959 = tpu.vector_load %arg6[%swap3A_958] {strides = array<i32>} : memref<32768xi32, #tpu.memory_space<vmem>>, vector<16xi32>,
        tpu.vector_store %arg6[%swap3A_958], %add3A_955 {strides = array<i32>} : memref<32768xi32, #tpu.memory_space<vmem>>, vector<16xi32>,
        %add3A_960 = arith.addi %mul3A_2, %mul3A_852 : i32
        %add3A_961 = arith.constant 64 : i32
        %add3A_962 = arith.addi %add3A_960, %add3A_961 : i32
        %add3A_963 = vector.broadcast %add3A_962 : i32 to vector<16xi32>
        %add3A_964 = arith.addi %add3A_963, %iota3A : vector<16xi32>
        %le3A_965 = arith.cmpi sle, %broadcast_in_dim3A_866, %add3A_964 : vector<16xi32>
        %convert_element_type3A_966 = arith.extui %le3A_965 : vector<16xi1> to vector<16xi32>
        %add3A_967 = arith.addi %broadcast_in_dim3A_853, %convert_element_type3A_966 : vector<16xi32>
        %le3A_968 = arith.cmpi sle, %broadcast_in_dim3A_869, %add3A_964 : vector<16xi32>
        %convert_element_type3A_969 = arith.extui %le3A_968 : vector<16xi1> to vector<16xi32>
        %add3A_970 = arith.addi %add3A_967, %convert_element_type3A_969 : vector<16xi32>
        %le3A_971 = arith.cmpi sle, %broadcast_in_dim3A_872, %add3A_964 : vector<16xi32>
        %convert_element_type3A_972 = arith.extui %le3A_971 : vector<16xi1> to vector<16xi32>
        %add3A_973 = arith.addi %add3A_970, %convert_element_type3A_972 : vector<16xi32>
        %le3A_974 = arith.cmpi sle, %broadcast_in_dim3A_875, %add3A_964 : vector<16xi32>
        %convert_element_type3A_975 = arith.extui %le3A_974 : vector<16xi1> to vector<16xi32>
        %add3A_976 = arith.addi %add3A_973, %convert_element_type3A_975 : vector<16xi32>
        %add3A_977 = arith.constant 64 : i32
        %add3A_978 = arith.addi %mul3A_852, %add3A_977 : i32
        %swap3A_979 = arith.index_cast %add3A_978 : i32 to index
        %swap3A_980 = tpu.vector_load %arg6[%swap3A_979] {strides = array<i32>} : memref<32768xi32, #tpu.memory_space<vmem>>, vector<16xi32>,
        tpu.vector_store %arg6[%swap3A_979], %add3A_976 {strides = array<i32>} : memref<32768xi32, #tpu.memory_space<vmem>>, vector<16xi32>,
        %add3A_981 = arith.addi %mul3A_2, %mul3A_852 : i32
        %add3A_982 = arith.constant 80 : i32
        %add3A_983 = arith.addi %add3A_981, %add3A_982 : i32
        %add3A_984 = vector.broadcast %add3A_983 : i32 to vector<16xi32>
        %add3A_985 = arith.addi %add3A_984, %iota3A : vector<16xi32>
        %le3A_986 = arith.cmpi sle, %broadcast_in_dim3A_866, %add3A_985 : vector<16xi32>
        %convert_element_type3A_987 = arith.extui %le3A_986 : vector<16xi1> to vector<16xi32>
        %add3A_988 = arith.addi %broadcast_in_dim3A_853, %convert_element_type3A_987 : vector<16xi32>
        %le3A_989 = arith.cmpi sle, %broadcast_in_dim3A_869, %add3A_985 : vector<16xi32>
        %convert_element_type3A_990 = arith.extui %le3A_989 : vector<16xi1> to vector<16xi32>
        %add3A_991 = arith.addi %add3A_988, %convert_element_type3A_990 : vector<16xi32>
        %le3A_992 = arith.cmpi sle, %broadcast_in_dim3A_872, %add3A_985 : vector<16xi32>
        %convert_element_type3A_993 = arith.extui %le3A_992 : vector<16xi1> to vector<16xi32>
        %add3A_994 = arith.addi %add3A_991, %convert_element_type3A_993 : vector<16xi32>
        %le3A_995 = arith.cmpi sle, %broadcast_in_dim3A_875, %add3A_985 : vector<16xi32>
        %convert_element_type3A_996 = arith.extui %le3A_995 : vector<16xi1> to vector<16xi32>
        %add3A_997 = arith.addi %add3A_994, %convert_element_type3A_996 : vector<16xi32>
        %add3A_998 = arith.constant 80 : i32
        %add3A_999 = arith.addi %mul3A_852, %add3A_998 : i32
        %swap3A_1000 = arith.index_cast %add3A_999 : i32 to index
        %swap3A_1001 = tpu.vector_load %arg6[%swap3A_1000] {strides = array<i32>} : memref<32768xi32, #tpu.memory_space<vmem>>, vector<16xi32>,
        tpu.vector_store %arg6[%swap3A_1000], %add3A_997 {strides = array<i32>} : memref<32768xi32, #tpu.memory_space<vmem>>, vector<16xi32>,
        %add3A_1002 = arith.addi %mul3A_2, %mul3A_852 : i32
        %add3A_1003 = arith.constant 96 : i32
        %add3A_1004 = arith.addi %add3A_1002, %add3A_1003 : i32
        %add3A_1005 = vector.broadcast %add3A_1004 : i32 to vector<16xi32>
        %add3A_1006 = arith.addi %add3A_1005, %iota3A : vector<16xi32>
        %le3A_1007 = arith.cmpi sle, %broadcast_in_dim3A_866, %add3A_1006 : vector<16xi32>
        %convert_element_type3A_1008 = arith.extui %le3A_1007 : vector<16xi1> to vector<16xi32>
        %add3A_1009 = arith.addi %broadcast_in_dim3A_853, %convert_element_type3A_1008 : vector<16xi32>
        %le3A_1010 = arith.cmpi sle, %broadcast_in_dim3A_869, %add3A_1006 : vector<16xi32>
        %convert_element_type3A_1011 = arith.extui %le3A_1010 : vector<16xi1> to vector<16xi32>
        %add3A_1012 = arith.addi %add3A_1009, %convert_element_type3A_1011 : vector<16xi32>
        %le3A_1013 = arith.cmpi sle, %broadcast_in_dim3A_872, %add3A_1006 : vector<16xi32>
        %convert_element_type3A_1014 = arith.extui %le3A_1013 : vector<16xi1> to vector<16xi32>
        %add3A_1015 = arith.addi %add3A_1012, %convert_element_type3A_1014 : vector<16xi32>
        %le3A_1016 = arith.cmpi sle, %broadcast_in_dim3A_875, %add3A_1006 : vector<16xi32>
        %convert_element_type3A_1017 = arith.extui %le3A_1016 : vector<16xi1> to vector<16xi32>
        %add3A_1018 = arith.addi %add3A_1015, %convert_element_type3A_1017 : vector<16xi32>
        %add3A_1019 = arith.constant 96 : i32
        %add3A_1020 = arith.addi %mul3A_852, %add3A_1019 : i32
        %swap3A_1021 = arith.index_cast %add3A_1020 : i32 to index
        %swap3A_1022 = tpu.vector_load %arg6[%swap3A_1021] {strides = array<i32>} : memref<32768xi32, #tpu.memory_space<vmem>>, vector<16xi32>,
        tpu.vector_store %arg6[%swap3A_1021], %add3A_1018 {strides = array<i32>} : memref<32768xi32, #tpu.memory_space<vmem>>, vector<16xi32>,
        %add3A_1023 = arith.addi %mul3A_2, %mul3A_852 : i32
        %add3A_1024 = arith.constant 112 : i32
        %add3A_1025 = arith.addi %add3A_1023, %add3A_1024 : i32
        %add3A_1026 = vector.broadcast %add3A_1025 : i32 to vector<16xi32>
        %add3A_1027 = arith.addi %add3A_1026, %iota3A : vector<16xi32>
        %le3A_1028 = arith.cmpi sle, %broadcast_in_dim3A_866, %add3A_1027 : vector<16xi32>
        %convert_element_type3A_1029 = arith.extui %le3A_1028 : vector<16xi1> to vector<16xi32>
        %add3A_1030 = arith.addi %broadcast_in_dim3A_853, %convert_element_type3A_1029 : vector<16xi32>
        %le3A_1031 = arith.cmpi sle, %broadcast_in_dim3A_869, %add3A_1027 : vector<16xi32>
        %convert_element_type3A_1032 = arith.extui %le3A_1031 : vector<16xi1> to vector<16xi32>
        %add3A_1033 = arith.addi %add3A_1030, %convert_element_type3A_1032 : vector<16xi32>
        %le3A_1034 = arith.cmpi sle, %broadcast_in_dim3A_872, %add3A_1027 : vector<16xi32>
        %convert_element_type3A_1035 = arith.extui %le3A_1034 : vector<16xi1> to vector<16xi32>
        %add3A_1036 = arith.addi %add3A_1033, %convert_element_type3A_1035 : vector<16xi32>
        %le3A_1037 = arith.cmpi sle, %broadcast_in_dim3A_875, %add3A_1027 : vector<16xi32>
        %convert_element_type3A_1038 = arith.extui %le3A_1037 : vector<16xi1> to vector<16xi32>
        %add3A_1039 = arith.addi %add3A_1036, %convert_element_type3A_1038 : vector<16xi32>
        %add3A_1040 = arith.constant 112 : i32
        %add3A_1041 = arith.addi %mul3A_852, %add3A_1040 : i32
        %swap3A_1042 = arith.index_cast %add3A_1041 : i32 to index
        %swap3A_1043 = tpu.vector_load %arg6[%swap3A_1042] {strides = array<i32>} : memref<32768xi32, #tpu.memory_space<vmem>>, vector<16xi32>,
        tpu.vector_store %arg6[%swap3A_1042], %add3A_1039 {strides = array<i32>} : memref<32768xi32, #tpu.memory_space<vmem>>, vector<16xi32>,
        %add3A_1044 = arith.addi %mul3A_2, %mul3A_852 : i32
        %add3A_1045 = arith.constant 128 : i32
        %add3A_1046 = arith.addi %add3A_1044, %add3A_1045 : i32
        %add3A_1047 = vector.broadcast %add3A_1046 : i32 to vector<16xi32>
        %add3A_1048 = arith.addi %add3A_1047, %iota3A : vector<16xi32>
        %le3A_1049 = arith.cmpi sle, %broadcast_in_dim3A_866, %add3A_1048 : vector<16xi32>
        %convert_element_type3A_1050 = arith.extui %le3A_1049 : vector<16xi1> to vector<16xi32>
        %add3A_1051 = arith.addi %broadcast_in_dim3A_853, %convert_element_type3A_1050 : vector<16xi32>
        %le3A_1052 = arith.cmpi sle, %broadcast_in_dim3A_869, %add3A_1048 : vector<16xi32>
        %convert_element_type3A_1053 = arith.extui %le3A_1052 : vector<16xi1> to vector<16xi32>
        %add3A_1054 = arith.addi %add3A_1051, %convert_element_type3A_1053 : vector<16xi32>
        %le3A_1055 = arith.cmpi sle, %broadcast_in_dim3A_872, %add3A_1048 : vector<16xi32>
        %convert_element_type3A_1056 = arith.extui %le3A_1055 : vector<16xi1> to vector<16xi32>
        %add3A_1057 = arith.addi %add3A_1054, %convert_element_type3A_1056 : vector<16xi32>
        %le3A_1058 = arith.cmpi sle, %broadcast_in_dim3A_875, %add3A_1048 : vector<16xi32>
        %convert_element_type3A_1059 = arith.extui %le3A_1058 : vector<16xi1> to vector<16xi32>
        %add3A_1060 = arith.addi %add3A_1057, %convert_element_type3A_1059 : vector<16xi32>
        %add3A_1061 = arith.constant 128 : i32
        %add3A_1062 = arith.addi %mul3A_852, %add3A_1061 : i32
        %swap3A_1063 = arith.index_cast %add3A_1062 : i32 to index
        %swap3A_1064 = tpu.vector_load %arg6[%swap3A_1063] {strides = array<i32>} : memref<32768xi32, #tpu.memory_space<vmem>>, vector<16xi32>,
        tpu.vector_store %arg6[%swap3A_1063], %add3A_1060 {strides = array<i32>} : memref<32768xi32, #tpu.memory_space<vmem>>, vector<16xi32>,
        %add3A_1065 = arith.addi %mul3A_2, %mul3A_852 : i32
        %add3A_1066 = arith.constant 144 : i32
        %add3A_1067 = arith.addi %add3A_1065, %add3A_1066 : i32
        %add3A_1068 = vector.broadcast %add3A_1067 : i32 to vector<16xi32>
        %add3A_1069 = arith.addi %add3A_1068, %iota3A : vector<16xi32>
        %le3A_1070 = arith.cmpi sle, %broadcast_in_dim3A_866, %add3A_1069 : vector<16xi32>
        %convert_element_type3A_1071 = arith.extui %le3A_1070 : vector<16xi1> to vector<16xi32>
        %add3A_1072 = arith.addi %broadcast_in_dim3A_853, %convert_element_type3A_1071 : vector<16xi32>
        %le3A_1073 = arith.cmpi sle, %broadcast_in_dim3A_869, %add3A_1069 : vector<16xi32>
        %convert_element_type3A_1074 = arith.extui %le3A_1073 : vector<16xi1> to vector<16xi32>
        %add3A_1075 = arith.addi %add3A_1072, %convert_element_type3A_1074 : vector<16xi32>
        %le3A_1076 = arith.cmpi sle, %broadcast_in_dim3A_872, %add3A_1069 : vector<16xi32>
        %convert_element_type3A_1077 = arith.extui %le3A_1076 : vector<16xi1> to vector<16xi32>
        %add3A_1078 = arith.addi %add3A_1075, %convert_element_type3A_1077 : vector<16xi32>
        %le3A_1079 = arith.cmpi sle, %broadcast_in_dim3A_875, %add3A_1069 : vector<16xi32>
        %convert_element_type3A_1080 = arith.extui %le3A_1079 : vector<16xi1> to vector<16xi32>
        %add3A_1081 = arith.addi %add3A_1078, %convert_element_type3A_1080 : vector<16xi32>
        %add3A_1082 = arith.constant 144 : i32
        %add3A_1083 = arith.addi %mul3A_852, %add3A_1082 : i32
        %swap3A_1084 = arith.index_cast %add3A_1083 : i32 to index
        %swap3A_1085 = tpu.vector_load %arg6[%swap3A_1084] {strides = array<i32>} : memref<32768xi32, #tpu.memory_space<vmem>>, vector<16xi32>,
        tpu.vector_store %arg6[%swap3A_1084], %add3A_1081 {strides = array<i32>} : memref<32768xi32, #tpu.memory_space<vmem>>, vector<16xi32>,
        %add3A_1086 = arith.addi %mul3A_2, %mul3A_852 : i32
        %add3A_1087 = arith.constant 160 : i32
        %add3A_1088 = arith.addi %add3A_1086, %add3A_1087 : i32
        %add3A_1089 = vector.broadcast %add3A_1088 : i32 to vector<16xi32>
        %add3A_1090 = arith.addi %add3A_1089, %iota3A : vector<16xi32>
        %le3A_1091 = arith.cmpi sle, %broadcast_in_dim3A_866, %add3A_1090 : vector<16xi32>
        %convert_element_type3A_1092 = arith.extui %le3A_1091 : vector<16xi1> to vector<16xi32>
        %add3A_1093 = arith.addi %broadcast_in_dim3A_853, %convert_element_type3A_1092 : vector<16xi32>
        %le3A_1094 = arith.cmpi sle, %broadcast_in_dim3A_869, %add3A_1090 : vector<16xi32>
        %convert_element_type3A_1095 = arith.extui %le3A_1094 : vector<16xi1> to vector<16xi32>
        %add3A_1096 = arith.addi %add3A_1093, %convert_element_type3A_1095 : vector<16xi32>
        %le3A_1097 = arith.cmpi sle, %broadcast_in_dim3A_872, %add3A_1090 : vector<16xi32>
        %convert_element_type3A_1098 = arith.extui %le3A_1097 : vector<16xi1> to vector<16xi32>
        %add3A_1099 = arith.addi %add3A_1096, %convert_element_type3A_1098 : vector<16xi32>
        %le3A_1100 = arith.cmpi sle, %broadcast_in_dim3A_875, %add3A_1090 : vector<16xi32>
        %convert_element_type3A_1101 = arith.extui %le3A_1100 : vector<16xi1> to vector<16xi32>
        %add3A_1102 = arith.addi %add3A_1099, %convert_element_type3A_1101 : vector<16xi32>
        %add3A_1103 = arith.constant 160 : i32
        %add3A_1104 = arith.addi %mul3A_852, %add3A_1103 : i32
        %swap3A_1105 = arith.index_cast %add3A_1104 : i32 to index
        %swap3A_1106 = tpu.vector_load %arg6[%swap3A_1105] {strides = array<i32>} : memref<32768xi32, #tpu.memory_space<vmem>>, vector<16xi32>,
        tpu.vector_store %arg6[%swap3A_1105], %add3A_1102 {strides = array<i32>} : memref<32768xi32, #tpu.memory_space<vmem>>, vector<16xi32>,
        %add3A_1107 = arith.addi %mul3A_2, %mul3A_852 : i32
        %add3A_1108 = arith.constant 176 : i32
        %add3A_1109 = arith.addi %add3A_1107, %add3A_1108 : i32
        %add3A_1110 = vector.broadcast %add3A_1109 : i32 to vector<16xi32>
        %add3A_1111 = arith.addi %add3A_1110, %iota3A : vector<16xi32>
        %le3A_1112 = arith.cmpi sle, %broadcast_in_dim3A_866, %add3A_1111 : vector<16xi32>
        %convert_element_type3A_1113 = arith.extui %le3A_1112 : vector<16xi1> to vector<16xi32>
        %add3A_1114 = arith.addi %broadcast_in_dim3A_853, %convert_element_type3A_1113 : vector<16xi32>
        %le3A_1115 = arith.cmpi sle, %broadcast_in_dim3A_869, %add3A_1111 : vector<16xi32>
        %convert_element_type3A_1116 = arith.extui %le3A_1115 : vector<16xi1> to vector<16xi32>
        %add3A_1117 = arith.addi %add3A_1114, %convert_element_type3A_1116 : vector<16xi32>
        %le3A_1118 = arith.cmpi sle, %broadcast_in_dim3A_872, %add3A_1111 : vector<16xi32>
        %convert_element_type3A_1119 = arith.extui %le3A_1118 : vector<16xi1> to vector<16xi32>
        %add3A_1120 = arith.addi %add3A_1117, %convert_element_type3A_1119 : vector<16xi32>
        %le3A_1121 = arith.cmpi sle, %broadcast_in_dim3A_875, %add3A_1111 : vector<16xi32>
        %convert_element_type3A_1122 = arith.extui %le3A_1121 : vector<16xi1> to vector<16xi32>
        %add3A_1123 = arith.addi %add3A_1120, %convert_element_type3A_1122 : vector<16xi32>
        %add3A_1124 = arith.constant 176 : i32
        %add3A_1125 = arith.addi %mul3A_852, %add3A_1124 : i32
        %swap3A_1126 = arith.index_cast %add3A_1125 : i32 to index
        %swap3A_1127 = tpu.vector_load %arg6[%swap3A_1126] {strides = array<i32>} : memref<32768xi32, #tpu.memory_space<vmem>>, vector<16xi32>,
        tpu.vector_store %arg6[%swap3A_1126], %add3A_1123 {strides = array<i32>} : memref<32768xi32, #tpu.memory_space<vmem>>, vector<16xi32>,
        %add3A_1128 = arith.addi %mul3A_2, %mul3A_852 : i32
        %add3A_1129 = arith.constant 192 : i32
        %add3A_1130 = arith.addi %add3A_1128, %add3A_1129 : i32
        %add3A_1131 = vector.broadcast %add3A_1130 : i32 to vector<16xi32>
        %add3A_1132 = arith.addi %add3A_1131, %iota3A : vector<16xi32>
        %le3A_1133 = arith.cmpi sle, %broadcast_in_dim3A_866, %add3A_1132 : vector<16xi32>
        %convert_element_type3A_1134 = arith.extui %le3A_1133 : vector<16xi1> to vector<16xi32>
        %add3A_1135 = arith.addi %broadcast_in_dim3A_853, %convert_element_type3A_1134 : vector<16xi32>
        %le3A_1136 = arith.cmpi sle, %broadcast_in_dim3A_869, %add3A_1132 : vector<16xi32>
        %convert_element_type3A_1137 = arith.extui %le3A_1136 : vector<16xi1> to vector<16xi32>
        %add3A_1138 = arith.addi %add3A_1135, %convert_element_type3A_1137 : vector<16xi32>
        %le3A_1139 = arith.cmpi sle, %broadcast_in_dim3A_872, %add3A_1132 : vector<16xi32>
        %convert_element_type3A_1140 = arith.extui %le3A_1139 : vector<16xi1> to vector<16xi32>
        %add3A_1141 = arith.addi %add3A_1138, %convert_element_type3A_1140 : vector<16xi32>
        %le3A_1142 = arith.cmpi sle, %broadcast_in_dim3A_875, %add3A_1132 : vector<16xi32>
        %convert_element_type3A_1143 = arith.extui %le3A_1142 : vector<16xi1> to vector<16xi32>
        %add3A_1144 = arith.addi %add3A_1141, %convert_element_type3A_1143 : vector<16xi32>
        %add3A_1145 = arith.constant 192 : i32
        %add3A_1146 = arith.addi %mul3A_852, %add3A_1145 : i32
        %swap3A_1147 = arith.index_cast %add3A_1146 : i32 to index
        %swap3A_1148 = tpu.vector_load %arg6[%swap3A_1147] {strides = array<i32>} : memref<32768xi32, #tpu.memory_space<vmem>>, vector<16xi32>,
        tpu.vector_store %arg6[%swap3A_1147], %add3A_1144 {strides = array<i32>} : memref<32768xi32, #tpu.memory_space<vmem>>, vector<16xi32>,
        %add3A_1149 = arith.addi %mul3A_2, %mul3A_852 : i32
        %add3A_1150 = arith.constant 208 : i32
        %add3A_1151 = arith.addi %add3A_1149, %add3A_1150 : i32
        %add3A_1152 = vector.broadcast %add3A_1151 : i32 to vector<16xi32>
        %add3A_1153 = arith.addi %add3A_1152, %iota3A : vector<16xi32>
        %le3A_1154 = arith.cmpi sle, %broadcast_in_dim3A_866, %add3A_1153 : vector<16xi32>
        %convert_element_type3A_1155 = arith.extui %le3A_1154 : vector<16xi1> to vector<16xi32>
        %add3A_1156 = arith.addi %broadcast_in_dim3A_853, %convert_element_type3A_1155 : vector<16xi32>
        %le3A_1157 = arith.cmpi sle, %broadcast_in_dim3A_869, %add3A_1153 : vector<16xi32>
        %convert_element_type3A_1158 = arith.extui %le3A_1157 : vector<16xi1> to vector<16xi32>
        %add3A_1159 = arith.addi %add3A_1156, %convert_element_type3A_1158 : vector<16xi32>
        %le3A_1160 = arith.cmpi sle, %broadcast_in_dim3A_872, %add3A_1153 : vector<16xi32>
        %convert_element_type3A_1161 = arith.extui %le3A_1160 : vector<16xi1> to vector<16xi32>
        %add3A_1162 = arith.addi %add3A_1159, %convert_element_type3A_1161 : vector<16xi32>
        %le3A_1163 = arith.cmpi sle, %broadcast_in_dim3A_875, %add3A_1153 : vector<16xi32>
        %convert_element_type3A_1164 = arith.extui %le3A_1163 : vector<16xi1> to vector<16xi32>
        %add3A_1165 = arith.addi %add3A_1162, %convert_element_type3A_1164 : vector<16xi32>
        %add3A_1166 = arith.constant 208 : i32
        %add3A_1167 = arith.addi %mul3A_852, %add3A_1166 : i32
        %swap3A_1168 = arith.index_cast %add3A_1167 : i32 to index
        %swap3A_1169 = tpu.vector_load %arg6[%swap3A_1168] {strides = array<i32>} : memref<32768xi32, #tpu.memory_space<vmem>>, vector<16xi32>,
        tpu.vector_store %arg6[%swap3A_1168], %add3A_1165 {strides = array<i32>} : memref<32768xi32, #tpu.memory_space<vmem>>, vector<16xi32>,
        %add3A_1170 = arith.addi %mul3A_2, %mul3A_852 : i32
        %add3A_1171 = arith.constant 224 : i32
        %add3A_1172 = arith.addi %add3A_1170, %add3A_1171 : i32
        %add3A_1173 = vector.broadcast %add3A_1172 : i32 to vector<16xi32>
        %add3A_1174 = arith.addi %add3A_1173, %iota3A : vector<16xi32>
        %le3A_1175 = arith.cmpi sle, %broadcast_in_dim3A_866, %add3A_1174 : vector<16xi32>
        %convert_element_type3A_1176 = arith.extui %le3A_1175 : vector<16xi1> to vector<16xi32>
        %add3A_1177 = arith.addi %broadcast_in_dim3A_853, %convert_element_type3A_1176 : vector<16xi32>
        %le3A_1178 = arith.cmpi sle, %broadcast_in_dim3A_869, %add3A_1174 : vector<16xi32>
        %convert_element_type3A_1179 = arith.extui %le3A_1178 : vector<16xi1> to vector<16xi32>
        %add3A_1180 = arith.addi %add3A_1177, %convert_element_type3A_1179 : vector<16xi32>
        %le3A_1181 = arith.cmpi sle, %broadcast_in_dim3A_872, %add3A_1174 : vector<16xi32>
        %convert_element_type3A_1182 = arith.extui %le3A_1181 : vector<16xi1> to vector<16xi32>
        %add3A_1183 = arith.addi %add3A_1180, %convert_element_type3A_1182 : vector<16xi32>
        %le3A_1184 = arith.cmpi sle, %broadcast_in_dim3A_875, %add3A_1174 : vector<16xi32>
        %convert_element_type3A_1185 = arith.extui %le3A_1184 : vector<16xi1> to vector<16xi32>
        %add3A_1186 = arith.addi %add3A_1183, %convert_element_type3A_1185 : vector<16xi32>
        %add3A_1187 = arith.constant 224 : i32
        %add3A_1188 = arith.addi %mul3A_852, %add3A_1187 : i32
        %swap3A_1189 = arith.index_cast %add3A_1188 : i32 to index
        %swap3A_1190 = tpu.vector_load %arg6[%swap3A_1189] {strides = array<i32>} : memref<32768xi32, #tpu.memory_space<vmem>>, vector<16xi32>,
        tpu.vector_store %arg6[%swap3A_1189], %add3A_1186 {strides = array<i32>} : memref<32768xi32, #tpu.memory_space<vmem>>, vector<16xi32>,
        %add3A_1191 = arith.addi %mul3A_2, %mul3A_852 : i32
        %add3A_1192 = arith.constant 240 : i32
        %add3A_1193 = arith.addi %add3A_1191, %add3A_1192 : i32
        %add3A_1194 = vector.broadcast %add3A_1193 : i32 to vector<16xi32>
        %add3A_1195 = arith.addi %add3A_1194, %iota3A : vector<16xi32>
        %le3A_1196 = arith.cmpi sle, %broadcast_in_dim3A_866, %add3A_1195 : vector<16xi32>
        %convert_element_type3A_1197 = arith.extui %le3A_1196 : vector<16xi1> to vector<16xi32>
        %add3A_1198 = arith.addi %broadcast_in_dim3A_853, %convert_element_type3A_1197 : vector<16xi32>
        %le3A_1199 = arith.cmpi sle, %broadcast_in_dim3A_869, %add3A_1195 : vector<16xi32>
        %convert_element_type3A_1200 = arith.extui %le3A_1199 : vector<16xi1> to vector<16xi32>
        %add3A_1201 = arith.addi %add3A_1198, %convert_element_type3A_1200 : vector<16xi32>
        %le3A_1202 = arith.cmpi sle, %broadcast_in_dim3A_872, %add3A_1195 : vector<16xi32>
        %convert_element_type3A_1203 = arith.extui %le3A_1202 : vector<16xi1> to vector<16xi32>
        %add3A_1204 = arith.addi %add3A_1201, %convert_element_type3A_1203 : vector<16xi32>
        %le3A_1205 = arith.cmpi sle, %broadcast_in_dim3A_875, %add3A_1195 : vector<16xi32>
        %convert_element_type3A_1206 = arith.extui %le3A_1205 : vector<16xi1> to vector<16xi32>
        %add3A_1207 = arith.addi %add3A_1204, %convert_element_type3A_1206 : vector<16xi32>
        %add3A_1208 = arith.constant 240 : i32
        %add3A_1209 = arith.addi %mul3A_852, %add3A_1208 : i32
        %swap3A_1210 = arith.index_cast %add3A_1209 : i32 to index
        %swap3A_1211 = tpu.vector_load %arg6[%swap3A_1210] {strides = array<i32>} : memref<32768xi32, #tpu.memory_space<vmem>>, vector<16xi32>,
        tpu.vector_store %arg6[%swap3A_1210], %add3A_1207 {strides = array<i32>} : memref<32768xi32, #tpu.memory_space<vmem>>, vector<16xi32>,
        %add3A_1212 = arith.addi %mul3A_2, %mul3A_852 : i32
        %add3A_1213 = arith.constant 256 : i32
        %add3A_1214 = arith.addi %add3A_1212, %add3A_1213 : i32
        %add3A_1215 = vector.broadcast %add3A_1214 : i32 to vector<16xi32>
        %add3A_1216 = arith.addi %add3A_1215, %iota3A : vector<16xi32>
        %le3A_1217 = arith.cmpi sle, %broadcast_in_dim3A_866, %add3A_1216 : vector<16xi32>
        %convert_element_type3A_1218 = arith.extui %le3A_1217 : vector<16xi1> to vector<16xi32>
        %add3A_1219 = arith.addi %broadcast_in_dim3A_853, %convert_element_type3A_1218 : vector<16xi32>
        %le3A_1220 = arith.cmpi sle, %broadcast_in_dim3A_869, %add3A_1216 : vector<16xi32>
        %convert_element_type3A_1221 = arith.extui %le3A_1220 : vector<16xi1> to vector<16xi32>
        %add3A_1222 = arith.addi %add3A_1219, %convert_element_type3A_1221 : vector<16xi32>
        %le3A_1223 = arith.cmpi sle, %broadcast_in_dim3A_872, %add3A_1216 : vector<16xi32>
        %convert_element_type3A_1224 = arith.extui %le3A_1223 : vector<16xi1> to vector<16xi32>
        %add3A_1225 = arith.addi %add3A_1222, %convert_element_type3A_1224 : vector<16xi32>
        %le3A_1226 = arith.cmpi sle, %broadcast_in_dim3A_875, %add3A_1216 : vector<16xi32>
        %convert_element_type3A_1227 = arith.extui %le3A_1226 : vector<16xi1> to vector<16xi32>
        %add3A_1228 = arith.addi %add3A_1225, %convert_element_type3A_1227 : vector<16xi32>
        %add3A_1229 = arith.constant 256 : i32
        %add3A_1230 = arith.addi %mul3A_852, %add3A_1229 : i32
        %swap3A_1231 = arith.index_cast %add3A_1230 : i32 to index
        %swap3A_1232 = tpu.vector_load %arg6[%swap3A_1231] {strides = array<i32>} : memref<32768xi32, #tpu.memory_space<vmem>>, vector<16xi32>,
        tpu.vector_store %arg6[%swap3A_1231], %add3A_1228 {strides = array<i32>} : memref<32768xi32, #tpu.memory_space<vmem>>, vector<16xi32>,
        %add3A_1233 = arith.addi %mul3A_2, %mul3A_852 : i32
        %add3A_1234 = arith.constant 272 : i32
        %add3A_1235 = arith.addi %add3A_1233, %add3A_1234 : i32
        %add3A_1236 = vector.broadcast %add3A_1235 : i32 to vector<16xi32>
        %add3A_1237 = arith.addi %add3A_1236, %iota3A : vector<16xi32>
        %le3A_1238 = arith.cmpi sle, %broadcast_in_dim3A_866, %add3A_1237 : vector<16xi32>
        %convert_element_type3A_1239 = arith.extui %le3A_1238 : vector<16xi1> to vector<16xi32>
        %add3A_1240 = arith.addi %broadcast_in_dim3A_853, %convert_element_type3A_1239 : vector<16xi32>
        %le3A_1241 = arith.cmpi sle, %broadcast_in_dim3A_869, %add3A_1237 : vector<16xi32>
        %convert_element_type3A_1242 = arith.extui %le3A_1241 : vector<16xi1> to vector<16xi32>
        %add3A_1243 = arith.addi %add3A_1240, %convert_element_type3A_1242 : vector<16xi32>
        %le3A_1244 = arith.cmpi sle, %broadcast_in_dim3A_872, %add3A_1237 : vector<16xi32>
        %convert_element_type3A_1245 = arith.extui %le3A_1244 : vector<16xi1> to vector<16xi32>
        %add3A_1246 = arith.addi %add3A_1243, %convert_element_type3A_1245 : vector<16xi32>
        %le3A_1247 = arith.cmpi sle, %broadcast_in_dim3A_875, %add3A_1237 : vector<16xi32>
        %convert_element_type3A_1248 = arith.extui %le3A_1247 : vector<16xi1> to vector<16xi32>
        %add3A_1249 = arith.addi %add3A_1246, %convert_element_type3A_1248 : vector<16xi32>
        %add3A_1250 = arith.constant 272 : i32
        %add3A_1251 = arith.addi %mul3A_852, %add3A_1250 : i32
        %swap3A_1252 = arith.index_cast %add3A_1251 : i32 to index
        %swap3A_1253 = tpu.vector_load %arg6[%swap3A_1252] {strides = array<i32>} : memref<32768xi32, #tpu.memory_space<vmem>>, vector<16xi32>,
        tpu.vector_store %arg6[%swap3A_1252], %add3A_1249 {strides = array<i32>} : memref<32768xi32, #tpu.memory_space<vmem>>, vector<16xi32>,
        %add3A_1254 = arith.addi %mul3A_2, %mul3A_852 : i32
        %add3A_1255 = arith.constant 288 : i32
        %add3A_1256 = arith.addi %add3A_1254, %add3A_1255 : i32
        %add3A_1257 = vector.broadcast %add3A_1256 : i32 to vector<16xi32>
        %add3A_1258 = arith.addi %add3A_1257, %iota3A : vector<16xi32>
        %le3A_1259 = arith.cmpi sle, %broadcast_in_dim3A_866, %add3A_1258 : vector<16xi32>
        %convert_element_type3A_1260 = arith.extui %le3A_1259 : vector<16xi1> to vector<16xi32>
        %add3A_1261 = arith.addi %broadcast_in_dim3A_853, %convert_element_type3A_1260 : vector<16xi32>
        %le3A_1262 = arith.cmpi sle, %broadcast_in_dim3A_869, %add3A_1258 : vector<16xi32>
        %convert_element_type3A_1263 = arith.extui %le3A_1262 : vector<16xi1> to vector<16xi32>
        %add3A_1264 = arith.addi %add3A_1261, %convert_element_type3A_1263 : vector<16xi32>
        %le3A_1265 = arith.cmpi sle, %broadcast_in_dim3A_872, %add3A_1258 : vector<16xi32>
        %convert_element_type3A_1266 = arith.extui %le3A_1265 : vector<16xi1> to vector<16xi32>
        %add3A_1267 = arith.addi %add3A_1264, %convert_element_type3A_1266 : vector<16xi32>
        %le3A_1268 = arith.cmpi sle, %broadcast_in_dim3A_875, %add3A_1258 : vector<16xi32>
        %convert_element_type3A_1269 = arith.extui %le3A_1268 : vector<16xi1> to vector<16xi32>
        %add3A_1270 = arith.addi %add3A_1267, %convert_element_type3A_1269 : vector<16xi32>
        %add3A_1271 = arith.constant 288 : i32
        %add3A_1272 = arith.addi %mul3A_852, %add3A_1271 : i32
        %swap3A_1273 = arith.index_cast %add3A_1272 : i32 to index
        %swap3A_1274 = tpu.vector_load %arg6[%swap3A_1273] {strides = array<i32>} : memref<32768xi32, #tpu.memory_space<vmem>>, vector<16xi32>,
        tpu.vector_store %arg6[%swap3A_1273], %add3A_1270 {strides = array<i32>} : memref<32768xi32, #tpu.memory_space<vmem>>, vector<16xi32>,
        %add3A_1275 = arith.addi %mul3A_2, %mul3A_852 : i32
        %add3A_1276 = arith.constant 304 : i32
        %add3A_1277 = arith.addi %add3A_1275, %add3A_1276 : i32
        %add3A_1278 = vector.broadcast %add3A_1277 : i32 to vector<16xi32>
        %add3A_1279 = arith.addi %add3A_1278, %iota3A : vector<16xi32>
        %le3A_1280 = arith.cmpi sle, %broadcast_in_dim3A_866, %add3A_1279 : vector<16xi32>
        %convert_element_type3A_1281 = arith.extui %le3A_1280 : vector<16xi1> to vector<16xi32>
        %add3A_1282 = arith.addi %broadcast_in_dim3A_853, %convert_element_type3A_1281 : vector<16xi32>
        %le3A_1283 = arith.cmpi sle, %broadcast_in_dim3A_869, %add3A_1279 : vector<16xi32>
        %convert_element_type3A_1284 = arith.extui %le3A_1283 : vector<16xi1> to vector<16xi32>
        %add3A_1285 = arith.addi %add3A_1282, %convert_element_type3A_1284 : vector<16xi32>
        %le3A_1286 = arith.cmpi sle, %broadcast_in_dim3A_872, %add3A_1279 : vector<16xi32>
        %convert_element_type3A_1287 = arith.extui %le3A_1286 : vector<16xi1> to vector<16xi32>
        %add3A_1288 = arith.addi %add3A_1285, %convert_element_type3A_1287 : vector<16xi32>
        %le3A_1289 = arith.cmpi sle, %broadcast_in_dim3A_875, %add3A_1279 : vector<16xi32>
        %convert_element_type3A_1290 = arith.extui %le3A_1289 : vector<16xi1> to vector<16xi32>
        %add3A_1291 = arith.addi %add3A_1288, %convert_element_type3A_1290 : vector<16xi32>
        %add3A_1292 = arith.constant 304 : i32
        %add3A_1293 = arith.addi %mul3A_852, %add3A_1292 : i32
        %swap3A_1294 = arith.index_cast %add3A_1293 : i32 to index
        %swap3A_1295 = tpu.vector_load %arg6[%swap3A_1294] {strides = array<i32>} : memref<32768xi32, #tpu.memory_space<vmem>>, vector<16xi32>,
        tpu.vector_store %arg6[%swap3A_1294], %add3A_1291 {strides = array<i32>} : memref<32768xi32, #tpu.memory_space<vmem>>, vector<16xi32>,
        %add3A_1296 = arith.addi %mul3A_2, %mul3A_852 : i32
        %add3A_1297 = arith.constant 320 : i32
        %add3A_1298 = arith.addi %add3A_1296, %add3A_1297 : i32
        %add3A_1299 = vector.broadcast %add3A_1298 : i32 to vector<16xi32>
        %add3A_1300 = arith.addi %add3A_1299, %iota3A : vector<16xi32>
        %le3A_1301 = arith.cmpi sle, %broadcast_in_dim3A_866, %add3A_1300 : vector<16xi32>
        %convert_element_type3A_1302 = arith.extui %le3A_1301 : vector<16xi1> to vector<16xi32>
        %add3A_1303 = arith.addi %broadcast_in_dim3A_853, %convert_element_type3A_1302 : vector<16xi32>
        %le3A_1304 = arith.cmpi sle, %broadcast_in_dim3A_869, %add3A_1300 : vector<16xi32>
        %convert_element_type3A_1305 = arith.extui %le3A_1304 : vector<16xi1> to vector<16xi32>
        %add3A_1306 = arith.addi %add3A_1303, %convert_element_type3A_1305 : vector<16xi32>
        %le3A_1307 = arith.cmpi sle, %broadcast_in_dim3A_872, %add3A_1300 : vector<16xi32>
        %convert_element_type3A_1308 = arith.extui %le3A_1307 : vector<16xi1> to vector<16xi32>
        %add3A_1309 = arith.addi %add3A_1306, %convert_element_type3A_1308 : vector<16xi32>
        %le3A_1310 = arith.cmpi sle, %broadcast_in_dim3A_875, %add3A_1300 : vector<16xi32>
        %convert_element_type3A_1311 = arith.extui %le3A_1310 : vector<16xi1> to vector<16xi32>
        %add3A_1312 = arith.addi %add3A_1309, %convert_element_type3A_1311 : vector<16xi32>
        %add3A_1313 = arith.constant 320 : i32
        %add3A_1314 = arith.addi %mul3A_852, %add3A_1313 : i32
        %swap3A_1315 = arith.index_cast %add3A_1314 : i32 to index
        %swap3A_1316 = tpu.vector_load %arg6[%swap3A_1315] {strides = array<i32>} : memref<32768xi32, #tpu.memory_space<vmem>>, vector<16xi32>,
        tpu.vector_store %arg6[%swap3A_1315], %add3A_1312 {strides = array<i32>} : memref<32768xi32, #tpu.memory_space<vmem>>, vector<16xi32>,
        %add3A_1317 = arith.addi %mul3A_2, %mul3A_852 : i32
        %add3A_1318 = arith.constant 336 : i32
        %add3A_1319 = arith.addi %add3A_1317, %add3A_1318 : i32
        %add3A_1320 = vector.broadcast %add3A_1319 : i32 to vector<16xi32>
        %add3A_1321 = arith.addi %add3A_1320, %iota3A : vector<16xi32>
        %le3A_1322 = arith.cmpi sle, %broadcast_in_dim3A_866, %add3A_1321 : vector<16xi32>
        %convert_element_type3A_1323 = arith.extui %le3A_1322 : vector<16xi1> to vector<16xi32>
        %add3A_1324 = arith.addi %broadcast_in_dim3A_853, %convert_element_type3A_1323 : vector<16xi32>
        %le3A_1325 = arith.cmpi sle, %broadcast_in_dim3A_869, %add3A_1321 : vector<16xi32>
        %convert_element_type3A_1326 = arith.extui %le3A_1325 : vector<16xi1> to vector<16xi32>
        %add3A_1327 = arith.addi %add3A_1324, %convert_element_type3A_1326 : vector<16xi32>
        %le3A_1328 = arith.cmpi sle, %broadcast_in_dim3A_872, %add3A_1321 : vector<16xi32>
        %convert_element_type3A_1329 = arith.extui %le3A_1328 : vector<16xi1> to vector<16xi32>
        %add3A_1330 = arith.addi %add3A_1327, %convert_element_type3A_1329 : vector<16xi32>
        %le3A_1331 = arith.cmpi sle, %broadcast_in_dim3A_875, %add3A_1321 : vector<16xi32>
        %convert_element_type3A_1332 = arith.extui %le3A_1331 : vector<16xi1> to vector<16xi32>
        %add3A_1333 = arith.addi %add3A_1330, %convert_element_type3A_1332 : vector<16xi32>
        %add3A_1334 = arith.constant 336 : i32
        %add3A_1335 = arith.addi %mul3A_852, %add3A_1334 : i32
        %swap3A_1336 = arith.index_cast %add3A_1335 : i32 to index
        %swap3A_1337 = tpu.vector_load %arg6[%swap3A_1336] {strides = array<i32>} : memref<32768xi32, #tpu.memory_space<vmem>>, vector<16xi32>,
        tpu.vector_store %arg6[%swap3A_1336], %add3A_1333 {strides = array<i32>} : memref<32768xi32, #tpu.memory_space<vmem>>, vector<16xi32>,
        %add3A_1338 = arith.addi %mul3A_2, %mul3A_852 : i32
        %add3A_1339 = arith.constant 352 : i32
        %add3A_1340 = arith.addi %add3A_1338, %add3A_1339 : i32
        %add3A_1341 = vector.broadcast %add3A_1340 : i32 to vector<16xi32>
        %add3A_1342 = arith.addi %add3A_1341, %iota3A : vector<16xi32>
        %le3A_1343 = arith.cmpi sle, %broadcast_in_dim3A_866, %add3A_1342 : vector<16xi32>
        %convert_element_type3A_1344 = arith.extui %le3A_1343 : vector<16xi1> to vector<16xi32>
        %add3A_1345 = arith.addi %broadcast_in_dim3A_853, %convert_element_type3A_1344 : vector<16xi32>
        %le3A_1346 = arith.cmpi sle, %broadcast_in_dim3A_869, %add3A_1342 : vector<16xi32>
        %convert_element_type3A_1347 = arith.extui %le3A_1346 : vector<16xi1> to vector<16xi32>
        %add3A_1348 = arith.addi %add3A_1345, %convert_element_type3A_1347 : vector<16xi32>
        %le3A_1349 = arith.cmpi sle, %broadcast_in_dim3A_872, %add3A_1342 : vector<16xi32>
        %convert_element_type3A_1350 = arith.extui %le3A_1349 : vector<16xi1> to vector<16xi32>
        %add3A_1351 = arith.addi %add3A_1348, %convert_element_type3A_1350 : vector<16xi32>
        %le3A_1352 = arith.cmpi sle, %broadcast_in_dim3A_875, %add3A_1342 : vector<16xi32>
        %convert_element_type3A_1353 = arith.extui %le3A_1352 : vector<16xi1> to vector<16xi32>
        %add3A_1354 = arith.addi %add3A_1351, %convert_element_type3A_1353 : vector<16xi32>
        %add3A_1355 = arith.constant 352 : i32
        %add3A_1356 = arith.addi %mul3A_852, %add3A_1355 : i32
        %swap3A_1357 = arith.index_cast %add3A_1356 : i32 to index
        %swap3A_1358 = tpu.vector_load %arg6[%swap3A_1357] {strides = array<i32>} : memref<32768xi32, #tpu.memory_space<vmem>>, vector<16xi32>,
        tpu.vector_store %arg6[%swap3A_1357], %add3A_1354 {strides = array<i32>} : memref<32768xi32, #tpu.memory_space<vmem>>, vector<16xi32>,
        %add3A_1359 = arith.addi %mul3A_2, %mul3A_852 : i32
        %add3A_1360 = arith.constant 368 : i32
        %add3A_1361 = arith.addi %add3A_1359, %add3A_1360 : i32
        %add3A_1362 = vector.broadcast %add3A_1361 : i32 to vector<16xi32>
        %add3A_1363 = arith.addi %add3A_1362, %iota3A : vector<16xi32>
        %le3A_1364 = arith.cmpi sle, %broadcast_in_dim3A_866, %add3A_1363 : vector<16xi32>
        %convert_element_type3A_1365 = arith.extui %le3A_1364 : vector<16xi1> to vector<16xi32>
        %add3A_1366 = arith.addi %broadcast_in_dim3A_853, %convert_element_type3A_1365 : vector<16xi32>
        %le3A_1367 = arith.cmpi sle, %broadcast_in_dim3A_869, %add3A_1363 : vector<16xi32>
        %convert_element_type3A_1368 = arith.extui %le3A_1367 : vector<16xi1> to vector<16xi32>
        %add3A_1369 = arith.addi %add3A_1366, %convert_element_type3A_1368 : vector<16xi32>
        %le3A_1370 = arith.cmpi sle, %broadcast_in_dim3A_872, %add3A_1363 : vector<16xi32>
        %convert_element_type3A_1371 = arith.extui %le3A_1370 : vector<16xi1> to vector<16xi32>
        %add3A_1372 = arith.addi %add3A_1369, %convert_element_type3A_1371 : vector<16xi32>
        %le3A_1373 = arith.cmpi sle, %broadcast_in_dim3A_875, %add3A_1363 : vector<16xi32>
        %convert_element_type3A_1374 = arith.extui %le3A_1373 : vector<16xi1> to vector<16xi32>
        %add3A_1375 = arith.addi %add3A_1372, %convert_element_type3A_1374 : vector<16xi32>
        %add3A_1376 = arith.constant 368 : i32
        %add3A_1377 = arith.addi %mul3A_852, %add3A_1376 : i32
        %swap3A_1378 = arith.index_cast %add3A_1377 : i32 to index
        %swap3A_1379 = tpu.vector_load %arg6[%swap3A_1378] {strides = array<i32>} : memref<32768xi32, #tpu.memory_space<vmem>>, vector<16xi32>,
        tpu.vector_store %arg6[%swap3A_1378], %add3A_1375 {strides = array<i32>} : memref<32768xi32, #tpu.memory_space<vmem>>, vector<16xi32>,
        %add3A_1380 = arith.addi %mul3A_2, %mul3A_852 : i32
        %add3A_1381 = arith.constant 384 : i32
        %add3A_1382 = arith.addi %add3A_1380, %add3A_1381 : i32
        %add3A_1383 = vector.broadcast %add3A_1382 : i32 to vector<16xi32>
        %add3A_1384 = arith.addi %add3A_1383, %iota3A : vector<16xi32>
        %le3A_1385 = arith.cmpi sle, %broadcast_in_dim3A_866, %add3A_1384 : vector<16xi32>
        %convert_element_type3A_1386 = arith.extui %le3A_1385 : vector<16xi1> to vector<16xi32>
        %add3A_1387 = arith.addi %broadcast_in_dim3A_853, %convert_element_type3A_1386 : vector<16xi32>
        %le3A_1388 = arith.cmpi sle, %broadcast_in_dim3A_869, %add3A_1384 : vector<16xi32>
        %convert_element_type3A_1389 = arith.extui %le3A_1388 : vector<16xi1> to vector<16xi32>
        %add3A_1390 = arith.addi %add3A_1387, %convert_element_type3A_1389 : vector<16xi32>
        %le3A_1391 = arith.cmpi sle, %broadcast_in_dim3A_872, %add3A_1384 : vector<16xi32>
        %convert_element_type3A_1392 = arith.extui %le3A_1391 : vector<16xi1> to vector<16xi32>
        %add3A_1393 = arith.addi %add3A_1390, %convert_element_type3A_1392 : vector<16xi32>
        %le3A_1394 = arith.cmpi sle, %broadcast_in_dim3A_875, %add3A_1384 : vector<16xi32>
        %convert_element_type3A_1395 = arith.extui %le3A_1394 : vector<16xi1> to vector<16xi32>
        %add3A_1396 = arith.addi %add3A_1393, %convert_element_type3A_1395 : vector<16xi32>
        %add3A_1397 = arith.constant 384 : i32
        %add3A_1398 = arith.addi %mul3A_852, %add3A_1397 : i32
        %swap3A_1399 = arith.index_cast %add3A_1398 : i32 to index
        %swap3A_1400 = tpu.vector_load %arg6[%swap3A_1399] {strides = array<i32>} : memref<32768xi32, #tpu.memory_space<vmem>>, vector<16xi32>,
        tpu.vector_store %arg6[%swap3A_1399], %add3A_1396 {strides = array<i32>} : memref<32768xi32, #tpu.memory_space<vmem>>, vector<16xi32>,
        %add3A_1401 = arith.addi %mul3A_2, %mul3A_852 : i32
        %add3A_1402 = arith.constant 400 : i32
        %add3A_1403 = arith.addi %add3A_1401, %add3A_1402 : i32
        %add3A_1404 = vector.broadcast %add3A_1403 : i32 to vector<16xi32>
        %add3A_1405 = arith.addi %add3A_1404, %iota3A : vector<16xi32>
        %le3A_1406 = arith.cmpi sle, %broadcast_in_dim3A_866, %add3A_1405 : vector<16xi32>
        %convert_element_type3A_1407 = arith.extui %le3A_1406 : vector<16xi1> to vector<16xi32>
        %add3A_1408 = arith.addi %broadcast_in_dim3A_853, %convert_element_type3A_1407 : vector<16xi32>
        %le3A_1409 = arith.cmpi sle, %broadcast_in_dim3A_869, %add3A_1405 : vector<16xi32>
        %convert_element_type3A_1410 = arith.extui %le3A_1409 : vector<16xi1> to vector<16xi32>
        %add3A_1411 = arith.addi %add3A_1408, %convert_element_type3A_1410 : vector<16xi32>
        %le3A_1412 = arith.cmpi sle, %broadcast_in_dim3A_872, %add3A_1405 : vector<16xi32>
        %convert_element_type3A_1413 = arith.extui %le3A_1412 : vector<16xi1> to vector<16xi32>
        %add3A_1414 = arith.addi %add3A_1411, %convert_element_type3A_1413 : vector<16xi32>
        %le3A_1415 = arith.cmpi sle, %broadcast_in_dim3A_875, %add3A_1405 : vector<16xi32>
        %convert_element_type3A_1416 = arith.extui %le3A_1415 : vector<16xi1> to vector<16xi32>
        %add3A_1417 = arith.addi %add3A_1414, %convert_element_type3A_1416 : vector<16xi32>
        %add3A_1418 = arith.constant 400 : i32
        %add3A_1419 = arith.addi %mul3A_852, %add3A_1418 : i32
        %swap3A_1420 = arith.index_cast %add3A_1419 : i32 to index
        %swap3A_1421 = tpu.vector_load %arg6[%swap3A_1420] {strides = array<i32>} : memref<32768xi32, #tpu.memory_space<vmem>>, vector<16xi32>,
        tpu.vector_store %arg6[%swap3A_1420], %add3A_1417 {strides = array<i32>} : memref<32768xi32, #tpu.memory_space<vmem>>, vector<16xi32>,
        %add3A_1422 = arith.addi %mul3A_2, %mul3A_852 : i32
        %add3A_1423 = arith.constant 416 : i32
        %add3A_1424 = arith.addi %add3A_1422, %add3A_1423 : i32
        %add3A_1425 = vector.broadcast %add3A_1424 : i32 to vector<16xi32>
        %add3A_1426 = arith.addi %add3A_1425, %iota3A : vector<16xi32>
        %le3A_1427 = arith.cmpi sle, %broadcast_in_dim3A_866, %add3A_1426 : vector<16xi32>
        %convert_element_type3A_1428 = arith.extui %le3A_1427 : vector<16xi1> to vector<16xi32>
        %add3A_1429 = arith.addi %broadcast_in_dim3A_853, %convert_element_type3A_1428 : vector<16xi32>
        %le3A_1430 = arith.cmpi sle, %broadcast_in_dim3A_869, %add3A_1426 : vector<16xi32>
        %convert_element_type3A_1431 = arith.extui %le3A_1430 : vector<16xi1> to vector<16xi32>
        %add3A_1432 = arith.addi %add3A_1429, %convert_element_type3A_1431 : vector<16xi32>
        %le3A_1433 = arith.cmpi sle, %broadcast_in_dim3A_872, %add3A_1426 : vector<16xi32>
        %convert_element_type3A_1434 = arith.extui %le3A_1433 : vector<16xi1> to vector<16xi32>
        %add3A_1435 = arith.addi %add3A_1432, %convert_element_type3A_1434 : vector<16xi32>
        %le3A_1436 = arith.cmpi sle, %broadcast_in_dim3A_875, %add3A_1426 : vector<16xi32>
        %convert_element_type3A_1437 = arith.extui %le3A_1436 : vector<16xi1> to vector<16xi32>
        %add3A_1438 = arith.addi %add3A_1435, %convert_element_type3A_1437 : vector<16xi32>
        %add3A_1439 = arith.constant 416 : i32
        %add3A_1440 = arith.addi %mul3A_852, %add3A_1439 : i32
        %swap3A_1441 = arith.index_cast %add3A_1440 : i32 to index
        %swap3A_1442 = tpu.vector_load %arg6[%swap3A_1441] {strides = array<i32>} : memref<32768xi32, #tpu.memory_space<vmem>>, vector<16xi32>,
        tpu.vector_store %arg6[%swap3A_1441], %add3A_1438 {strides = array<i32>} : memref<32768xi32, #tpu.memory_space<vmem>>, vector<16xi32>,
        %add3A_1443 = arith.addi %mul3A_2, %mul3A_852 : i32
        %add3A_1444 = arith.constant 432 : i32
        %add3A_1445 = arith.addi %add3A_1443, %add3A_1444 : i32
        %add3A_1446 = vector.broadcast %add3A_1445 : i32 to vector<16xi32>
        %add3A_1447 = arith.addi %add3A_1446, %iota3A : vector<16xi32>
        %le3A_1448 = arith.cmpi sle, %broadcast_in_dim3A_866, %add3A_1447 : vector<16xi32>
        %convert_element_type3A_1449 = arith.extui %le3A_1448 : vector<16xi1> to vector<16xi32>
        %add3A_1450 = arith.addi %broadcast_in_dim3A_853, %convert_element_type3A_1449 : vector<16xi32>
        %le3A_1451 = arith.cmpi sle, %broadcast_in_dim3A_869, %add3A_1447 : vector<16xi32>
        %convert_element_type3A_1452 = arith.extui %le3A_1451 : vector<16xi1> to vector<16xi32>
        %add3A_1453 = arith.addi %add3A_1450, %convert_element_type3A_1452 : vector<16xi32>
        %le3A_1454 = arith.cmpi sle, %broadcast_in_dim3A_872, %add3A_1447 : vector<16xi32>
        %convert_element_type3A_1455 = arith.extui %le3A_1454 : vector<16xi1> to vector<16xi32>
        %add3A_1456 = arith.addi %add3A_1453, %convert_element_type3A_1455 : vector<16xi32>
        %le3A_1457 = arith.cmpi sle, %broadcast_in_dim3A_875, %add3A_1447 : vector<16xi32>
        %convert_element_type3A_1458 = arith.extui %le3A_1457 : vector<16xi1> to vector<16xi32>
        %add3A_1459 = arith.addi %add3A_1456, %convert_element_type3A_1458 : vector<16xi32>
        %add3A_1460 = arith.constant 432 : i32
        %add3A_1461 = arith.addi %mul3A_852, %add3A_1460 : i32
        %swap3A_1462 = arith.index_cast %add3A_1461 : i32 to index
        %swap3A_1463 = tpu.vector_load %arg6[%swap3A_1462] {strides = array<i32>} : memref<32768xi32, #tpu.memory_space<vmem>>, vector<16xi32>,
        tpu.vector_store %arg6[%swap3A_1462], %add3A_1459 {strides = array<i32>} : memref<32768xi32, #tpu.memory_space<vmem>>, vector<16xi32>,
        %add3A_1464 = arith.addi %mul3A_2, %mul3A_852 : i32
        %add3A_1465 = arith.constant 448 : i32
        %add3A_1466 = arith.addi %add3A_1464, %add3A_1465 : i32
        %add3A_1467 = vector.broadcast %add3A_1466 : i32 to vector<16xi32>
        %add3A_1468 = arith.addi %add3A_1467, %iota3A : vector<16xi32>
        %le3A_1469 = arith.cmpi sle, %broadcast_in_dim3A_866, %add3A_1468 : vector<16xi32>
        %convert_element_type3A_1470 = arith.extui %le3A_1469 : vector<16xi1> to vector<16xi32>
        %add3A_1471 = arith.addi %broadcast_in_dim3A_853, %convert_element_type3A_1470 : vector<16xi32>
        %le3A_1472 = arith.cmpi sle, %broadcast_in_dim3A_869, %add3A_1468 : vector<16xi32>
        %convert_element_type3A_1473 = arith.extui %le3A_1472 : vector<16xi1> to vector<16xi32>
        %add3A_1474 = arith.addi %add3A_1471, %convert_element_type3A_1473 : vector<16xi32>
        %le3A_1475 = arith.cmpi sle, %broadcast_in_dim3A_872, %add3A_1468 : vector<16xi32>
        %convert_element_type3A_1476 = arith.extui %le3A_1475 : vector<16xi1> to vector<16xi32>
        %add3A_1477 = arith.addi %add3A_1474, %convert_element_type3A_1476 : vector<16xi32>
        %le3A_1478 = arith.cmpi sle, %broadcast_in_dim3A_875, %add3A_1468 : vector<16xi32>
        %convert_element_type3A_1479 = arith.extui %le3A_1478 : vector<16xi1> to vector<16xi32>
        %add3A_1480 = arith.addi %add3A_1477, %convert_element_type3A_1479 : vector<16xi32>
        %add3A_1481 = arith.constant 448 : i32
        %add3A_1482 = arith.addi %mul3A_852, %add3A_1481 : i32
        %swap3A_1483 = arith.index_cast %add3A_1482 : i32 to index
        %swap3A_1484 = tpu.vector_load %arg6[%swap3A_1483] {strides = array<i32>} : memref<32768xi32, #tpu.memory_space<vmem>>, vector<16xi32>,
        tpu.vector_store %arg6[%swap3A_1483], %add3A_1480 {strides = array<i32>} : memref<32768xi32, #tpu.memory_space<vmem>>, vector<16xi32>,
        %add3A_1485 = arith.addi %mul3A_2, %mul3A_852 : i32
        %add3A_1486 = arith.constant 464 : i32
        %add3A_1487 = arith.addi %add3A_1485, %add3A_1486 : i32
        %add3A_1488 = vector.broadcast %add3A_1487 : i32 to vector<16xi32>
        %add3A_1489 = arith.addi %add3A_1488, %iota3A : vector<16xi32>
        %le3A_1490 = arith.cmpi sle, %broadcast_in_dim3A_866, %add3A_1489 : vector<16xi32>
        %convert_element_type3A_1491 = arith.extui %le3A_1490 : vector<16xi1> to vector<16xi32>
        %add3A_1492 = arith.addi %broadcast_in_dim3A_853, %convert_element_type3A_1491 : vector<16xi32>
        %le3A_1493 = arith.cmpi sle, %broadcast_in_dim3A_869, %add3A_1489 : vector<16xi32>
        %convert_element_type3A_1494 = arith.extui %le3A_1493 : vector<16xi1> to vector<16xi32>
        %add3A_1495 = arith.addi %add3A_1492, %convert_element_type3A_1494 : vector<16xi32>
        %le3A_1496 = arith.cmpi sle, %broadcast_in_dim3A_872, %add3A_1489 : vector<16xi32>
        %convert_element_type3A_1497 = arith.extui %le3A_1496 : vector<16xi1> to vector<16xi32>
        %add3A_1498 = arith.addi %add3A_1495, %convert_element_type3A_1497 : vector<16xi32>
        %le3A_1499 = arith.cmpi sle, %broadcast_in_dim3A_875, %add3A_1489 : vector<16xi32>
        %convert_element_type3A_1500 = arith.extui %le3A_1499 : vector<16xi1> to vector<16xi32>
        %add3A_1501 = arith.addi %add3A_1498, %convert_element_type3A_1500 : vector<16xi32>
        %add3A_1502 = arith.constant 464 : i32
        %add3A_1503 = arith.addi %mul3A_852, %add3A_1502 : i32
        %swap3A_1504 = arith.index_cast %add3A_1503 : i32 to index
        %swap3A_1505 = tpu.vector_load %arg6[%swap3A_1504] {strides = array<i32>} : memref<32768xi32, #tpu.memory_space<vmem>>, vector<16xi32>,
        tpu.vector_store %arg6[%swap3A_1504], %add3A_1501 {strides = array<i32>} : memref<32768xi32, #tpu.memory_space<vmem>>, vector<16xi32>,
        %add3A_1506 = arith.addi %mul3A_2, %mul3A_852 : i32
        %add3A_1507 = arith.constant 480 : i32
        %add3A_1508 = arith.addi %add3A_1506, %add3A_1507 : i32
        %add3A_1509 = vector.broadcast %add3A_1508 : i32 to vector<16xi32>
        %add3A_1510 = arith.addi %add3A_1509, %iota3A : vector<16xi32>
        %le3A_1511 = arith.cmpi sle, %broadcast_in_dim3A_866, %add3A_1510 : vector<16xi32>
        %convert_element_type3A_1512 = arith.extui %le3A_1511 : vector<16xi1> to vector<16xi32>
        %add3A_1513 = arith.addi %broadcast_in_dim3A_853, %convert_element_type3A_1512 : vector<16xi32>
        %le3A_1514 = arith.cmpi sle, %broadcast_in_dim3A_869, %add3A_1510 : vector<16xi32>
        %convert_element_type3A_1515 = arith.extui %le3A_1514 : vector<16xi1> to vector<16xi32>
        %add3A_1516 = arith.addi %add3A_1513, %convert_element_type3A_1515 : vector<16xi32>
        %le3A_1517 = arith.cmpi sle, %broadcast_in_dim3A_872, %add3A_1510 : vector<16xi32>
        %convert_element_type3A_1518 = arith.extui %le3A_1517 : vector<16xi1> to vector<16xi32>
        %add3A_1519 = arith.addi %add3A_1516, %convert_element_type3A_1518 : vector<16xi32>
        %le3A_1520 = arith.cmpi sle, %broadcast_in_dim3A_875, %add3A_1510 : vector<16xi32>
        %convert_element_type3A_1521 = arith.extui %le3A_1520 : vector<16xi1> to vector<16xi32>
        %add3A_1522 = arith.addi %add3A_1519, %convert_element_type3A_1521 : vector<16xi32>
        %add3A_1523 = arith.constant 480 : i32
        %add3A_1524 = arith.addi %mul3A_852, %add3A_1523 : i32
        %swap3A_1525 = arith.index_cast %add3A_1524 : i32 to index
        %swap3A_1526 = tpu.vector_load %arg6[%swap3A_1525] {strides = array<i32>} : memref<32768xi32, #tpu.memory_space<vmem>>, vector<16xi32>,
        tpu.vector_store %arg6[%swap3A_1525], %add3A_1522 {strides = array<i32>} : memref<32768xi32, #tpu.memory_space<vmem>>, vector<16xi32>,
        %add3A_1527 = arith.addi %mul3A_2, %mul3A_852 : i32
        %add3A_1528 = arith.constant 496 : i32
        %add3A_1529 = arith.addi %add3A_1527, %add3A_1528 : i32
        %add3A_1530 = vector.broadcast %add3A_1529 : i32 to vector<16xi32>
        %add3A_1531 = arith.addi %add3A_1530, %iota3A : vector<16xi32>
        %le3A_1532 = arith.cmpi sle, %broadcast_in_dim3A_866, %add3A_1531 : vector<16xi32>
        %convert_element_type3A_1533 = arith.extui %le3A_1532 : vector<16xi1> to vector<16xi32>
        %add3A_1534 = arith.addi %broadcast_in_dim3A_853, %convert_element_type3A_1533 : vector<16xi32>
        %le3A_1535 = arith.cmpi sle, %broadcast_in_dim3A_869, %add3A_1531 : vector<16xi32>
        %convert_element_type3A_1536 = arith.extui %le3A_1535 : vector<16xi1> to vector<16xi32>
        %add3A_1537 = arith.addi %add3A_1534, %convert_element_type3A_1536 : vector<16xi32>
        %le3A_1538 = arith.cmpi sle, %broadcast_in_dim3A_872, %add3A_1531 : vector<16xi32>
        %convert_element_type3A_1539 = arith.extui %le3A_1538 : vector<16xi1> to vector<16xi32>
        %add3A_1540 = arith.addi %add3A_1537, %convert_element_type3A_1539 : vector<16xi32>
        %le3A_1541 = arith.cmpi sle, %broadcast_in_dim3A_875, %add3A_1531 : vector<16xi32>
        %convert_element_type3A_1542 = arith.extui %le3A_1541 : vector<16xi1> to vector<16xi32>
        %add3A_1543 = arith.addi %add3A_1540, %convert_element_type3A_1542 : vector<16xi32>
        %add3A_1544 = arith.constant 496 : i32
        %add3A_1545 = arith.addi %mul3A_852, %add3A_1544 : i32
        %swap3A_1546 = arith.index_cast %add3A_1545 : i32 to index
        %swap3A_1547 = tpu.vector_load %arg6[%swap3A_1546] {strides = array<i32>} : memref<32768xi32, #tpu.memory_space<vmem>>, vector<16xi32>,
        tpu.vector_store %arg6[%swap3A_1546], %add3A_1543 {strides = array<i32>} : memref<32768xi32, #tpu.memory_space<vmem>>, vector<16xi32>,
      } else {
      }
      %sub3A_857 = arith.subi %squeeze3A_850, %squeeze3A : i32
      %gt3A = arith.constant 4 : i32
      %gt3A_858 = arith.cmpi sgt, %sub3A_857, %gt3A : i32
      %convert_element_type3A_859 = arith.extui %gt3A_858 : i1 to i32
      %cond3A_860 = arith.constant 0 : i32
      %cond3A_861 = arith.cmpi ne, %convert_element_type3A_859, %cond3A_860 : i32
      scf.if %cond3A_861 {
        %broadcast_in_dim3A_862 = vector.broadcast %squeeze3A_850 : i32 to vector<16xi32>
        %scan3A_863 = arith.constant 0 : i32
        %scan3A_864 = arith.constant 0 : i32
        %scan3A_865 = arith.constant 32 : i32
        %scan3A_866 = arith.addi %scan3A_864, %scan3A_865 : i32
        %scan3A_867 = arith.constant 1 : i32
        scf.for %scan3A_869 = %scan3A_864 to %scan3A_866 step %scan3A_867  : i32 {
          %add3A_870 = arith.addi %mul3A_2, %mul3A_852 : i32
          %mul3A_871 = arith.constant 16 : i32
          %mul3A_872 = arith.muli %scan3A_869, %mul3A_871 : i32
          %add3A_873 = arith.addi %add3A_870, %mul3A_872 : i32
          %add3A_874 = vector.broadcast %add3A_873 : i32 to vector<16xi32>
          %add3A_875 = arith.addi %add3A_874, %iota3A : vector<16xi32>
          %add3A_876 = arith.addi %broadcast_in_dim3A_853, %broadcast_in_dim3A_862 : vector<16xi32>
          %shift_right_arithmetic3A_877 = arith.constant 1 : i32
          %shift_right_arithmetic3A_878 = vector.broadcast %shift_right_arithmetic3A_877 : i32 to vector<16xi32>
          %shift_right_arithmetic3A_879 = arith.shrsi %add3A_876, %shift_right_arithmetic3A_878 : vector<16xi32>
          %gather3A_880 = tpu.vector_load_idx %arg4[%shift_right_arithmetic3A_879] : memref<4112xi32, #tpu.memory_space<vmem>>[vector<16xi32>], vector<16xi32>,
          %le3A_881 = arith.cmpi sle, %gather3A_880, %add3A_875 : vector<16xi32>
          %add3A_882 = arith.constant 1 : i32
          %add3A_883 = vector.broadcast %add3A_882 : i32 to vector<16xi32>
          %add3A_884 = arith.addi %shift_right_arithmetic3A_879, %add3A_883 : vector<16xi32>
          %select_n3A_885 = arith.select %le3A_881, %add3A_884, %broadcast_in_dim3A_853 : vector<16xi1>, vector<16xi32>
          %select_n3A_886 = arith.select %le3A_881, %broadcast_in_dim3A_862, %shift_right_arithmetic3A_879 : vector<16xi1>, vector<16xi32>
          %add3A_887 = arith.addi %select_n3A_885, %select_n3A_886 : vector<16xi32>
          %shift_right_arithmetic3A_888 = arith.constant 1 : i32
          %shift_right_arithmetic3A_889 = vector.broadcast %shift_right_arithmetic3A_888 : i32 to vector<16xi32>
          %shift_right_arithmetic3A_890 = arith.shrsi %add3A_887, %shift_right_arithmetic3A_889 : vector<16xi32>
          %gather3A_891 = tpu.vector_load_idx %arg4[%shift_right_arithmetic3A_890] : memref<4112xi32, #tpu.memory_space<vmem>>[vector<16xi32>], vector<16xi32>,
          %le3A_892 = arith.cmpi sle, %gather3A_891, %add3A_875 : vector<16xi32>
          %add3A_893 = arith.constant 1 : i32
          %add3A_894 = vector.broadcast %add3A_893 : i32 to vector<16xi32>
          %add3A_895 = arith.addi %shift_right_arithmetic3A_890, %add3A_894 : vector<16xi32>
          %select_n3A_896 = arith.select %le3A_892, %add3A_895, %select_n3A_885 : vector<16xi1>, vector<16xi32>
          %select_n3A_897 = arith.select %le3A_892, %select_n3A_886, %shift_right_arithmetic3A_890 : vector<16xi1>, vector<16xi32>
          %add3A_898 = arith.addi %select_n3A_896, %select_n3A_897 : vector<16xi32>
          %shift_right_arithmetic3A_899 = arith.constant 1 : i32
          %shift_right_arithmetic3A_900 = vector.broadcast %shift_right_arithmetic3A_899 : i32 to vector<16xi32>
          %shift_right_arithmetic3A_901 = arith.shrsi %add3A_898, %shift_right_arithmetic3A_900 : vector<16xi32>
          %gather3A_902 = tpu.vector_load_idx %arg4[%shift_right_arithmetic3A_901] : memref<4112xi32, #tpu.memory_space<vmem>>[vector<16xi32>], vector<16xi32>,
          %le3A_903 = arith.cmpi sle, %gather3A_902, %add3A_875 : vector<16xi32>
          %add3A_904 = arith.constant 1 : i32
          %add3A_905 = vector.broadcast %add3A_904 : i32 to vector<16xi32>
          %add3A_906 = arith.addi %shift_right_arithmetic3A_901, %add3A_905 : vector<16xi32>
          %select_n3A_907 = arith.select %le3A_903, %add3A_906, %select_n3A_896 : vector<16xi1>, vector<16xi32>
          %select_n3A_908 = arith.select %le3A_903, %select_n3A_897, %shift_right_arithmetic3A_901 : vector<16xi1>, vector<16xi32>
          %add3A_909 = arith.addi %select_n3A_907, %select_n3A_908 : vector<16xi32>
          %shift_right_arithmetic3A_910 = arith.constant 1 : i32
          %shift_right_arithmetic3A_911 = vector.broadcast %shift_right_arithmetic3A_910 : i32 to vector<16xi32>
          %shift_right_arithmetic3A_912 = arith.shrsi %add3A_909, %shift_right_arithmetic3A_911 : vector<16xi32>
          %gather3A_913 = tpu.vector_load_idx %arg4[%shift_right_arithmetic3A_912] : memref<4112xi32, #tpu.memory_space<vmem>>[vector<16xi32>], vector<16xi32>,
          %le3A_914 = arith.cmpi sle, %gather3A_913, %add3A_875 : vector<16xi32>
          %add3A_915 = arith.constant 1 : i32
          %add3A_916 = vector.broadcast %add3A_915 : i32 to vector<16xi32>
          %add3A_917 = arith.addi %shift_right_arithmetic3A_912, %add3A_916 : vector<16xi32>
          %select_n3A_918 = arith.select %le3A_914, %add3A_917, %select_n3A_907 : vector<16xi1>, vector<16xi32>
          %select_n3A_919 = arith.select %le3A_914, %select_n3A_908, %shift_right_arithmetic3A_912 : vector<16xi1>, vector<16xi32>
          %add3A_920 = arith.addi %select_n3A_918, %select_n3A_919 : vector<16xi32>
          %shift_right_arithmetic3A_921 = arith.constant 1 : i32
          %shift_right_arithmetic3A_922 = vector.broadcast %shift_right_arithmetic3A_921 : i32 to vector<16xi32>
          %shift_right_arithmetic3A_923 = arith.shrsi %add3A_920, %shift_right_arithmetic3A_922 : vector<16xi32>
          %gather3A_924 = tpu.vector_load_idx %arg4[%shift_right_arithmetic3A_923] : memref<4112xi32, #tpu.memory_space<vmem>>[vector<16xi32>], vector<16xi32>,
          %le3A_925 = arith.cmpi sle, %gather3A_924, %add3A_875 : vector<16xi32>
          %add3A_926 = arith.constant 1 : i32
          %add3A_927 = vector.broadcast %add3A_926 : i32 to vector<16xi32>
          %add3A_928 = arith.addi %shift_right_arithmetic3A_923, %add3A_927 : vector<16xi32>
          %select_n3A_929 = arith.select %le3A_925, %add3A_928, %select_n3A_918 : vector<16xi1>, vector<16xi32>
          %select_n3A_930 = arith.select %le3A_925, %select_n3A_919, %shift_right_arithmetic3A_923 : vector<16xi1>, vector<16xi32>
          %add3A_931 = arith.addi %select_n3A_929, %select_n3A_930 : vector<16xi32>
          %shift_right_arithmetic3A_932 = arith.constant 1 : i32
          %shift_right_arithmetic3A_933 = vector.broadcast %shift_right_arithmetic3A_932 : i32 to vector<16xi32>
          %shift_right_arithmetic3A_934 = arith.shrsi %add3A_931, %shift_right_arithmetic3A_933 : vector<16xi32>
          %gather3A_935 = tpu.vector_load_idx %arg4[%shift_right_arithmetic3A_934] : memref<4112xi32, #tpu.memory_space<vmem>>[vector<16xi32>], vector<16xi32>,
          %le3A_936 = arith.cmpi sle, %gather3A_935, %add3A_875 : vector<16xi32>
          %add3A_937 = arith.constant 1 : i32
          %add3A_938 = vector.broadcast %add3A_937 : i32 to vector<16xi32>
          %add3A_939 = arith.addi %shift_right_arithmetic3A_934, %add3A_938 : vector<16xi32>
          %select_n3A_940 = arith.select %le3A_936, %add3A_939, %select_n3A_929 : vector<16xi1>, vector<16xi32>
          %select_n3A_941 = arith.select %le3A_936, %select_n3A_930, %shift_right_arithmetic3A_934 : vector<16xi1>, vector<16xi32>
          %add3A_942 = arith.addi %select_n3A_940, %select_n3A_941 : vector<16xi32>
          %shift_right_arithmetic3A_943 = arith.constant 1 : i32
          %shift_right_arithmetic3A_944 = vector.broadcast %shift_right_arithmetic3A_943 : i32 to vector<16xi32>
          %shift_right_arithmetic3A_945 = arith.shrsi %add3A_942, %shift_right_arithmetic3A_944 : vector<16xi32>
          %gather3A_946 = tpu.vector_load_idx %arg4[%shift_right_arithmetic3A_945] : memref<4112xi32, #tpu.memory_space<vmem>>[vector<16xi32>], vector<16xi32>,
          %le3A_947 = arith.cmpi sle, %gather3A_946, %add3A_875 : vector<16xi32>
          %add3A_948 = arith.constant 1 : i32
          %add3A_949 = vector.broadcast %add3A_948 : i32 to vector<16xi32>
          %add3A_950 = arith.addi %shift_right_arithmetic3A_945, %add3A_949 : vector<16xi32>
          %select_n3A_951 = arith.select %le3A_947, %add3A_950, %select_n3A_940 : vector<16xi1>, vector<16xi32>
          %select_n3A_952 = arith.select %le3A_947, %select_n3A_941, %shift_right_arithmetic3A_945 : vector<16xi1>, vector<16xi32>
          %add3A_953 = arith.addi %select_n3A_951, %select_n3A_952 : vector<16xi32>
          %shift_right_arithmetic3A_954 = arith.constant 1 : i32
          %shift_right_arithmetic3A_955 = vector.broadcast %shift_right_arithmetic3A_954 : i32 to vector<16xi32>
          %shift_right_arithmetic3A_956 = arith.shrsi %add3A_953, %shift_right_arithmetic3A_955 : vector<16xi32>
          %gather3A_957 = tpu.vector_load_idx %arg4[%shift_right_arithmetic3A_956] : memref<4112xi32, #tpu.memory_space<vmem>>[vector<16xi32>], vector<16xi32>,
          %le3A_958 = arith.cmpi sle, %gather3A_957, %add3A_875 : vector<16xi32>
          %add3A_959 = arith.constant 1 : i32
          %add3A_960 = vector.broadcast %add3A_959 : i32 to vector<16xi32>
          %add3A_961 = arith.addi %shift_right_arithmetic3A_956, %add3A_960 : vector<16xi32>
          %select_n3A_962 = arith.select %le3A_958, %add3A_961, %select_n3A_951 : vector<16xi1>, vector<16xi32>
          %select_n3A_963 = arith.select %le3A_958, %select_n3A_952, %shift_right_arithmetic3A_956 : vector<16xi1>, vector<16xi32>
          %add3A_964 = arith.addi %select_n3A_962, %select_n3A_963 : vector<16xi32>
          %shift_right_arithmetic3A_965 = arith.constant 1 : i32
          %shift_right_arithmetic3A_966 = vector.broadcast %shift_right_arithmetic3A_965 : i32 to vector<16xi32>
          %shift_right_arithmetic3A_967 = arith.shrsi %add3A_964, %shift_right_arithmetic3A_966 : vector<16xi32>
          %gather3A_968 = tpu.vector_load_idx %arg4[%shift_right_arithmetic3A_967] : memref<4112xi32, #tpu.memory_space<vmem>>[vector<16xi32>], vector<16xi32>,
          %le3A_969 = arith.cmpi sle, %gather3A_968, %add3A_875 : vector<16xi32>
          %add3A_970 = arith.constant 1 : i32
          %add3A_971 = vector.broadcast %add3A_970 : i32 to vector<16xi32>
          %add3A_972 = arith.addi %shift_right_arithmetic3A_967, %add3A_971 : vector<16xi32>
          %select_n3A_973 = arith.select %le3A_969, %add3A_972, %select_n3A_962 : vector<16xi1>, vector<16xi32>
          %select_n3A_974 = arith.select %le3A_969, %select_n3A_963, %shift_right_arithmetic3A_967 : vector<16xi1>, vector<16xi32>
          %add3A_975 = arith.addi %select_n3A_973, %select_n3A_974 : vector<16xi32>
          %shift_right_arithmetic3A_976 = arith.constant 1 : i32
          %shift_right_arithmetic3A_977 = vector.broadcast %shift_right_arithmetic3A_976 : i32 to vector<16xi32>
          %shift_right_arithmetic3A_978 = arith.shrsi %add3A_975, %shift_right_arithmetic3A_977 : vector<16xi32>
          %gather3A_979 = tpu.vector_load_idx %arg4[%shift_right_arithmetic3A_978] : memref<4112xi32, #tpu.memory_space<vmem>>[vector<16xi32>], vector<16xi32>,
          %le3A_980 = arith.cmpi sle, %gather3A_979, %add3A_875 : vector<16xi32>
          %add3A_981 = arith.constant 1 : i32
          %add3A_982 = vector.broadcast %add3A_981 : i32 to vector<16xi32>
          %add3A_983 = arith.addi %shift_right_arithmetic3A_978, %add3A_982 : vector<16xi32>
          %select_n3A_984 = arith.select %le3A_980, %add3A_983, %select_n3A_973 : vector<16xi1>, vector<16xi32>
          %select_n3A_985 = arith.select %le3A_980, %select_n3A_974, %shift_right_arithmetic3A_978 : vector<16xi1>, vector<16xi32>
          %add3A_986 = arith.addi %select_n3A_984, %select_n3A_985 : vector<16xi32>
          %shift_right_arithmetic3A_987 = arith.constant 1 : i32
          %shift_right_arithmetic3A_988 = vector.broadcast %shift_right_arithmetic3A_987 : i32 to vector<16xi32>
          %shift_right_arithmetic3A_989 = arith.shrsi %add3A_986, %shift_right_arithmetic3A_988 : vector<16xi32>
          %gather3A_990 = tpu.vector_load_idx %arg4[%shift_right_arithmetic3A_989] : memref<4112xi32, #tpu.memory_space<vmem>>[vector<16xi32>], vector<16xi32>,
          %le3A_991 = arith.cmpi sle, %gather3A_990, %add3A_875 : vector<16xi32>
          %add3A_992 = arith.constant 1 : i32
          %add3A_993 = vector.broadcast %add3A_992 : i32 to vector<16xi32>
          %add3A_994 = arith.addi %shift_right_arithmetic3A_989, %add3A_993 : vector<16xi32>
          %select_n3A_995 = arith.select %le3A_991, %add3A_994, %select_n3A_984 : vector<16xi1>, vector<16xi32>
          %select_n3A_996 = arith.select %le3A_991, %select_n3A_985, %shift_right_arithmetic3A_989 : vector<16xi1>, vector<16xi32>
          %add3A_997 = arith.addi %select_n3A_995, %select_n3A_996 : vector<16xi32>
          %shift_right_arithmetic3A_998 = arith.constant 1 : i32
          %shift_right_arithmetic3A_999 = vector.broadcast %shift_right_arithmetic3A_998 : i32 to vector<16xi32>
          %shift_right_arithmetic3A_1000 = arith.shrsi %add3A_997, %shift_right_arithmetic3A_999 : vector<16xi32>
          %gather3A_1001 = tpu.vector_load_idx %arg4[%shift_right_arithmetic3A_1000] : memref<4112xi32, #tpu.memory_space<vmem>>[vector<16xi32>], vector<16xi32>,
          %le3A_1002 = arith.cmpi sle, %gather3A_1001, %add3A_875 : vector<16xi32>
          %add3A_1003 = arith.constant 1 : i32
          %add3A_1004 = vector.broadcast %add3A_1003 : i32 to vector<16xi32>
          %add3A_1005 = arith.addi %shift_right_arithmetic3A_1000, %add3A_1004 : vector<16xi32>
          %select_n3A_1006 = arith.select %le3A_1002, %add3A_1005, %select_n3A_995 : vector<16xi1>, vector<16xi32>
          %select_n3A_1007 = arith.select %le3A_1002, %select_n3A_996, %shift_right_arithmetic3A_1000 : vector<16xi1>, vector<16xi32>
          %add3A_1008 = arith.addi %select_n3A_1006, %select_n3A_1007 : vector<16xi32>
          %shift_right_arithmetic3A_1009 = arith.constant 1 : i32
          %shift_right_arithmetic3A_1010 = vector.broadcast %shift_right_arithmetic3A_1009 : i32 to vector<16xi32>
          %shift_right_arithmetic3A_1011 = arith.shrsi %add3A_1008, %shift_right_arithmetic3A_1010 : vector<16xi32>
          %gather3A_1012 = tpu.vector_load_idx %arg4[%shift_right_arithmetic3A_1011] : memref<4112xi32, #tpu.memory_space<vmem>>[vector<16xi32>], vector<16xi32>,
          %le3A_1013 = arith.cmpi sle, %gather3A_1012, %add3A_875 : vector<16xi32>
          %add3A_1014 = arith.constant 1 : i32
          %add3A_1015 = vector.broadcast %add3A_1014 : i32 to vector<16xi32>
          %add3A_1016 = arith.addi %shift_right_arithmetic3A_1011, %add3A_1015 : vector<16xi32>
          %select_n3A_1017 = arith.select %le3A_1013, %add3A_1016, %select_n3A_1006 : vector<16xi1>, vector<16xi32>
          %select_n3A_1018 = arith.select %le3A_1013, %select_n3A_1007, %shift_right_arithmetic3A_1011 : vector<16xi1>, vector<16xi32>
          %mul3A_1019 = arith.constant 16 : i32
          %mul3A_1020 = arith.muli %scan3A_869, %mul3A_1019 : i32
          %add3A_1021 = arith.addi %mul3A_852, %mul3A_1020 : i32
          %swap3A_1022 = arith.index_cast %add3A_1021 : i32 to index
          %swap3A_1023 = tpu.vector_load %arg6[%swap3A_1022] {strides = array<i32>} : memref<32768xi32, #tpu.memory_space<vmem>>, vector<16xi32>,
          tpu.vector_store %arg6[%swap3A_1022], %select_n3A_1017 {strides = array<i32>} : memref<32768xi32, #tpu.memory_space<vmem>>, vector<16xi32>,
        }
        %scan3A_868 = arith.constant 32 : i32
      } else {
      }
    }
    %scan3A_787 = arith.constant 16 : i32
    %add3A_788 = arith.constant 8192 : i32
    %add3A_789 = arith.addi %mul3A_2, %add3A_788 : i32
    %dma_start3A_790 = arith.constant 8192 : i32
    %dma_start3A_791 = tpu.memref_slice %arg6[%dma_start3A_790] : memref<32768xi32, #tpu.memory_space<vmem>> -> memref<8192xi32, #tpu.memory_space<vmem>>
    %dma_start3A_792 = tpu.memref_slice %arg3[%add3A_789] : memref<1048576xi32, #tpu.memory_space<hbm>> -> memref<8192xi32, #tpu.memory_space<hbm>>
    %dma_start3A_793 = tpu.memref_slice %arg3[%add3A_789] : memref<1048576xi32, #tpu.memory_space<hbm>> -> memref<8192xi32, #tpu.memory_space<hbm>>
    %dma_start3A_794 = arith.constant 8192 : i32
    %dma_start3A_795 = tpu.memref_slice %arg6[%dma_start3A_794] : memref<32768xi32, #tpu.memory_space<vmem>> -> memref<8192xi32, #tpu.memory_space<vmem>>
    tpu.enqueue_dma source(%dma_start3A_795 : memref<8192xi32, #tpu.memory_space<vmem>>) target(%dma_start3A_793 : memref<8192xi32, #tpu.memory_space<hbm>>) target_semaphore(%arg7 : memref<!tpu.dma_semaphore, #tpu.memory_space<semaphore_mem>>)
    %scan3A_796 = arith.constant 0 : i32
    %scan3A_797 = arith.constant 32 : i32
    %scan3A_798 = arith.constant 16 : i32
    %scan3A_799 = arith.addi %scan3A_797, %scan3A_798 : i32
    %scan3A_800 = arith.constant 1 : i32
    scf.for %scan3A_847 = %scan3A_797 to %scan3A_799 step %scan3A_800  : i32 {
      %get3A = arith.index_cast %scan3A_847 : i32 to index
      %get3A_848 = tpu.vector_load %arg5[%get3A] {strides = array<i32>} : memref<80xi32, #tpu.memory_space<vmem>>, vector<16xi32>,
      %slice3A = vector.extract_strided_slice %get3A_848 {offsets = [0], sizes = [1], strides = [1]} : vector<16xi32> to vector<1xi32>
      %squeeze3A = vector.extract %slice3A[0] : i32 from vector<1xi32>
      %slice3A_849 = vector.extract_strided_slice %get3A_848 {offsets = [1], sizes = [1], strides = [1]} : vector<16xi32> to vector<1xi32>
      %squeeze3A_850 = vector.extract %slice3A_849[0] : i32 from vector<1xi32>
      %mul3A_851 = arith.constant 512 : i32
      %mul3A_852 = arith.muli %scan3A_847, %mul3A_851 : i32
      %broadcast_in_dim3A_853 = vector.broadcast %squeeze3A : i32 to vector<16xi32>
      %sub3A = arith.subi %squeeze3A_850, %squeeze3A : i32
      %le3A_854 = arith.constant 4 : i32
      %le3A_855 = arith.cmpi sle, %sub3A, %le3A_854 : i32
      %convert_element_type3A = arith.extui %le3A_855 : i1 to i32
      %cond3A = arith.constant 0 : i32
      %cond3A_856 = arith.cmpi ne, %convert_element_type3A, %cond3A : i32
      scf.if %cond3A_856 {
        %get3A_862 = arith.index_cast %squeeze3A : i32 to index
        %get3A_863 = tpu.vector_load %arg4[%get3A_862] {strides = array<i32>} : memref<4112xi32, #tpu.memory_space<vmem>>, vector<16xi32>,
        %slice3A_864 = vector.extract_strided_slice %get3A_863 {offsets = [0], sizes = [1], strides = [1]} : vector<16xi32> to vector<1xi32>
        %squeeze3A_865 = vector.extract %slice3A_864[0] : i32 from vector<1xi32>
        %broadcast_in_dim3A_866 = vector.broadcast %squeeze3A_865 : i32 to vector<16xi32>
        %slice3A_867 = vector.extract_strided_slice %get3A_863 {offsets = [1], sizes = [1], strides = [1]} : vector<16xi32> to vector<1xi32>
        %squeeze3A_868 = vector.extract %slice3A_867[0] : i32 from vector<1xi32>
        %broadcast_in_dim3A_869 = vector.broadcast %squeeze3A_868 : i32 to vector<16xi32>
        %slice3A_870 = vector.extract_strided_slice %get3A_863 {offsets = [2], sizes = [1], strides = [1]} : vector<16xi32> to vector<1xi32>
        %squeeze3A_871 = vector.extract %slice3A_870[0] : i32 from vector<1xi32>
        %broadcast_in_dim3A_872 = vector.broadcast %squeeze3A_871 : i32 to vector<16xi32>
        %slice3A_873 = vector.extract_strided_slice %get3A_863 {offsets = [3], sizes = [1], strides = [1]} : vector<16xi32> to vector<1xi32>
        %squeeze3A_874 = vector.extract %slice3A_873[0] : i32 from vector<1xi32>
        %broadcast_in_dim3A_875 = vector.broadcast %squeeze3A_874 : i32 to vector<16xi32>
        %add3A_876 = arith.addi %mul3A_2, %mul3A_852 : i32
        %add3A_877 = arith.constant 0 : i32
        %add3A_878 = arith.addi %add3A_876, %add3A_877 : i32
        %add3A_879 = vector.broadcast %add3A_878 : i32 to vector<16xi32>
        %add3A_880 = arith.addi %add3A_879, %iota3A : vector<16xi32>
        %le3A_881 = arith.cmpi sle, %broadcast_in_dim3A_866, %add3A_880 : vector<16xi32>
        %convert_element_type3A_882 = arith.extui %le3A_881 : vector<16xi1> to vector<16xi32>
        %add3A_883 = arith.addi %broadcast_in_dim3A_853, %convert_element_type3A_882 : vector<16xi32>
        %le3A_884 = arith.cmpi sle, %broadcast_in_dim3A_869, %add3A_880 : vector<16xi32>
        %convert_element_type3A_885 = arith.extui %le3A_884 : vector<16xi1> to vector<16xi32>
        %add3A_886 = arith.addi %add3A_883, %convert_element_type3A_885 : vector<16xi32>
        %le3A_887 = arith.cmpi sle, %broadcast_in_dim3A_872, %add3A_880 : vector<16xi32>
        %convert_element_type3A_888 = arith.extui %le3A_887 : vector<16xi1> to vector<16xi32>
        %add3A_889 = arith.addi %add3A_886, %convert_element_type3A_888 : vector<16xi32>
        %le3A_890 = arith.cmpi sle, %broadcast_in_dim3A_875, %add3A_880 : vector<16xi32>
        %convert_element_type3A_891 = arith.extui %le3A_890 : vector<16xi1> to vector<16xi32>
        %add3A_892 = arith.addi %add3A_889, %convert_element_type3A_891 : vector<16xi32>
        %add3A_893 = arith.constant 0 : i32
        %add3A_894 = arith.addi %mul3A_852, %add3A_893 : i32
        %swap3A_895 = arith.index_cast %add3A_894 : i32 to index
        %swap3A_896 = tpu.vector_load %arg6[%swap3A_895] {strides = array<i32>} : memref<32768xi32, #tpu.memory_space<vmem>>, vector<16xi32>,
        tpu.vector_store %arg6[%swap3A_895], %add3A_892 {strides = array<i32>} : memref<32768xi32, #tpu.memory_space<vmem>>, vector<16xi32>,
        %add3A_897 = arith.addi %mul3A_2, %mul3A_852 : i32
        %add3A_898 = arith.constant 16 : i32
        %add3A_899 = arith.addi %add3A_897, %add3A_898 : i32
        %add3A_900 = vector.broadcast %add3A_899 : i32 to vector<16xi32>
        %add3A_901 = arith.addi %add3A_900, %iota3A : vector<16xi32>
        %le3A_902 = arith.cmpi sle, %broadcast_in_dim3A_866, %add3A_901 : vector<16xi32>
        %convert_element_type3A_903 = arith.extui %le3A_902 : vector<16xi1> to vector<16xi32>
        %add3A_904 = arith.addi %broadcast_in_dim3A_853, %convert_element_type3A_903 : vector<16xi32>
        %le3A_905 = arith.cmpi sle, %broadcast_in_dim3A_869, %add3A_901 : vector<16xi32>
        %convert_element_type3A_906 = arith.extui %le3A_905 : vector<16xi1> to vector<16xi32>
        %add3A_907 = arith.addi %add3A_904, %convert_element_type3A_906 : vector<16xi32>
        %le3A_908 = arith.cmpi sle, %broadcast_in_dim3A_872, %add3A_901 : vector<16xi32>
        %convert_element_type3A_909 = arith.extui %le3A_908 : vector<16xi1> to vector<16xi32>
        %add3A_910 = arith.addi %add3A_907, %convert_element_type3A_909 : vector<16xi32>
        %le3A_911 = arith.cmpi sle, %broadcast_in_dim3A_875, %add3A_901 : vector<16xi32>
        %convert_element_type3A_912 = arith.extui %le3A_911 : vector<16xi1> to vector<16xi32>
        %add3A_913 = arith.addi %add3A_910, %convert_element_type3A_912 : vector<16xi32>
        %add3A_914 = arith.constant 16 : i32
        %add3A_915 = arith.addi %mul3A_852, %add3A_914 : i32
        %swap3A_916 = arith.index_cast %add3A_915 : i32 to index
        %swap3A_917 = tpu.vector_load %arg6[%swap3A_916] {strides = array<i32>} : memref<32768xi32, #tpu.memory_space<vmem>>, vector<16xi32>,
        tpu.vector_store %arg6[%swap3A_916], %add3A_913 {strides = array<i32>} : memref<32768xi32, #tpu.memory_space<vmem>>, vector<16xi32>,
        %add3A_918 = arith.addi %mul3A_2, %mul3A_852 : i32
        %add3A_919 = arith.constant 32 : i32
        %add3A_920 = arith.addi %add3A_918, %add3A_919 : i32
        %add3A_921 = vector.broadcast %add3A_920 : i32 to vector<16xi32>
        %add3A_922 = arith.addi %add3A_921, %iota3A : vector<16xi32>
        %le3A_923 = arith.cmpi sle, %broadcast_in_dim3A_866, %add3A_922 : vector<16xi32>
        %convert_element_type3A_924 = arith.extui %le3A_923 : vector<16xi1> to vector<16xi32>
        %add3A_925 = arith.addi %broadcast_in_dim3A_853, %convert_element_type3A_924 : vector<16xi32>
        %le3A_926 = arith.cmpi sle, %broadcast_in_dim3A_869, %add3A_922 : vector<16xi32>
        %convert_element_type3A_927 = arith.extui %le3A_926 : vector<16xi1> to vector<16xi32>
        %add3A_928 = arith.addi %add3A_925, %convert_element_type3A_927 : vector<16xi32>
        %le3A_929 = arith.cmpi sle, %broadcast_in_dim3A_872, %add3A_922 : vector<16xi32>
        %convert_element_type3A_930 = arith.extui %le3A_929 : vector<16xi1> to vector<16xi32>
        %add3A_931 = arith.addi %add3A_928, %convert_element_type3A_930 : vector<16xi32>
        %le3A_932 = arith.cmpi sle, %broadcast_in_dim3A_875, %add3A_922 : vector<16xi32>
        %convert_element_type3A_933 = arith.extui %le3A_932 : vector<16xi1> to vector<16xi32>
        %add3A_934 = arith.addi %add3A_931, %convert_element_type3A_933 : vector<16xi32>
        %add3A_935 = arith.constant 32 : i32
        %add3A_936 = arith.addi %mul3A_852, %add3A_935 : i32
        %swap3A_937 = arith.index_cast %add3A_936 : i32 to index
        %swap3A_938 = tpu.vector_load %arg6[%swap3A_937] {strides = array<i32>} : memref<32768xi32, #tpu.memory_space<vmem>>, vector<16xi32>,
        tpu.vector_store %arg6[%swap3A_937], %add3A_934 {strides = array<i32>} : memref<32768xi32, #tpu.memory_space<vmem>>, vector<16xi32>,
        %add3A_939 = arith.addi %mul3A_2, %mul3A_852 : i32
        %add3A_940 = arith.constant 48 : i32
        %add3A_941 = arith.addi %add3A_939, %add3A_940 : i32
        %add3A_942 = vector.broadcast %add3A_941 : i32 to vector<16xi32>
        %add3A_943 = arith.addi %add3A_942, %iota3A : vector<16xi32>
        %le3A_944 = arith.cmpi sle, %broadcast_in_dim3A_866, %add3A_943 : vector<16xi32>
        %convert_element_type3A_945 = arith.extui %le3A_944 : vector<16xi1> to vector<16xi32>
        %add3A_946 = arith.addi %broadcast_in_dim3A_853, %convert_element_type3A_945 : vector<16xi32>
        %le3A_947 = arith.cmpi sle, %broadcast_in_dim3A_869, %add3A_943 : vector<16xi32>
        %convert_element_type3A_948 = arith.extui %le3A_947 : vector<16xi1> to vector<16xi32>
        %add3A_949 = arith.addi %add3A_946, %convert_element_type3A_948 : vector<16xi32>
        %le3A_950 = arith.cmpi sle, %broadcast_in_dim3A_872, %add3A_943 : vector<16xi32>
        %convert_element_type3A_951 = arith.extui %le3A_950 : vector<16xi1> to vector<16xi32>
        %add3A_952 = arith.addi %add3A_949, %convert_element_type3A_951 : vector<16xi32>
        %le3A_953 = arith.cmpi sle, %broadcast_in_dim3A_875, %add3A_943 : vector<16xi32>
        %convert_element_type3A_954 = arith.extui %le3A_953 : vector<16xi1> to vector<16xi32>
        %add3A_955 = arith.addi %add3A_952, %convert_element_type3A_954 : vector<16xi32>
        %add3A_956 = arith.constant 48 : i32
        %add3A_957 = arith.addi %mul3A_852, %add3A_956 : i32
        %swap3A_958 = arith.index_cast %add3A_957 : i32 to index
        %swap3A_959 = tpu.vector_load %arg6[%swap3A_958] {strides = array<i32>} : memref<32768xi32, #tpu.memory_space<vmem>>, vector<16xi32>,
        tpu.vector_store %arg6[%swap3A_958], %add3A_955 {strides = array<i32>} : memref<32768xi32, #tpu.memory_space<vmem>>, vector<16xi32>,
        %add3A_960 = arith.addi %mul3A_2, %mul3A_852 : i32
        %add3A_961 = arith.constant 64 : i32
        %add3A_962 = arith.addi %add3A_960, %add3A_961 : i32
        %add3A_963 = vector.broadcast %add3A_962 : i32 to vector<16xi32>
        %add3A_964 = arith.addi %add3A_963, %iota3A : vector<16xi32>
        %le3A_965 = arith.cmpi sle, %broadcast_in_dim3A_866, %add3A_964 : vector<16xi32>
        %convert_element_type3A_966 = arith.extui %le3A_965 : vector<16xi1> to vector<16xi32>
        %add3A_967 = arith.addi %broadcast_in_dim3A_853, %convert_element_type3A_966 : vector<16xi32>
        %le3A_968 = arith.cmpi sle, %broadcast_in_dim3A_869, %add3A_964 : vector<16xi32>
        %convert_element_type3A_969 = arith.extui %le3A_968 : vector<16xi1> to vector<16xi32>
        %add3A_970 = arith.addi %add3A_967, %convert_element_type3A_969 : vector<16xi32>
        %le3A_971 = arith.cmpi sle, %broadcast_in_dim3A_872, %add3A_964 : vector<16xi32>
        %convert_element_type3A_972 = arith.extui %le3A_971 : vector<16xi1> to vector<16xi32>
        %add3A_973 = arith.addi %add3A_970, %convert_element_type3A_972 : vector<16xi32>
        %le3A_974 = arith.cmpi sle, %broadcast_in_dim3A_875, %add3A_964 : vector<16xi32>
        %convert_element_type3A_975 = arith.extui %le3A_974 : vector<16xi1> to vector<16xi32>
        %add3A_976 = arith.addi %add3A_973, %convert_element_type3A_975 : vector<16xi32>
        %add3A_977 = arith.constant 64 : i32
        %add3A_978 = arith.addi %mul3A_852, %add3A_977 : i32
        %swap3A_979 = arith.index_cast %add3A_978 : i32 to index
        %swap3A_980 = tpu.vector_load %arg6[%swap3A_979] {strides = array<i32>} : memref<32768xi32, #tpu.memory_space<vmem>>, vector<16xi32>,
        tpu.vector_store %arg6[%swap3A_979], %add3A_976 {strides = array<i32>} : memref<32768xi32, #tpu.memory_space<vmem>>, vector<16xi32>,
        %add3A_981 = arith.addi %mul3A_2, %mul3A_852 : i32
        %add3A_982 = arith.constant 80 : i32
        %add3A_983 = arith.addi %add3A_981, %add3A_982 : i32
        %add3A_984 = vector.broadcast %add3A_983 : i32 to vector<16xi32>
        %add3A_985 = arith.addi %add3A_984, %iota3A : vector<16xi32>
        %le3A_986 = arith.cmpi sle, %broadcast_in_dim3A_866, %add3A_985 : vector<16xi32>
        %convert_element_type3A_987 = arith.extui %le3A_986 : vector<16xi1> to vector<16xi32>
        %add3A_988 = arith.addi %broadcast_in_dim3A_853, %convert_element_type3A_987 : vector<16xi32>
        %le3A_989 = arith.cmpi sle, %broadcast_in_dim3A_869, %add3A_985 : vector<16xi32>
        %convert_element_type3A_990 = arith.extui %le3A_989 : vector<16xi1> to vector<16xi32>
        %add3A_991 = arith.addi %add3A_988, %convert_element_type3A_990 : vector<16xi32>
        %le3A_992 = arith.cmpi sle, %broadcast_in_dim3A_872, %add3A_985 : vector<16xi32>
        %convert_element_type3A_993 = arith.extui %le3A_992 : vector<16xi1> to vector<16xi32>
        %add3A_994 = arith.addi %add3A_991, %convert_element_type3A_993 : vector<16xi32>
        %le3A_995 = arith.cmpi sle, %broadcast_in_dim3A_875, %add3A_985 : vector<16xi32>
        %convert_element_type3A_996 = arith.extui %le3A_995 : vector<16xi1> to vector<16xi32>
        %add3A_997 = arith.addi %add3A_994, %convert_element_type3A_996 : vector<16xi32>
        %add3A_998 = arith.constant 80 : i32
        %add3A_999 = arith.addi %mul3A_852, %add3A_998 : i32
        %swap3A_1000 = arith.index_cast %add3A_999 : i32 to index
        %swap3A_1001 = tpu.vector_load %arg6[%swap3A_1000] {strides = array<i32>} : memref<32768xi32, #tpu.memory_space<vmem>>, vector<16xi32>,
        tpu.vector_store %arg6[%swap3A_1000], %add3A_997 {strides = array<i32>} : memref<32768xi32, #tpu.memory_space<vmem>>, vector<16xi32>,
        %add3A_1002 = arith.addi %mul3A_2, %mul3A_852 : i32
        %add3A_1003 = arith.constant 96 : i32
        %add3A_1004 = arith.addi %add3A_1002, %add3A_1003 : i32
        %add3A_1005 = vector.broadcast %add3A_1004 : i32 to vector<16xi32>
        %add3A_1006 = arith.addi %add3A_1005, %iota3A : vector<16xi32>
        %le3A_1007 = arith.cmpi sle, %broadcast_in_dim3A_866, %add3A_1006 : vector<16xi32>
        %convert_element_type3A_1008 = arith.extui %le3A_1007 : vector<16xi1> to vector<16xi32>
        %add3A_1009 = arith.addi %broadcast_in_dim3A_853, %convert_element_type3A_1008 : vector<16xi32>
        %le3A_1010 = arith.cmpi sle, %broadcast_in_dim3A_869, %add3A_1006 : vector<16xi32>
        %convert_element_type3A_1011 = arith.extui %le3A_1010 : vector<16xi1> to vector<16xi32>
        %add3A_1012 = arith.addi %add3A_1009, %convert_element_type3A_1011 : vector<16xi32>
        %le3A_1013 = arith.cmpi sle, %broadcast_in_dim3A_872, %add3A_1006 : vector<16xi32>
        %convert_element_type3A_1014 = arith.extui %le3A_1013 : vector<16xi1> to vector<16xi32>
        %add3A_1015 = arith.addi %add3A_1012, %convert_element_type3A_1014 : vector<16xi32>
        %le3A_1016 = arith.cmpi sle, %broadcast_in_dim3A_875, %add3A_1006 : vector<16xi32>
        %convert_element_type3A_1017 = arith.extui %le3A_1016 : vector<16xi1> to vector<16xi32>
        %add3A_1018 = arith.addi %add3A_1015, %convert_element_type3A_1017 : vector<16xi32>
        %add3A_1019 = arith.constant 96 : i32
        %add3A_1020 = arith.addi %mul3A_852, %add3A_1019 : i32
        %swap3A_1021 = arith.index_cast %add3A_1020 : i32 to index
        %swap3A_1022 = tpu.vector_load %arg6[%swap3A_1021] {strides = array<i32>} : memref<32768xi32, #tpu.memory_space<vmem>>, vector<16xi32>,
        tpu.vector_store %arg6[%swap3A_1021], %add3A_1018 {strides = array<i32>} : memref<32768xi32, #tpu.memory_space<vmem>>, vector<16xi32>,
        %add3A_1023 = arith.addi %mul3A_2, %mul3A_852 : i32
        %add3A_1024 = arith.constant 112 : i32
        %add3A_1025 = arith.addi %add3A_1023, %add3A_1024 : i32
        %add3A_1026 = vector.broadcast %add3A_1025 : i32 to vector<16xi32>
        %add3A_1027 = arith.addi %add3A_1026, %iota3A : vector<16xi32>
        %le3A_1028 = arith.cmpi sle, %broadcast_in_dim3A_866, %add3A_1027 : vector<16xi32>
        %convert_element_type3A_1029 = arith.extui %le3A_1028 : vector<16xi1> to vector<16xi32>
        %add3A_1030 = arith.addi %broadcast_in_dim3A_853, %convert_element_type3A_1029 : vector<16xi32>
        %le3A_1031 = arith.cmpi sle, %broadcast_in_dim3A_869, %add3A_1027 : vector<16xi32>
        %convert_element_type3A_1032 = arith.extui %le3A_1031 : vector<16xi1> to vector<16xi32>
        %add3A_1033 = arith.addi %add3A_1030, %convert_element_type3A_1032 : vector<16xi32>
        %le3A_1034 = arith.cmpi sle, %broadcast_in_dim3A_872, %add3A_1027 : vector<16xi32>
        %convert_element_type3A_1035 = arith.extui %le3A_1034 : vector<16xi1> to vector<16xi32>
        %add3A_1036 = arith.addi %add3A_1033, %convert_element_type3A_1035 : vector<16xi32>
        %le3A_1037 = arith.cmpi sle, %broadcast_in_dim3A_875, %add3A_1027 : vector<16xi32>
        %convert_element_type3A_1038 = arith.extui %le3A_1037 : vector<16xi1> to vector<16xi32>
        %add3A_1039 = arith.addi %add3A_1036, %convert_element_type3A_1038 : vector<16xi32>
        %add3A_1040 = arith.constant 112 : i32
        %add3A_1041 = arith.addi %mul3A_852, %add3A_1040 : i32
        %swap3A_1042 = arith.index_cast %add3A_1041 : i32 to index
        %swap3A_1043 = tpu.vector_load %arg6[%swap3A_1042] {strides = array<i32>} : memref<32768xi32, #tpu.memory_space<vmem>>, vector<16xi32>,
        tpu.vector_store %arg6[%swap3A_1042], %add3A_1039 {strides = array<i32>} : memref<32768xi32, #tpu.memory_space<vmem>>, vector<16xi32>,
        %add3A_1044 = arith.addi %mul3A_2, %mul3A_852 : i32
        %add3A_1045 = arith.constant 128 : i32
        %add3A_1046 = arith.addi %add3A_1044, %add3A_1045 : i32
        %add3A_1047 = vector.broadcast %add3A_1046 : i32 to vector<16xi32>
        %add3A_1048 = arith.addi %add3A_1047, %iota3A : vector<16xi32>
        %le3A_1049 = arith.cmpi sle, %broadcast_in_dim3A_866, %add3A_1048 : vector<16xi32>
        %convert_element_type3A_1050 = arith.extui %le3A_1049 : vector<16xi1> to vector<16xi32>
        %add3A_1051 = arith.addi %broadcast_in_dim3A_853, %convert_element_type3A_1050 : vector<16xi32>
        %le3A_1052 = arith.cmpi sle, %broadcast_in_dim3A_869, %add3A_1048 : vector<16xi32>
        %convert_element_type3A_1053 = arith.extui %le3A_1052 : vector<16xi1> to vector<16xi32>
        %add3A_1054 = arith.addi %add3A_1051, %convert_element_type3A_1053 : vector<16xi32>
        %le3A_1055 = arith.cmpi sle, %broadcast_in_dim3A_872, %add3A_1048 : vector<16xi32>
        %convert_element_type3A_1056 = arith.extui %le3A_1055 : vector<16xi1> to vector<16xi32>
        %add3A_1057 = arith.addi %add3A_1054, %convert_element_type3A_1056 : vector<16xi32>
        %le3A_1058 = arith.cmpi sle, %broadcast_in_dim3A_875, %add3A_1048 : vector<16xi32>
        %convert_element_type3A_1059 = arith.extui %le3A_1058 : vector<16xi1> to vector<16xi32>
        %add3A_1060 = arith.addi %add3A_1057, %convert_element_type3A_1059 : vector<16xi32>
        %add3A_1061 = arith.constant 128 : i32
        %add3A_1062 = arith.addi %mul3A_852, %add3A_1061 : i32
        %swap3A_1063 = arith.index_cast %add3A_1062 : i32 to index
        %swap3A_1064 = tpu.vector_load %arg6[%swap3A_1063] {strides = array<i32>} : memref<32768xi32, #tpu.memory_space<vmem>>, vector<16xi32>,
        tpu.vector_store %arg6[%swap3A_1063], %add3A_1060 {strides = array<i32>} : memref<32768xi32, #tpu.memory_space<vmem>>, vector<16xi32>,
        %add3A_1065 = arith.addi %mul3A_2, %mul3A_852 : i32
        %add3A_1066 = arith.constant 144 : i32
        %add3A_1067 = arith.addi %add3A_1065, %add3A_1066 : i32
        %add3A_1068 = vector.broadcast %add3A_1067 : i32 to vector<16xi32>
        %add3A_1069 = arith.addi %add3A_1068, %iota3A : vector<16xi32>
        %le3A_1070 = arith.cmpi sle, %broadcast_in_dim3A_866, %add3A_1069 : vector<16xi32>
        %convert_element_type3A_1071 = arith.extui %le3A_1070 : vector<16xi1> to vector<16xi32>
        %add3A_1072 = arith.addi %broadcast_in_dim3A_853, %convert_element_type3A_1071 : vector<16xi32>
        %le3A_1073 = arith.cmpi sle, %broadcast_in_dim3A_869, %add3A_1069 : vector<16xi32>
        %convert_element_type3A_1074 = arith.extui %le3A_1073 : vector<16xi1> to vector<16xi32>
        %add3A_1075 = arith.addi %add3A_1072, %convert_element_type3A_1074 : vector<16xi32>
        %le3A_1076 = arith.cmpi sle, %broadcast_in_dim3A_872, %add3A_1069 : vector<16xi32>
        %convert_element_type3A_1077 = arith.extui %le3A_1076 : vector<16xi1> to vector<16xi32>
        %add3A_1078 = arith.addi %add3A_1075, %convert_element_type3A_1077 : vector<16xi32>
        %le3A_1079 = arith.cmpi sle, %broadcast_in_dim3A_875, %add3A_1069 : vector<16xi32>
        %convert_element_type3A_1080 = arith.extui %le3A_1079 : vector<16xi1> to vector<16xi32>
        %add3A_1081 = arith.addi %add3A_1078, %convert_element_type3A_1080 : vector<16xi32>
        %add3A_1082 = arith.constant 144 : i32
        %add3A_1083 = arith.addi %mul3A_852, %add3A_1082 : i32
        %swap3A_1084 = arith.index_cast %add3A_1083 : i32 to index
        %swap3A_1085 = tpu.vector_load %arg6[%swap3A_1084] {strides = array<i32>} : memref<32768xi32, #tpu.memory_space<vmem>>, vector<16xi32>,
        tpu.vector_store %arg6[%swap3A_1084], %add3A_1081 {strides = array<i32>} : memref<32768xi32, #tpu.memory_space<vmem>>, vector<16xi32>,
        %add3A_1086 = arith.addi %mul3A_2, %mul3A_852 : i32
        %add3A_1087 = arith.constant 160 : i32
        %add3A_1088 = arith.addi %add3A_1086, %add3A_1087 : i32
        %add3A_1089 = vector.broadcast %add3A_1088 : i32 to vector<16xi32>
        %add3A_1090 = arith.addi %add3A_1089, %iota3A : vector<16xi32>
        %le3A_1091 = arith.cmpi sle, %broadcast_in_dim3A_866, %add3A_1090 : vector<16xi32>
        %convert_element_type3A_1092 = arith.extui %le3A_1091 : vector<16xi1> to vector<16xi32>
        %add3A_1093 = arith.addi %broadcast_in_dim3A_853, %convert_element_type3A_1092 : vector<16xi32>
        %le3A_1094 = arith.cmpi sle, %broadcast_in_dim3A_869, %add3A_1090 : vector<16xi32>
        %convert_element_type3A_1095 = arith.extui %le3A_1094 : vector<16xi1> to vector<16xi32>
        %add3A_1096 = arith.addi %add3A_1093, %convert_element_type3A_1095 : vector<16xi32>
        %le3A_1097 = arith.cmpi sle, %broadcast_in_dim3A_872, %add3A_1090 : vector<16xi32>
        %convert_element_type3A_1098 = arith.extui %le3A_1097 : vector<16xi1> to vector<16xi32>
        %add3A_1099 = arith.addi %add3A_1096, %convert_element_type3A_1098 : vector<16xi32>
        %le3A_1100 = arith.cmpi sle, %broadcast_in_dim3A_875, %add3A_1090 : vector<16xi32>
        %convert_element_type3A_1101 = arith.extui %le3A_1100 : vector<16xi1> to vector<16xi32>
        %add3A_1102 = arith.addi %add3A_1099, %convert_element_type3A_1101 : vector<16xi32>
        %add3A_1103 = arith.constant 160 : i32
        %add3A_1104 = arith.addi %mul3A_852, %add3A_1103 : i32
        %swap3A_1105 = arith.index_cast %add3A_1104 : i32 to index
        %swap3A_1106 = tpu.vector_load %arg6[%swap3A_1105] {strides = array<i32>} : memref<32768xi32, #tpu.memory_space<vmem>>, vector<16xi32>,
        tpu.vector_store %arg6[%swap3A_1105], %add3A_1102 {strides = array<i32>} : memref<32768xi32, #tpu.memory_space<vmem>>, vector<16xi32>,
        %add3A_1107 = arith.addi %mul3A_2, %mul3A_852 : i32
        %add3A_1108 = arith.constant 176 : i32
        %add3A_1109 = arith.addi %add3A_1107, %add3A_1108 : i32
        %add3A_1110 = vector.broadcast %add3A_1109 : i32 to vector<16xi32>
        %add3A_1111 = arith.addi %add3A_1110, %iota3A : vector<16xi32>
        %le3A_1112 = arith.cmpi sle, %broadcast_in_dim3A_866, %add3A_1111 : vector<16xi32>
        %convert_element_type3A_1113 = arith.extui %le3A_1112 : vector<16xi1> to vector<16xi32>
        %add3A_1114 = arith.addi %broadcast_in_dim3A_853, %convert_element_type3A_1113 : vector<16xi32>
        %le3A_1115 = arith.cmpi sle, %broadcast_in_dim3A_869, %add3A_1111 : vector<16xi32>
        %convert_element_type3A_1116 = arith.extui %le3A_1115 : vector<16xi1> to vector<16xi32>
        %add3A_1117 = arith.addi %add3A_1114, %convert_element_type3A_1116 : vector<16xi32>
        %le3A_1118 = arith.cmpi sle, %broadcast_in_dim3A_872, %add3A_1111 : vector<16xi32>
        %convert_element_type3A_1119 = arith.extui %le3A_1118 : vector<16xi1> to vector<16xi32>
        %add3A_1120 = arith.addi %add3A_1117, %convert_element_type3A_1119 : vector<16xi32>
        %le3A_1121 = arith.cmpi sle, %broadcast_in_dim3A_875, %add3A_1111 : vector<16xi32>
        %convert_element_type3A_1122 = arith.extui %le3A_1121 : vector<16xi1> to vector<16xi32>
        %add3A_1123 = arith.addi %add3A_1120, %convert_element_type3A_1122 : vector<16xi32>
        %add3A_1124 = arith.constant 176 : i32
        %add3A_1125 = arith.addi %mul3A_852, %add3A_1124 : i32
        %swap3A_1126 = arith.index_cast %add3A_1125 : i32 to index
        %swap3A_1127 = tpu.vector_load %arg6[%swap3A_1126] {strides = array<i32>} : memref<32768xi32, #tpu.memory_space<vmem>>, vector<16xi32>,
        tpu.vector_store %arg6[%swap3A_1126], %add3A_1123 {strides = array<i32>} : memref<32768xi32, #tpu.memory_space<vmem>>, vector<16xi32>,
        %add3A_1128 = arith.addi %mul3A_2, %mul3A_852 : i32
        %add3A_1129 = arith.constant 192 : i32
        %add3A_1130 = arith.addi %add3A_1128, %add3A_1129 : i32
        %add3A_1131 = vector.broadcast %add3A_1130 : i32 to vector<16xi32>
        %add3A_1132 = arith.addi %add3A_1131, %iota3A : vector<16xi32>
        %le3A_1133 = arith.cmpi sle, %broadcast_in_dim3A_866, %add3A_1132 : vector<16xi32>
        %convert_element_type3A_1134 = arith.extui %le3A_1133 : vector<16xi1> to vector<16xi32>
        %add3A_1135 = arith.addi %broadcast_in_dim3A_853, %convert_element_type3A_1134 : vector<16xi32>
        %le3A_1136 = arith.cmpi sle, %broadcast_in_dim3A_869, %add3A_1132 : vector<16xi32>
        %convert_element_type3A_1137 = arith.extui %le3A_1136 : vector<16xi1> to vector<16xi32>
        %add3A_1138 = arith.addi %add3A_1135, %convert_element_type3A_1137 : vector<16xi32>
        %le3A_1139 = arith.cmpi sle, %broadcast_in_dim3A_872, %add3A_1132 : vector<16xi32>
        %convert_element_type3A_1140 = arith.extui %le3A_1139 : vector<16xi1> to vector<16xi32>
        %add3A_1141 = arith.addi %add3A_1138, %convert_element_type3A_1140 : vector<16xi32>
        %le3A_1142 = arith.cmpi sle, %broadcast_in_dim3A_875, %add3A_1132 : vector<16xi32>
        %convert_element_type3A_1143 = arith.extui %le3A_1142 : vector<16xi1> to vector<16xi32>
        %add3A_1144 = arith.addi %add3A_1141, %convert_element_type3A_1143 : vector<16xi32>
        %add3A_1145 = arith.constant 192 : i32
        %add3A_1146 = arith.addi %mul3A_852, %add3A_1145 : i32
        %swap3A_1147 = arith.index_cast %add3A_1146 : i32 to index
        %swap3A_1148 = tpu.vector_load %arg6[%swap3A_1147] {strides = array<i32>} : memref<32768xi32, #tpu.memory_space<vmem>>, vector<16xi32>,
        tpu.vector_store %arg6[%swap3A_1147], %add3A_1144 {strides = array<i32>} : memref<32768xi32, #tpu.memory_space<vmem>>, vector<16xi32>,
        %add3A_1149 = arith.addi %mul3A_2, %mul3A_852 : i32
        %add3A_1150 = arith.constant 208 : i32
        %add3A_1151 = arith.addi %add3A_1149, %add3A_1150 : i32
        %add3A_1152 = vector.broadcast %add3A_1151 : i32 to vector<16xi32>
        %add3A_1153 = arith.addi %add3A_1152, %iota3A : vector<16xi32>
        %le3A_1154 = arith.cmpi sle, %broadcast_in_dim3A_866, %add3A_1153 : vector<16xi32>
        %convert_element_type3A_1155 = arith.extui %le3A_1154 : vector<16xi1> to vector<16xi32>
        %add3A_1156 = arith.addi %broadcast_in_dim3A_853, %convert_element_type3A_1155 : vector<16xi32>
        %le3A_1157 = arith.cmpi sle, %broadcast_in_dim3A_869, %add3A_1153 : vector<16xi32>
        %convert_element_type3A_1158 = arith.extui %le3A_1157 : vector<16xi1> to vector<16xi32>
        %add3A_1159 = arith.addi %add3A_1156, %convert_element_type3A_1158 : vector<16xi32>
        %le3A_1160 = arith.cmpi sle, %broadcast_in_dim3A_872, %add3A_1153 : vector<16xi32>
        %convert_element_type3A_1161 = arith.extui %le3A_1160 : vector<16xi1> to vector<16xi32>
        %add3A_1162 = arith.addi %add3A_1159, %convert_element_type3A_1161 : vector<16xi32>
        %le3A_1163 = arith.cmpi sle, %broadcast_in_dim3A_875, %add3A_1153 : vector<16xi32>
        %convert_element_type3A_1164 = arith.extui %le3A_1163 : vector<16xi1> to vector<16xi32>
        %add3A_1165 = arith.addi %add3A_1162, %convert_element_type3A_1164 : vector<16xi32>
        %add3A_1166 = arith.constant 208 : i32
        %add3A_1167 = arith.addi %mul3A_852, %add3A_1166 : i32
        %swap3A_1168 = arith.index_cast %add3A_1167 : i32 to index
        %swap3A_1169 = tpu.vector_load %arg6[%swap3A_1168] {strides = array<i32>} : memref<32768xi32, #tpu.memory_space<vmem>>, vector<16xi32>,
        tpu.vector_store %arg6[%swap3A_1168], %add3A_1165 {strides = array<i32>} : memref<32768xi32, #tpu.memory_space<vmem>>, vector<16xi32>,
        %add3A_1170 = arith.addi %mul3A_2, %mul3A_852 : i32
        %add3A_1171 = arith.constant 224 : i32
        %add3A_1172 = arith.addi %add3A_1170, %add3A_1171 : i32
        %add3A_1173 = vector.broadcast %add3A_1172 : i32 to vector<16xi32>
        %add3A_1174 = arith.addi %add3A_1173, %iota3A : vector<16xi32>
        %le3A_1175 = arith.cmpi sle, %broadcast_in_dim3A_866, %add3A_1174 : vector<16xi32>
        %convert_element_type3A_1176 = arith.extui %le3A_1175 : vector<16xi1> to vector<16xi32>
        %add3A_1177 = arith.addi %broadcast_in_dim3A_853, %convert_element_type3A_1176 : vector<16xi32>
        %le3A_1178 = arith.cmpi sle, %broadcast_in_dim3A_869, %add3A_1174 : vector<16xi32>
        %convert_element_type3A_1179 = arith.extui %le3A_1178 : vector<16xi1> to vector<16xi32>
        %add3A_1180 = arith.addi %add3A_1177, %convert_element_type3A_1179 : vector<16xi32>
        %le3A_1181 = arith.cmpi sle, %broadcast_in_dim3A_872, %add3A_1174 : vector<16xi32>
        %convert_element_type3A_1182 = arith.extui %le3A_1181 : vector<16xi1> to vector<16xi32>
        %add3A_1183 = arith.addi %add3A_1180, %convert_element_type3A_1182 : vector<16xi32>
        %le3A_1184 = arith.cmpi sle, %broadcast_in_dim3A_875, %add3A_1174 : vector<16xi32>
        %convert_element_type3A_1185 = arith.extui %le3A_1184 : vector<16xi1> to vector<16xi32>
        %add3A_1186 = arith.addi %add3A_1183, %convert_element_type3A_1185 : vector<16xi32>
        %add3A_1187 = arith.constant 224 : i32
        %add3A_1188 = arith.addi %mul3A_852, %add3A_1187 : i32
        %swap3A_1189 = arith.index_cast %add3A_1188 : i32 to index
        %swap3A_1190 = tpu.vector_load %arg6[%swap3A_1189] {strides = array<i32>} : memref<32768xi32, #tpu.memory_space<vmem>>, vector<16xi32>,
        tpu.vector_store %arg6[%swap3A_1189], %add3A_1186 {strides = array<i32>} : memref<32768xi32, #tpu.memory_space<vmem>>, vector<16xi32>,
        %add3A_1191 = arith.addi %mul3A_2, %mul3A_852 : i32
        %add3A_1192 = arith.constant 240 : i32
        %add3A_1193 = arith.addi %add3A_1191, %add3A_1192 : i32
        %add3A_1194 = vector.broadcast %add3A_1193 : i32 to vector<16xi32>
        %add3A_1195 = arith.addi %add3A_1194, %iota3A : vector<16xi32>
        %le3A_1196 = arith.cmpi sle, %broadcast_in_dim3A_866, %add3A_1195 : vector<16xi32>
        %convert_element_type3A_1197 = arith.extui %le3A_1196 : vector<16xi1> to vector<16xi32>
        %add3A_1198 = arith.addi %broadcast_in_dim3A_853, %convert_element_type3A_1197 : vector<16xi32>
        %le3A_1199 = arith.cmpi sle, %broadcast_in_dim3A_869, %add3A_1195 : vector<16xi32>
        %convert_element_type3A_1200 = arith.extui %le3A_1199 : vector<16xi1> to vector<16xi32>
        %add3A_1201 = arith.addi %add3A_1198, %convert_element_type3A_1200 : vector<16xi32>
        %le3A_1202 = arith.cmpi sle, %broadcast_in_dim3A_872, %add3A_1195 : vector<16xi32>
        %convert_element_type3A_1203 = arith.extui %le3A_1202 : vector<16xi1> to vector<16xi32>
        %add3A_1204 = arith.addi %add3A_1201, %convert_element_type3A_1203 : vector<16xi32>
        %le3A_1205 = arith.cmpi sle, %broadcast_in_dim3A_875, %add3A_1195 : vector<16xi32>
        %convert_element_type3A_1206 = arith.extui %le3A_1205 : vector<16xi1> to vector<16xi32>
        %add3A_1207 = arith.addi %add3A_1204, %convert_element_type3A_1206 : vector<16xi32>
        %add3A_1208 = arith.constant 240 : i32
        %add3A_1209 = arith.addi %mul3A_852, %add3A_1208 : i32
        %swap3A_1210 = arith.index_cast %add3A_1209 : i32 to index
        %swap3A_1211 = tpu.vector_load %arg6[%swap3A_1210] {strides = array<i32>} : memref<32768xi32, #tpu.memory_space<vmem>>, vector<16xi32>,
        tpu.vector_store %arg6[%swap3A_1210], %add3A_1207 {strides = array<i32>} : memref<32768xi32, #tpu.memory_space<vmem>>, vector<16xi32>,
        %add3A_1212 = arith.addi %mul3A_2, %mul3A_852 : i32
        %add3A_1213 = arith.constant 256 : i32
        %add3A_1214 = arith.addi %add3A_1212, %add3A_1213 : i32
        %add3A_1215 = vector.broadcast %add3A_1214 : i32 to vector<16xi32>
        %add3A_1216 = arith.addi %add3A_1215, %iota3A : vector<16xi32>
        %le3A_1217 = arith.cmpi sle, %broadcast_in_dim3A_866, %add3A_1216 : vector<16xi32>
        %convert_element_type3A_1218 = arith.extui %le3A_1217 : vector<16xi1> to vector<16xi32>
        %add3A_1219 = arith.addi %broadcast_in_dim3A_853, %convert_element_type3A_1218 : vector<16xi32>
        %le3A_1220 = arith.cmpi sle, %broadcast_in_dim3A_869, %add3A_1216 : vector<16xi32>
        %convert_element_type3A_1221 = arith.extui %le3A_1220 : vector<16xi1> to vector<16xi32>
        %add3A_1222 = arith.addi %add3A_1219, %convert_element_type3A_1221 : vector<16xi32>
        %le3A_1223 = arith.cmpi sle, %broadcast_in_dim3A_872, %add3A_1216 : vector<16xi32>
        %convert_element_type3A_1224 = arith.extui %le3A_1223 : vector<16xi1> to vector<16xi32>
        %add3A_1225 = arith.addi %add3A_1222, %convert_element_type3A_1224 : vector<16xi32>
        %le3A_1226 = arith.cmpi sle, %broadcast_in_dim3A_875, %add3A_1216 : vector<16xi32>
        %convert_element_type3A_1227 = arith.extui %le3A_1226 : vector<16xi1> to vector<16xi32>
        %add3A_1228 = arith.addi %add3A_1225, %convert_element_type3A_1227 : vector<16xi32>
        %add3A_1229 = arith.constant 256 : i32
        %add3A_1230 = arith.addi %mul3A_852, %add3A_1229 : i32
        %swap3A_1231 = arith.index_cast %add3A_1230 : i32 to index
        %swap3A_1232 = tpu.vector_load %arg6[%swap3A_1231] {strides = array<i32>} : memref<32768xi32, #tpu.memory_space<vmem>>, vector<16xi32>,
        tpu.vector_store %arg6[%swap3A_1231], %add3A_1228 {strides = array<i32>} : memref<32768xi32, #tpu.memory_space<vmem>>, vector<16xi32>,
        %add3A_1233 = arith.addi %mul3A_2, %mul3A_852 : i32
        %add3A_1234 = arith.constant 272 : i32
        %add3A_1235 = arith.addi %add3A_1233, %add3A_1234 : i32
        %add3A_1236 = vector.broadcast %add3A_1235 : i32 to vector<16xi32>
        %add3A_1237 = arith.addi %add3A_1236, %iota3A : vector<16xi32>
        %le3A_1238 = arith.cmpi sle, %broadcast_in_dim3A_866, %add3A_1237 : vector<16xi32>
        %convert_element_type3A_1239 = arith.extui %le3A_1238 : vector<16xi1> to vector<16xi32>
        %add3A_1240 = arith.addi %broadcast_in_dim3A_853, %convert_element_type3A_1239 : vector<16xi32>
        %le3A_1241 = arith.cmpi sle, %broadcast_in_dim3A_869, %add3A_1237 : vector<16xi32>
        %convert_element_type3A_1242 = arith.extui %le3A_1241 : vector<16xi1> to vector<16xi32>
        %add3A_1243 = arith.addi %add3A_1240, %convert_element_type3A_1242 : vector<16xi32>
        %le3A_1244 = arith.cmpi sle, %broadcast_in_dim3A_872, %add3A_1237 : vector<16xi32>
        %convert_element_type3A_1245 = arith.extui %le3A_1244 : vector<16xi1> to vector<16xi32>
        %add3A_1246 = arith.addi %add3A_1243, %convert_element_type3A_1245 : vector<16xi32>
        %le3A_1247 = arith.cmpi sle, %broadcast_in_dim3A_875, %add3A_1237 : vector<16xi32>
        %convert_element_type3A_1248 = arith.extui %le3A_1247 : vector<16xi1> to vector<16xi32>
        %add3A_1249 = arith.addi %add3A_1246, %convert_element_type3A_1248 : vector<16xi32>
        %add3A_1250 = arith.constant 272 : i32
        %add3A_1251 = arith.addi %mul3A_852, %add3A_1250 : i32
        %swap3A_1252 = arith.index_cast %add3A_1251 : i32 to index
        %swap3A_1253 = tpu.vector_load %arg6[%swap3A_1252] {strides = array<i32>} : memref<32768xi32, #tpu.memory_space<vmem>>, vector<16xi32>,
        tpu.vector_store %arg6[%swap3A_1252], %add3A_1249 {strides = array<i32>} : memref<32768xi32, #tpu.memory_space<vmem>>, vector<16xi32>,
        %add3A_1254 = arith.addi %mul3A_2, %mul3A_852 : i32
        %add3A_1255 = arith.constant 288 : i32
        %add3A_1256 = arith.addi %add3A_1254, %add3A_1255 : i32
        %add3A_1257 = vector.broadcast %add3A_1256 : i32 to vector<16xi32>
        %add3A_1258 = arith.addi %add3A_1257, %iota3A : vector<16xi32>
        %le3A_1259 = arith.cmpi sle, %broadcast_in_dim3A_866, %add3A_1258 : vector<16xi32>
        %convert_element_type3A_1260 = arith.extui %le3A_1259 : vector<16xi1> to vector<16xi32>
        %add3A_1261 = arith.addi %broadcast_in_dim3A_853, %convert_element_type3A_1260 : vector<16xi32>
        %le3A_1262 = arith.cmpi sle, %broadcast_in_dim3A_869, %add3A_1258 : vector<16xi32>
        %convert_element_type3A_1263 = arith.extui %le3A_1262 : vector<16xi1> to vector<16xi32>
        %add3A_1264 = arith.addi %add3A_1261, %convert_element_type3A_1263 : vector<16xi32>
        %le3A_1265 = arith.cmpi sle, %broadcast_in_dim3A_872, %add3A_1258 : vector<16xi32>
        %convert_element_type3A_1266 = arith.extui %le3A_1265 : vector<16xi1> to vector<16xi32>
        %add3A_1267 = arith.addi %add3A_1264, %convert_element_type3A_1266 : vector<16xi32>
        %le3A_1268 = arith.cmpi sle, %broadcast_in_dim3A_875, %add3A_1258 : vector<16xi32>
        %convert_element_type3A_1269 = arith.extui %le3A_1268 : vector<16xi1> to vector<16xi32>
        %add3A_1270 = arith.addi %add3A_1267, %convert_element_type3A_1269 : vector<16xi32>
        %add3A_1271 = arith.constant 288 : i32
        %add3A_1272 = arith.addi %mul3A_852, %add3A_1271 : i32
        %swap3A_1273 = arith.index_cast %add3A_1272 : i32 to index
        %swap3A_1274 = tpu.vector_load %arg6[%swap3A_1273] {strides = array<i32>} : memref<32768xi32, #tpu.memory_space<vmem>>, vector<16xi32>,
        tpu.vector_store %arg6[%swap3A_1273], %add3A_1270 {strides = array<i32>} : memref<32768xi32, #tpu.memory_space<vmem>>, vector<16xi32>,
        %add3A_1275 = arith.addi %mul3A_2, %mul3A_852 : i32
        %add3A_1276 = arith.constant 304 : i32
        %add3A_1277 = arith.addi %add3A_1275, %add3A_1276 : i32
        %add3A_1278 = vector.broadcast %add3A_1277 : i32 to vector<16xi32>
        %add3A_1279 = arith.addi %add3A_1278, %iota3A : vector<16xi32>
        %le3A_1280 = arith.cmpi sle, %broadcast_in_dim3A_866, %add3A_1279 : vector<16xi32>
        %convert_element_type3A_1281 = arith.extui %le3A_1280 : vector<16xi1> to vector<16xi32>
        %add3A_1282 = arith.addi %broadcast_in_dim3A_853, %convert_element_type3A_1281 : vector<16xi32>
        %le3A_1283 = arith.cmpi sle, %broadcast_in_dim3A_869, %add3A_1279 : vector<16xi32>
        %convert_element_type3A_1284 = arith.extui %le3A_1283 : vector<16xi1> to vector<16xi32>
        %add3A_1285 = arith.addi %add3A_1282, %convert_element_type3A_1284 : vector<16xi32>
        %le3A_1286 = arith.cmpi sle, %broadcast_in_dim3A_872, %add3A_1279 : vector<16xi32>
        %convert_element_type3A_1287 = arith.extui %le3A_1286 : vector<16xi1> to vector<16xi32>
        %add3A_1288 = arith.addi %add3A_1285, %convert_element_type3A_1287 : vector<16xi32>
        %le3A_1289 = arith.cmpi sle, %broadcast_in_dim3A_875, %add3A_1279 : vector<16xi32>
        %convert_element_type3A_1290 = arith.extui %le3A_1289 : vector<16xi1> to vector<16xi32>
        %add3A_1291 = arith.addi %add3A_1288, %convert_element_type3A_1290 : vector<16xi32>
        %add3A_1292 = arith.constant 304 : i32
        %add3A_1293 = arith.addi %mul3A_852, %add3A_1292 : i32
        %swap3A_1294 = arith.index_cast %add3A_1293 : i32 to index
        %swap3A_1295 = tpu.vector_load %arg6[%swap3A_1294] {strides = array<i32>} : memref<32768xi32, #tpu.memory_space<vmem>>, vector<16xi32>,
        tpu.vector_store %arg6[%swap3A_1294], %add3A_1291 {strides = array<i32>} : memref<32768xi32, #tpu.memory_space<vmem>>, vector<16xi32>,
        %add3A_1296 = arith.addi %mul3A_2, %mul3A_852 : i32
        %add3A_1297 = arith.constant 320 : i32
        %add3A_1298 = arith.addi %add3A_1296, %add3A_1297 : i32
        %add3A_1299 = vector.broadcast %add3A_1298 : i32 to vector<16xi32>
        %add3A_1300 = arith.addi %add3A_1299, %iota3A : vector<16xi32>
        %le3A_1301 = arith.cmpi sle, %broadcast_in_dim3A_866, %add3A_1300 : vector<16xi32>
        %convert_element_type3A_1302 = arith.extui %le3A_1301 : vector<16xi1> to vector<16xi32>
        %add3A_1303 = arith.addi %broadcast_in_dim3A_853, %convert_element_type3A_1302 : vector<16xi32>
        %le3A_1304 = arith.cmpi sle, %broadcast_in_dim3A_869, %add3A_1300 : vector<16xi32>
        %convert_element_type3A_1305 = arith.extui %le3A_1304 : vector<16xi1> to vector<16xi32>
        %add3A_1306 = arith.addi %add3A_1303, %convert_element_type3A_1305 : vector<16xi32>
        %le3A_1307 = arith.cmpi sle, %broadcast_in_dim3A_872, %add3A_1300 : vector<16xi32>
        %convert_element_type3A_1308 = arith.extui %le3A_1307 : vector<16xi1> to vector<16xi32>
        %add3A_1309 = arith.addi %add3A_1306, %convert_element_type3A_1308 : vector<16xi32>
        %le3A_1310 = arith.cmpi sle, %broadcast_in_dim3A_875, %add3A_1300 : vector<16xi32>
        %convert_element_type3A_1311 = arith.extui %le3A_1310 : vector<16xi1> to vector<16xi32>
        %add3A_1312 = arith.addi %add3A_1309, %convert_element_type3A_1311 : vector<16xi32>
        %add3A_1313 = arith.constant 320 : i32
        %add3A_1314 = arith.addi %mul3A_852, %add3A_1313 : i32
        %swap3A_1315 = arith.index_cast %add3A_1314 : i32 to index
        %swap3A_1316 = tpu.vector_load %arg6[%swap3A_1315] {strides = array<i32>} : memref<32768xi32, #tpu.memory_space<vmem>>, vector<16xi32>,
        tpu.vector_store %arg6[%swap3A_1315], %add3A_1312 {strides = array<i32>} : memref<32768xi32, #tpu.memory_space<vmem>>, vector<16xi32>,
        %add3A_1317 = arith.addi %mul3A_2, %mul3A_852 : i32
        %add3A_1318 = arith.constant 336 : i32
        %add3A_1319 = arith.addi %add3A_1317, %add3A_1318 : i32
        %add3A_1320 = vector.broadcast %add3A_1319 : i32 to vector<16xi32>
        %add3A_1321 = arith.addi %add3A_1320, %iota3A : vector<16xi32>
        %le3A_1322 = arith.cmpi sle, %broadcast_in_dim3A_866, %add3A_1321 : vector<16xi32>
        %convert_element_type3A_1323 = arith.extui %le3A_1322 : vector<16xi1> to vector<16xi32>
        %add3A_1324 = arith.addi %broadcast_in_dim3A_853, %convert_element_type3A_1323 : vector<16xi32>
        %le3A_1325 = arith.cmpi sle, %broadcast_in_dim3A_869, %add3A_1321 : vector<16xi32>
        %convert_element_type3A_1326 = arith.extui %le3A_1325 : vector<16xi1> to vector<16xi32>
        %add3A_1327 = arith.addi %add3A_1324, %convert_element_type3A_1326 : vector<16xi32>
        %le3A_1328 = arith.cmpi sle, %broadcast_in_dim3A_872, %add3A_1321 : vector<16xi32>
        %convert_element_type3A_1329 = arith.extui %le3A_1328 : vector<16xi1> to vector<16xi32>
        %add3A_1330 = arith.addi %add3A_1327, %convert_element_type3A_1329 : vector<16xi32>
        %le3A_1331 = arith.cmpi sle, %broadcast_in_dim3A_875, %add3A_1321 : vector<16xi32>
        %convert_element_type3A_1332 = arith.extui %le3A_1331 : vector<16xi1> to vector<16xi32>
        %add3A_1333 = arith.addi %add3A_1330, %convert_element_type3A_1332 : vector<16xi32>
        %add3A_1334 = arith.constant 336 : i32
        %add3A_1335 = arith.addi %mul3A_852, %add3A_1334 : i32
        %swap3A_1336 = arith.index_cast %add3A_1335 : i32 to index
        %swap3A_1337 = tpu.vector_load %arg6[%swap3A_1336] {strides = array<i32>} : memref<32768xi32, #tpu.memory_space<vmem>>, vector<16xi32>,
        tpu.vector_store %arg6[%swap3A_1336], %add3A_1333 {strides = array<i32>} : memref<32768xi32, #tpu.memory_space<vmem>>, vector<16xi32>,
        %add3A_1338 = arith.addi %mul3A_2, %mul3A_852 : i32
        %add3A_1339 = arith.constant 352 : i32
        %add3A_1340 = arith.addi %add3A_1338, %add3A_1339 : i32
        %add3A_1341 = vector.broadcast %add3A_1340 : i32 to vector<16xi32>
        %add3A_1342 = arith.addi %add3A_1341, %iota3A : vector<16xi32>
        %le3A_1343 = arith.cmpi sle, %broadcast_in_dim3A_866, %add3A_1342 : vector<16xi32>
        %convert_element_type3A_1344 = arith.extui %le3A_1343 : vector<16xi1> to vector<16xi32>
        %add3A_1345 = arith.addi %broadcast_in_dim3A_853, %convert_element_type3A_1344 : vector<16xi32>
        %le3A_1346 = arith.cmpi sle, %broadcast_in_dim3A_869, %add3A_1342 : vector<16xi32>
        %convert_element_type3A_1347 = arith.extui %le3A_1346 : vector<16xi1> to vector<16xi32>
        %add3A_1348 = arith.addi %add3A_1345, %convert_element_type3A_1347 : vector<16xi32>
        %le3A_1349 = arith.cmpi sle, %broadcast_in_dim3A_872, %add3A_1342 : vector<16xi32>
        %convert_element_type3A_1350 = arith.extui %le3A_1349 : vector<16xi1> to vector<16xi32>
        %add3A_1351 = arith.addi %add3A_1348, %convert_element_type3A_1350 : vector<16xi32>
        %le3A_1352 = arith.cmpi sle, %broadcast_in_dim3A_875, %add3A_1342 : vector<16xi32>
        %convert_element_type3A_1353 = arith.extui %le3A_1352 : vector<16xi1> to vector<16xi32>
        %add3A_1354 = arith.addi %add3A_1351, %convert_element_type3A_1353 : vector<16xi32>
        %add3A_1355 = arith.constant 352 : i32
        %add3A_1356 = arith.addi %mul3A_852, %add3A_1355 : i32
        %swap3A_1357 = arith.index_cast %add3A_1356 : i32 to index
        %swap3A_1358 = tpu.vector_load %arg6[%swap3A_1357] {strides = array<i32>} : memref<32768xi32, #tpu.memory_space<vmem>>, vector<16xi32>,
        tpu.vector_store %arg6[%swap3A_1357], %add3A_1354 {strides = array<i32>} : memref<32768xi32, #tpu.memory_space<vmem>>, vector<16xi32>,
        %add3A_1359 = arith.addi %mul3A_2, %mul3A_852 : i32
        %add3A_1360 = arith.constant 368 : i32
        %add3A_1361 = arith.addi %add3A_1359, %add3A_1360 : i32
        %add3A_1362 = vector.broadcast %add3A_1361 : i32 to vector<16xi32>
        %add3A_1363 = arith.addi %add3A_1362, %iota3A : vector<16xi32>
        %le3A_1364 = arith.cmpi sle, %broadcast_in_dim3A_866, %add3A_1363 : vector<16xi32>
        %convert_element_type3A_1365 = arith.extui %le3A_1364 : vector<16xi1> to vector<16xi32>
        %add3A_1366 = arith.addi %broadcast_in_dim3A_853, %convert_element_type3A_1365 : vector<16xi32>
        %le3A_1367 = arith.cmpi sle, %broadcast_in_dim3A_869, %add3A_1363 : vector<16xi32>
        %convert_element_type3A_1368 = arith.extui %le3A_1367 : vector<16xi1> to vector<16xi32>
        %add3A_1369 = arith.addi %add3A_1366, %convert_element_type3A_1368 : vector<16xi32>
        %le3A_1370 = arith.cmpi sle, %broadcast_in_dim3A_872, %add3A_1363 : vector<16xi32>
        %convert_element_type3A_1371 = arith.extui %le3A_1370 : vector<16xi1> to vector<16xi32>
        %add3A_1372 = arith.addi %add3A_1369, %convert_element_type3A_1371 : vector<16xi32>
        %le3A_1373 = arith.cmpi sle, %broadcast_in_dim3A_875, %add3A_1363 : vector<16xi32>
        %convert_element_type3A_1374 = arith.extui %le3A_1373 : vector<16xi1> to vector<16xi32>
        %add3A_1375 = arith.addi %add3A_1372, %convert_element_type3A_1374 : vector<16xi32>
        %add3A_1376 = arith.constant 368 : i32
        %add3A_1377 = arith.addi %mul3A_852, %add3A_1376 : i32
        %swap3A_1378 = arith.index_cast %add3A_1377 : i32 to index
        %swap3A_1379 = tpu.vector_load %arg6[%swap3A_1378] {strides = array<i32>} : memref<32768xi32, #tpu.memory_space<vmem>>, vector<16xi32>,
        tpu.vector_store %arg6[%swap3A_1378], %add3A_1375 {strides = array<i32>} : memref<32768xi32, #tpu.memory_space<vmem>>, vector<16xi32>,
        %add3A_1380 = arith.addi %mul3A_2, %mul3A_852 : i32
        %add3A_1381 = arith.constant 384 : i32
        %add3A_1382 = arith.addi %add3A_1380, %add3A_1381 : i32
        %add3A_1383 = vector.broadcast %add3A_1382 : i32 to vector<16xi32>
        %add3A_1384 = arith.addi %add3A_1383, %iota3A : vector<16xi32>
        %le3A_1385 = arith.cmpi sle, %broadcast_in_dim3A_866, %add3A_1384 : vector<16xi32>
        %convert_element_type3A_1386 = arith.extui %le3A_1385 : vector<16xi1> to vector<16xi32>
        %add3A_1387 = arith.addi %broadcast_in_dim3A_853, %convert_element_type3A_1386 : vector<16xi32>
        %le3A_1388 = arith.cmpi sle, %broadcast_in_dim3A_869, %add3A_1384 : vector<16xi32>
        %convert_element_type3A_1389 = arith.extui %le3A_1388 : vector<16xi1> to vector<16xi32>
        %add3A_1390 = arith.addi %add3A_1387, %convert_element_type3A_1389 : vector<16xi32>
        %le3A_1391 = arith.cmpi sle, %broadcast_in_dim3A_872, %add3A_1384 : vector<16xi32>
        %convert_element_type3A_1392 = arith.extui %le3A_1391 : vector<16xi1> to vector<16xi32>
        %add3A_1393 = arith.addi %add3A_1390, %convert_element_type3A_1392 : vector<16xi32>
        %le3A_1394 = arith.cmpi sle, %broadcast_in_dim3A_875, %add3A_1384 : vector<16xi32>
        %convert_element_type3A_1395 = arith.extui %le3A_1394 : vector<16xi1> to vector<16xi32>
        %add3A_1396 = arith.addi %add3A_1393, %convert_element_type3A_1395 : vector<16xi32>
        %add3A_1397 = arith.constant 384 : i32
        %add3A_1398 = arith.addi %mul3A_852, %add3A_1397 : i32
        %swap3A_1399 = arith.index_cast %add3A_1398 : i32 to index
        %swap3A_1400 = tpu.vector_load %arg6[%swap3A_1399] {strides = array<i32>} : memref<32768xi32, #tpu.memory_space<vmem>>, vector<16xi32>,
        tpu.vector_store %arg6[%swap3A_1399], %add3A_1396 {strides = array<i32>} : memref<32768xi32, #tpu.memory_space<vmem>>, vector<16xi32>,
        %add3A_1401 = arith.addi %mul3A_2, %mul3A_852 : i32
        %add3A_1402 = arith.constant 400 : i32
        %add3A_1403 = arith.addi %add3A_1401, %add3A_1402 : i32
        %add3A_1404 = vector.broadcast %add3A_1403 : i32 to vector<16xi32>
        %add3A_1405 = arith.addi %add3A_1404, %iota3A : vector<16xi32>
        %le3A_1406 = arith.cmpi sle, %broadcast_in_dim3A_866, %add3A_1405 : vector<16xi32>
        %convert_element_type3A_1407 = arith.extui %le3A_1406 : vector<16xi1> to vector<16xi32>
        %add3A_1408 = arith.addi %broadcast_in_dim3A_853, %convert_element_type3A_1407 : vector<16xi32>
        %le3A_1409 = arith.cmpi sle, %broadcast_in_dim3A_869, %add3A_1405 : vector<16xi32>
        %convert_element_type3A_1410 = arith.extui %le3A_1409 : vector<16xi1> to vector<16xi32>
        %add3A_1411 = arith.addi %add3A_1408, %convert_element_type3A_1410 : vector<16xi32>
        %le3A_1412 = arith.cmpi sle, %broadcast_in_dim3A_872, %add3A_1405 : vector<16xi32>
        %convert_element_type3A_1413 = arith.extui %le3A_1412 : vector<16xi1> to vector<16xi32>
        %add3A_1414 = arith.addi %add3A_1411, %convert_element_type3A_1413 : vector<16xi32>
        %le3A_1415 = arith.cmpi sle, %broadcast_in_dim3A_875, %add3A_1405 : vector<16xi32>
        %convert_element_type3A_1416 = arith.extui %le3A_1415 : vector<16xi1> to vector<16xi32>
        %add3A_1417 = arith.addi %add3A_1414, %convert_element_type3A_1416 : vector<16xi32>
        %add3A_1418 = arith.constant 400 : i32
        %add3A_1419 = arith.addi %mul3A_852, %add3A_1418 : i32
        %swap3A_1420 = arith.index_cast %add3A_1419 : i32 to index
        %swap3A_1421 = tpu.vector_load %arg6[%swap3A_1420] {strides = array<i32>} : memref<32768xi32, #tpu.memory_space<vmem>>, vector<16xi32>,
        tpu.vector_store %arg6[%swap3A_1420], %add3A_1417 {strides = array<i32>} : memref<32768xi32, #tpu.memory_space<vmem>>, vector<16xi32>,
        %add3A_1422 = arith.addi %mul3A_2, %mul3A_852 : i32
        %add3A_1423 = arith.constant 416 : i32
        %add3A_1424 = arith.addi %add3A_1422, %add3A_1423 : i32
        %add3A_1425 = vector.broadcast %add3A_1424 : i32 to vector<16xi32>
        %add3A_1426 = arith.addi %add3A_1425, %iota3A : vector<16xi32>
        %le3A_1427 = arith.cmpi sle, %broadcast_in_dim3A_866, %add3A_1426 : vector<16xi32>
        %convert_element_type3A_1428 = arith.extui %le3A_1427 : vector<16xi1> to vector<16xi32>
        %add3A_1429 = arith.addi %broadcast_in_dim3A_853, %convert_element_type3A_1428 : vector<16xi32>
        %le3A_1430 = arith.cmpi sle, %broadcast_in_dim3A_869, %add3A_1426 : vector<16xi32>
        %convert_element_type3A_1431 = arith.extui %le3A_1430 : vector<16xi1> to vector<16xi32>
        %add3A_1432 = arith.addi %add3A_1429, %convert_element_type3A_1431 : vector<16xi32>
        %le3A_1433 = arith.cmpi sle, %broadcast_in_dim3A_872, %add3A_1426 : vector<16xi32>
        %convert_element_type3A_1434 = arith.extui %le3A_1433 : vector<16xi1> to vector<16xi32>
        %add3A_1435 = arith.addi %add3A_1432, %convert_element_type3A_1434 : vector<16xi32>
        %le3A_1436 = arith.cmpi sle, %broadcast_in_dim3A_875, %add3A_1426 : vector<16xi32>
        %convert_element_type3A_1437 = arith.extui %le3A_1436 : vector<16xi1> to vector<16xi32>
        %add3A_1438 = arith.addi %add3A_1435, %convert_element_type3A_1437 : vector<16xi32>
        %add3A_1439 = arith.constant 416 : i32
        %add3A_1440 = arith.addi %mul3A_852, %add3A_1439 : i32
        %swap3A_1441 = arith.index_cast %add3A_1440 : i32 to index
        %swap3A_1442 = tpu.vector_load %arg6[%swap3A_1441] {strides = array<i32>} : memref<32768xi32, #tpu.memory_space<vmem>>, vector<16xi32>,
        tpu.vector_store %arg6[%swap3A_1441], %add3A_1438 {strides = array<i32>} : memref<32768xi32, #tpu.memory_space<vmem>>, vector<16xi32>,
        %add3A_1443 = arith.addi %mul3A_2, %mul3A_852 : i32
        %add3A_1444 = arith.constant 432 : i32
        %add3A_1445 = arith.addi %add3A_1443, %add3A_1444 : i32
        %add3A_1446 = vector.broadcast %add3A_1445 : i32 to vector<16xi32>
        %add3A_1447 = arith.addi %add3A_1446, %iota3A : vector<16xi32>
        %le3A_1448 = arith.cmpi sle, %broadcast_in_dim3A_866, %add3A_1447 : vector<16xi32>
        %convert_element_type3A_1449 = arith.extui %le3A_1448 : vector<16xi1> to vector<16xi32>
        %add3A_1450 = arith.addi %broadcast_in_dim3A_853, %convert_element_type3A_1449 : vector<16xi32>
        %le3A_1451 = arith.cmpi sle, %broadcast_in_dim3A_869, %add3A_1447 : vector<16xi32>
        %convert_element_type3A_1452 = arith.extui %le3A_1451 : vector<16xi1> to vector<16xi32>
        %add3A_1453 = arith.addi %add3A_1450, %convert_element_type3A_1452 : vector<16xi32>
        %le3A_1454 = arith.cmpi sle, %broadcast_in_dim3A_872, %add3A_1447 : vector<16xi32>
        %convert_element_type3A_1455 = arith.extui %le3A_1454 : vector<16xi1> to vector<16xi32>
        %add3A_1456 = arith.addi %add3A_1453, %convert_element_type3A_1455 : vector<16xi32>
        %le3A_1457 = arith.cmpi sle, %broadcast_in_dim3A_875, %add3A_1447 : vector<16xi32>
        %convert_element_type3A_1458 = arith.extui %le3A_1457 : vector<16xi1> to vector<16xi32>
        %add3A_1459 = arith.addi %add3A_1456, %convert_element_type3A_1458 : vector<16xi32>
        %add3A_1460 = arith.constant 432 : i32
        %add3A_1461 = arith.addi %mul3A_852, %add3A_1460 : i32
        %swap3A_1462 = arith.index_cast %add3A_1461 : i32 to index
        %swap3A_1463 = tpu.vector_load %arg6[%swap3A_1462] {strides = array<i32>} : memref<32768xi32, #tpu.memory_space<vmem>>, vector<16xi32>,
        tpu.vector_store %arg6[%swap3A_1462], %add3A_1459 {strides = array<i32>} : memref<32768xi32, #tpu.memory_space<vmem>>, vector<16xi32>,
        %add3A_1464 = arith.addi %mul3A_2, %mul3A_852 : i32
        %add3A_1465 = arith.constant 448 : i32
        %add3A_1466 = arith.addi %add3A_1464, %add3A_1465 : i32
        %add3A_1467 = vector.broadcast %add3A_1466 : i32 to vector<16xi32>
        %add3A_1468 = arith.addi %add3A_1467, %iota3A : vector<16xi32>
        %le3A_1469 = arith.cmpi sle, %broadcast_in_dim3A_866, %add3A_1468 : vector<16xi32>
        %convert_element_type3A_1470 = arith.extui %le3A_1469 : vector<16xi1> to vector<16xi32>
        %add3A_1471 = arith.addi %broadcast_in_dim3A_853, %convert_element_type3A_1470 : vector<16xi32>
        %le3A_1472 = arith.cmpi sle, %broadcast_in_dim3A_869, %add3A_1468 : vector<16xi32>
        %convert_element_type3A_1473 = arith.extui %le3A_1472 : vector<16xi1> to vector<16xi32>
        %add3A_1474 = arith.addi %add3A_1471, %convert_element_type3A_1473 : vector<16xi32>
        %le3A_1475 = arith.cmpi sle, %broadcast_in_dim3A_872, %add3A_1468 : vector<16xi32>
        %convert_element_type3A_1476 = arith.extui %le3A_1475 : vector<16xi1> to vector<16xi32>
        %add3A_1477 = arith.addi %add3A_1474, %convert_element_type3A_1476 : vector<16xi32>
        %le3A_1478 = arith.cmpi sle, %broadcast_in_dim3A_875, %add3A_1468 : vector<16xi32>
        %convert_element_type3A_1479 = arith.extui %le3A_1478 : vector<16xi1> to vector<16xi32>
        %add3A_1480 = arith.addi %add3A_1477, %convert_element_type3A_1479 : vector<16xi32>
        %add3A_1481 = arith.constant 448 : i32
        %add3A_1482 = arith.addi %mul3A_852, %add3A_1481 : i32
        %swap3A_1483 = arith.index_cast %add3A_1482 : i32 to index
        %swap3A_1484 = tpu.vector_load %arg6[%swap3A_1483] {strides = array<i32>} : memref<32768xi32, #tpu.memory_space<vmem>>, vector<16xi32>,
        tpu.vector_store %arg6[%swap3A_1483], %add3A_1480 {strides = array<i32>} : memref<32768xi32, #tpu.memory_space<vmem>>, vector<16xi32>,
        %add3A_1485 = arith.addi %mul3A_2, %mul3A_852 : i32
        %add3A_1486 = arith.constant 464 : i32
        %add3A_1487 = arith.addi %add3A_1485, %add3A_1486 : i32
        %add3A_1488 = vector.broadcast %add3A_1487 : i32 to vector<16xi32>
        %add3A_1489 = arith.addi %add3A_1488, %iota3A : vector<16xi32>
        %le3A_1490 = arith.cmpi sle, %broadcast_in_dim3A_866, %add3A_1489 : vector<16xi32>
        %convert_element_type3A_1491 = arith.extui %le3A_1490 : vector<16xi1> to vector<16xi32>
        %add3A_1492 = arith.addi %broadcast_in_dim3A_853, %convert_element_type3A_1491 : vector<16xi32>
        %le3A_1493 = arith.cmpi sle, %broadcast_in_dim3A_869, %add3A_1489 : vector<16xi32>
        %convert_element_type3A_1494 = arith.extui %le3A_1493 : vector<16xi1> to vector<16xi32>
        %add3A_1495 = arith.addi %add3A_1492, %convert_element_type3A_1494 : vector<16xi32>
        %le3A_1496 = arith.cmpi sle, %broadcast_in_dim3A_872, %add3A_1489 : vector<16xi32>
        %convert_element_type3A_1497 = arith.extui %le3A_1496 : vector<16xi1> to vector<16xi32>
        %add3A_1498 = arith.addi %add3A_1495, %convert_element_type3A_1497 : vector<16xi32>
        %le3A_1499 = arith.cmpi sle, %broadcast_in_dim3A_875, %add3A_1489 : vector<16xi32>
        %convert_element_type3A_1500 = arith.extui %le3A_1499 : vector<16xi1> to vector<16xi32>
        %add3A_1501 = arith.addi %add3A_1498, %convert_element_type3A_1500 : vector<16xi32>
        %add3A_1502 = arith.constant 464 : i32
        %add3A_1503 = arith.addi %mul3A_852, %add3A_1502 : i32
        %swap3A_1504 = arith.index_cast %add3A_1503 : i32 to index
        %swap3A_1505 = tpu.vector_load %arg6[%swap3A_1504] {strides = array<i32>} : memref<32768xi32, #tpu.memory_space<vmem>>, vector<16xi32>,
        tpu.vector_store %arg6[%swap3A_1504], %add3A_1501 {strides = array<i32>} : memref<32768xi32, #tpu.memory_space<vmem>>, vector<16xi32>,
        %add3A_1506 = arith.addi %mul3A_2, %mul3A_852 : i32
        %add3A_1507 = arith.constant 480 : i32
        %add3A_1508 = arith.addi %add3A_1506, %add3A_1507 : i32
        %add3A_1509 = vector.broadcast %add3A_1508 : i32 to vector<16xi32>
        %add3A_1510 = arith.addi %add3A_1509, %iota3A : vector<16xi32>
        %le3A_1511 = arith.cmpi sle, %broadcast_in_dim3A_866, %add3A_1510 : vector<16xi32>
        %convert_element_type3A_1512 = arith.extui %le3A_1511 : vector<16xi1> to vector<16xi32>
        %add3A_1513 = arith.addi %broadcast_in_dim3A_853, %convert_element_type3A_1512 : vector<16xi32>
        %le3A_1514 = arith.cmpi sle, %broadcast_in_dim3A_869, %add3A_1510 : vector<16xi32>
        %convert_element_type3A_1515 = arith.extui %le3A_1514 : vector<16xi1> to vector<16xi32>
        %add3A_1516 = arith.addi %add3A_1513, %convert_element_type3A_1515 : vector<16xi32>
        %le3A_1517 = arith.cmpi sle, %broadcast_in_dim3A_872, %add3A_1510 : vector<16xi32>
        %convert_element_type3A_1518 = arith.extui %le3A_1517 : vector<16xi1> to vector<16xi32>
        %add3A_1519 = arith.addi %add3A_1516, %convert_element_type3A_1518 : vector<16xi32>
        %le3A_1520 = arith.cmpi sle, %broadcast_in_dim3A_875, %add3A_1510 : vector<16xi32>
        %convert_element_type3A_1521 = arith.extui %le3A_1520 : vector<16xi1> to vector<16xi32>
        %add3A_1522 = arith.addi %add3A_1519, %convert_element_type3A_1521 : vector<16xi32>
        %add3A_1523 = arith.constant 480 : i32
        %add3A_1524 = arith.addi %mul3A_852, %add3A_1523 : i32
        %swap3A_1525 = arith.index_cast %add3A_1524 : i32 to index
        %swap3A_1526 = tpu.vector_load %arg6[%swap3A_1525] {strides = array<i32>} : memref<32768xi32, #tpu.memory_space<vmem>>, vector<16xi32>,
        tpu.vector_store %arg6[%swap3A_1525], %add3A_1522 {strides = array<i32>} : memref<32768xi32, #tpu.memory_space<vmem>>, vector<16xi32>,
        %add3A_1527 = arith.addi %mul3A_2, %mul3A_852 : i32
        %add3A_1528 = arith.constant 496 : i32
        %add3A_1529 = arith.addi %add3A_1527, %add3A_1528 : i32
        %add3A_1530 = vector.broadcast %add3A_1529 : i32 to vector<16xi32>
        %add3A_1531 = arith.addi %add3A_1530, %iota3A : vector<16xi32>
        %le3A_1532 = arith.cmpi sle, %broadcast_in_dim3A_866, %add3A_1531 : vector<16xi32>
        %convert_element_type3A_1533 = arith.extui %le3A_1532 : vector<16xi1> to vector<16xi32>
        %add3A_1534 = arith.addi %broadcast_in_dim3A_853, %convert_element_type3A_1533 : vector<16xi32>
        %le3A_1535 = arith.cmpi sle, %broadcast_in_dim3A_869, %add3A_1531 : vector<16xi32>
        %convert_element_type3A_1536 = arith.extui %le3A_1535 : vector<16xi1> to vector<16xi32>
        %add3A_1537 = arith.addi %add3A_1534, %convert_element_type3A_1536 : vector<16xi32>
        %le3A_1538 = arith.cmpi sle, %broadcast_in_dim3A_872, %add3A_1531 : vector<16xi32>
        %convert_element_type3A_1539 = arith.extui %le3A_1538 : vector<16xi1> to vector<16xi32>
        %add3A_1540 = arith.addi %add3A_1537, %convert_element_type3A_1539 : vector<16xi32>
        %le3A_1541 = arith.cmpi sle, %broadcast_in_dim3A_875, %add3A_1531 : vector<16xi32>
        %convert_element_type3A_1542 = arith.extui %le3A_1541 : vector<16xi1> to vector<16xi32>
        %add3A_1543 = arith.addi %add3A_1540, %convert_element_type3A_1542 : vector<16xi32>
        %add3A_1544 = arith.constant 496 : i32
        %add3A_1545 = arith.addi %mul3A_852, %add3A_1544 : i32
        %swap3A_1546 = arith.index_cast %add3A_1545 : i32 to index
        %swap3A_1547 = tpu.vector_load %arg6[%swap3A_1546] {strides = array<i32>} : memref<32768xi32, #tpu.memory_space<vmem>>, vector<16xi32>,
        tpu.vector_store %arg6[%swap3A_1546], %add3A_1543 {strides = array<i32>} : memref<32768xi32, #tpu.memory_space<vmem>>, vector<16xi32>,
      } else {
      }
      %sub3A_857 = arith.subi %squeeze3A_850, %squeeze3A : i32
      %gt3A = arith.constant 4 : i32
      %gt3A_858 = arith.cmpi sgt, %sub3A_857, %gt3A : i32
      %convert_element_type3A_859 = arith.extui %gt3A_858 : i1 to i32
      %cond3A_860 = arith.constant 0 : i32
      %cond3A_861 = arith.cmpi ne, %convert_element_type3A_859, %cond3A_860 : i32
      scf.if %cond3A_861 {
        %broadcast_in_dim3A_862 = vector.broadcast %squeeze3A_850 : i32 to vector<16xi32>
        %scan3A_863 = arith.constant 0 : i32
        %scan3A_864 = arith.constant 0 : i32
        %scan3A_865 = arith.constant 32 : i32
        %scan3A_866 = arith.addi %scan3A_864, %scan3A_865 : i32
        %scan3A_867 = arith.constant 1 : i32
        scf.for %scan3A_869 = %scan3A_864 to %scan3A_866 step %scan3A_867  : i32 {
          %add3A_870 = arith.addi %mul3A_2, %mul3A_852 : i32
          %mul3A_871 = arith.constant 16 : i32
          %mul3A_872 = arith.muli %scan3A_869, %mul3A_871 : i32
          %add3A_873 = arith.addi %add3A_870, %mul3A_872 : i32
          %add3A_874 = vector.broadcast %add3A_873 : i32 to vector<16xi32>
          %add3A_875 = arith.addi %add3A_874, %iota3A : vector<16xi32>
          %add3A_876 = arith.addi %broadcast_in_dim3A_853, %broadcast_in_dim3A_862 : vector<16xi32>
          %shift_right_arithmetic3A_877 = arith.constant 1 : i32
          %shift_right_arithmetic3A_878 = vector.broadcast %shift_right_arithmetic3A_877 : i32 to vector<16xi32>
          %shift_right_arithmetic3A_879 = arith.shrsi %add3A_876, %shift_right_arithmetic3A_878 : vector<16xi32>
          %gather3A_880 = tpu.vector_load_idx %arg4[%shift_right_arithmetic3A_879] : memref<4112xi32, #tpu.memory_space<vmem>>[vector<16xi32>], vector<16xi32>,
          %le3A_881 = arith.cmpi sle, %gather3A_880, %add3A_875 : vector<16xi32>
          %add3A_882 = arith.constant 1 : i32
          %add3A_883 = vector.broadcast %add3A_882 : i32 to vector<16xi32>
          %add3A_884 = arith.addi %shift_right_arithmetic3A_879, %add3A_883 : vector<16xi32>
          %select_n3A_885 = arith.select %le3A_881, %add3A_884, %broadcast_in_dim3A_853 : vector<16xi1>, vector<16xi32>
          %select_n3A_886 = arith.select %le3A_881, %broadcast_in_dim3A_862, %shift_right_arithmetic3A_879 : vector<16xi1>, vector<16xi32>
          %add3A_887 = arith.addi %select_n3A_885, %select_n3A_886 : vector<16xi32>
          %shift_right_arithmetic3A_888 = arith.constant 1 : i32
          %shift_right_arithmetic3A_889 = vector.broadcast %shift_right_arithmetic3A_888 : i32 to vector<16xi32>
          %shift_right_arithmetic3A_890 = arith.shrsi %add3A_887, %shift_right_arithmetic3A_889 : vector<16xi32>
          %gather3A_891 = tpu.vector_load_idx %arg4[%shift_right_arithmetic3A_890] : memref<4112xi32, #tpu.memory_space<vmem>>[vector<16xi32>], vector<16xi32>,
          %le3A_892 = arith.cmpi sle, %gather3A_891, %add3A_875 : vector<16xi32>
          %add3A_893 = arith.constant 1 : i32
          %add3A_894 = vector.broadcast %add3A_893 : i32 to vector<16xi32>
          %add3A_895 = arith.addi %shift_right_arithmetic3A_890, %add3A_894 : vector<16xi32>
          %select_n3A_896 = arith.select %le3A_892, %add3A_895, %select_n3A_885 : vector<16xi1>, vector<16xi32>
          %select_n3A_897 = arith.select %le3A_892, %select_n3A_886, %shift_right_arithmetic3A_890 : vector<16xi1>, vector<16xi32>
          %add3A_898 = arith.addi %select_n3A_896, %select_n3A_897 : vector<16xi32>
          %shift_right_arithmetic3A_899 = arith.constant 1 : i32
          %shift_right_arithmetic3A_900 = vector.broadcast %shift_right_arithmetic3A_899 : i32 to vector<16xi32>
          %shift_right_arithmetic3A_901 = arith.shrsi %add3A_898, %shift_right_arithmetic3A_900 : vector<16xi32>
          %gather3A_902 = tpu.vector_load_idx %arg4[%shift_right_arithmetic3A_901] : memref<4112xi32, #tpu.memory_space<vmem>>[vector<16xi32>], vector<16xi32>,
          %le3A_903 = arith.cmpi sle, %gather3A_902, %add3A_875 : vector<16xi32>
          %add3A_904 = arith.constant 1 : i32
          %add3A_905 = vector.broadcast %add3A_904 : i32 to vector<16xi32>
          %add3A_906 = arith.addi %shift_right_arithmetic3A_901, %add3A_905 : vector<16xi32>
          %select_n3A_907 = arith.select %le3A_903, %add3A_906, %select_n3A_896 : vector<16xi1>, vector<16xi32>
          %select_n3A_908 = arith.select %le3A_903, %select_n3A_897, %shift_right_arithmetic3A_901 : vector<16xi1>, vector<16xi32>
          %add3A_909 = arith.addi %select_n3A_907, %select_n3A_908 : vector<16xi32>
          %shift_right_arithmetic3A_910 = arith.constant 1 : i32
          %shift_right_arithmetic3A_911 = vector.broadcast %shift_right_arithmetic3A_910 : i32 to vector<16xi32>
          %shift_right_arithmetic3A_912 = arith.shrsi %add3A_909, %shift_right_arithmetic3A_911 : vector<16xi32>
          %gather3A_913 = tpu.vector_load_idx %arg4[%shift_right_arithmetic3A_912] : memref<4112xi32, #tpu.memory_space<vmem>>[vector<16xi32>], vector<16xi32>,
          %le3A_914 = arith.cmpi sle, %gather3A_913, %add3A_875 : vector<16xi32>
          %add3A_915 = arith.constant 1 : i32
          %add3A_916 = vector.broadcast %add3A_915 : i32 to vector<16xi32>
          %add3A_917 = arith.addi %shift_right_arithmetic3A_912, %add3A_916 : vector<16xi32>
          %select_n3A_918 = arith.select %le3A_914, %add3A_917, %select_n3A_907 : vector<16xi1>, vector<16xi32>
          %select_n3A_919 = arith.select %le3A_914, %select_n3A_908, %shift_right_arithmetic3A_912 : vector<16xi1>, vector<16xi32>
          %add3A_920 = arith.addi %select_n3A_918, %select_n3A_919 : vector<16xi32>
          %shift_right_arithmetic3A_921 = arith.constant 1 : i32
          %shift_right_arithmetic3A_922 = vector.broadcast %shift_right_arithmetic3A_921 : i32 to vector<16xi32>
          %shift_right_arithmetic3A_923 = arith.shrsi %add3A_920, %shift_right_arithmetic3A_922 : vector<16xi32>
          %gather3A_924 = tpu.vector_load_idx %arg4[%shift_right_arithmetic3A_923] : memref<4112xi32, #tpu.memory_space<vmem>>[vector<16xi32>], vector<16xi32>,
          %le3A_925 = arith.cmpi sle, %gather3A_924, %add3A_875 : vector<16xi32>
          %add3A_926 = arith.constant 1 : i32
          %add3A_927 = vector.broadcast %add3A_926 : i32 to vector<16xi32>
          %add3A_928 = arith.addi %shift_right_arithmetic3A_923, %add3A_927 : vector<16xi32>
          %select_n3A_929 = arith.select %le3A_925, %add3A_928, %select_n3A_918 : vector<16xi1>, vector<16xi32>
          %select_n3A_930 = arith.select %le3A_925, %select_n3A_919, %shift_right_arithmetic3A_923 : vector<16xi1>, vector<16xi32>
          %add3A_931 = arith.addi %select_n3A_929, %select_n3A_930 : vector<16xi32>
          %shift_right_arithmetic3A_932 = arith.constant 1 : i32
          %shift_right_arithmetic3A_933 = vector.broadcast %shift_right_arithmetic3A_932 : i32 to vector<16xi32>
          %shift_right_arithmetic3A_934 = arith.shrsi %add3A_931, %shift_right_arithmetic3A_933 : vector<16xi32>
          %gather3A_935 = tpu.vector_load_idx %arg4[%shift_right_arithmetic3A_934] : memref<4112xi32, #tpu.memory_space<vmem>>[vector<16xi32>], vector<16xi32>,
          %le3A_936 = arith.cmpi sle, %gather3A_935, %add3A_875 : vector<16xi32>
          %add3A_937 = arith.constant 1 : i32
          %add3A_938 = vector.broadcast %add3A_937 : i32 to vector<16xi32>
          %add3A_939 = arith.addi %shift_right_arithmetic3A_934, %add3A_938 : vector<16xi32>
          %select_n3A_940 = arith.select %le3A_936, %add3A_939, %select_n3A_929 : vector<16xi1>, vector<16xi32>
          %select_n3A_941 = arith.select %le3A_936, %select_n3A_930, %shift_right_arithmetic3A_934 : vector<16xi1>, vector<16xi32>
          %add3A_942 = arith.addi %select_n3A_940, %select_n3A_941 : vector<16xi32>
          %shift_right_arithmetic3A_943 = arith.constant 1 : i32
          %shift_right_arithmetic3A_944 = vector.broadcast %shift_right_arithmetic3A_943 : i32 to vector<16xi32>
          %shift_right_arithmetic3A_945 = arith.shrsi %add3A_942, %shift_right_arithmetic3A_944 : vector<16xi32>
          %gather3A_946 = tpu.vector_load_idx %arg4[%shift_right_arithmetic3A_945] : memref<4112xi32, #tpu.memory_space<vmem>>[vector<16xi32>], vector<16xi32>,
          %le3A_947 = arith.cmpi sle, %gather3A_946, %add3A_875 : vector<16xi32>
          %add3A_948 = arith.constant 1 : i32
          %add3A_949 = vector.broadcast %add3A_948 : i32 to vector<16xi32>
          %add3A_950 = arith.addi %shift_right_arithmetic3A_945, %add3A_949 : vector<16xi32>
          %select_n3A_951 = arith.select %le3A_947, %add3A_950, %select_n3A_940 : vector<16xi1>, vector<16xi32>
          %select_n3A_952 = arith.select %le3A_947, %select_n3A_941, %shift_right_arithmetic3A_945 : vector<16xi1>, vector<16xi32>
          %add3A_953 = arith.addi %select_n3A_951, %select_n3A_952 : vector<16xi32>
          %shift_right_arithmetic3A_954 = arith.constant 1 : i32
          %shift_right_arithmetic3A_955 = vector.broadcast %shift_right_arithmetic3A_954 : i32 to vector<16xi32>
          %shift_right_arithmetic3A_956 = arith.shrsi %add3A_953, %shift_right_arithmetic3A_955 : vector<16xi32>
          %gather3A_957 = tpu.vector_load_idx %arg4[%shift_right_arithmetic3A_956] : memref<4112xi32, #tpu.memory_space<vmem>>[vector<16xi32>], vector<16xi32>,
          %le3A_958 = arith.cmpi sle, %gather3A_957, %add3A_875 : vector<16xi32>
          %add3A_959 = arith.constant 1 : i32
          %add3A_960 = vector.broadcast %add3A_959 : i32 to vector<16xi32>
          %add3A_961 = arith.addi %shift_right_arithmetic3A_956, %add3A_960 : vector<16xi32>
          %select_n3A_962 = arith.select %le3A_958, %add3A_961, %select_n3A_951 : vector<16xi1>, vector<16xi32>
          %select_n3A_963 = arith.select %le3A_958, %select_n3A_952, %shift_right_arithmetic3A_956 : vector<16xi1>, vector<16xi32>
          %add3A_964 = arith.addi %select_n3A_962, %select_n3A_963 : vector<16xi32>
          %shift_right_arithmetic3A_965 = arith.constant 1 : i32
          %shift_right_arithmetic3A_966 = vector.broadcast %shift_right_arithmetic3A_965 : i32 to vector<16xi32>
          %shift_right_arithmetic3A_967 = arith.shrsi %add3A_964, %shift_right_arithmetic3A_966 : vector<16xi32>
          %gather3A_968 = tpu.vector_load_idx %arg4[%shift_right_arithmetic3A_967] : memref<4112xi32, #tpu.memory_space<vmem>>[vector<16xi32>], vector<16xi32>,
          %le3A_969 = arith.cmpi sle, %gather3A_968, %add3A_875 : vector<16xi32>
          %add3A_970 = arith.constant 1 : i32
          %add3A_971 = vector.broadcast %add3A_970 : i32 to vector<16xi32>
          %add3A_972 = arith.addi %shift_right_arithmetic3A_967, %add3A_971 : vector<16xi32>
          %select_n3A_973 = arith.select %le3A_969, %add3A_972, %select_n3A_962 : vector<16xi1>, vector<16xi32>
          %select_n3A_974 = arith.select %le3A_969, %select_n3A_963, %shift_right_arithmetic3A_967 : vector<16xi1>, vector<16xi32>
          %add3A_975 = arith.addi %select_n3A_973, %select_n3A_974 : vector<16xi32>
          %shift_right_arithmetic3A_976 = arith.constant 1 : i32
          %shift_right_arithmetic3A_977 = vector.broadcast %shift_right_arithmetic3A_976 : i32 to vector<16xi32>
          %shift_right_arithmetic3A_978 = arith.shrsi %add3A_975, %shift_right_arithmetic3A_977 : vector<16xi32>
          %gather3A_979 = tpu.vector_load_idx %arg4[%shift_right_arithmetic3A_978] : memref<4112xi32, #tpu.memory_space<vmem>>[vector<16xi32>], vector<16xi32>,
          %le3A_980 = arith.cmpi sle, %gather3A_979, %add3A_875 : vector<16xi32>
          %add3A_981 = arith.constant 1 : i32
          %add3A_982 = vector.broadcast %add3A_981 : i32 to vector<16xi32>
          %add3A_983 = arith.addi %shift_right_arithmetic3A_978, %add3A_982 : vector<16xi32>
          %select_n3A_984 = arith.select %le3A_980, %add3A_983, %select_n3A_973 : vector<16xi1>, vector<16xi32>
          %select_n3A_985 = arith.select %le3A_980, %select_n3A_974, %shift_right_arithmetic3A_978 : vector<16xi1>, vector<16xi32>
          %add3A_986 = arith.addi %select_n3A_984, %select_n3A_985 : vector<16xi32>
          %shift_right_arithmetic3A_987 = arith.constant 1 : i32
          %shift_right_arithmetic3A_988 = vector.broadcast %shift_right_arithmetic3A_987 : i32 to vector<16xi32>
          %shift_right_arithmetic3A_989 = arith.shrsi %add3A_986, %shift_right_arithmetic3A_988 : vector<16xi32>
          %gather3A_990 = tpu.vector_load_idx %arg4[%shift_right_arithmetic3A_989] : memref<4112xi32, #tpu.memory_space<vmem>>[vector<16xi32>], vector<16xi32>,
          %le3A_991 = arith.cmpi sle, %gather3A_990, %add3A_875 : vector<16xi32>
          %add3A_992 = arith.constant 1 : i32
          %add3A_993 = vector.broadcast %add3A_992 : i32 to vector<16xi32>
          %add3A_994 = arith.addi %shift_right_arithmetic3A_989, %add3A_993 : vector<16xi32>
          %select_n3A_995 = arith.select %le3A_991, %add3A_994, %select_n3A_984 : vector<16xi1>, vector<16xi32>
          %select_n3A_996 = arith.select %le3A_991, %select_n3A_985, %shift_right_arithmetic3A_989 : vector<16xi1>, vector<16xi32>
          %add3A_997 = arith.addi %select_n3A_995, %select_n3A_996 : vector<16xi32>
          %shift_right_arithmetic3A_998 = arith.constant 1 : i32
          %shift_right_arithmetic3A_999 = vector.broadcast %shift_right_arithmetic3A_998 : i32 to vector<16xi32>
          %shift_right_arithmetic3A_1000 = arith.shrsi %add3A_997, %shift_right_arithmetic3A_999 : vector<16xi32>
          %gather3A_1001 = tpu.vector_load_idx %arg4[%shift_right_arithmetic3A_1000] : memref<4112xi32, #tpu.memory_space<vmem>>[vector<16xi32>], vector<16xi32>,
          %le3A_1002 = arith.cmpi sle, %gather3A_1001, %add3A_875 : vector<16xi32>
          %add3A_1003 = arith.constant 1 : i32
          %add3A_1004 = vector.broadcast %add3A_1003 : i32 to vector<16xi32>
          %add3A_1005 = arith.addi %shift_right_arithmetic3A_1000, %add3A_1004 : vector<16xi32>
          %select_n3A_1006 = arith.select %le3A_1002, %add3A_1005, %select_n3A_995 : vector<16xi1>, vector<16xi32>
          %select_n3A_1007 = arith.select %le3A_1002, %select_n3A_996, %shift_right_arithmetic3A_1000 : vector<16xi1>, vector<16xi32>
          %add3A_1008 = arith.addi %select_n3A_1006, %select_n3A_1007 : vector<16xi32>
          %shift_right_arithmetic3A_1009 = arith.constant 1 : i32
          %shift_right_arithmetic3A_1010 = vector.broadcast %shift_right_arithmetic3A_1009 : i32 to vector<16xi32>
          %shift_right_arithmetic3A_1011 = arith.shrsi %add3A_1008, %shift_right_arithmetic3A_1010 : vector<16xi32>
          %gather3A_1012 = tpu.vector_load_idx %arg4[%shift_right_arithmetic3A_1011] : memref<4112xi32, #tpu.memory_space<vmem>>[vector<16xi32>], vector<16xi32>,
          %le3A_1013 = arith.cmpi sle, %gather3A_1012, %add3A_875 : vector<16xi32>
          %add3A_1014 = arith.constant 1 : i32
          %add3A_1015 = vector.broadcast %add3A_1014 : i32 to vector<16xi32>
          %add3A_1016 = arith.addi %shift_right_arithmetic3A_1011, %add3A_1015 : vector<16xi32>
          %select_n3A_1017 = arith.select %le3A_1013, %add3A_1016, %select_n3A_1006 : vector<16xi1>, vector<16xi32>
          %select_n3A_1018 = arith.select %le3A_1013, %select_n3A_1007, %shift_right_arithmetic3A_1011 : vector<16xi1>, vector<16xi32>
          %mul3A_1019 = arith.constant 16 : i32
          %mul3A_1020 = arith.muli %scan3A_869, %mul3A_1019 : i32
          %add3A_1021 = arith.addi %mul3A_852, %mul3A_1020 : i32
          %swap3A_1022 = arith.index_cast %add3A_1021 : i32 to index
          %swap3A_1023 = tpu.vector_load %arg6[%swap3A_1022] {strides = array<i32>} : memref<32768xi32, #tpu.memory_space<vmem>>, vector<16xi32>,
          tpu.vector_store %arg6[%swap3A_1022], %select_n3A_1017 {strides = array<i32>} : memref<32768xi32, #tpu.memory_space<vmem>>, vector<16xi32>,
        }
        %scan3A_868 = arith.constant 32 : i32
      } else {
      }
    }
    %scan3A_801 = arith.constant 16 : i32
    %add3A_802 = arith.constant 16384 : i32
    %add3A_803 = arith.addi %mul3A_2, %add3A_802 : i32
    %dma_start3A_804 = arith.constant 16384 : i32
    %dma_start3A_805 = tpu.memref_slice %arg6[%dma_start3A_804] : memref<32768xi32, #tpu.memory_space<vmem>> -> memref<8192xi32, #tpu.memory_space<vmem>>
    %dma_start3A_806 = tpu.memref_slice %arg3[%add3A_803] : memref<1048576xi32, #tpu.memory_space<hbm>> -> memref<8192xi32, #tpu.memory_space<hbm>>
    %dma_start3A_807 = tpu.memref_slice %arg3[%add3A_803] : memref<1048576xi32, #tpu.memory_space<hbm>> -> memref<8192xi32, #tpu.memory_space<hbm>>
    %dma_start3A_808 = arith.constant 16384 : i32
    %dma_start3A_809 = tpu.memref_slice %arg6[%dma_start3A_808] : memref<32768xi32, #tpu.memory_space<vmem>> -> memref<8192xi32, #tpu.memory_space<vmem>>
    tpu.enqueue_dma source(%dma_start3A_809 : memref<8192xi32, #tpu.memory_space<vmem>>) target(%dma_start3A_807 : memref<8192xi32, #tpu.memory_space<hbm>>) target_semaphore(%arg7 : memref<!tpu.dma_semaphore, #tpu.memory_space<semaphore_mem>>)
    %scan3A_810 = arith.constant 0 : i32
    %scan3A_811 = arith.constant 48 : i32
    %scan3A_812 = arith.constant 16 : i32
    %scan3A_813 = arith.addi %scan3A_811, %scan3A_812 : i32
    %scan3A_814 = arith.constant 1 : i32
    scf.for %scan3A_847 = %scan3A_811 to %scan3A_813 step %scan3A_814  : i32 {
      %get3A = arith.index_cast %scan3A_847 : i32 to index
      %get3A_848 = tpu.vector_load %arg5[%get3A] {strides = array<i32>} : memref<80xi32, #tpu.memory_space<vmem>>, vector<16xi32>,
      %slice3A = vector.extract_strided_slice %get3A_848 {offsets = [0], sizes = [1], strides = [1]} : vector<16xi32> to vector<1xi32>
      %squeeze3A = vector.extract %slice3A[0] : i32 from vector<1xi32>
      %slice3A_849 = vector.extract_strided_slice %get3A_848 {offsets = [1], sizes = [1], strides = [1]} : vector<16xi32> to vector<1xi32>
      %squeeze3A_850 = vector.extract %slice3A_849[0] : i32 from vector<1xi32>
      %mul3A_851 = arith.constant 512 : i32
      %mul3A_852 = arith.muli %scan3A_847, %mul3A_851 : i32
      %broadcast_in_dim3A_853 = vector.broadcast %squeeze3A : i32 to vector<16xi32>
      %sub3A = arith.subi %squeeze3A_850, %squeeze3A : i32
      %le3A_854 = arith.constant 4 : i32
      %le3A_855 = arith.cmpi sle, %sub3A, %le3A_854 : i32
      %convert_element_type3A = arith.extui %le3A_855 : i1 to i32
      %cond3A = arith.constant 0 : i32
      %cond3A_856 = arith.cmpi ne, %convert_element_type3A, %cond3A : i32
      scf.if %cond3A_856 {
        %get3A_862 = arith.index_cast %squeeze3A : i32 to index
        %get3A_863 = tpu.vector_load %arg4[%get3A_862] {strides = array<i32>} : memref<4112xi32, #tpu.memory_space<vmem>>, vector<16xi32>,
        %slice3A_864 = vector.extract_strided_slice %get3A_863 {offsets = [0], sizes = [1], strides = [1]} : vector<16xi32> to vector<1xi32>
        %squeeze3A_865 = vector.extract %slice3A_864[0] : i32 from vector<1xi32>
        %broadcast_in_dim3A_866 = vector.broadcast %squeeze3A_865 : i32 to vector<16xi32>
        %slice3A_867 = vector.extract_strided_slice %get3A_863 {offsets = [1], sizes = [1], strides = [1]} : vector<16xi32> to vector<1xi32>
        %squeeze3A_868 = vector.extract %slice3A_867[0] : i32 from vector<1xi32>
        %broadcast_in_dim3A_869 = vector.broadcast %squeeze3A_868 : i32 to vector<16xi32>
        %slice3A_870 = vector.extract_strided_slice %get3A_863 {offsets = [2], sizes = [1], strides = [1]} : vector<16xi32> to vector<1xi32>
        %squeeze3A_871 = vector.extract %slice3A_870[0] : i32 from vector<1xi32>
        %broadcast_in_dim3A_872 = vector.broadcast %squeeze3A_871 : i32 to vector<16xi32>
        %slice3A_873 = vector.extract_strided_slice %get3A_863 {offsets = [3], sizes = [1], strides = [1]} : vector<16xi32> to vector<1xi32>
        %squeeze3A_874 = vector.extract %slice3A_873[0] : i32 from vector<1xi32>
        %broadcast_in_dim3A_875 = vector.broadcast %squeeze3A_874 : i32 to vector<16xi32>
        %add3A_876 = arith.addi %mul3A_2, %mul3A_852 : i32
        %add3A_877 = arith.constant 0 : i32
        %add3A_878 = arith.addi %add3A_876, %add3A_877 : i32
        %add3A_879 = vector.broadcast %add3A_878 : i32 to vector<16xi32>
        %add3A_880 = arith.addi %add3A_879, %iota3A : vector<16xi32>
        %le3A_881 = arith.cmpi sle, %broadcast_in_dim3A_866, %add3A_880 : vector<16xi32>
        %convert_element_type3A_882 = arith.extui %le3A_881 : vector<16xi1> to vector<16xi32>
        %add3A_883 = arith.addi %broadcast_in_dim3A_853, %convert_element_type3A_882 : vector<16xi32>
        %le3A_884 = arith.cmpi sle, %broadcast_in_dim3A_869, %add3A_880 : vector<16xi32>
        %convert_element_type3A_885 = arith.extui %le3A_884 : vector<16xi1> to vector<16xi32>
        %add3A_886 = arith.addi %add3A_883, %convert_element_type3A_885 : vector<16xi32>
        %le3A_887 = arith.cmpi sle, %broadcast_in_dim3A_872, %add3A_880 : vector<16xi32>
        %convert_element_type3A_888 = arith.extui %le3A_887 : vector<16xi1> to vector<16xi32>
        %add3A_889 = arith.addi %add3A_886, %convert_element_type3A_888 : vector<16xi32>
        %le3A_890 = arith.cmpi sle, %broadcast_in_dim3A_875, %add3A_880 : vector<16xi32>
        %convert_element_type3A_891 = arith.extui %le3A_890 : vector<16xi1> to vector<16xi32>
        %add3A_892 = arith.addi %add3A_889, %convert_element_type3A_891 : vector<16xi32>
        %add3A_893 = arith.constant 0 : i32
        %add3A_894 = arith.addi %mul3A_852, %add3A_893 : i32
        %swap3A_895 = arith.index_cast %add3A_894 : i32 to index
        %swap3A_896 = tpu.vector_load %arg6[%swap3A_895] {strides = array<i32>} : memref<32768xi32, #tpu.memory_space<vmem>>, vector<16xi32>,
        tpu.vector_store %arg6[%swap3A_895], %add3A_892 {strides = array<i32>} : memref<32768xi32, #tpu.memory_space<vmem>>, vector<16xi32>,
        %add3A_897 = arith.addi %mul3A_2, %mul3A_852 : i32
        %add3A_898 = arith.constant 16 : i32
        %add3A_899 = arith.addi %add3A_897, %add3A_898 : i32
        %add3A_900 = vector.broadcast %add3A_899 : i32 to vector<16xi32>
        %add3A_901 = arith.addi %add3A_900, %iota3A : vector<16xi32>
        %le3A_902 = arith.cmpi sle, %broadcast_in_dim3A_866, %add3A_901 : vector<16xi32>
        %convert_element_type3A_903 = arith.extui %le3A_902 : vector<16xi1> to vector<16xi32>
        %add3A_904 = arith.addi %broadcast_in_dim3A_853, %convert_element_type3A_903 : vector<16xi32>
        %le3A_905 = arith.cmpi sle, %broadcast_in_dim3A_869, %add3A_901 : vector<16xi32>
        %convert_element_type3A_906 = arith.extui %le3A_905 : vector<16xi1> to vector<16xi32>
        %add3A_907 = arith.addi %add3A_904, %convert_element_type3A_906 : vector<16xi32>
        %le3A_908 = arith.cmpi sle, %broadcast_in_dim3A_872, %add3A_901 : vector<16xi32>
        %convert_element_type3A_909 = arith.extui %le3A_908 : vector<16xi1> to vector<16xi32>
        %add3A_910 = arith.addi %add3A_907, %convert_element_type3A_909 : vector<16xi32>
        %le3A_911 = arith.cmpi sle, %broadcast_in_dim3A_875, %add3A_901 : vector<16xi32>
        %convert_element_type3A_912 = arith.extui %le3A_911 : vector<16xi1> to vector<16xi32>
        %add3A_913 = arith.addi %add3A_910, %convert_element_type3A_912 : vector<16xi32>
        %add3A_914 = arith.constant 16 : i32
        %add3A_915 = arith.addi %mul3A_852, %add3A_914 : i32
        %swap3A_916 = arith.index_cast %add3A_915 : i32 to index
        %swap3A_917 = tpu.vector_load %arg6[%swap3A_916] {strides = array<i32>} : memref<32768xi32, #tpu.memory_space<vmem>>, vector<16xi32>,
        tpu.vector_store %arg6[%swap3A_916], %add3A_913 {strides = array<i32>} : memref<32768xi32, #tpu.memory_space<vmem>>, vector<16xi32>,
        %add3A_918 = arith.addi %mul3A_2, %mul3A_852 : i32
        %add3A_919 = arith.constant 32 : i32
        %add3A_920 = arith.addi %add3A_918, %add3A_919 : i32
        %add3A_921 = vector.broadcast %add3A_920 : i32 to vector<16xi32>
        %add3A_922 = arith.addi %add3A_921, %iota3A : vector<16xi32>
        %le3A_923 = arith.cmpi sle, %broadcast_in_dim3A_866, %add3A_922 : vector<16xi32>
        %convert_element_type3A_924 = arith.extui %le3A_923 : vector<16xi1> to vector<16xi32>
        %add3A_925 = arith.addi %broadcast_in_dim3A_853, %convert_element_type3A_924 : vector<16xi32>
        %le3A_926 = arith.cmpi sle, %broadcast_in_dim3A_869, %add3A_922 : vector<16xi32>
        %convert_element_type3A_927 = arith.extui %le3A_926 : vector<16xi1> to vector<16xi32>
        %add3A_928 = arith.addi %add3A_925, %convert_element_type3A_927 : vector<16xi32>
        %le3A_929 = arith.cmpi sle, %broadcast_in_dim3A_872, %add3A_922 : vector<16xi32>
        %convert_element_type3A_930 = arith.extui %le3A_929 : vector<16xi1> to vector<16xi32>
        %add3A_931 = arith.addi %add3A_928, %convert_element_type3A_930 : vector<16xi32>
        %le3A_932 = arith.cmpi sle, %broadcast_in_dim3A_875, %add3A_922 : vector<16xi32>
        %convert_element_type3A_933 = arith.extui %le3A_932 : vector<16xi1> to vector<16xi32>
        %add3A_934 = arith.addi %add3A_931, %convert_element_type3A_933 : vector<16xi32>
        %add3A_935 = arith.constant 32 : i32
        %add3A_936 = arith.addi %mul3A_852, %add3A_935 : i32
        %swap3A_937 = arith.index_cast %add3A_936 : i32 to index
        %swap3A_938 = tpu.vector_load %arg6[%swap3A_937] {strides = array<i32>} : memref<32768xi32, #tpu.memory_space<vmem>>, vector<16xi32>,
        tpu.vector_store %arg6[%swap3A_937], %add3A_934 {strides = array<i32>} : memref<32768xi32, #tpu.memory_space<vmem>>, vector<16xi32>,
        %add3A_939 = arith.addi %mul3A_2, %mul3A_852 : i32
        %add3A_940 = arith.constant 48 : i32
        %add3A_941 = arith.addi %add3A_939, %add3A_940 : i32
        %add3A_942 = vector.broadcast %add3A_941 : i32 to vector<16xi32>
        %add3A_943 = arith.addi %add3A_942, %iota3A : vector<16xi32>
        %le3A_944 = arith.cmpi sle, %broadcast_in_dim3A_866, %add3A_943 : vector<16xi32>
        %convert_element_type3A_945 = arith.extui %le3A_944 : vector<16xi1> to vector<16xi32>
        %add3A_946 = arith.addi %broadcast_in_dim3A_853, %convert_element_type3A_945 : vector<16xi32>
        %le3A_947 = arith.cmpi sle, %broadcast_in_dim3A_869, %add3A_943 : vector<16xi32>
        %convert_element_type3A_948 = arith.extui %le3A_947 : vector<16xi1> to vector<16xi32>
        %add3A_949 = arith.addi %add3A_946, %convert_element_type3A_948 : vector<16xi32>
        %le3A_950 = arith.cmpi sle, %broadcast_in_dim3A_872, %add3A_943 : vector<16xi32>
        %convert_element_type3A_951 = arith.extui %le3A_950 : vector<16xi1> to vector<16xi32>
        %add3A_952 = arith.addi %add3A_949, %convert_element_type3A_951 : vector<16xi32>
        %le3A_953 = arith.cmpi sle, %broadcast_in_dim3A_875, %add3A_943 : vector<16xi32>
        %convert_element_type3A_954 = arith.extui %le3A_953 : vector<16xi1> to vector<16xi32>
        %add3A_955 = arith.addi %add3A_952, %convert_element_type3A_954 : vector<16xi32>
        %add3A_956 = arith.constant 48 : i32
        %add3A_957 = arith.addi %mul3A_852, %add3A_956 : i32
        %swap3A_958 = arith.index_cast %add3A_957 : i32 to index
        %swap3A_959 = tpu.vector_load %arg6[%swap3A_958] {strides = array<i32>} : memref<32768xi32, #tpu.memory_space<vmem>>, vector<16xi32>,
        tpu.vector_store %arg6[%swap3A_958], %add3A_955 {strides = array<i32>} : memref<32768xi32, #tpu.memory_space<vmem>>, vector<16xi32>,
        %add3A_960 = arith.addi %mul3A_2, %mul3A_852 : i32
        %add3A_961 = arith.constant 64 : i32
        %add3A_962 = arith.addi %add3A_960, %add3A_961 : i32
        %add3A_963 = vector.broadcast %add3A_962 : i32 to vector<16xi32>
        %add3A_964 = arith.addi %add3A_963, %iota3A : vector<16xi32>
        %le3A_965 = arith.cmpi sle, %broadcast_in_dim3A_866, %add3A_964 : vector<16xi32>
        %convert_element_type3A_966 = arith.extui %le3A_965 : vector<16xi1> to vector<16xi32>
        %add3A_967 = arith.addi %broadcast_in_dim3A_853, %convert_element_type3A_966 : vector<16xi32>
        %le3A_968 = arith.cmpi sle, %broadcast_in_dim3A_869, %add3A_964 : vector<16xi32>
        %convert_element_type3A_969 = arith.extui %le3A_968 : vector<16xi1> to vector<16xi32>
        %add3A_970 = arith.addi %add3A_967, %convert_element_type3A_969 : vector<16xi32>
        %le3A_971 = arith.cmpi sle, %broadcast_in_dim3A_872, %add3A_964 : vector<16xi32>
        %convert_element_type3A_972 = arith.extui %le3A_971 : vector<16xi1> to vector<16xi32>
        %add3A_973 = arith.addi %add3A_970, %convert_element_type3A_972 : vector<16xi32>
        %le3A_974 = arith.cmpi sle, %broadcast_in_dim3A_875, %add3A_964 : vector<16xi32>
        %convert_element_type3A_975 = arith.extui %le3A_974 : vector<16xi1> to vector<16xi32>
        %add3A_976 = arith.addi %add3A_973, %convert_element_type3A_975 : vector<16xi32>
        %add3A_977 = arith.constant 64 : i32
        %add3A_978 = arith.addi %mul3A_852, %add3A_977 : i32
        %swap3A_979 = arith.index_cast %add3A_978 : i32 to index
        %swap3A_980 = tpu.vector_load %arg6[%swap3A_979] {strides = array<i32>} : memref<32768xi32, #tpu.memory_space<vmem>>, vector<16xi32>,
        tpu.vector_store %arg6[%swap3A_979], %add3A_976 {strides = array<i32>} : memref<32768xi32, #tpu.memory_space<vmem>>, vector<16xi32>,
        %add3A_981 = arith.addi %mul3A_2, %mul3A_852 : i32
        %add3A_982 = arith.constant 80 : i32
        %add3A_983 = arith.addi %add3A_981, %add3A_982 : i32
        %add3A_984 = vector.broadcast %add3A_983 : i32 to vector<16xi32>
        %add3A_985 = arith.addi %add3A_984, %iota3A : vector<16xi32>
        %le3A_986 = arith.cmpi sle, %broadcast_in_dim3A_866, %add3A_985 : vector<16xi32>
        %convert_element_type3A_987 = arith.extui %le3A_986 : vector<16xi1> to vector<16xi32>
        %add3A_988 = arith.addi %broadcast_in_dim3A_853, %convert_element_type3A_987 : vector<16xi32>
        %le3A_989 = arith.cmpi sle, %broadcast_in_dim3A_869, %add3A_985 : vector<16xi32>
        %convert_element_type3A_990 = arith.extui %le3A_989 : vector<16xi1> to vector<16xi32>
        %add3A_991 = arith.addi %add3A_988, %convert_element_type3A_990 : vector<16xi32>
        %le3A_992 = arith.cmpi sle, %broadcast_in_dim3A_872, %add3A_985 : vector<16xi32>
        %convert_element_type3A_993 = arith.extui %le3A_992 : vector<16xi1> to vector<16xi32>
        %add3A_994 = arith.addi %add3A_991, %convert_element_type3A_993 : vector<16xi32>
        %le3A_995 = arith.cmpi sle, %broadcast_in_dim3A_875, %add3A_985 : vector<16xi32>
        %convert_element_type3A_996 = arith.extui %le3A_995 : vector<16xi1> to vector<16xi32>
        %add3A_997 = arith.addi %add3A_994, %convert_element_type3A_996 : vector<16xi32>
        %add3A_998 = arith.constant 80 : i32
        %add3A_999 = arith.addi %mul3A_852, %add3A_998 : i32
        %swap3A_1000 = arith.index_cast %add3A_999 : i32 to index
        %swap3A_1001 = tpu.vector_load %arg6[%swap3A_1000] {strides = array<i32>} : memref<32768xi32, #tpu.memory_space<vmem>>, vector<16xi32>,
        tpu.vector_store %arg6[%swap3A_1000], %add3A_997 {strides = array<i32>} : memref<32768xi32, #tpu.memory_space<vmem>>, vector<16xi32>,
        %add3A_1002 = arith.addi %mul3A_2, %mul3A_852 : i32
        %add3A_1003 = arith.constant 96 : i32
        %add3A_1004 = arith.addi %add3A_1002, %add3A_1003 : i32
        %add3A_1005 = vector.broadcast %add3A_1004 : i32 to vector<16xi32>
        %add3A_1006 = arith.addi %add3A_1005, %iota3A : vector<16xi32>
        %le3A_1007 = arith.cmpi sle, %broadcast_in_dim3A_866, %add3A_1006 : vector<16xi32>
        %convert_element_type3A_1008 = arith.extui %le3A_1007 : vector<16xi1> to vector<16xi32>
        %add3A_1009 = arith.addi %broadcast_in_dim3A_853, %convert_element_type3A_1008 : vector<16xi32>
        %le3A_1010 = arith.cmpi sle, %broadcast_in_dim3A_869, %add3A_1006 : vector<16xi32>
        %convert_element_type3A_1011 = arith.extui %le3A_1010 : vector<16xi1> to vector<16xi32>
        %add3A_1012 = arith.addi %add3A_1009, %convert_element_type3A_1011 : vector<16xi32>
        %le3A_1013 = arith.cmpi sle, %broadcast_in_dim3A_872, %add3A_1006 : vector<16xi32>
        %convert_element_type3A_1014 = arith.extui %le3A_1013 : vector<16xi1> to vector<16xi32>
        %add3A_1015 = arith.addi %add3A_1012, %convert_element_type3A_1014 : vector<16xi32>
        %le3A_1016 = arith.cmpi sle, %broadcast_in_dim3A_875, %add3A_1006 : vector<16xi32>
        %convert_element_type3A_1017 = arith.extui %le3A_1016 : vector<16xi1> to vector<16xi32>
        %add3A_1018 = arith.addi %add3A_1015, %convert_element_type3A_1017 : vector<16xi32>
        %add3A_1019 = arith.constant 96 : i32
        %add3A_1020 = arith.addi %mul3A_852, %add3A_1019 : i32
        %swap3A_1021 = arith.index_cast %add3A_1020 : i32 to index
        %swap3A_1022 = tpu.vector_load %arg6[%swap3A_1021] {strides = array<i32>} : memref<32768xi32, #tpu.memory_space<vmem>>, vector<16xi32>,
        tpu.vector_store %arg6[%swap3A_1021], %add3A_1018 {strides = array<i32>} : memref<32768xi32, #tpu.memory_space<vmem>>, vector<16xi32>,
        %add3A_1023 = arith.addi %mul3A_2, %mul3A_852 : i32
        %add3A_1024 = arith.constant 112 : i32
        %add3A_1025 = arith.addi %add3A_1023, %add3A_1024 : i32
        %add3A_1026 = vector.broadcast %add3A_1025 : i32 to vector<16xi32>
        %add3A_1027 = arith.addi %add3A_1026, %iota3A : vector<16xi32>
        %le3A_1028 = arith.cmpi sle, %broadcast_in_dim3A_866, %add3A_1027 : vector<16xi32>
        %convert_element_type3A_1029 = arith.extui %le3A_1028 : vector<16xi1> to vector<16xi32>
        %add3A_1030 = arith.addi %broadcast_in_dim3A_853, %convert_element_type3A_1029 : vector<16xi32>
        %le3A_1031 = arith.cmpi sle, %broadcast_in_dim3A_869, %add3A_1027 : vector<16xi32>
        %convert_element_type3A_1032 = arith.extui %le3A_1031 : vector<16xi1> to vector<16xi32>
        %add3A_1033 = arith.addi %add3A_1030, %convert_element_type3A_1032 : vector<16xi32>
        %le3A_1034 = arith.cmpi sle, %broadcast_in_dim3A_872, %add3A_1027 : vector<16xi32>
        %convert_element_type3A_1035 = arith.extui %le3A_1034 : vector<16xi1> to vector<16xi32>
        %add3A_1036 = arith.addi %add3A_1033, %convert_element_type3A_1035 : vector<16xi32>
        %le3A_1037 = arith.cmpi sle, %broadcast_in_dim3A_875, %add3A_1027 : vector<16xi32>
        %convert_element_type3A_1038 = arith.extui %le3A_1037 : vector<16xi1> to vector<16xi32>
        %add3A_1039 = arith.addi %add3A_1036, %convert_element_type3A_1038 : vector<16xi32>
        %add3A_1040 = arith.constant 112 : i32
        %add3A_1041 = arith.addi %mul3A_852, %add3A_1040 : i32
        %swap3A_1042 = arith.index_cast %add3A_1041 : i32 to index
        %swap3A_1043 = tpu.vector_load %arg6[%swap3A_1042] {strides = array<i32>} : memref<32768xi32, #tpu.memory_space<vmem>>, vector<16xi32>,
        tpu.vector_store %arg6[%swap3A_1042], %add3A_1039 {strides = array<i32>} : memref<32768xi32, #tpu.memory_space<vmem>>, vector<16xi32>,
        %add3A_1044 = arith.addi %mul3A_2, %mul3A_852 : i32
        %add3A_1045 = arith.constant 128 : i32
        %add3A_1046 = arith.addi %add3A_1044, %add3A_1045 : i32
        %add3A_1047 = vector.broadcast %add3A_1046 : i32 to vector<16xi32>
        %add3A_1048 = arith.addi %add3A_1047, %iota3A : vector<16xi32>
        %le3A_1049 = arith.cmpi sle, %broadcast_in_dim3A_866, %add3A_1048 : vector<16xi32>
        %convert_element_type3A_1050 = arith.extui %le3A_1049 : vector<16xi1> to vector<16xi32>
        %add3A_1051 = arith.addi %broadcast_in_dim3A_853, %convert_element_type3A_1050 : vector<16xi32>
        %le3A_1052 = arith.cmpi sle, %broadcast_in_dim3A_869, %add3A_1048 : vector<16xi32>
        %convert_element_type3A_1053 = arith.extui %le3A_1052 : vector<16xi1> to vector<16xi32>
        %add3A_1054 = arith.addi %add3A_1051, %convert_element_type3A_1053 : vector<16xi32>
        %le3A_1055 = arith.cmpi sle, %broadcast_in_dim3A_872, %add3A_1048 : vector<16xi32>
        %convert_element_type3A_1056 = arith.extui %le3A_1055 : vector<16xi1> to vector<16xi32>
        %add3A_1057 = arith.addi %add3A_1054, %convert_element_type3A_1056 : vector<16xi32>
        %le3A_1058 = arith.cmpi sle, %broadcast_in_dim3A_875, %add3A_1048 : vector<16xi32>
        %convert_element_type3A_1059 = arith.extui %le3A_1058 : vector<16xi1> to vector<16xi32>
        %add3A_1060 = arith.addi %add3A_1057, %convert_element_type3A_1059 : vector<16xi32>
        %add3A_1061 = arith.constant 128 : i32
        %add3A_1062 = arith.addi %mul3A_852, %add3A_1061 : i32
        %swap3A_1063 = arith.index_cast %add3A_1062 : i32 to index
        %swap3A_1064 = tpu.vector_load %arg6[%swap3A_1063] {strides = array<i32>} : memref<32768xi32, #tpu.memory_space<vmem>>, vector<16xi32>,
        tpu.vector_store %arg6[%swap3A_1063], %add3A_1060 {strides = array<i32>} : memref<32768xi32, #tpu.memory_space<vmem>>, vector<16xi32>,
        %add3A_1065 = arith.addi %mul3A_2, %mul3A_852 : i32
        %add3A_1066 = arith.constant 144 : i32
        %add3A_1067 = arith.addi %add3A_1065, %add3A_1066 : i32
        %add3A_1068 = vector.broadcast %add3A_1067 : i32 to vector<16xi32>
        %add3A_1069 = arith.addi %add3A_1068, %iota3A : vector<16xi32>
        %le3A_1070 = arith.cmpi sle, %broadcast_in_dim3A_866, %add3A_1069 : vector<16xi32>
        %convert_element_type3A_1071 = arith.extui %le3A_1070 : vector<16xi1> to vector<16xi32>
        %add3A_1072 = arith.addi %broadcast_in_dim3A_853, %convert_element_type3A_1071 : vector<16xi32>
        %le3A_1073 = arith.cmpi sle, %broadcast_in_dim3A_869, %add3A_1069 : vector<16xi32>
        %convert_element_type3A_1074 = arith.extui %le3A_1073 : vector<16xi1> to vector<16xi32>
        %add3A_1075 = arith.addi %add3A_1072, %convert_element_type3A_1074 : vector<16xi32>
        %le3A_1076 = arith.cmpi sle, %broadcast_in_dim3A_872, %add3A_1069 : vector<16xi32>
        %convert_element_type3A_1077 = arith.extui %le3A_1076 : vector<16xi1> to vector<16xi32>
        %add3A_1078 = arith.addi %add3A_1075, %convert_element_type3A_1077 : vector<16xi32>
        %le3A_1079 = arith.cmpi sle, %broadcast_in_dim3A_875, %add3A_1069 : vector<16xi32>
        %convert_element_type3A_1080 = arith.extui %le3A_1079 : vector<16xi1> to vector<16xi32>
        %add3A_1081 = arith.addi %add3A_1078, %convert_element_type3A_1080 : vector<16xi32>
        %add3A_1082 = arith.constant 144 : i32
        %add3A_1083 = arith.addi %mul3A_852, %add3A_1082 : i32
        %swap3A_1084 = arith.index_cast %add3A_1083 : i32 to index
        %swap3A_1085 = tpu.vector_load %arg6[%swap3A_1084] {strides = array<i32>} : memref<32768xi32, #tpu.memory_space<vmem>>, vector<16xi32>,
        tpu.vector_store %arg6[%swap3A_1084], %add3A_1081 {strides = array<i32>} : memref<32768xi32, #tpu.memory_space<vmem>>, vector<16xi32>,
        %add3A_1086 = arith.addi %mul3A_2, %mul3A_852 : i32
        %add3A_1087 = arith.constant 160 : i32
        %add3A_1088 = arith.addi %add3A_1086, %add3A_1087 : i32
        %add3A_1089 = vector.broadcast %add3A_1088 : i32 to vector<16xi32>
        %add3A_1090 = arith.addi %add3A_1089, %iota3A : vector<16xi32>
        %le3A_1091 = arith.cmpi sle, %broadcast_in_dim3A_866, %add3A_1090 : vector<16xi32>
        %convert_element_type3A_1092 = arith.extui %le3A_1091 : vector<16xi1> to vector<16xi32>
        %add3A_1093 = arith.addi %broadcast_in_dim3A_853, %convert_element_type3A_1092 : vector<16xi32>
        %le3A_1094 = arith.cmpi sle, %broadcast_in_dim3A_869, %add3A_1090 : vector<16xi32>
        %convert_element_type3A_1095 = arith.extui %le3A_1094 : vector<16xi1> to vector<16xi32>
        %add3A_1096 = arith.addi %add3A_1093, %convert_element_type3A_1095 : vector<16xi32>
        %le3A_1097 = arith.cmpi sle, %broadcast_in_dim3A_872, %add3A_1090 : vector<16xi32>
        %convert_element_type3A_1098 = arith.extui %le3A_1097 : vector<16xi1> to vector<16xi32>
        %add3A_1099 = arith.addi %add3A_1096, %convert_element_type3A_1098 : vector<16xi32>
        %le3A_1100 = arith.cmpi sle, %broadcast_in_dim3A_875, %add3A_1090 : vector<16xi32>
        %convert_element_type3A_1101 = arith.extui %le3A_1100 : vector<16xi1> to vector<16xi32>
        %add3A_1102 = arith.addi %add3A_1099, %convert_element_type3A_1101 : vector<16xi32>
        %add3A_1103 = arith.constant 160 : i32
        %add3A_1104 = arith.addi %mul3A_852, %add3A_1103 : i32
        %swap3A_1105 = arith.index_cast %add3A_1104 : i32 to index
        %swap3A_1106 = tpu.vector_load %arg6[%swap3A_1105] {strides = array<i32>} : memref<32768xi32, #tpu.memory_space<vmem>>, vector<16xi32>,
        tpu.vector_store %arg6[%swap3A_1105], %add3A_1102 {strides = array<i32>} : memref<32768xi32, #tpu.memory_space<vmem>>, vector<16xi32>,
        %add3A_1107 = arith.addi %mul3A_2, %mul3A_852 : i32
        %add3A_1108 = arith.constant 176 : i32
        %add3A_1109 = arith.addi %add3A_1107, %add3A_1108 : i32
        %add3A_1110 = vector.broadcast %add3A_1109 : i32 to vector<16xi32>
        %add3A_1111 = arith.addi %add3A_1110, %iota3A : vector<16xi32>
        %le3A_1112 = arith.cmpi sle, %broadcast_in_dim3A_866, %add3A_1111 : vector<16xi32>
        %convert_element_type3A_1113 = arith.extui %le3A_1112 : vector<16xi1> to vector<16xi32>
        %add3A_1114 = arith.addi %broadcast_in_dim3A_853, %convert_element_type3A_1113 : vector<16xi32>
        %le3A_1115 = arith.cmpi sle, %broadcast_in_dim3A_869, %add3A_1111 : vector<16xi32>
        %convert_element_type3A_1116 = arith.extui %le3A_1115 : vector<16xi1> to vector<16xi32>
        %add3A_1117 = arith.addi %add3A_1114, %convert_element_type3A_1116 : vector<16xi32>
        %le3A_1118 = arith.cmpi sle, %broadcast_in_dim3A_872, %add3A_1111 : vector<16xi32>
        %convert_element_type3A_1119 = arith.extui %le3A_1118 : vector<16xi1> to vector<16xi32>
        %add3A_1120 = arith.addi %add3A_1117, %convert_element_type3A_1119 : vector<16xi32>
        %le3A_1121 = arith.cmpi sle, %broadcast_in_dim3A_875, %add3A_1111 : vector<16xi32>
        %convert_element_type3A_1122 = arith.extui %le3A_1121 : vector<16xi1> to vector<16xi32>
        %add3A_1123 = arith.addi %add3A_1120, %convert_element_type3A_1122 : vector<16xi32>
        %add3A_1124 = arith.constant 176 : i32
        %add3A_1125 = arith.addi %mul3A_852, %add3A_1124 : i32
        %swap3A_1126 = arith.index_cast %add3A_1125 : i32 to index
        %swap3A_1127 = tpu.vector_load %arg6[%swap3A_1126] {strides = array<i32>} : memref<32768xi32, #tpu.memory_space<vmem>>, vector<16xi32>,
        tpu.vector_store %arg6[%swap3A_1126], %add3A_1123 {strides = array<i32>} : memref<32768xi32, #tpu.memory_space<vmem>>, vector<16xi32>,
        %add3A_1128 = arith.addi %mul3A_2, %mul3A_852 : i32
        %add3A_1129 = arith.constant 192 : i32
        %add3A_1130 = arith.addi %add3A_1128, %add3A_1129 : i32
        %add3A_1131 = vector.broadcast %add3A_1130 : i32 to vector<16xi32>
        %add3A_1132 = arith.addi %add3A_1131, %iota3A : vector<16xi32>
        %le3A_1133 = arith.cmpi sle, %broadcast_in_dim3A_866, %add3A_1132 : vector<16xi32>
        %convert_element_type3A_1134 = arith.extui %le3A_1133 : vector<16xi1> to vector<16xi32>
        %add3A_1135 = arith.addi %broadcast_in_dim3A_853, %convert_element_type3A_1134 : vector<16xi32>
        %le3A_1136 = arith.cmpi sle, %broadcast_in_dim3A_869, %add3A_1132 : vector<16xi32>
        %convert_element_type3A_1137 = arith.extui %le3A_1136 : vector<16xi1> to vector<16xi32>
        %add3A_1138 = arith.addi %add3A_1135, %convert_element_type3A_1137 : vector<16xi32>
        %le3A_1139 = arith.cmpi sle, %broadcast_in_dim3A_872, %add3A_1132 : vector<16xi32>
        %convert_element_type3A_1140 = arith.extui %le3A_1139 : vector<16xi1> to vector<16xi32>
        %add3A_1141 = arith.addi %add3A_1138, %convert_element_type3A_1140 : vector<16xi32>
        %le3A_1142 = arith.cmpi sle, %broadcast_in_dim3A_875, %add3A_1132 : vector<16xi32>
        %convert_element_type3A_1143 = arith.extui %le3A_1142 : vector<16xi1> to vector<16xi32>
        %add3A_1144 = arith.addi %add3A_1141, %convert_element_type3A_1143 : vector<16xi32>
        %add3A_1145 = arith.constant 192 : i32
        %add3A_1146 = arith.addi %mul3A_852, %add3A_1145 : i32
        %swap3A_1147 = arith.index_cast %add3A_1146 : i32 to index
        %swap3A_1148 = tpu.vector_load %arg6[%swap3A_1147] {strides = array<i32>} : memref<32768xi32, #tpu.memory_space<vmem>>, vector<16xi32>,
        tpu.vector_store %arg6[%swap3A_1147], %add3A_1144 {strides = array<i32>} : memref<32768xi32, #tpu.memory_space<vmem>>, vector<16xi32>,
        %add3A_1149 = arith.addi %mul3A_2, %mul3A_852 : i32
        %add3A_1150 = arith.constant 208 : i32
        %add3A_1151 = arith.addi %add3A_1149, %add3A_1150 : i32
        %add3A_1152 = vector.broadcast %add3A_1151 : i32 to vector<16xi32>
        %add3A_1153 = arith.addi %add3A_1152, %iota3A : vector<16xi32>
        %le3A_1154 = arith.cmpi sle, %broadcast_in_dim3A_866, %add3A_1153 : vector<16xi32>
        %convert_element_type3A_1155 = arith.extui %le3A_1154 : vector<16xi1> to vector<16xi32>
        %add3A_1156 = arith.addi %broadcast_in_dim3A_853, %convert_element_type3A_1155 : vector<16xi32>
        %le3A_1157 = arith.cmpi sle, %broadcast_in_dim3A_869, %add3A_1153 : vector<16xi32>
        %convert_element_type3A_1158 = arith.extui %le3A_1157 : vector<16xi1> to vector<16xi32>
        %add3A_1159 = arith.addi %add3A_1156, %convert_element_type3A_1158 : vector<16xi32>
        %le3A_1160 = arith.cmpi sle, %broadcast_in_dim3A_872, %add3A_1153 : vector<16xi32>
        %convert_element_type3A_1161 = arith.extui %le3A_1160 : vector<16xi1> to vector<16xi32>
        %add3A_1162 = arith.addi %add3A_1159, %convert_element_type3A_1161 : vector<16xi32>
        %le3A_1163 = arith.cmpi sle, %broadcast_in_dim3A_875, %add3A_1153 : vector<16xi32>
        %convert_element_type3A_1164 = arith.extui %le3A_1163 : vector<16xi1> to vector<16xi32>
        %add3A_1165 = arith.addi %add3A_1162, %convert_element_type3A_1164 : vector<16xi32>
        %add3A_1166 = arith.constant 208 : i32
        %add3A_1167 = arith.addi %mul3A_852, %add3A_1166 : i32
        %swap3A_1168 = arith.index_cast %add3A_1167 : i32 to index
        %swap3A_1169 = tpu.vector_load %arg6[%swap3A_1168] {strides = array<i32>} : memref<32768xi32, #tpu.memory_space<vmem>>, vector<16xi32>,
        tpu.vector_store %arg6[%swap3A_1168], %add3A_1165 {strides = array<i32>} : memref<32768xi32, #tpu.memory_space<vmem>>, vector<16xi32>,
        %add3A_1170 = arith.addi %mul3A_2, %mul3A_852 : i32
        %add3A_1171 = arith.constant 224 : i32
        %add3A_1172 = arith.addi %add3A_1170, %add3A_1171 : i32
        %add3A_1173 = vector.broadcast %add3A_1172 : i32 to vector<16xi32>
        %add3A_1174 = arith.addi %add3A_1173, %iota3A : vector<16xi32>
        %le3A_1175 = arith.cmpi sle, %broadcast_in_dim3A_866, %add3A_1174 : vector<16xi32>
        %convert_element_type3A_1176 = arith.extui %le3A_1175 : vector<16xi1> to vector<16xi32>
        %add3A_1177 = arith.addi %broadcast_in_dim3A_853, %convert_element_type3A_1176 : vector<16xi32>
        %le3A_1178 = arith.cmpi sle, %broadcast_in_dim3A_869, %add3A_1174 : vector<16xi32>
        %convert_element_type3A_1179 = arith.extui %le3A_1178 : vector<16xi1> to vector<16xi32>
        %add3A_1180 = arith.addi %add3A_1177, %convert_element_type3A_1179 : vector<16xi32>
        %le3A_1181 = arith.cmpi sle, %broadcast_in_dim3A_872, %add3A_1174 : vector<16xi32>
        %convert_element_type3A_1182 = arith.extui %le3A_1181 : vector<16xi1> to vector<16xi32>
        %add3A_1183 = arith.addi %add3A_1180, %convert_element_type3A_1182 : vector<16xi32>
        %le3A_1184 = arith.cmpi sle, %broadcast_in_dim3A_875, %add3A_1174 : vector<16xi32>
        %convert_element_type3A_1185 = arith.extui %le3A_1184 : vector<16xi1> to vector<16xi32>
        %add3A_1186 = arith.addi %add3A_1183, %convert_element_type3A_1185 : vector<16xi32>
        %add3A_1187 = arith.constant 224 : i32
        %add3A_1188 = arith.addi %mul3A_852, %add3A_1187 : i32
        %swap3A_1189 = arith.index_cast %add3A_1188 : i32 to index
        %swap3A_1190 = tpu.vector_load %arg6[%swap3A_1189] {strides = array<i32>} : memref<32768xi32, #tpu.memory_space<vmem>>, vector<16xi32>,
        tpu.vector_store %arg6[%swap3A_1189], %add3A_1186 {strides = array<i32>} : memref<32768xi32, #tpu.memory_space<vmem>>, vector<16xi32>,
        %add3A_1191 = arith.addi %mul3A_2, %mul3A_852 : i32
        %add3A_1192 = arith.constant 240 : i32
        %add3A_1193 = arith.addi %add3A_1191, %add3A_1192 : i32
        %add3A_1194 = vector.broadcast %add3A_1193 : i32 to vector<16xi32>
        %add3A_1195 = arith.addi %add3A_1194, %iota3A : vector<16xi32>
        %le3A_1196 = arith.cmpi sle, %broadcast_in_dim3A_866, %add3A_1195 : vector<16xi32>
        %convert_element_type3A_1197 = arith.extui %le3A_1196 : vector<16xi1> to vector<16xi32>
        %add3A_1198 = arith.addi %broadcast_in_dim3A_853, %convert_element_type3A_1197 : vector<16xi32>
        %le3A_1199 = arith.cmpi sle, %broadcast_in_dim3A_869, %add3A_1195 : vector<16xi32>
        %convert_element_type3A_1200 = arith.extui %le3A_1199 : vector<16xi1> to vector<16xi32>
        %add3A_1201 = arith.addi %add3A_1198, %convert_element_type3A_1200 : vector<16xi32>
        %le3A_1202 = arith.cmpi sle, %broadcast_in_dim3A_872, %add3A_1195 : vector<16xi32>
        %convert_element_type3A_1203 = arith.extui %le3A_1202 : vector<16xi1> to vector<16xi32>
        %add3A_1204 = arith.addi %add3A_1201, %convert_element_type3A_1203 : vector<16xi32>
        %le3A_1205 = arith.cmpi sle, %broadcast_in_dim3A_875, %add3A_1195 : vector<16xi32>
        %convert_element_type3A_1206 = arith.extui %le3A_1205 : vector<16xi1> to vector<16xi32>
        %add3A_1207 = arith.addi %add3A_1204, %convert_element_type3A_1206 : vector<16xi32>
        %add3A_1208 = arith.constant 240 : i32
        %add3A_1209 = arith.addi %mul3A_852, %add3A_1208 : i32
        %swap3A_1210 = arith.index_cast %add3A_1209 : i32 to index
        %swap3A_1211 = tpu.vector_load %arg6[%swap3A_1210] {strides = array<i32>} : memref<32768xi32, #tpu.memory_space<vmem>>, vector<16xi32>,
        tpu.vector_store %arg6[%swap3A_1210], %add3A_1207 {strides = array<i32>} : memref<32768xi32, #tpu.memory_space<vmem>>, vector<16xi32>,
        %add3A_1212 = arith.addi %mul3A_2, %mul3A_852 : i32
        %add3A_1213 = arith.constant 256 : i32
        %add3A_1214 = arith.addi %add3A_1212, %add3A_1213 : i32
        %add3A_1215 = vector.broadcast %add3A_1214 : i32 to vector<16xi32>
        %add3A_1216 = arith.addi %add3A_1215, %iota3A : vector<16xi32>
        %le3A_1217 = arith.cmpi sle, %broadcast_in_dim3A_866, %add3A_1216 : vector<16xi32>
        %convert_element_type3A_1218 = arith.extui %le3A_1217 : vector<16xi1> to vector<16xi32>
        %add3A_1219 = arith.addi %broadcast_in_dim3A_853, %convert_element_type3A_1218 : vector<16xi32>
        %le3A_1220 = arith.cmpi sle, %broadcast_in_dim3A_869, %add3A_1216 : vector<16xi32>
        %convert_element_type3A_1221 = arith.extui %le3A_1220 : vector<16xi1> to vector<16xi32>
        %add3A_1222 = arith.addi %add3A_1219, %convert_element_type3A_1221 : vector<16xi32>
        %le3A_1223 = arith.cmpi sle, %broadcast_in_dim3A_872, %add3A_1216 : vector<16xi32>
        %convert_element_type3A_1224 = arith.extui %le3A_1223 : vector<16xi1> to vector<16xi32>
        %add3A_1225 = arith.addi %add3A_1222, %convert_element_type3A_1224 : vector<16xi32>
        %le3A_1226 = arith.cmpi sle, %broadcast_in_dim3A_875, %add3A_1216 : vector<16xi32>
        %convert_element_type3A_1227 = arith.extui %le3A_1226 : vector<16xi1> to vector<16xi32>
        %add3A_1228 = arith.addi %add3A_1225, %convert_element_type3A_1227 : vector<16xi32>
        %add3A_1229 = arith.constant 256 : i32
        %add3A_1230 = arith.addi %mul3A_852, %add3A_1229 : i32
        %swap3A_1231 = arith.index_cast %add3A_1230 : i32 to index
        %swap3A_1232 = tpu.vector_load %arg6[%swap3A_1231] {strides = array<i32>} : memref<32768xi32, #tpu.memory_space<vmem>>, vector<16xi32>,
        tpu.vector_store %arg6[%swap3A_1231], %add3A_1228 {strides = array<i32>} : memref<32768xi32, #tpu.memory_space<vmem>>, vector<16xi32>,
        %add3A_1233 = arith.addi %mul3A_2, %mul3A_852 : i32
        %add3A_1234 = arith.constant 272 : i32
        %add3A_1235 = arith.addi %add3A_1233, %add3A_1234 : i32
        %add3A_1236 = vector.broadcast %add3A_1235 : i32 to vector<16xi32>
        %add3A_1237 = arith.addi %add3A_1236, %iota3A : vector<16xi32>
        %le3A_1238 = arith.cmpi sle, %broadcast_in_dim3A_866, %add3A_1237 : vector<16xi32>
        %convert_element_type3A_1239 = arith.extui %le3A_1238 : vector<16xi1> to vector<16xi32>
        %add3A_1240 = arith.addi %broadcast_in_dim3A_853, %convert_element_type3A_1239 : vector<16xi32>
        %le3A_1241 = arith.cmpi sle, %broadcast_in_dim3A_869, %add3A_1237 : vector<16xi32>
        %convert_element_type3A_1242 = arith.extui %le3A_1241 : vector<16xi1> to vector<16xi32>
        %add3A_1243 = arith.addi %add3A_1240, %convert_element_type3A_1242 : vector<16xi32>
        %le3A_1244 = arith.cmpi sle, %broadcast_in_dim3A_872, %add3A_1237 : vector<16xi32>
        %convert_element_type3A_1245 = arith.extui %le3A_1244 : vector<16xi1> to vector<16xi32>
        %add3A_1246 = arith.addi %add3A_1243, %convert_element_type3A_1245 : vector<16xi32>
        %le3A_1247 = arith.cmpi sle, %broadcast_in_dim3A_875, %add3A_1237 : vector<16xi32>
        %convert_element_type3A_1248 = arith.extui %le3A_1247 : vector<16xi1> to vector<16xi32>
        %add3A_1249 = arith.addi %add3A_1246, %convert_element_type3A_1248 : vector<16xi32>
        %add3A_1250 = arith.constant 272 : i32
        %add3A_1251 = arith.addi %mul3A_852, %add3A_1250 : i32
        %swap3A_1252 = arith.index_cast %add3A_1251 : i32 to index
        %swap3A_1253 = tpu.vector_load %arg6[%swap3A_1252] {strides = array<i32>} : memref<32768xi32, #tpu.memory_space<vmem>>, vector<16xi32>,
        tpu.vector_store %arg6[%swap3A_1252], %add3A_1249 {strides = array<i32>} : memref<32768xi32, #tpu.memory_space<vmem>>, vector<16xi32>,
        %add3A_1254 = arith.addi %mul3A_2, %mul3A_852 : i32
        %add3A_1255 = arith.constant 288 : i32
        %add3A_1256 = arith.addi %add3A_1254, %add3A_1255 : i32
        %add3A_1257 = vector.broadcast %add3A_1256 : i32 to vector<16xi32>
        %add3A_1258 = arith.addi %add3A_1257, %iota3A : vector<16xi32>
        %le3A_1259 = arith.cmpi sle, %broadcast_in_dim3A_866, %add3A_1258 : vector<16xi32>
        %convert_element_type3A_1260 = arith.extui %le3A_1259 : vector<16xi1> to vector<16xi32>
        %add3A_1261 = arith.addi %broadcast_in_dim3A_853, %convert_element_type3A_1260 : vector<16xi32>
        %le3A_1262 = arith.cmpi sle, %broadcast_in_dim3A_869, %add3A_1258 : vector<16xi32>
        %convert_element_type3A_1263 = arith.extui %le3A_1262 : vector<16xi1> to vector<16xi32>
        %add3A_1264 = arith.addi %add3A_1261, %convert_element_type3A_1263 : vector<16xi32>
        %le3A_1265 = arith.cmpi sle, %broadcast_in_dim3A_872, %add3A_1258 : vector<16xi32>
        %convert_element_type3A_1266 = arith.extui %le3A_1265 : vector<16xi1> to vector<16xi32>
        %add3A_1267 = arith.addi %add3A_1264, %convert_element_type3A_1266 : vector<16xi32>
        %le3A_1268 = arith.cmpi sle, %broadcast_in_dim3A_875, %add3A_1258 : vector<16xi32>
        %convert_element_type3A_1269 = arith.extui %le3A_1268 : vector<16xi1> to vector<16xi32>
        %add3A_1270 = arith.addi %add3A_1267, %convert_element_type3A_1269 : vector<16xi32>
        %add3A_1271 = arith.constant 288 : i32
        %add3A_1272 = arith.addi %mul3A_852, %add3A_1271 : i32
        %swap3A_1273 = arith.index_cast %add3A_1272 : i32 to index
        %swap3A_1274 = tpu.vector_load %arg6[%swap3A_1273] {strides = array<i32>} : memref<32768xi32, #tpu.memory_space<vmem>>, vector<16xi32>,
        tpu.vector_store %arg6[%swap3A_1273], %add3A_1270 {strides = array<i32>} : memref<32768xi32, #tpu.memory_space<vmem>>, vector<16xi32>,
        %add3A_1275 = arith.addi %mul3A_2, %mul3A_852 : i32
        %add3A_1276 = arith.constant 304 : i32
        %add3A_1277 = arith.addi %add3A_1275, %add3A_1276 : i32
        %add3A_1278 = vector.broadcast %add3A_1277 : i32 to vector<16xi32>
        %add3A_1279 = arith.addi %add3A_1278, %iota3A : vector<16xi32>
        %le3A_1280 = arith.cmpi sle, %broadcast_in_dim3A_866, %add3A_1279 : vector<16xi32>
        %convert_element_type3A_1281 = arith.extui %le3A_1280 : vector<16xi1> to vector<16xi32>
        %add3A_1282 = arith.addi %broadcast_in_dim3A_853, %convert_element_type3A_1281 : vector<16xi32>
        %le3A_1283 = arith.cmpi sle, %broadcast_in_dim3A_869, %add3A_1279 : vector<16xi32>
        %convert_element_type3A_1284 = arith.extui %le3A_1283 : vector<16xi1> to vector<16xi32>
        %add3A_1285 = arith.addi %add3A_1282, %convert_element_type3A_1284 : vector<16xi32>
        %le3A_1286 = arith.cmpi sle, %broadcast_in_dim3A_872, %add3A_1279 : vector<16xi32>
        %convert_element_type3A_1287 = arith.extui %le3A_1286 : vector<16xi1> to vector<16xi32>
        %add3A_1288 = arith.addi %add3A_1285, %convert_element_type3A_1287 : vector<16xi32>
        %le3A_1289 = arith.cmpi sle, %broadcast_in_dim3A_875, %add3A_1279 : vector<16xi32>
        %convert_element_type3A_1290 = arith.extui %le3A_1289 : vector<16xi1> to vector<16xi32>
        %add3A_1291 = arith.addi %add3A_1288, %convert_element_type3A_1290 : vector<16xi32>
        %add3A_1292 = arith.constant 304 : i32
        %add3A_1293 = arith.addi %mul3A_852, %add3A_1292 : i32
        %swap3A_1294 = arith.index_cast %add3A_1293 : i32 to index
        %swap3A_1295 = tpu.vector_load %arg6[%swap3A_1294] {strides = array<i32>} : memref<32768xi32, #tpu.memory_space<vmem>>, vector<16xi32>,
        tpu.vector_store %arg6[%swap3A_1294], %add3A_1291 {strides = array<i32>} : memref<32768xi32, #tpu.memory_space<vmem>>, vector<16xi32>,
        %add3A_1296 = arith.addi %mul3A_2, %mul3A_852 : i32
        %add3A_1297 = arith.constant 320 : i32
        %add3A_1298 = arith.addi %add3A_1296, %add3A_1297 : i32
        %add3A_1299 = vector.broadcast %add3A_1298 : i32 to vector<16xi32>
        %add3A_1300 = arith.addi %add3A_1299, %iota3A : vector<16xi32>
        %le3A_1301 = arith.cmpi sle, %broadcast_in_dim3A_866, %add3A_1300 : vector<16xi32>
        %convert_element_type3A_1302 = arith.extui %le3A_1301 : vector<16xi1> to vector<16xi32>
        %add3A_1303 = arith.addi %broadcast_in_dim3A_853, %convert_element_type3A_1302 : vector<16xi32>
        %le3A_1304 = arith.cmpi sle, %broadcast_in_dim3A_869, %add3A_1300 : vector<16xi32>
        %convert_element_type3A_1305 = arith.extui %le3A_1304 : vector<16xi1> to vector<16xi32>
        %add3A_1306 = arith.addi %add3A_1303, %convert_element_type3A_1305 : vector<16xi32>
        %le3A_1307 = arith.cmpi sle, %broadcast_in_dim3A_872, %add3A_1300 : vector<16xi32>
        %convert_element_type3A_1308 = arith.extui %le3A_1307 : vector<16xi1> to vector<16xi32>
        %add3A_1309 = arith.addi %add3A_1306, %convert_element_type3A_1308 : vector<16xi32>
        %le3A_1310 = arith.cmpi sle, %broadcast_in_dim3A_875, %add3A_1300 : vector<16xi32>
        %convert_element_type3A_1311 = arith.extui %le3A_1310 : vector<16xi1> to vector<16xi32>
        %add3A_1312 = arith.addi %add3A_1309, %convert_element_type3A_1311 : vector<16xi32>
        %add3A_1313 = arith.constant 320 : i32
        %add3A_1314 = arith.addi %mul3A_852, %add3A_1313 : i32
        %swap3A_1315 = arith.index_cast %add3A_1314 : i32 to index
        %swap3A_1316 = tpu.vector_load %arg6[%swap3A_1315] {strides = array<i32>} : memref<32768xi32, #tpu.memory_space<vmem>>, vector<16xi32>,
        tpu.vector_store %arg6[%swap3A_1315], %add3A_1312 {strides = array<i32>} : memref<32768xi32, #tpu.memory_space<vmem>>, vector<16xi32>,
        %add3A_1317 = arith.addi %mul3A_2, %mul3A_852 : i32
        %add3A_1318 = arith.constant 336 : i32
        %add3A_1319 = arith.addi %add3A_1317, %add3A_1318 : i32
        %add3A_1320 = vector.broadcast %add3A_1319 : i32 to vector<16xi32>
        %add3A_1321 = arith.addi %add3A_1320, %iota3A : vector<16xi32>
        %le3A_1322 = arith.cmpi sle, %broadcast_in_dim3A_866, %add3A_1321 : vector<16xi32>
        %convert_element_type3A_1323 = arith.extui %le3A_1322 : vector<16xi1> to vector<16xi32>
        %add3A_1324 = arith.addi %broadcast_in_dim3A_853, %convert_element_type3A_1323 : vector<16xi32>
        %le3A_1325 = arith.cmpi sle, %broadcast_in_dim3A_869, %add3A_1321 : vector<16xi32>
        %convert_element_type3A_1326 = arith.extui %le3A_1325 : vector<16xi1> to vector<16xi32>
        %add3A_1327 = arith.addi %add3A_1324, %convert_element_type3A_1326 : vector<16xi32>
        %le3A_1328 = arith.cmpi sle, %broadcast_in_dim3A_872, %add3A_1321 : vector<16xi32>
        %convert_element_type3A_1329 = arith.extui %le3A_1328 : vector<16xi1> to vector<16xi32>
        %add3A_1330 = arith.addi %add3A_1327, %convert_element_type3A_1329 : vector<16xi32>
        %le3A_1331 = arith.cmpi sle, %broadcast_in_dim3A_875, %add3A_1321 : vector<16xi32>
        %convert_element_type3A_1332 = arith.extui %le3A_1331 : vector<16xi1> to vector<16xi32>
        %add3A_1333 = arith.addi %add3A_1330, %convert_element_type3A_1332 : vector<16xi32>
        %add3A_1334 = arith.constant 336 : i32
        %add3A_1335 = arith.addi %mul3A_852, %add3A_1334 : i32
        %swap3A_1336 = arith.index_cast %add3A_1335 : i32 to index
        %swap3A_1337 = tpu.vector_load %arg6[%swap3A_1336] {strides = array<i32>} : memref<32768xi32, #tpu.memory_space<vmem>>, vector<16xi32>,
        tpu.vector_store %arg6[%swap3A_1336], %add3A_1333 {strides = array<i32>} : memref<32768xi32, #tpu.memory_space<vmem>>, vector<16xi32>,
        %add3A_1338 = arith.addi %mul3A_2, %mul3A_852 : i32
        %add3A_1339 = arith.constant 352 : i32
        %add3A_1340 = arith.addi %add3A_1338, %add3A_1339 : i32
        %add3A_1341 = vector.broadcast %add3A_1340 : i32 to vector<16xi32>
        %add3A_1342 = arith.addi %add3A_1341, %iota3A : vector<16xi32>
        %le3A_1343 = arith.cmpi sle, %broadcast_in_dim3A_866, %add3A_1342 : vector<16xi32>
        %convert_element_type3A_1344 = arith.extui %le3A_1343 : vector<16xi1> to vector<16xi32>
        %add3A_1345 = arith.addi %broadcast_in_dim3A_853, %convert_element_type3A_1344 : vector<16xi32>
        %le3A_1346 = arith.cmpi sle, %broadcast_in_dim3A_869, %add3A_1342 : vector<16xi32>
        %convert_element_type3A_1347 = arith.extui %le3A_1346 : vector<16xi1> to vector<16xi32>
        %add3A_1348 = arith.addi %add3A_1345, %convert_element_type3A_1347 : vector<16xi32>
        %le3A_1349 = arith.cmpi sle, %broadcast_in_dim3A_872, %add3A_1342 : vector<16xi32>
        %convert_element_type3A_1350 = arith.extui %le3A_1349 : vector<16xi1> to vector<16xi32>
        %add3A_1351 = arith.addi %add3A_1348, %convert_element_type3A_1350 : vector<16xi32>
        %le3A_1352 = arith.cmpi sle, %broadcast_in_dim3A_875, %add3A_1342 : vector<16xi32>
        %convert_element_type3A_1353 = arith.extui %le3A_1352 : vector<16xi1> to vector<16xi32>
        %add3A_1354 = arith.addi %add3A_1351, %convert_element_type3A_1353 : vector<16xi32>
        %add3A_1355 = arith.constant 352 : i32
        %add3A_1356 = arith.addi %mul3A_852, %add3A_1355 : i32
        %swap3A_1357 = arith.index_cast %add3A_1356 : i32 to index
        %swap3A_1358 = tpu.vector_load %arg6[%swap3A_1357] {strides = array<i32>} : memref<32768xi32, #tpu.memory_space<vmem>>, vector<16xi32>,
        tpu.vector_store %arg6[%swap3A_1357], %add3A_1354 {strides = array<i32>} : memref<32768xi32, #tpu.memory_space<vmem>>, vector<16xi32>,
        %add3A_1359 = arith.addi %mul3A_2, %mul3A_852 : i32
        %add3A_1360 = arith.constant 368 : i32
        %add3A_1361 = arith.addi %add3A_1359, %add3A_1360 : i32
        %add3A_1362 = vector.broadcast %add3A_1361 : i32 to vector<16xi32>
        %add3A_1363 = arith.addi %add3A_1362, %iota3A : vector<16xi32>
        %le3A_1364 = arith.cmpi sle, %broadcast_in_dim3A_866, %add3A_1363 : vector<16xi32>
        %convert_element_type3A_1365 = arith.extui %le3A_1364 : vector<16xi1> to vector<16xi32>
        %add3A_1366 = arith.addi %broadcast_in_dim3A_853, %convert_element_type3A_1365 : vector<16xi32>
        %le3A_1367 = arith.cmpi sle, %broadcast_in_dim3A_869, %add3A_1363 : vector<16xi32>
        %convert_element_type3A_1368 = arith.extui %le3A_1367 : vector<16xi1> to vector<16xi32>
        %add3A_1369 = arith.addi %add3A_1366, %convert_element_type3A_1368 : vector<16xi32>
        %le3A_1370 = arith.cmpi sle, %broadcast_in_dim3A_872, %add3A_1363 : vector<16xi32>
        %convert_element_type3A_1371 = arith.extui %le3A_1370 : vector<16xi1> to vector<16xi32>
        %add3A_1372 = arith.addi %add3A_1369, %convert_element_type3A_1371 : vector<16xi32>
        %le3A_1373 = arith.cmpi sle, %broadcast_in_dim3A_875, %add3A_1363 : vector<16xi32>
        %convert_element_type3A_1374 = arith.extui %le3A_1373 : vector<16xi1> to vector<16xi32>
        %add3A_1375 = arith.addi %add3A_1372, %convert_element_type3A_1374 : vector<16xi32>
        %add3A_1376 = arith.constant 368 : i32
        %add3A_1377 = arith.addi %mul3A_852, %add3A_1376 : i32
        %swap3A_1378 = arith.index_cast %add3A_1377 : i32 to index
        %swap3A_1379 = tpu.vector_load %arg6[%swap3A_1378] {strides = array<i32>} : memref<32768xi32, #tpu.memory_space<vmem>>, vector<16xi32>,
        tpu.vector_store %arg6[%swap3A_1378], %add3A_1375 {strides = array<i32>} : memref<32768xi32, #tpu.memory_space<vmem>>, vector<16xi32>,
        %add3A_1380 = arith.addi %mul3A_2, %mul3A_852 : i32
        %add3A_1381 = arith.constant 384 : i32
        %add3A_1382 = arith.addi %add3A_1380, %add3A_1381 : i32
        %add3A_1383 = vector.broadcast %add3A_1382 : i32 to vector<16xi32>
        %add3A_1384 = arith.addi %add3A_1383, %iota3A : vector<16xi32>
        %le3A_1385 = arith.cmpi sle, %broadcast_in_dim3A_866, %add3A_1384 : vector<16xi32>
        %convert_element_type3A_1386 = arith.extui %le3A_1385 : vector<16xi1> to vector<16xi32>
        %add3A_1387 = arith.addi %broadcast_in_dim3A_853, %convert_element_type3A_1386 : vector<16xi32>
        %le3A_1388 = arith.cmpi sle, %broadcast_in_dim3A_869, %add3A_1384 : vector<16xi32>
        %convert_element_type3A_1389 = arith.extui %le3A_1388 : vector<16xi1> to vector<16xi32>
        %add3A_1390 = arith.addi %add3A_1387, %convert_element_type3A_1389 : vector<16xi32>
        %le3A_1391 = arith.cmpi sle, %broadcast_in_dim3A_872, %add3A_1384 : vector<16xi32>
        %convert_element_type3A_1392 = arith.extui %le3A_1391 : vector<16xi1> to vector<16xi32>
        %add3A_1393 = arith.addi %add3A_1390, %convert_element_type3A_1392 : vector<16xi32>
        %le3A_1394 = arith.cmpi sle, %broadcast_in_dim3A_875, %add3A_1384 : vector<16xi32>
        %convert_element_type3A_1395 = arith.extui %le3A_1394 : vector<16xi1> to vector<16xi32>
        %add3A_1396 = arith.addi %add3A_1393, %convert_element_type3A_1395 : vector<16xi32>
        %add3A_1397 = arith.constant 384 : i32
        %add3A_1398 = arith.addi %mul3A_852, %add3A_1397 : i32
        %swap3A_1399 = arith.index_cast %add3A_1398 : i32 to index
        %swap3A_1400 = tpu.vector_load %arg6[%swap3A_1399] {strides = array<i32>} : memref<32768xi32, #tpu.memory_space<vmem>>, vector<16xi32>,
        tpu.vector_store %arg6[%swap3A_1399], %add3A_1396 {strides = array<i32>} : memref<32768xi32, #tpu.memory_space<vmem>>, vector<16xi32>,
        %add3A_1401 = arith.addi %mul3A_2, %mul3A_852 : i32
        %add3A_1402 = arith.constant 400 : i32
        %add3A_1403 = arith.addi %add3A_1401, %add3A_1402 : i32
        %add3A_1404 = vector.broadcast %add3A_1403 : i32 to vector<16xi32>
        %add3A_1405 = arith.addi %add3A_1404, %iota3A : vector<16xi32>
        %le3A_1406 = arith.cmpi sle, %broadcast_in_dim3A_866, %add3A_1405 : vector<16xi32>
        %convert_element_type3A_1407 = arith.extui %le3A_1406 : vector<16xi1> to vector<16xi32>
        %add3A_1408 = arith.addi %broadcast_in_dim3A_853, %convert_element_type3A_1407 : vector<16xi32>
        %le3A_1409 = arith.cmpi sle, %broadcast_in_dim3A_869, %add3A_1405 : vector<16xi32>
        %convert_element_type3A_1410 = arith.extui %le3A_1409 : vector<16xi1> to vector<16xi32>
        %add3A_1411 = arith.addi %add3A_1408, %convert_element_type3A_1410 : vector<16xi32>
        %le3A_1412 = arith.cmpi sle, %broadcast_in_dim3A_872, %add3A_1405 : vector<16xi32>
        %convert_element_type3A_1413 = arith.extui %le3A_1412 : vector<16xi1> to vector<16xi32>
        %add3A_1414 = arith.addi %add3A_1411, %convert_element_type3A_1413 : vector<16xi32>
        %le3A_1415 = arith.cmpi sle, %broadcast_in_dim3A_875, %add3A_1405 : vector<16xi32>
        %convert_element_type3A_1416 = arith.extui %le3A_1415 : vector<16xi1> to vector<16xi32>
        %add3A_1417 = arith.addi %add3A_1414, %convert_element_type3A_1416 : vector<16xi32>
        %add3A_1418 = arith.constant 400 : i32
        %add3A_1419 = arith.addi %mul3A_852, %add3A_1418 : i32
        %swap3A_1420 = arith.index_cast %add3A_1419 : i32 to index
        %swap3A_1421 = tpu.vector_load %arg6[%swap3A_1420] {strides = array<i32>} : memref<32768xi32, #tpu.memory_space<vmem>>, vector<16xi32>,
        tpu.vector_store %arg6[%swap3A_1420], %add3A_1417 {strides = array<i32>} : memref<32768xi32, #tpu.memory_space<vmem>>, vector<16xi32>,
        %add3A_1422 = arith.addi %mul3A_2, %mul3A_852 : i32
        %add3A_1423 = arith.constant 416 : i32
        %add3A_1424 = arith.addi %add3A_1422, %add3A_1423 : i32
        %add3A_1425 = vector.broadcast %add3A_1424 : i32 to vector<16xi32>
        %add3A_1426 = arith.addi %add3A_1425, %iota3A : vector<16xi32>
        %le3A_1427 = arith.cmpi sle, %broadcast_in_dim3A_866, %add3A_1426 : vector<16xi32>
        %convert_element_type3A_1428 = arith.extui %le3A_1427 : vector<16xi1> to vector<16xi32>
        %add3A_1429 = arith.addi %broadcast_in_dim3A_853, %convert_element_type3A_1428 : vector<16xi32>
        %le3A_1430 = arith.cmpi sle, %broadcast_in_dim3A_869, %add3A_1426 : vector<16xi32>
        %convert_element_type3A_1431 = arith.extui %le3A_1430 : vector<16xi1> to vector<16xi32>
        %add3A_1432 = arith.addi %add3A_1429, %convert_element_type3A_1431 : vector<16xi32>
        %le3A_1433 = arith.cmpi sle, %broadcast_in_dim3A_872, %add3A_1426 : vector<16xi32>
        %convert_element_type3A_1434 = arith.extui %le3A_1433 : vector<16xi1> to vector<16xi32>
        %add3A_1435 = arith.addi %add3A_1432, %convert_element_type3A_1434 : vector<16xi32>
        %le3A_1436 = arith.cmpi sle, %broadcast_in_dim3A_875, %add3A_1426 : vector<16xi32>
        %convert_element_type3A_1437 = arith.extui %le3A_1436 : vector<16xi1> to vector<16xi32>
        %add3A_1438 = arith.addi %add3A_1435, %convert_element_type3A_1437 : vector<16xi32>
        %add3A_1439 = arith.constant 416 : i32
        %add3A_1440 = arith.addi %mul3A_852, %add3A_1439 : i32
        %swap3A_1441 = arith.index_cast %add3A_1440 : i32 to index
        %swap3A_1442 = tpu.vector_load %arg6[%swap3A_1441] {strides = array<i32>} : memref<32768xi32, #tpu.memory_space<vmem>>, vector<16xi32>,
        tpu.vector_store %arg6[%swap3A_1441], %add3A_1438 {strides = array<i32>} : memref<32768xi32, #tpu.memory_space<vmem>>, vector<16xi32>,
        %add3A_1443 = arith.addi %mul3A_2, %mul3A_852 : i32
        %add3A_1444 = arith.constant 432 : i32
        %add3A_1445 = arith.addi %add3A_1443, %add3A_1444 : i32
        %add3A_1446 = vector.broadcast %add3A_1445 : i32 to vector<16xi32>
        %add3A_1447 = arith.addi %add3A_1446, %iota3A : vector<16xi32>
        %le3A_1448 = arith.cmpi sle, %broadcast_in_dim3A_866, %add3A_1447 : vector<16xi32>
        %convert_element_type3A_1449 = arith.extui %le3A_1448 : vector<16xi1> to vector<16xi32>
        %add3A_1450 = arith.addi %broadcast_in_dim3A_853, %convert_element_type3A_1449 : vector<16xi32>
        %le3A_1451 = arith.cmpi sle, %broadcast_in_dim3A_869, %add3A_1447 : vector<16xi32>
        %convert_element_type3A_1452 = arith.extui %le3A_1451 : vector<16xi1> to vector<16xi32>
        %add3A_1453 = arith.addi %add3A_1450, %convert_element_type3A_1452 : vector<16xi32>
        %le3A_1454 = arith.cmpi sle, %broadcast_in_dim3A_872, %add3A_1447 : vector<16xi32>
        %convert_element_type3A_1455 = arith.extui %le3A_1454 : vector<16xi1> to vector<16xi32>
        %add3A_1456 = arith.addi %add3A_1453, %convert_element_type3A_1455 : vector<16xi32>
        %le3A_1457 = arith.cmpi sle, %broadcast_in_dim3A_875, %add3A_1447 : vector<16xi32>
        %convert_element_type3A_1458 = arith.extui %le3A_1457 : vector<16xi1> to vector<16xi32>
        %add3A_1459 = arith.addi %add3A_1456, %convert_element_type3A_1458 : vector<16xi32>
        %add3A_1460 = arith.constant 432 : i32
        %add3A_1461 = arith.addi %mul3A_852, %add3A_1460 : i32
        %swap3A_1462 = arith.index_cast %add3A_1461 : i32 to index
        %swap3A_1463 = tpu.vector_load %arg6[%swap3A_1462] {strides = array<i32>} : memref<32768xi32, #tpu.memory_space<vmem>>, vector<16xi32>,
        tpu.vector_store %arg6[%swap3A_1462], %add3A_1459 {strides = array<i32>} : memref<32768xi32, #tpu.memory_space<vmem>>, vector<16xi32>,
        %add3A_1464 = arith.addi %mul3A_2, %mul3A_852 : i32
        %add3A_1465 = arith.constant 448 : i32
        %add3A_1466 = arith.addi %add3A_1464, %add3A_1465 : i32
        %add3A_1467 = vector.broadcast %add3A_1466 : i32 to vector<16xi32>
        %add3A_1468 = arith.addi %add3A_1467, %iota3A : vector<16xi32>
        %le3A_1469 = arith.cmpi sle, %broadcast_in_dim3A_866, %add3A_1468 : vector<16xi32>
        %convert_element_type3A_1470 = arith.extui %le3A_1469 : vector<16xi1> to vector<16xi32>
        %add3A_1471 = arith.addi %broadcast_in_dim3A_853, %convert_element_type3A_1470 : vector<16xi32>
        %le3A_1472 = arith.cmpi sle, %broadcast_in_dim3A_869, %add3A_1468 : vector<16xi32>
        %convert_element_type3A_1473 = arith.extui %le3A_1472 : vector<16xi1> to vector<16xi32>
        %add3A_1474 = arith.addi %add3A_1471, %convert_element_type3A_1473 : vector<16xi32>
        %le3A_1475 = arith.cmpi sle, %broadcast_in_dim3A_872, %add3A_1468 : vector<16xi32>
        %convert_element_type3A_1476 = arith.extui %le3A_1475 : vector<16xi1> to vector<16xi32>
        %add3A_1477 = arith.addi %add3A_1474, %convert_element_type3A_1476 : vector<16xi32>
        %le3A_1478 = arith.cmpi sle, %broadcast_in_dim3A_875, %add3A_1468 : vector<16xi32>
        %convert_element_type3A_1479 = arith.extui %le3A_1478 : vector<16xi1> to vector<16xi32>
        %add3A_1480 = arith.addi %add3A_1477, %convert_element_type3A_1479 : vector<16xi32>
        %add3A_1481 = arith.constant 448 : i32
        %add3A_1482 = arith.addi %mul3A_852, %add3A_1481 : i32
        %swap3A_1483 = arith.index_cast %add3A_1482 : i32 to index
        %swap3A_1484 = tpu.vector_load %arg6[%swap3A_1483] {strides = array<i32>} : memref<32768xi32, #tpu.memory_space<vmem>>, vector<16xi32>,
        tpu.vector_store %arg6[%swap3A_1483], %add3A_1480 {strides = array<i32>} : memref<32768xi32, #tpu.memory_space<vmem>>, vector<16xi32>,
        %add3A_1485 = arith.addi %mul3A_2, %mul3A_852 : i32
        %add3A_1486 = arith.constant 464 : i32
        %add3A_1487 = arith.addi %add3A_1485, %add3A_1486 : i32
        %add3A_1488 = vector.broadcast %add3A_1487 : i32 to vector<16xi32>
        %add3A_1489 = arith.addi %add3A_1488, %iota3A : vector<16xi32>
        %le3A_1490 = arith.cmpi sle, %broadcast_in_dim3A_866, %add3A_1489 : vector<16xi32>
        %convert_element_type3A_1491 = arith.extui %le3A_1490 : vector<16xi1> to vector<16xi32>
        %add3A_1492 = arith.addi %broadcast_in_dim3A_853, %convert_element_type3A_1491 : vector<16xi32>
        %le3A_1493 = arith.cmpi sle, %broadcast_in_dim3A_869, %add3A_1489 : vector<16xi32>
        %convert_element_type3A_1494 = arith.extui %le3A_1493 : vector<16xi1> to vector<16xi32>
        %add3A_1495 = arith.addi %add3A_1492, %convert_element_type3A_1494 : vector<16xi32>
        %le3A_1496 = arith.cmpi sle, %broadcast_in_dim3A_872, %add3A_1489 : vector<16xi32>
        %convert_element_type3A_1497 = arith.extui %le3A_1496 : vector<16xi1> to vector<16xi32>
        %add3A_1498 = arith.addi %add3A_1495, %convert_element_type3A_1497 : vector<16xi32>
        %le3A_1499 = arith.cmpi sle, %broadcast_in_dim3A_875, %add3A_1489 : vector<16xi32>
        %convert_element_type3A_1500 = arith.extui %le3A_1499 : vector<16xi1> to vector<16xi32>
        %add3A_1501 = arith.addi %add3A_1498, %convert_element_type3A_1500 : vector<16xi32>
        %add3A_1502 = arith.constant 464 : i32
        %add3A_1503 = arith.addi %mul3A_852, %add3A_1502 : i32
        %swap3A_1504 = arith.index_cast %add3A_1503 : i32 to index
        %swap3A_1505 = tpu.vector_load %arg6[%swap3A_1504] {strides = array<i32>} : memref<32768xi32, #tpu.memory_space<vmem>>, vector<16xi32>,
        tpu.vector_store %arg6[%swap3A_1504], %add3A_1501 {strides = array<i32>} : memref<32768xi32, #tpu.memory_space<vmem>>, vector<16xi32>,
        %add3A_1506 = arith.addi %mul3A_2, %mul3A_852 : i32
        %add3A_1507 = arith.constant 480 : i32
        %add3A_1508 = arith.addi %add3A_1506, %add3A_1507 : i32
        %add3A_1509 = vector.broadcast %add3A_1508 : i32 to vector<16xi32>
        %add3A_1510 = arith.addi %add3A_1509, %iota3A : vector<16xi32>
        %le3A_1511 = arith.cmpi sle, %broadcast_in_dim3A_866, %add3A_1510 : vector<16xi32>
        %convert_element_type3A_1512 = arith.extui %le3A_1511 : vector<16xi1> to vector<16xi32>
        %add3A_1513 = arith.addi %broadcast_in_dim3A_853, %convert_element_type3A_1512 : vector<16xi32>
        %le3A_1514 = arith.cmpi sle, %broadcast_in_dim3A_869, %add3A_1510 : vector<16xi32>
        %convert_element_type3A_1515 = arith.extui %le3A_1514 : vector<16xi1> to vector<16xi32>
        %add3A_1516 = arith.addi %add3A_1513, %convert_element_type3A_1515 : vector<16xi32>
        %le3A_1517 = arith.cmpi sle, %broadcast_in_dim3A_872, %add3A_1510 : vector<16xi32>
        %convert_element_type3A_1518 = arith.extui %le3A_1517 : vector<16xi1> to vector<16xi32>
        %add3A_1519 = arith.addi %add3A_1516, %convert_element_type3A_1518 : vector<16xi32>
        %le3A_1520 = arith.cmpi sle, %broadcast_in_dim3A_875, %add3A_1510 : vector<16xi32>
        %convert_element_type3A_1521 = arith.extui %le3A_1520 : vector<16xi1> to vector<16xi32>
        %add3A_1522 = arith.addi %add3A_1519, %convert_element_type3A_1521 : vector<16xi32>
        %add3A_1523 = arith.constant 480 : i32
        %add3A_1524 = arith.addi %mul3A_852, %add3A_1523 : i32
        %swap3A_1525 = arith.index_cast %add3A_1524 : i32 to index
        %swap3A_1526 = tpu.vector_load %arg6[%swap3A_1525] {strides = array<i32>} : memref<32768xi32, #tpu.memory_space<vmem>>, vector<16xi32>,
        tpu.vector_store %arg6[%swap3A_1525], %add3A_1522 {strides = array<i32>} : memref<32768xi32, #tpu.memory_space<vmem>>, vector<16xi32>,
        %add3A_1527 = arith.addi %mul3A_2, %mul3A_852 : i32
        %add3A_1528 = arith.constant 496 : i32
        %add3A_1529 = arith.addi %add3A_1527, %add3A_1528 : i32
        %add3A_1530 = vector.broadcast %add3A_1529 : i32 to vector<16xi32>
        %add3A_1531 = arith.addi %add3A_1530, %iota3A : vector<16xi32>
        %le3A_1532 = arith.cmpi sle, %broadcast_in_dim3A_866, %add3A_1531 : vector<16xi32>
        %convert_element_type3A_1533 = arith.extui %le3A_1532 : vector<16xi1> to vector<16xi32>
        %add3A_1534 = arith.addi %broadcast_in_dim3A_853, %convert_element_type3A_1533 : vector<16xi32>
        %le3A_1535 = arith.cmpi sle, %broadcast_in_dim3A_869, %add3A_1531 : vector<16xi32>
        %convert_element_type3A_1536 = arith.extui %le3A_1535 : vector<16xi1> to vector<16xi32>
        %add3A_1537 = arith.addi %add3A_1534, %convert_element_type3A_1536 : vector<16xi32>
        %le3A_1538 = arith.cmpi sle, %broadcast_in_dim3A_872, %add3A_1531 : vector<16xi32>
        %convert_element_type3A_1539 = arith.extui %le3A_1538 : vector<16xi1> to vector<16xi32>
        %add3A_1540 = arith.addi %add3A_1537, %convert_element_type3A_1539 : vector<16xi32>
        %le3A_1541 = arith.cmpi sle, %broadcast_in_dim3A_875, %add3A_1531 : vector<16xi32>
        %convert_element_type3A_1542 = arith.extui %le3A_1541 : vector<16xi1> to vector<16xi32>
        %add3A_1543 = arith.addi %add3A_1540, %convert_element_type3A_1542 : vector<16xi32>
        %add3A_1544 = arith.constant 496 : i32
        %add3A_1545 = arith.addi %mul3A_852, %add3A_1544 : i32
        %swap3A_1546 = arith.index_cast %add3A_1545 : i32 to index
        %swap3A_1547 = tpu.vector_load %arg6[%swap3A_1546] {strides = array<i32>} : memref<32768xi32, #tpu.memory_space<vmem>>, vector<16xi32>,
        tpu.vector_store %arg6[%swap3A_1546], %add3A_1543 {strides = array<i32>} : memref<32768xi32, #tpu.memory_space<vmem>>, vector<16xi32>,
      } else {
      }
      %sub3A_857 = arith.subi %squeeze3A_850, %squeeze3A : i32
      %gt3A = arith.constant 4 : i32
      %gt3A_858 = arith.cmpi sgt, %sub3A_857, %gt3A : i32
      %convert_element_type3A_859 = arith.extui %gt3A_858 : i1 to i32
      %cond3A_860 = arith.constant 0 : i32
      %cond3A_861 = arith.cmpi ne, %convert_element_type3A_859, %cond3A_860 : i32
      scf.if %cond3A_861 {
        %broadcast_in_dim3A_862 = vector.broadcast %squeeze3A_850 : i32 to vector<16xi32>
        %scan3A_863 = arith.constant 0 : i32
        %scan3A_864 = arith.constant 0 : i32
        %scan3A_865 = arith.constant 32 : i32
        %scan3A_866 = arith.addi %scan3A_864, %scan3A_865 : i32
        %scan3A_867 = arith.constant 1 : i32
        scf.for %scan3A_869 = %scan3A_864 to %scan3A_866 step %scan3A_867  : i32 {
          %add3A_870 = arith.addi %mul3A_2, %mul3A_852 : i32
          %mul3A_871 = arith.constant 16 : i32
          %mul3A_872 = arith.muli %scan3A_869, %mul3A_871 : i32
          %add3A_873 = arith.addi %add3A_870, %mul3A_872 : i32
          %add3A_874 = vector.broadcast %add3A_873 : i32 to vector<16xi32>
          %add3A_875 = arith.addi %add3A_874, %iota3A : vector<16xi32>
          %add3A_876 = arith.addi %broadcast_in_dim3A_853, %broadcast_in_dim3A_862 : vector<16xi32>
          %shift_right_arithmetic3A_877 = arith.constant 1 : i32
          %shift_right_arithmetic3A_878 = vector.broadcast %shift_right_arithmetic3A_877 : i32 to vector<16xi32>
          %shift_right_arithmetic3A_879 = arith.shrsi %add3A_876, %shift_right_arithmetic3A_878 : vector<16xi32>
          %gather3A_880 = tpu.vector_load_idx %arg4[%shift_right_arithmetic3A_879] : memref<4112xi32, #tpu.memory_space<vmem>>[vector<16xi32>], vector<16xi32>,
          %le3A_881 = arith.cmpi sle, %gather3A_880, %add3A_875 : vector<16xi32>
          %add3A_882 = arith.constant 1 : i32
          %add3A_883 = vector.broadcast %add3A_882 : i32 to vector<16xi32>
          %add3A_884 = arith.addi %shift_right_arithmetic3A_879, %add3A_883 : vector<16xi32>
          %select_n3A_885 = arith.select %le3A_881, %add3A_884, %broadcast_in_dim3A_853 : vector<16xi1>, vector<16xi32>
          %select_n3A_886 = arith.select %le3A_881, %broadcast_in_dim3A_862, %shift_right_arithmetic3A_879 : vector<16xi1>, vector<16xi32>
          %add3A_887 = arith.addi %select_n3A_885, %select_n3A_886 : vector<16xi32>
          %shift_right_arithmetic3A_888 = arith.constant 1 : i32
          %shift_right_arithmetic3A_889 = vector.broadcast %shift_right_arithmetic3A_888 : i32 to vector<16xi32>
          %shift_right_arithmetic3A_890 = arith.shrsi %add3A_887, %shift_right_arithmetic3A_889 : vector<16xi32>
          %gather3A_891 = tpu.vector_load_idx %arg4[%shift_right_arithmetic3A_890] : memref<4112xi32, #tpu.memory_space<vmem>>[vector<16xi32>], vector<16xi32>,
          %le3A_892 = arith.cmpi sle, %gather3A_891, %add3A_875 : vector<16xi32>
          %add3A_893 = arith.constant 1 : i32
          %add3A_894 = vector.broadcast %add3A_893 : i32 to vector<16xi32>
          %add3A_895 = arith.addi %shift_right_arithmetic3A_890, %add3A_894 : vector<16xi32>
          %select_n3A_896 = arith.select %le3A_892, %add3A_895, %select_n3A_885 : vector<16xi1>, vector<16xi32>
          %select_n3A_897 = arith.select %le3A_892, %select_n3A_886, %shift_right_arithmetic3A_890 : vector<16xi1>, vector<16xi32>
          %add3A_898 = arith.addi %select_n3A_896, %select_n3A_897 : vector<16xi32>
          %shift_right_arithmetic3A_899 = arith.constant 1 : i32
          %shift_right_arithmetic3A_900 = vector.broadcast %shift_right_arithmetic3A_899 : i32 to vector<16xi32>
          %shift_right_arithmetic3A_901 = arith.shrsi %add3A_898, %shift_right_arithmetic3A_900 : vector<16xi32>
          %gather3A_902 = tpu.vector_load_idx %arg4[%shift_right_arithmetic3A_901] : memref<4112xi32, #tpu.memory_space<vmem>>[vector<16xi32>], vector<16xi32>,
          %le3A_903 = arith.cmpi sle, %gather3A_902, %add3A_875 : vector<16xi32>
          %add3A_904 = arith.constant 1 : i32
          %add3A_905 = vector.broadcast %add3A_904 : i32 to vector<16xi32>
          %add3A_906 = arith.addi %shift_right_arithmetic3A_901, %add3A_905 : vector<16xi32>
          %select_n3A_907 = arith.select %le3A_903, %add3A_906, %select_n3A_896 : vector<16xi1>, vector<16xi32>
          %select_n3A_908 = arith.select %le3A_903, %select_n3A_897, %shift_right_arithmetic3A_901 : vector<16xi1>, vector<16xi32>
          %add3A_909 = arith.addi %select_n3A_907, %select_n3A_908 : vector<16xi32>
          %shift_right_arithmetic3A_910 = arith.constant 1 : i32
          %shift_right_arithmetic3A_911 = vector.broadcast %shift_right_arithmetic3A_910 : i32 to vector<16xi32>
          %shift_right_arithmetic3A_912 = arith.shrsi %add3A_909, %shift_right_arithmetic3A_911 : vector<16xi32>
          %gather3A_913 = tpu.vector_load_idx %arg4[%shift_right_arithmetic3A_912] : memref<4112xi32, #tpu.memory_space<vmem>>[vector<16xi32>], vector<16xi32>,
          %le3A_914 = arith.cmpi sle, %gather3A_913, %add3A_875 : vector<16xi32>
          %add3A_915 = arith.constant 1 : i32
          %add3A_916 = vector.broadcast %add3A_915 : i32 to vector<16xi32>
          %add3A_917 = arith.addi %shift_right_arithmetic3A_912, %add3A_916 : vector<16xi32>
          %select_n3A_918 = arith.select %le3A_914, %add3A_917, %select_n3A_907 : vector<16xi1>, vector<16xi32>
          %select_n3A_919 = arith.select %le3A_914, %select_n3A_908, %shift_right_arithmetic3A_912 : vector<16xi1>, vector<16xi32>
          %add3A_920 = arith.addi %select_n3A_918, %select_n3A_919 : vector<16xi32>
          %shift_right_arithmetic3A_921 = arith.constant 1 : i32
          %shift_right_arithmetic3A_922 = vector.broadcast %shift_right_arithmetic3A_921 : i32 to vector<16xi32>
          %shift_right_arithmetic3A_923 = arith.shrsi %add3A_920, %shift_right_arithmetic3A_922 : vector<16xi32>
          %gather3A_924 = tpu.vector_load_idx %arg4[%shift_right_arithmetic3A_923] : memref<4112xi32, #tpu.memory_space<vmem>>[vector<16xi32>], vector<16xi32>,
          %le3A_925 = arith.cmpi sle, %gather3A_924, %add3A_875 : vector<16xi32>
          %add3A_926 = arith.constant 1 : i32
          %add3A_927 = vector.broadcast %add3A_926 : i32 to vector<16xi32>
          %add3A_928 = arith.addi %shift_right_arithmetic3A_923, %add3A_927 : vector<16xi32>
          %select_n3A_929 = arith.select %le3A_925, %add3A_928, %select_n3A_918 : vector<16xi1>, vector<16xi32>
          %select_n3A_930 = arith.select %le3A_925, %select_n3A_919, %shift_right_arithmetic3A_923 : vector<16xi1>, vector<16xi32>
          %add3A_931 = arith.addi %select_n3A_929, %select_n3A_930 : vector<16xi32>
          %shift_right_arithmetic3A_932 = arith.constant 1 : i32
          %shift_right_arithmetic3A_933 = vector.broadcast %shift_right_arithmetic3A_932 : i32 to vector<16xi32>
          %shift_right_arithmetic3A_934 = arith.shrsi %add3A_931, %shift_right_arithmetic3A_933 : vector<16xi32>
          %gather3A_935 = tpu.vector_load_idx %arg4[%shift_right_arithmetic3A_934] : memref<4112xi32, #tpu.memory_space<vmem>>[vector<16xi32>], vector<16xi32>,
          %le3A_936 = arith.cmpi sle, %gather3A_935, %add3A_875 : vector<16xi32>
          %add3A_937 = arith.constant 1 : i32
          %add3A_938 = vector.broadcast %add3A_937 : i32 to vector<16xi32>
          %add3A_939 = arith.addi %shift_right_arithmetic3A_934, %add3A_938 : vector<16xi32>
          %select_n3A_940 = arith.select %le3A_936, %add3A_939, %select_n3A_929 : vector<16xi1>, vector<16xi32>
          %select_n3A_941 = arith.select %le3A_936, %select_n3A_930, %shift_right_arithmetic3A_934 : vector<16xi1>, vector<16xi32>
          %add3A_942 = arith.addi %select_n3A_940, %select_n3A_941 : vector<16xi32>
          %shift_right_arithmetic3A_943 = arith.constant 1 : i32
          %shift_right_arithmetic3A_944 = vector.broadcast %shift_right_arithmetic3A_943 : i32 to vector<16xi32>
          %shift_right_arithmetic3A_945 = arith.shrsi %add3A_942, %shift_right_arithmetic3A_944 : vector<16xi32>
          %gather3A_946 = tpu.vector_load_idx %arg4[%shift_right_arithmetic3A_945] : memref<4112xi32, #tpu.memory_space<vmem>>[vector<16xi32>], vector<16xi32>,
          %le3A_947 = arith.cmpi sle, %gather3A_946, %add3A_875 : vector<16xi32>
          %add3A_948 = arith.constant 1 : i32
          %add3A_949 = vector.broadcast %add3A_948 : i32 to vector<16xi32>
          %add3A_950 = arith.addi %shift_right_arithmetic3A_945, %add3A_949 : vector<16xi32>
          %select_n3A_951 = arith.select %le3A_947, %add3A_950, %select_n3A_940 : vector<16xi1>, vector<16xi32>
          %select_n3A_952 = arith.select %le3A_947, %select_n3A_941, %shift_right_arithmetic3A_945 : vector<16xi1>, vector<16xi32>
          %add3A_953 = arith.addi %select_n3A_951, %select_n3A_952 : vector<16xi32>
          %shift_right_arithmetic3A_954 = arith.constant 1 : i32
          %shift_right_arithmetic3A_955 = vector.broadcast %shift_right_arithmetic3A_954 : i32 to vector<16xi32>
          %shift_right_arithmetic3A_956 = arith.shrsi %add3A_953, %shift_right_arithmetic3A_955 : vector<16xi32>
          %gather3A_957 = tpu.vector_load_idx %arg4[%shift_right_arithmetic3A_956] : memref<4112xi32, #tpu.memory_space<vmem>>[vector<16xi32>], vector<16xi32>,
          %le3A_958 = arith.cmpi sle, %gather3A_957, %add3A_875 : vector<16xi32>
          %add3A_959 = arith.constant 1 : i32
          %add3A_960 = vector.broadcast %add3A_959 : i32 to vector<16xi32>
          %add3A_961 = arith.addi %shift_right_arithmetic3A_956, %add3A_960 : vector<16xi32>
          %select_n3A_962 = arith.select %le3A_958, %add3A_961, %select_n3A_951 : vector<16xi1>, vector<16xi32>
          %select_n3A_963 = arith.select %le3A_958, %select_n3A_952, %shift_right_arithmetic3A_956 : vector<16xi1>, vector<16xi32>
          %add3A_964 = arith.addi %select_n3A_962, %select_n3A_963 : vector<16xi32>
          %shift_right_arithmetic3A_965 = arith.constant 1 : i32
          %shift_right_arithmetic3A_966 = vector.broadcast %shift_right_arithmetic3A_965 : i32 to vector<16xi32>
          %shift_right_arithmetic3A_967 = arith.shrsi %add3A_964, %shift_right_arithmetic3A_966 : vector<16xi32>
          %gather3A_968 = tpu.vector_load_idx %arg4[%shift_right_arithmetic3A_967] : memref<4112xi32, #tpu.memory_space<vmem>>[vector<16xi32>], vector<16xi32>,
          %le3A_969 = arith.cmpi sle, %gather3A_968, %add3A_875 : vector<16xi32>
          %add3A_970 = arith.constant 1 : i32
          %add3A_971 = vector.broadcast %add3A_970 : i32 to vector<16xi32>
          %add3A_972 = arith.addi %shift_right_arithmetic3A_967, %add3A_971 : vector<16xi32>
          %select_n3A_973 = arith.select %le3A_969, %add3A_972, %select_n3A_962 : vector<16xi1>, vector<16xi32>
          %select_n3A_974 = arith.select %le3A_969, %select_n3A_963, %shift_right_arithmetic3A_967 : vector<16xi1>, vector<16xi32>
          %add3A_975 = arith.addi %select_n3A_973, %select_n3A_974 : vector<16xi32>
          %shift_right_arithmetic3A_976 = arith.constant 1 : i32
          %shift_right_arithmetic3A_977 = vector.broadcast %shift_right_arithmetic3A_976 : i32 to vector<16xi32>
          %shift_right_arithmetic3A_978 = arith.shrsi %add3A_975, %shift_right_arithmetic3A_977 : vector<16xi32>
          %gather3A_979 = tpu.vector_load_idx %arg4[%shift_right_arithmetic3A_978] : memref<4112xi32, #tpu.memory_space<vmem>>[vector<16xi32>], vector<16xi32>,
          %le3A_980 = arith.cmpi sle, %gather3A_979, %add3A_875 : vector<16xi32>
          %add3A_981 = arith.constant 1 : i32
          %add3A_982 = vector.broadcast %add3A_981 : i32 to vector<16xi32>
          %add3A_983 = arith.addi %shift_right_arithmetic3A_978, %add3A_982 : vector<16xi32>
          %select_n3A_984 = arith.select %le3A_980, %add3A_983, %select_n3A_973 : vector<16xi1>, vector<16xi32>
          %select_n3A_985 = arith.select %le3A_980, %select_n3A_974, %shift_right_arithmetic3A_978 : vector<16xi1>, vector<16xi32>
          %add3A_986 = arith.addi %select_n3A_984, %select_n3A_985 : vector<16xi32>
          %shift_right_arithmetic3A_987 = arith.constant 1 : i32
          %shift_right_arithmetic3A_988 = vector.broadcast %shift_right_arithmetic3A_987 : i32 to vector<16xi32>
          %shift_right_arithmetic3A_989 = arith.shrsi %add3A_986, %shift_right_arithmetic3A_988 : vector<16xi32>
          %gather3A_990 = tpu.vector_load_idx %arg4[%shift_right_arithmetic3A_989] : memref<4112xi32, #tpu.memory_space<vmem>>[vector<16xi32>], vector<16xi32>,
          %le3A_991 = arith.cmpi sle, %gather3A_990, %add3A_875 : vector<16xi32>
          %add3A_992 = arith.constant 1 : i32
          %add3A_993 = vector.broadcast %add3A_992 : i32 to vector<16xi32>
          %add3A_994 = arith.addi %shift_right_arithmetic3A_989, %add3A_993 : vector<16xi32>
          %select_n3A_995 = arith.select %le3A_991, %add3A_994, %select_n3A_984 : vector<16xi1>, vector<16xi32>
          %select_n3A_996 = arith.select %le3A_991, %select_n3A_985, %shift_right_arithmetic3A_989 : vector<16xi1>, vector<16xi32>
          %add3A_997 = arith.addi %select_n3A_995, %select_n3A_996 : vector<16xi32>
          %shift_right_arithmetic3A_998 = arith.constant 1 : i32
          %shift_right_arithmetic3A_999 = vector.broadcast %shift_right_arithmetic3A_998 : i32 to vector<16xi32>
          %shift_right_arithmetic3A_1000 = arith.shrsi %add3A_997, %shift_right_arithmetic3A_999 : vector<16xi32>
          %gather3A_1001 = tpu.vector_load_idx %arg4[%shift_right_arithmetic3A_1000] : memref<4112xi32, #tpu.memory_space<vmem>>[vector<16xi32>], vector<16xi32>,
          %le3A_1002 = arith.cmpi sle, %gather3A_1001, %add3A_875 : vector<16xi32>
          %add3A_1003 = arith.constant 1 : i32
          %add3A_1004 = vector.broadcast %add3A_1003 : i32 to vector<16xi32>
          %add3A_1005 = arith.addi %shift_right_arithmetic3A_1000, %add3A_1004 : vector<16xi32>
          %select_n3A_1006 = arith.select %le3A_1002, %add3A_1005, %select_n3A_995 : vector<16xi1>, vector<16xi32>
          %select_n3A_1007 = arith.select %le3A_1002, %select_n3A_996, %shift_right_arithmetic3A_1000 : vector<16xi1>, vector<16xi32>
          %add3A_1008 = arith.addi %select_n3A_1006, %select_n3A_1007 : vector<16xi32>
          %shift_right_arithmetic3A_1009 = arith.constant 1 : i32
          %shift_right_arithmetic3A_1010 = vector.broadcast %shift_right_arithmetic3A_1009 : i32 to vector<16xi32>
          %shift_right_arithmetic3A_1011 = arith.shrsi %add3A_1008, %shift_right_arithmetic3A_1010 : vector<16xi32>
          %gather3A_1012 = tpu.vector_load_idx %arg4[%shift_right_arithmetic3A_1011] : memref<4112xi32, #tpu.memory_space<vmem>>[vector<16xi32>], vector<16xi32>,
          %le3A_1013 = arith.cmpi sle, %gather3A_1012, %add3A_875 : vector<16xi32>
          %add3A_1014 = arith.constant 1 : i32
          %add3A_1015 = vector.broadcast %add3A_1014 : i32 to vector<16xi32>
          %add3A_1016 = arith.addi %shift_right_arithmetic3A_1011, %add3A_1015 : vector<16xi32>
          %select_n3A_1017 = arith.select %le3A_1013, %add3A_1016, %select_n3A_1006 : vector<16xi1>, vector<16xi32>
          %select_n3A_1018 = arith.select %le3A_1013, %select_n3A_1007, %shift_right_arithmetic3A_1011 : vector<16xi1>, vector<16xi32>
          %mul3A_1019 = arith.constant 16 : i32
          %mul3A_1020 = arith.muli %scan3A_869, %mul3A_1019 : i32
          %add3A_1021 = arith.addi %mul3A_852, %mul3A_1020 : i32
          %swap3A_1022 = arith.index_cast %add3A_1021 : i32 to index
          %swap3A_1023 = tpu.vector_load %arg6[%swap3A_1022] {strides = array<i32>} : memref<32768xi32, #tpu.memory_space<vmem>>, vector<16xi32>,
          tpu.vector_store %arg6[%swap3A_1022], %select_n3A_1017 {strides = array<i32>} : memref<32768xi32, #tpu.memory_space<vmem>>, vector<16xi32>,
        }
        %scan3A_868 = arith.constant 32 : i32
      } else {
      }
    }
    %scan3A_815 = arith.constant 16 : i32
    %add3A_816 = arith.constant 24576 : i32
    %add3A_817 = arith.addi %mul3A_2, %add3A_816 : i32
    %dma_start3A_818 = arith.constant 24576 : i32
    %dma_start3A_819 = tpu.memref_slice %arg6[%dma_start3A_818] : memref<32768xi32, #tpu.memory_space<vmem>> -> memref<8192xi32, #tpu.memory_space<vmem>>
    %dma_start3A_820 = tpu.memref_slice %arg3[%add3A_817] : memref<1048576xi32, #tpu.memory_space<hbm>> -> memref<8192xi32, #tpu.memory_space<hbm>>
    %dma_start3A_821 = tpu.memref_slice %arg3[%add3A_817] : memref<1048576xi32, #tpu.memory_space<hbm>> -> memref<8192xi32, #tpu.memory_space<hbm>>
    %dma_start3A_822 = arith.constant 24576 : i32
    %dma_start3A_823 = tpu.memref_slice %arg6[%dma_start3A_822] : memref<32768xi32, #tpu.memory_space<vmem>> -> memref<8192xi32, #tpu.memory_space<vmem>>
    tpu.enqueue_dma source(%dma_start3A_823 : memref<8192xi32, #tpu.memory_space<vmem>>) target(%dma_start3A_821 : memref<8192xi32, #tpu.memory_space<hbm>>) target_semaphore(%arg7 : memref<!tpu.dma_semaphore, #tpu.memory_space<semaphore_mem>>)
    %dma_wait3A = arith.constant 0 : i32
    %dma_wait3A_824 = tpu.memref_slice %arg6[%dma_wait3A] : memref<32768xi32, #tpu.memory_space<vmem>> -> memref<8192xi32, #tpu.memory_space<vmem>>
    %dma_wait3A_825 = tpu.memref_slice %arg3[%add3A_776] : memref<1048576xi32, #tpu.memory_space<hbm>> -> memref<8192xi32, #tpu.memory_space<hbm>>
    %dma_wait3A_826 = tpu.memref_slice %arg3[%add3A_776] : memref<1048576xi32, #tpu.memory_space<hbm>> -> memref<8192xi32, #tpu.memory_space<hbm>>
    %dma_wait3A_827 = arith.constant 0 : i32
    %dma_wait3A_828 = tpu.memref_slice %arg6[%dma_wait3A_827] : memref<32768xi32, #tpu.memory_space<vmem>> -> memref<8192xi32, #tpu.memory_space<vmem>>
    tpu.wait_dma2 semaphore(%arg7 : memref<!tpu.dma_semaphore, #tpu.memory_space<semaphore_mem>>) src(%dma_wait3A_828 : memref<8192xi32, #tpu.memory_space<vmem>>) dst(%dma_wait3A_826 : memref<8192xi32, #tpu.memory_space<hbm>>)
    %dma_wait3A_829 = arith.constant 8192 : i32
    %dma_wait3A_830 = tpu.memref_slice %arg6[%dma_wait3A_829] : memref<32768xi32, #tpu.memory_space<vmem>> -> memref<8192xi32, #tpu.memory_space<vmem>>
    %dma_wait3A_831 = tpu.memref_slice %arg3[%add3A_789] : memref<1048576xi32, #tpu.memory_space<hbm>> -> memref<8192xi32, #tpu.memory_space<hbm>>
    %dma_wait3A_832 = tpu.memref_slice %arg3[%add3A_789] : memref<1048576xi32, #tpu.memory_space<hbm>> -> memref<8192xi32, #tpu.memory_space<hbm>>
    %dma_wait3A_833 = arith.constant 8192 : i32
    %dma_wait3A_834 = tpu.memref_slice %arg6[%dma_wait3A_833] : memref<32768xi32, #tpu.memory_space<vmem>> -> memref<8192xi32, #tpu.memory_space<vmem>>
    tpu.wait_dma2 semaphore(%arg7 : memref<!tpu.dma_semaphore, #tpu.memory_space<semaphore_mem>>) src(%dma_wait3A_834 : memref<8192xi32, #tpu.memory_space<vmem>>) dst(%dma_wait3A_832 : memref<8192xi32, #tpu.memory_space<hbm>>)
    %dma_wait3A_835 = arith.constant 16384 : i32
    %dma_wait3A_836 = tpu.memref_slice %arg6[%dma_wait3A_835] : memref<32768xi32, #tpu.memory_space<vmem>> -> memref<8192xi32, #tpu.memory_space<vmem>>
    %dma_wait3A_837 = tpu.memref_slice %arg3[%add3A_803] : memref<1048576xi32, #tpu.memory_space<hbm>> -> memref<8192xi32, #tpu.memory_space<hbm>>
    %dma_wait3A_838 = tpu.memref_slice %arg3[%add3A_803] : memref<1048576xi32, #tpu.memory_space<hbm>> -> memref<8192xi32, #tpu.memory_space<hbm>>
    %dma_wait3A_839 = arith.constant 16384 : i32
    %dma_wait3A_840 = tpu.memref_slice %arg6[%dma_wait3A_839] : memref<32768xi32, #tpu.memory_space<vmem>> -> memref<8192xi32, #tpu.memory_space<vmem>>
    tpu.wait_dma2 semaphore(%arg7 : memref<!tpu.dma_semaphore, #tpu.memory_space<semaphore_mem>>) src(%dma_wait3A_840 : memref<8192xi32, #tpu.memory_space<vmem>>) dst(%dma_wait3A_838 : memref<8192xi32, #tpu.memory_space<hbm>>)
    %dma_wait3A_841 = arith.constant 24576 : i32
    %dma_wait3A_842 = tpu.memref_slice %arg6[%dma_wait3A_841] : memref<32768xi32, #tpu.memory_space<vmem>> -> memref<8192xi32, #tpu.memory_space<vmem>>
    %dma_wait3A_843 = tpu.memref_slice %arg3[%add3A_817] : memref<1048576xi32, #tpu.memory_space<hbm>> -> memref<8192xi32, #tpu.memory_space<hbm>>
    %dma_wait3A_844 = tpu.memref_slice %arg3[%add3A_817] : memref<1048576xi32, #tpu.memory_space<hbm>> -> memref<8192xi32, #tpu.memory_space<hbm>>
    %dma_wait3A_845 = arith.constant 24576 : i32
    %dma_wait3A_846 = tpu.memref_slice %arg6[%dma_wait3A_845] : memref<32768xi32, #tpu.memory_space<vmem>> -> memref<8192xi32, #tpu.memory_space<vmem>>
    tpu.wait_dma2 semaphore(%arg7 : memref<!tpu.dma_semaphore, #tpu.memory_space<semaphore_mem>>) src(%dma_wait3A_846 : memref<8192xi32, #tpu.memory_space<vmem>>) dst(%dma_wait3A_844 : memref<8192xi32, #tpu.memory_space<hbm>>)
    return
  }
}

module attributes {stable_mosaic.version = 14 : i64} {
  func.func @_counts_body(%arg0: memref<2x32x128xf32, #tpu.memory_space<vmem>>, %arg1: memref<1x1xf32, #tpu.memory_space<smem>>, %arg2: memref<32x128xi32, #tpu.memory_space<vmem>>) attributes {dimension_semantics = [], scalar_prefetch = 0 : i64, scratch_operands = 0 : i64, tpu.core_type = #tpu.core_type<tc>} {
    %get3A = arith.constant 0 : index
    %get3A_0 = arith.constant 0 : index
    %get3A_1 = memref.load %arg1[%get3A, %get3A_0] : memref<1x1xf32, #tpu.memory_space<smem>>
    %get3A_2 = arith.constant 0 : index
    %get3A_3 = arith.constant 0 : index
    %get3A_4 = arith.constant 0 : index
    %get3A_5 = vector.load %arg0[%get3A_2, %get3A_3, %get3A_4] : memref<2x32x128xf32, #tpu.memory_space<vmem>>, vector<1x32x128xf32>
    %get3A_6 = vector.shape_cast %get3A_5 : vector<1x32x128xf32> to vector<32x128xf32>
    %get3A_7 = arith.constant 1 : index
    %get3A_8 = arith.constant 0 : index
    %get3A_9 = arith.constant 0 : index
    %get3A_10 = vector.load %arg0[%get3A_7, %get3A_8, %get3A_9] : memref<2x32x128xf32, #tpu.memory_space<vmem>>, vector<1x32x128xf32>
    %get3A_11 = vector.shape_cast %get3A_10 : vector<1x32x128xf32> to vector<32x128xf32>
    %mul3A = arith.mulf %get3A_6, %get3A_6 : vector<32x128xf32>
    %mul3A_12 = arith.mulf %get3A_11, %get3A_11 : vector<32x128xf32>
    %add3A = arith.addf %mul3A, %mul3A_12 : vector<32x128xf32>
    %neg3A = arith.constant 0.000000e+00 : f32
    %neg3A_13 = arith.subf %neg3A, %get3A_1 : f32
    %mul3A_14 = vector.broadcast %neg3A_13 : f32 to vector<32x128xf32>
    %mul3A_15 = arith.mulf %mul3A_14, %add3A : vector<32x128xf32>
    %exp3A = math.exp %mul3A_15 : vector<32x128xf32>
    %reduce_sum3A = vector.shape_cast %exp3A : vector<32x128xf32> to vector<1x32x128xf32>
    %reduce_sum3A_16 = arith.constant dense<0.000000e+00> : vector<1xf32>
    %reduce_sum3A_17 = vector.multi_reduction <add>, %reduce_sum3A, %reduce_sum3A_16 [1, 2] : vector<1x32x128xf32> to vector<1xf32>
    %reduce_sum3A_18 = vector.shape_cast %reduce_sum3A_17 : vector<1xf32> to vector<1x1x1xf32>
    %reduce_sum3A_19 = vector.extract %reduce_sum3A_18[0, 0, 0] : f32 from vector<1x1x1xf32>
    %div3A = vector.broadcast %reduce_sum3A_19 : f32 to vector<32x128xf32>
    %div3A_20 = arith.divf %exp3A, %div3A : vector<32x128xf32>
    %mul3A_21 = arith.constant 0x49800000 : f32
    %mul3A_22 = vector.broadcast %mul3A_21 : f32 to vector<32x128xf32>
    %mul3A_23 = arith.mulf %div3A_20, %mul3A_22 : vector<32x128xf32>
    %floor3A = math.floor %mul3A_23 : vector<32x128xf32>
    %sub3A = arith.subf %mul3A_23, %floor3A : vector<32x128xf32>
    %reduce_sum3A_24 = vector.shape_cast %floor3A : vector<32x128xf32> to vector<1x32x128xf32>
    %reduce_sum3A_25 = arith.constant dense<0.000000e+00> : vector<1xf32>
    %reduce_sum3A_26 = vector.multi_reduction <add>, %reduce_sum3A_24, %reduce_sum3A_25 [1, 2] : vector<1x32x128xf32> to vector<1xf32>
    %reduce_sum3A_27 = vector.shape_cast %reduce_sum3A_26 : vector<1xf32> to vector<1x1x1xf32>
    %reduce_sum3A_28 = vector.extract %reduce_sum3A_27[0, 0, 0] : f32 from vector<1x1x1xf32>
    %sub3A_29 = arith.constant 0x49800000 : f32
    %sub3A_30 = arith.subf %sub3A_29, %reduce_sum3A_28 : f32
    %bitcast_convert_type3A = tpu.bitcast %sub3A : vector<32x128xf32> -> vector<32x128xi32>
    %scan3A = arith.constant 0 : i32
    %scan3A_31 = arith.constant 1065353216 : i32
    %scan3A_32 = arith.constant 0 : i32
    %scan3A_33 = arith.constant 31 : i32
    %scan3A_34 = arith.addi %scan3A_32, %scan3A_33 : i32
    %scan3A_35 = arith.constant 1 : i32
    %scan3A_36:2 = scf.for %scan3A_84 = %scan3A_32 to %scan3A_34 step %scan3A_35 iter_args(%scan3A_85 = %scan3A, %scan3A_86 = %scan3A_31) -> (i32, i32)  : i32 {
      %add3A_87 = arith.addi %scan3A_85, %scan3A_86 : i32
      %shift_right_arithmetic3A = arith.constant 1 : i32
      %shift_right_arithmetic3A_88 = arith.shrsi %add3A_87, %shift_right_arithmetic3A : i32
      %gt3A_89 = vector.broadcast %shift_right_arithmetic3A_88 : i32 to vector<32x128xi32>
      %gt3A_90 = arith.cmpi sgt, %bitcast_convert_type3A, %gt3A_89 : vector<32x128xi32>
      %convert_element_type3A_91 = arith.extui %gt3A_90 : vector<32x128xi1> to vector<32x128xi32>
      %convert_element_type3A_92 = arith.sitofp %convert_element_type3A_91 : vector<32x128xi32> to vector<32x128xf32>
      %reduce_sum3A_93 = vector.shape_cast %convert_element_type3A_92 : vector<32x128xf32> to vector<1x32x128xf32>
      %reduce_sum3A_94 = arith.constant dense<0.000000e+00> : vector<1xf32>
      %reduce_sum3A_95 = vector.multi_reduction <add>, %reduce_sum3A_93, %reduce_sum3A_94 [1, 2] : vector<1x32x128xf32> to vector<1xf32>
      %reduce_sum3A_96 = vector.shape_cast %reduce_sum3A_95 : vector<1xf32> to vector<1x1x1xf32>
      %reduce_sum3A_97 = vector.extract %reduce_sum3A_96[0, 0, 0] : f32 from vector<1x1x1xf32>
      %lt3A_98 = arith.cmpf olt, %reduce_sum3A_97, %sub3A_30 : f32
      %add3A_99 = arith.constant 1 : i32
      %add3A_100 = arith.addi %shift_right_arithmetic3A_88, %add3A_99 : i32
      %select_n3A_101 = arith.select %lt3A_98, %scan3A_85, %add3A_100 : i32
      %select_n3A_102 = arith.select %lt3A_98, %shift_right_arithmetic3A_88, %scan3A_86 : i32
      scf.yield %select_n3A_101, %select_n3A_102 : i32, i32
    }
    %gt3A = vector.broadcast %scan3A_36#1 : i32 to vector<32x128xi32>
    %gt3A_37 = arith.cmpi sgt, %bitcast_convert_type3A, %gt3A : vector<32x128xi32>
    %eq3A = vector.broadcast %scan3A_36#1 : i32 to vector<32x128xi32>
    %eq3A_38 = arith.cmpi eq, %bitcast_convert_type3A, %eq3A : vector<32x128xi32>
    %convert_element_type3A = arith.extui %gt3A_37 : vector<32x128xi1> to vector<32x128xi32>
    %convert_element_type3A_39 = arith.sitofp %convert_element_type3A : vector<32x128xi32> to vector<32x128xf32>
    %reduce_sum3A_40 = vector.shape_cast %convert_element_type3A_39 : vector<32x128xf32> to vector<1x32x128xf32>
    %reduce_sum3A_41 = arith.constant dense<0.000000e+00> : vector<1xf32>
    %reduce_sum3A_42 = vector.multi_reduction <add>, %reduce_sum3A_40, %reduce_sum3A_41 [1, 2] : vector<1x32x128xf32> to vector<1xf32>
    %reduce_sum3A_43 = vector.shape_cast %reduce_sum3A_42 : vector<1xf32> to vector<1x1x1xf32>
    %reduce_sum3A_44 = vector.extract %reduce_sum3A_43[0, 0, 0] : f32 from vector<1x1x1xf32>
    %sub3A_45 = arith.subf %sub3A_30, %reduce_sum3A_44 : f32
    %iota3A = tpu.iota {dimensions = array<i32: 0>} : vector<128x128xi32>
    %iota3A_46 = tpu.iota {dimensions = array<i32: 1>} : vector<128x128xi32>
    %le3A = arith.cmpi sle, %iota3A, %iota3A_46 : vector<128x128xi32>
    %convert_element_type3A_47 = arith.extui %le3A : vector<128x128xi1> to vector<128x128xi32>
    %convert_element_type3A_48 = arith.sitofp %convert_element_type3A_47 : vector<128x128xi32> to vector<128x128xf32>
    %iota3A_49 = tpu.iota {dimensions = array<i32: 0>} : vector<32x32xi32>
    %iota3A_50 = tpu.iota {dimensions = array<i32: 1>} : vector<32x32xi32>
    %lt3A = arith.cmpi slt, %iota3A_50, %iota3A_49 : vector<32x32xi32>
    %convert_element_type3A_51 = arith.extui %lt3A : vector<32x32xi1> to vector<32x32xi32>
    %convert_element_type3A_52 = arith.sitofp %convert_element_type3A_51 : vector<32x32xi32> to vector<32x32xf32>
    %convert_element_type3A_53 = arith.extui %eq3A_38 : vector<32x128xi1> to vector<32x128xi32>
    %convert_element_type3A_54 = arith.sitofp %convert_element_type3A_53 : vector<32x128xi32> to vector<32x128xf32>
    %dot_general3A = arith.constant dense<0.000000e+00> : vector<32x128xf32>
    %dot_general3A_55 = tpu.matmul %convert_element_type3A_54, %convert_element_type3A_48, %dot_general3A {dimension_numbers = #tpu.dot_dimension_numbers<[1], [0], [0], [1], [0, 0, 1, 1], [], []>, precision = #tpu.contract_precision<fp32>, transpose_lhs_hint = false} : vector<32x128xf32>, vector<128x128xf32>, vector<32x128xf32> -> vector<32x128xf32>
    %reduce_sum3A_56 = arith.constant dense<0.000000e+00> : vector<32xf32>
    %reduce_sum3A_57 = vector.multi_reduction <add>, %convert_element_type3A_54, %reduce_sum3A_56 [1] : vector<32x128xf32> to vector<32xf32>
    %broadcast_in_dim3A = vector.shape_cast %reduce_sum3A_57 : vector<32xf32> to vector<32x1xf32>
    %dot_general3A_58 = arith.constant dense<0.000000e+00> : vector<32x1xf32>
    %dot_general3A_59 = tpu.matmul %convert_element_type3A_52, %broadcast_in_dim3A, %dot_general3A_58 {dimension_numbers = #tpu.dot_dimension_numbers<[1], [0], [0], [1], [0, 0, 1, 1], [], []>, precision = #tpu.contract_precision<fp32>, transpose_lhs_hint = false} : vector<32x32xf32>, vector<32x1xf32>, vector<32x1xf32> -> vector<32x1xf32>
    %add3A_60 = vector.broadcast %dot_general3A_59 : vector<32x1xf32> to vector<32x128xf32>
    %add3A_61 = arith.addf %dot_general3A_55, %add3A_60 : vector<32x128xf32>
    %sub3A_62 = arith.subf %add3A_61, %convert_element_type3A_54 : vector<32x128xf32>
    %convert_element_type3A_63 = arith.extui %gt3A_37 : vector<32x128xi1> to vector<32x128xi32>
    %convert_element_type3A_64 = arith.sitofp %convert_element_type3A_63 : vector<32x128xi32> to vector<32x128xf32>
    %lt3A_65 = vector.broadcast %sub3A_45 : f32 to vector<32x128xf32>
    %lt3A_66 = arith.cmpf olt, %sub3A_62, %lt3A_65 : vector<32x128xf32>
    %and3A = arith.andi %eq3A_38, %lt3A_66 : vector<32x128xi1>
    %jit3A = arith.constant 1.000000e+00 : f32
    %jit3A_67 = arith.constant 0.000000e+00 : f32
    %broadcast_in_dim3A_68 = vector.broadcast %jit3A : f32 to vector<32x128xf32>
    %broadcast_in_dim3A_69 = vector.broadcast %jit3A_67 : f32 to vector<32x128xf32>
    %select_n3A = arith.select %and3A, %broadcast_in_dim3A_68, %broadcast_in_dim3A_69 : vector<32x128xi1>, vector<32x128xf32>
    %add3A_70 = arith.addf %convert_element_type3A_64, %select_n3A : vector<32x128xf32>
    %add3A_71 = arith.addf %floor3A, %add3A_70 : vector<32x128xf32>
    %dot_general3A_72 = arith.constant dense<0.000000e+00> : vector<32x128xf32>
    %dot_general3A_73 = tpu.matmul %add3A_71, %convert_element_type3A_48, %dot_general3A_72 {dimension_numbers = #tpu.dot_dimension_numbers<[1], [0], [0], [1], [0, 0, 1, 1], [], []>, precision = #tpu.contract_precision<fp32>, transpose_lhs_hint = false} : vector<32x128xf32>, vector<128x128xf32>, vector<32x128xf32> -> vector<32x128xf32>
    %reduce_sum3A_74 = arith.constant dense<0.000000e+00> : vector<32xf32>
    %reduce_sum3A_75 = vector.multi_reduction <add>, %add3A_71, %reduce_sum3A_74 [1] : vector<32x128xf32> to vector<32xf32>
    %broadcast_in_dim3A_76 = vector.shape_cast %reduce_sum3A_75 : vector<32xf32> to vector<32x1xf32>
    %dot_general3A_77 = arith.constant dense<0.000000e+00> : vector<32x1xf32>
    %dot_general3A_78 = tpu.matmul %convert_element_type3A_52, %broadcast_in_dim3A_76, %dot_general3A_77 {dimension_numbers = #tpu.dot_dimension_numbers<[1], [0], [0], [1], [0, 0, 1, 1], [], []>, precision = #tpu.contract_precision<fp32>, transpose_lhs_hint = false} : vector<32x32xf32>, vector<32x1xf32>, vector<32x1xf32> -> vector<32x1xf32>
    %add3A_79 = vector.broadcast %dot_general3A_78 : vector<32x1xf32> to vector<32x128xf32>
    %add3A_80 = arith.addf %dot_general3A_73, %add3A_79 : vector<32x128xf32>
    %convert_element_type3A_81 = arith.fptosi %add3A_80 : vector<32x128xf32> to vector<32x128xi32>
    %swap3A = arith.constant 0 : index
    %swap3A_82 = arith.constant 0 : index
    %swap3A_83 = vector.load %arg2[%swap3A, %swap3A_82] : memref<32x128xi32, #tpu.memory_space<vmem>>, vector<32x128xi32>
    tpu.vector_store %arg2[%swap3A, %swap3A_82], %convert_element_type3A_81 {strides = array<i32>} : memref<32x128xi32, #tpu.memory_space<vmem>>, vector<32x128xi32>,
    return
  }
}

</mosaic_0001>

<sc_bundles>
// kernel: kernel.4.cloned.1.call-start
scs
__scs_entry_jumppad:
0x0: {  	(pc) =	sbr.rel $0x88, $3  }
0x1: {  	(tag) =	ssettag $0x0;
	lr =	simm.s32 $0x1  }
0x2: {  	[smem:$0x3F9F] =	sst lr;
	_ =	strace $0xD0000000  }
0x3: {  	_ = 	snop  }
0x4: {  	_ = 	snop  }
0x5: {  	_ = 	snop  }
0x6: {  	_ = 	snop  }
0x7: {  	_ = 	snop  }
__scs_overlays_trampoline_lowered:
0x8: {  	[smem:$0x3FAE] =	sst s0  }
0x9: {  	[smem:$0x3FAF] =	sst s1  }
0xa: {  	[smem:$0x3FB0] =	sst s2  }
0xb: {  	[smem:$0x3FB1] =	sst s3  }
0xc: {  	[smem:$0x3FB2] =	sst s4  }
0xd: {  	[smem:$0x3FB3] =	sst s5  }
0xe: {  	[smem:$0x3FB4] =	sst s6  }
0xf: {  	[smem:$0x3FB5] =	sst s7  }
0x10: {  	[smem:$0x3FB6] =	sst s8  }
0x11: {  	[smem:$0x3FB7] =	sst s9;
	s0 =	simm.s32 @!p0 $0x0  }
0x12: {  	s1 =	sld [smem:$0x3F9D];
	s0 =	simm.s32 @p0 $0x1  }
0x13: {  	[smem:$0x3FB8] =	sst s0;
	s0 =	simm.s32 @!p1 $0x0  }
0x14: {  	s2 =	sld [smem:$0x3F9C];
	s0 =	simm.s32 @p1 $0x1  }
0x15: {  	[smem:$0x3FB9] =	sst s0;
	s0 =	simm.s32 @!p2 $0x0  }
0x16: {  	s3 =	sld [smem:$0x3FDB];
	s0 =	simm.s32 @p2 $0x1  }
0x17: {  	s4 =	simm.s32 $0x1BF5;
	[smem:$0x3FBB] =	sst s0  }
0x18: {  	s0 =	sld [smem:$0x3F9E];
	_ =	swait.ge [sflag:s4], $0x0  }
0x19: {  	s7 =	sld [smem:$0x3F9F]  }
0x1a: {  	s8 =	sadd.s32 $0xFFFFE003, lr  }
0x1b: {  	s9 =	sadd.s32 $0xFFFFFEF7, lr;
	s5 =	simm.s32 $0xFFFFFFFF;
	p2 =	slt.u32 s8, $0xFFFFF086  }
0x1c: {  	p1 =	slt.u32 s9, $0xF7A;
	s5 =	simm.s32 @!p2 $0x0  }
0x1d: {  	s5 =	simm.s32 @p1 $0x1;
	p0 =	seq.s32 s7, s2  }
0x1e: {  	s7 =	smul.u32 @!p0 $0xF7A, s2;
	p2 =	seq.s32 @!p0 s5, $0x0  }
0x1f: {  	s9 =	smul.u32 $0xF7A, s1;
	s8 =	simm.s32 @!p0 $0x1BF5;
	p2 =	por !p2, p0  }
0x20: {  	[sflag:s8] =	ssyncset.s32 @!p0 $0xFFFFF086;
	s6 =	sadd.s32 @!p0 s3, s7;
	s7 =	simm.s32 @!p0 $0x108  }
0x21: {  	s3 =	sadd.s32 s3, s9;
	s6 =	sadd.s32 @!p0 $0x88, s6;
	s7 =	simm.s32 @p2 $0x1082  }
0x22: {  	[simem:s7], [sflag:s8] =	dma.local @!p0 [hbm:s6], $0xF7A  }
0x23: {  	s9 =	sor.u32 $0xD0000000, s2;
	s6 =	simm.s32 $0x108;
	_ =	swait.ge @!p0 [sflag:s8], $0x0  }
0x24: {  	s3 =	sadd.s32 $0x88, s3;
	s6 =	simm.s32 @!p1 $0x1082;
	[sflag:s4] =	ssyncset.s32 $0xFFFFF086  }
0x25: {  	[simem:s6], [sflag:s4] =	dma.local [hbm:s3], $0xF7A  }
0x26: {  	[smem:$0x3F9F] =	sst s1;
	(tag) =	ssettag s2;
	_ =	strace s9  }
0x27: {  	s1 =	sld [smem:$0x3FAF]  }
0x28: {  	s2 =	sld [smem:$0x3FB0]  }
0x29: {  	s4 =	sld [smem:$0x3FB2]  }
0x2a: {  	p0 =	seq.s32 s5, $0x0;
	s5 =	sld [smem:$0x3FB3]  }
0x2b: {  	s6 =	sld [smem:$0x3FB4]  }
0x2c: {  	s7 =	sld [smem:$0x3FB5]  }
0x2d: {  	s3 =	simm.s32 $0x108;
	s8 =	sld [smem:$0x3FB6]  }
0x2e: {  	s3 =	simm.s32 @!p0 $0x1082;
	s9 =	sld [smem:$0x3FB7]  }
0x2f: {  	lr =	sadd.s32 s0, s3;
	s0 =	sld [smem:$0x3FAE]  }
0x30: {  	s3 =	sld [smem:$0x3FB1]  }
0x31: {  	[smem:$0x3FBA] =	sst s10  }
0x32: {  	s10 =	sld [smem:$0x3FB8];
	_ =	sdelay $0x3  }
0x33: {  	p0 =	seq.s32 s10, $0x1;
	s10 =	sld [smem:$0x3FBA];
	_ =	sdelay $0x3  }
0x34: {  	[smem:$0x3FBA] =	sst s10  }
0x35: {  	s10 =	sld [smem:$0x3FB9];
	_ =	sdelay $0x3  }
0x36: {  	p1 =	seq.s32 s10, $0x1;
	s10 =	sld [smem:$0x3FBA];
	_ =	sdelay $0x3  }
0x37: {  	[smem:$0x3FBA] =	sst s10  }
0x38: {  	s10 =	sld [smem:$0x3FBB]  }
0x39: {  	_ = 	snop;
	(pc) =	sbr.ind lr, $3  }
0x3a: {  	_ = 	snop  }
0x3b: {  	_ = 	snop  }
0x3c: {  	p2 =	seq.s32 s10, $0x1;
	s10 =	sld [smem:$0x3FBA]  }
0x3d: {  	_ =	shalt  }
0x3e: {  	_ =	shalt  }
0x3f: {  	_ =	shalt  }
0x40: {  	_ =	shalt  }
0x41: {  	_ =	shalt  }
0x42: {  	_ =	shalt  }
0x43: {  	_ =	shalt  }
0x44: {  	_ =	shalt  }
0x45: {  	_ =	shalt  }
0x46: {  	_ =	shalt  }
0x47: {  	_ =	shalt  }
0x48: {  	_ =	shalt  }
0x49: {  	_ =	shalt  }
0x4a: {  	_ =	shalt  }
0x4b: {  	_ =	shalt  }
0x4c: {  	_ =	shalt  }
0x4d: {  	_ =	shalt  }
0x4e: {  	_ =	shalt  }
0x4f: {  	_ =	shalt  }
0x50: {  	_ =	shalt  }
0x51: {  	_ =	shalt  }
0x52: {  	_ =	shalt  }
0x53: {  	_ =	shalt  }
0x54: {  	_ =	shalt  }
0x55: {  	_ =	shalt  }
0x56: {  	_ =	shalt  }
0x57: {  	_ =	shalt  }
0x58: {  	_ =	shalt  }
0x59: {  	_ =	shalt  }
0x5a: {  	_ =	shalt  }
0x5b: {  	_ =	shalt  }
0x5c: {  	_ =	shalt  }
0x5d: {  	_ =	shalt  }
0x5e: {  	_ =	shalt  }
0x5f: {  	_ =	shalt  }
0x60: {  	_ =	shalt  }
0x61: {  	_ =	shalt  }
0x62: {  	_ =	shalt  }
0x63: {  	_ =	shalt  }
0x64: {  	_ =	shalt  }
0x65: {  	_ =	shalt  }
0x66: {  	_ =	shalt  }
0x67: {  	_ =	shalt  }
0x68: {  	_ =	shalt  }
0x69: {  	_ =	shalt  }
0x6a: {  	_ =	shalt  }
0x6b: {  	_ =	shalt  }
0x6c: {  	_ =	shalt  }
0x6d: {  	_ =	shalt  }
0x6e: {  	_ =	shalt  }
0x6f: {  	_ =	shalt  }
0x70: {  	_ =	shalt  }
0x71: {  	_ =	shalt  }
0x72: {  	_ =	shalt  }
0x73: {  	_ =	shalt  }
0x74: {  	_ =	shalt  }
0x75: {  	_ =	shalt  }
0x76: {  	_ =	shalt  }
0x77: {  	_ =	shalt  }
0x78: {  	_ =	shalt  }
0x79: {  	_ =	shalt  }
0x7a: {  	_ =	shalt  }
0x7b: {  	_ =	shalt  }
0x7c: {  	_ =	shalt  }
0x7d: {  	_ =	shalt  }
0x7e: {  	_ =	shalt  }
0x7f: {  	_ =	shalt  }
0x80: {  	_ =	shalt  }
0x81: {  	_ =	shalt  }
0x82: {  	_ =	shalt  }
0x83: {  	_ =	shalt  }
0x84: {  	_ =	shalt  }
0x85: {  	_ =	shalt  }
0x86: {  	_ =	shalt  }
0x87: {  	_ =	shalt  }
.Lfunc_end0:
.L_simem_size_0:
called_computation_lowered:
.L_overlay_start_0:
0x88: {  	s2 =	sld [smem:$0x3FD9]  }
0x89: {  	s3 =	sld [smem:$0x3FFE];
	_ =	sdelay $0x1  }
0x8a: {  	s1 =	srdreg.scid  }
0x8b: {  	s0 =	sand.u32 $0x1, s1  }
0x8c: {  	s17 =	sshll.u32 s0, $0xA;
	s2 =	sadd.s32 s3, s2  }
0x8d: {  	s2 =	sadd.s32 s2, s17  }
0x8e: {  	[smem:$0x3FC6] =	sst s2  }
0x8f: {  	_ = 	snop  }
0x90: {  	s2 =	sld [smem:$0x3FD0];
	(tm) =	ssettm $0x1  }
0x91: {  	s18 =	sld [smem:$0x3FFB];
	_ =	sdelay $0x3  }
0x92: {  	_ =	strace s18  }
0x93: {  	s3 =	sld [smem:$0x3FFC];
	_ =	sdelay $0x3  }
0x94: {  	_ =	strace s3  }
0x95: {  	s3 =	sld [smem:$0x3FFD];
	_ =	sdelay $0x3  }
0x96: {  	_ =	strace s3  }
0x97: {  	_ =	strace $0x8FFFFFFF  }
0x98: {  	s19 =	sld [smem:$0x3FDB];
	_ =	sdelay $0x1  }
0x99: {  	s4 =	simm.s32 $_scs_section_size  }
0x9a: {  	s5 =	simm.s32 $_size__tile_overlayer_lowered;
	s6 =	simm.s32 $_tile_overlayer_lowered  }
0x9b: {  	s22 =	simm.s32 $0x1BFF;
	s21 =	sshll.u32 s6, $0x1;
	s3 =	sadd.s32 s4, s19  }
0x9c: {  	s7 =	simm.s32 $0x0;
	s20 =	sshll.u32 s5, $0x1;
	s5 =	sadd.s32 s21, s3  }
0x9d: {  	[timem:s7], [sflag:s22] =	dma.local [hbm:s5], s20  }
0x9e: {  	_ =	swait.ge [sflag:s22], s20  }
0x9f: {  	s4 =	ssub.s32 $0x0, s20;
	[sflag:s22] =	ssyncset.done $0x0  }
0xa0: {  	[sflag:s22] =	ssyncadd.s32 s4;
	_ =	sdelay $0x1  }
0xa1: {  	s23 =	simm.s32 $0x1B8B  }
0xa2: {  	_ =	swait.ge [sflag:s23], $0x1  }
0xa3: {  	[sflag:s23] =	ssyncset.done $0x0  }
0xa4: {  	s25 =	simm.s32 $0x1B8E;
	s24 =	sld [smem:$0x3FFE];
	[sflag:s23] =	ssyncadd.s32 $0xFFFFFFFF  }
0xa5: {  	s26 =	simm.s32 $execute0_lowered;
	[smem:$0x3FD2] =	sst s25  }
0xa6: {  	s5 =	sshll.u32 s26, $0x1;
	_ =	strace $0x80000046;
	[dreg:$0x1] =	wrdreg $0xFFFFFFFF  }
0xa7: {  	s28 =	simm.s32 $_size_execute0_lowered;
	s3 =	sadd.s32 s3, s5;
	[dreg:$0x0] =	wrdreg $0x0  }
0xa8: {  	s5 =	sshll.u32 s28, $0x1;
	[dreg:$0x2] =	wrdreg s3  }
0xa9: {  	[dreg:$0x3] =	wrdreg s5  }
0xaa: {  	[dreg:$0x4] =	wrdreg $0xC0  }
0xab: {  	_ =	task [dreg:s7], $0x5FFFF  }
0xac: {  	[dreg:$0x1] =	wrdreg $0xFFFFFFFF  }
0xad: {  	[dreg:$0x0] =	wrdreg $0x60  }
0xae: {  	[dreg:$0x2] =	wrdreg s24  }
0xaf: {  	[dreg:$0x3] =	wrdreg s2  }
0xb0: {  	[dreg:$0x4] =	wrdreg $0x9  }
0xb1: {  	_ =	task.clear_ibuf [dreg:s7], $0x5FFFF;
	_ =	strace $0x90000046  }
0xb2: {  	s29 =	simm.s32 $0x9;
	_ =	strace $0x80000048  }
0xb3: {  	_ =	swait.ge [sflag:s29], $0x1  }
0xb4: {  	[sflag:s29] =	ssyncadd.s32 $0xFFFFFFFF  }
0xb5: {  	_ =	strace $0x90000048  }
0xb6: {  	_ =	sfence  }
0xb7: {  	s30 =	sld [smem:$0x0];
	_ =	sdelay $0x2  }
0xb8: {  	s31 =	sshll.u32 s1, $0xD;
	s1 =	sshrl.u32 s1, $0x2  }
0xb9: {  	s3 =	sand.u32 $0x4000, s31;
	s1 =	sadd.s32 s1, s30  }
0xba: {  	s0 =	sor.u32 s3, s0;
	s1 =	sshll.u32 s1, $0x11  }
0xbb: {  	s0 =	sor.u32 s1, s0  }
0xbc: {  	s0 =	sadd.s32 $0x8F2B, s0  }
0xbd: {  	[sflag:s0] =	ssyncadd.remote.s32 $0x1  }
0xbe: {  	_ =	sfence.sel $0xFFFF  }
0xbf: {  	[dreg:$0x0] =	wrdreg $0xFFFFFFFF;
	(pc) =	sbr.abs _section_cstart, $3  }
0xc0: {  	[dreg:$0x1] =	wrdreg $0xFFFFFFFF  }
0xc1: {  	_ =	task.clear_ibuf [dreg:s7], $0x2FFFF;
	_ =	strace $0x9FFFFFFF  }
0xc2: {  	(tm) =	ssettm $0x7FFFFFFF  }
0xc3: {  	_ =	shalt  }
tec
execute0_lowered:
.L_overlay_start_1:
0x0: {  	(tag) =	ssettag $0x1  }
0x1: {  	s4 =	rddreg [dreg:$0x0]  }
0x2: {  	s5 =	rddreg [dreg:$0x1];
	s2 =	srdreg.scid  }
0x3: {  	s0 =	rddreg [dreg:$0x2];
	s1 =	stileid.u32;
	s13 =	simm.s32 $0x2  }
0x4: {  	s14 =	simm.s32 $0x1060;
	s15 =	simm.s32 $0x3060;
	s16 =	simm.s32 $0x5060  }
0x5: {  	s17 =	simm.s32 $0x7060;
	s18 =	simm.s32 $0x1;
	s19 =	simm.s32 $0x0  }
0x6: {  	v0 =	vlaneseq.u32;
	s6 =	sand.u32 $0x1, s2;
	s2 =	simm.s32 $0x0;
	s3 =	sshll.u32 s1, $0x10  }
0x7: {  	v3 =	vmul.u32 $0x200, v0;
	s4 =	sadd.s32 $0x600, s4;
	s7 =	sshll.u32 s6, $0xF;
	[smem:$0x7FF] =	sst s2  }
.Ltmp0:
0x8: {  	v7 =	vimm.s32 $0x800;
	v8 =	vimm.s32 $0x801;
	v9 =	vimm.s32 $0x1000;
	s6 =	ssub.s32 $0x2, s6;
	s3 =	sor.u32 s7, s3;
	(pc) =	sbr.rel .LBB2_1-.Ltmp0, $4  }
0x9: {  	v10 =	vimm.s32 $0xC00;
	v11 =	vimm.s32 $0x0;
	_ =	strace $0x80000047;
	s8 =	sshrl.u32 s6, $0x1;
	v2 =	vor.u32 $0x2000, v3;
	s7 =	sshrl.u32 s3, $0x3  }
0xa: {  	v4 =	vor.u32 $0x4000, v3;
	v5 =	vor.u32 $0x6000, v3;
	v6 =	vadd.s32 $0x6200, v3;
	s9 =	ssub.s32 s6, s8;
	s10 =	sor.u32 $0x2000, s3;
	s11 =	sor.u32 $0x4000, s3  }
0xb: {  	v1 =	vor.u32 s3, v3;
	v2 =	vor.u32 s3, v2;
	v3 =	vor.u32 s3, v4;
	s12 =	sor.u32 $0x6000, s3;
	s5 =	sadd.s32 s5, s7;
	s9 =	smax.u32 s9, $0x1  }
0xc: {  	v4 =	vor.u32 s3, v5;
	v5 =	vadd.s32 s3, v6;
	v6 =	vimm.s32 $0x100000;
	s6 =	sadd.s32 $0x400, s5;
	s7 =	sadd.s32 $0x800, s5;
	s8 =	sadd.s32 $0xC00, s5  }
.LBB2_25:
0xd: {  	[hbm4b:s8+s2] =	stream.linear.scatter [tilespmem:s17], [sflag:$0x1], $0x2000, $0x38;
	[tilespmem:$0x9060] =	vst v63  }
0xe: {  	_ =	swait.ge [sflag:s18], $0x2000  }
0xf: {  	[sflag:s18] =	ssyncset.done $0x0  }
0x10: {  	[sflag:s18] =	ssyncadd.s32 $0xFFFFE000  }
0x11: {  	_ =	swait.ge [sflag:s18], $0x2000  }
0x12: {  	[sflag:s18] =	ssyncset.done $0x0  }
0x13: {  	s19 =	sadd.s32 $0x1, s19;
	[sflag:s18] =	ssyncadd.s32 $0xFFFFE000  }
0x14: {  	p0 =	sne.s32 s19, s9;
	_ =	swait.ge [sflag:s18], $0x2000  }
.Ltmp1:
0x15: {  	[sflag:s18] =	ssyncset.done $0x0;
	(pc) =	sbr.rel @!p0 .LBB2_26-.Ltmp1, $4  }
0x16: {  	[sflag:s18] =	ssyncadd.s32 $0xFFFFE000  }
0x17: {  	_ =	swait.ge [sflag:s18], $0x2000  }
0x18: {  	[sflag:s18] =	ssyncset.done $0x0  }
0x19: {  	[sflag:s18] =	ssyncadd.s32 $0xFFFFE000  }
.LBB2_1:
0x1a: {  	[tilespmem:s2], [sflag:$0x2] =	stream.linear.gather [hbm4b:s4+s2], $0x1000, $0x38;
	[tilespmem:$0x9060] =	vst v63  }
0x1b: {  	_ =	swait.ge [sflag:s13], $0x1000  }
0x1c: {  	[sflag:s13] =	ssyncset.done $0x0  }
0x1d: {  	[sflag:s13] =	ssyncadd.s32 $0xFFFFF000  }
0x1e: {  	[tilespmem:$0x1000] =	vst v6  }
0x1f: {  	v12 =	vld.idx.msk [tilespmem:v7+s2+$0x0], $0xffff;
	_ =	sdelay $0x4  }
0x20: {  	vm0 =	vgt.s32 v12, v1  }
0x21: {  	v12 =	vsel vm0, $0x400, v10;
	_ =	sdelay $0x4  }
0x22: {  	v13 =	vld.idx.msk [tilespmem:v12+s2+$0x0], $0xffff;
	_ =	sdelay $0x4  }
0x23: {  	v14 =	vsel vm0, $0x800, v9;
	vm1 =	vgt.s32 v13, v1  }
0x24: {  	v45 =	vsel vm0, $0x0, v8;
	v15 =	vor.u32 $0x1, v12;
	v12 =	vsel vm1, v12, v14  }
0x25: {  	v13 =	vsel vm1, v45, v15;
	v14 =	vadd.s32 $0xFFFFFFFF, v12  }
0x26: {  	v15 =	vxor.u32 v14, v13  }
0x27: {  	v14 =	vor.u32 v14, v13;
	v15 =	vshrl.u32 v15, $0x1  }
0x28: {  	v14 =	vsub.s32 v14, v15;
	_ =	sdelay $0x4  }
0x29: {  	v15 =	vld.idx.msk [tilespmem:v14+s2+$0x0], $0xffff;
	_ =	sdelay $0x4  }
0x2a: {  	v46 =	vor.u32 $0x1, v14;
	vm13 =	vgt.s32 v15, v1  }
0x2b: {  	v13 =	vsel vm13, v13, v46;
	v12 =	vsel vm13, v14, v12  }
0x2c: {  	v14 =	vxor.u32 v12, v13  }
0x2d: {  	v15 =	vand.u32 v12, v13;
	v14 =	vshrl.u32 v14, $0x1  }
0x2e: {  	v14 =	vadd.s32 v14, v15;
	_ =	sdelay $0x4  }
0x2f: {  	v15 =	vld.idx.msk [tilespmem:v14+s2+$0x0], $0xffff;
	_ =	sdelay $0x4  }
0x30: {  	v47 =	vadd.s32 $0x1, v14;
	vm14 =	vgt.s32 v15, v1  }
0x31: {  	v13 =	vsel vm14, v13, v47;
	v12 =	vsel vm14, v14, v12  }
0x32: {  	v14 =	vadd.s32 v12, v13  }
0x33: {  	v14 =	vshrl.u32 v14, $0x1;
	_ =	sdelay $0x4  }
0x34: {  	v48 =	vld.idx.msk [tilespmem:v14+s2+$0x0], $0xffff;
	_ =	sdelay $0x4  }
0x35: {  	v49 =	vadd.s32 $0x1, v14;
	vm15 =	vgt.s32 v48, v1  }
0x36: {  	v13 =	vsel vm15, v13, v49;
	v12 =	vsel vm15, v14, v12  }
0x37: {  	v14 =	vadd.s32 v12, v13  }
0x38: {  	v14 =	vshrl.u32 v14, $0x1;
	_ =	sdelay $0x4  }
0x39: {  	v50 =	vld.idx.msk [tilespmem:v14+s2+$0x0], $0xffff;
	_ =	sdelay $0x4  }
0x3a: {  	v51 =	vadd.s32 $0x1, v14;
	vm4 =	vgt.s32 v50, v1  }
0x3b: {  	v13 =	vsel vm4, v13, v51;
	v12 =	vsel vm4, v14, v12  }
0x3c: {  	v14 =	vadd.s32 v12, v13  }
0x3d: {  	v14 =	vshrl.u32 v14, $0x1;
	_ =	sdelay $0x4  }
0x3e: {  	v52 =	vld.idx.msk [tilespmem:v14+s2+$0x0], $0xffff;
	_ =	sdelay $0x4  }
0x3f: {  	v53 =	vadd.s32 $0x1, v14;
	vm5 =	vgt.s32 v52, v1  }
0x40: {  	v13 =	vsel vm5, v13, v53;
	v12 =	vsel vm5, v14, v12  }
0x41: {  	v14 =	vadd.s32 v12, v13  }
0x42: {  	v14 =	vshrl.u32 v14, $0x1;
	_ =	sdelay $0x4  }
0x43: {  	v54 =	vld.idx.msk [tilespmem:v14+s2+$0x0], $0xffff;
	_ =	sdelay $0x4  }
0x44: {  	v55 =	vadd.s32 $0x1, v14;
	vm6 =	vgt.s32 v54, v1  }
0x45: {  	v13 =	vsel vm6, v13, v55;
	v12 =	vsel vm6, v14, v12  }
0x46: {  	v14 =	vadd.s32 v12, v13  }
0x47: {  	v14 =	vshrl.u32 v14, $0x1;
	_ =	sdelay $0x4  }
0x48: {  	v56 =	vld.idx.msk [tilespmem:v14+s2+$0x0], $0xffff;
	_ =	sdelay $0x4  }
0x49: {  	v57 =	vadd.s32 $0x1, v14;
	vm7 =	vgt.s32 v56, v1  }
0x4a: {  	v13 =	vsel vm7, v13, v57;
	v12 =	vsel vm7, v14, v12  }
0x4b: {  	v14 =	vadd.s32 v12, v13  }
0x4c: {  	v14 =	vshrl.u32 v14, $0x1;
	_ =	sdelay $0x4  }
0x4d: {  	v58 =	vld.idx.msk [tilespmem:v14+s2+$0x0], $0xffff;
	_ =	sdelay $0x4  }
0x4e: {  	v59 =	vadd.s32 $0x1, v14;
	vm8 =	vgt.s32 v58, v1  }
0x4f: {  	v13 =	vsel vm8, v13, v59;
	v12 =	vsel vm8, v14, v12  }
0x50: {  	v14 =	vadd.s32 v12, v13  }
0x51: {  	v14 =	vshrl.u32 v14, $0x1;
	_ =	sdelay $0x4  }
0x52: {  	v60 =	vld.idx.msk [tilespmem:v14+s2+$0x0], $0xffff;
	_ =	sdelay $0x4  }
0x53: {  	v61 =	vadd.s32 $0x1, v14;
	vm9 =	vgt.s32 v60, v1  }
0x54: {  	v13 =	vsel vm9, v13, v61;
	v12 =	vsel vm9, v14, v12  }
0x55: {  	v14 =	vadd.s32 v12, v13  }
0x56: {  	v14 =	vshrl.u32 v14, $0x1;
	_ =	sdelay $0x4  }
0x57: {  	v62 =	vld.idx.msk [tilespmem:v14+s2+$0x0], $0xffff;
	_ =	sdelay $0x4  }
0x58: {  	v63 =	vadd.s32 $0x1, v14;
	vm10 =	vgt.s32 v62, v1  }
0x59: {  	v13 =	vsel vm10, v13, v63;
	v12 =	vsel vm10, v14, v12  }
0x5a: {  	v12 =	vadd.s32 v12, v13  }
0x5b: {  	v12 =	vshrl.u32 v12, $0x1;
	_ =	sdelay $0x4  }
0x5c: {  	v18 =	vld.idx.msk [tilespmem:v12+s2+$0x0], $0xffff;
	_ =	sdelay $0x4  }
0x5d: {  	v12 =	vadd.s32 $0x1, v12;
	vm11 =	vgt.s32 v18, v1  }
0x5e: {  	v12 =	vsel vm11, v13, v12  }
0x5f: {  	[tilespmem:$0x1010] =	vst v12  }
0x60: {  	v12 =	vld.idx.msk [tilespmem:v7+s2+$0x0], $0xffff;
	_ =	sdelay $0x4  }
0x61: {  	vm12 =	vgt.s32 v12, v2  }
0x62: {  	v12 =	vsel vm12, $0x400, v10;
	_ =	sdelay $0x4  }
0x63: {  	v19 =	vld.idx.msk [tilespmem:v12+s2+$0x0], $0xffff;
	_ =	sdelay $0x4  }
0x64: {  	v20 =	vsel vm12, $0x800, v9;
	vm13 =	vgt.s32 v19, v2  }
0x65: {  	v21 =	vsel vm12, $0x0, v8;
	v22 =	vor.u32 $0x1, v12;
	v12 =	vsel vm13, v12, v20  }
0x66: {  	v13 =	vsel vm13, v21, v22;
	v14 =	vadd.s32 $0xFFFFFFFF, v12  }
0x67: {  	v15 =	vxor.u32 v14, v13  }
0x68: {  	v14 =	vor.u32 v14, v13;
	v15 =	vshrl.u32 v15, $0x1  }
0x69: {  	v14 =	vsub.s32 v14, v15;
	_ =	sdelay $0x4  }
0x6a: {  	v15 =	vld.idx.msk [tilespmem:v14+s2+$0x0], $0xffff;
	_ =	sdelay $0x4  }
0x6b: {  	v23 =	vor.u32 $0x1, v14;
	vm14 =	vgt.s32 v15, v2  }
0x6c: {  	v13 =	vsel vm14, v13, v23;
	v12 =	vsel vm14, v14, v12  }
0x6d: {  	v14 =	vxor.u32 v12, v13  }
0x6e: {  	v15 =	vand.u32 v12, v13;
	v14 =	vshrl.u32 v14, $0x1  }
0x6f: {  	v14 =	vadd.s32 v14, v15;
	_ =	sdelay $0x4  }
0x70: {  	v15 =	vld.idx.msk [tilespmem:v14+s2+$0x0], $0xffff;
	_ =	sdelay $0x4  }
0x71: {  	v24 =	vadd.s32 $0x1, v14;
	vm15 =	vgt.s32 v15, v2  }
0x72: {  	v13 =	vsel vm15, v13, v24;
	v12 =	vsel vm15, v14, v12  }
0x73: {  	v14 =	vadd.s32 v12, v13  }
0x74: {  	v14 =	vshrl.u32 v14, $0x1;
	_ =	sdelay $0x4  }
0x75: {  	v25 =	vld.idx.msk [tilespmem:v14+s2+$0x0], $0xffff;
	_ =	sdelay $0x4  }
0x76: {  	v26 =	vadd.s32 $0x1, v14;
	vm4 =	vgt.s32 v25, v2  }
0x77: {  	v13 =	vsel vm4, v13, v26;
	v12 =	vsel vm4, v14, v12  }
0x78: {  	v14 =	vadd.s32 v12, v13  }
0x79: {  	v14 =	vshrl.u32 v14, $0x1;
	_ =	sdelay $0x4  }
0x7a: {  	v27 =	vld.idx.msk [tilespmem:v14+s2+$0x0], $0xffff;
	_ =	sdelay $0x4  }
0x7b: {  	v28 =	vadd.s32 $0x1, v14;
	vm5 =	vgt.s32 v27, v2  }
0x7c: {  	v13 =	vsel vm5, v13, v28;
	v12 =	vsel vm5, v14, v12  }
0x7d: {  	v14 =	vadd.s32 v12, v13  }
0x7e: {  	v14 =	vshrl.u32 v14, $0x1;
	_ =	sdelay $0x4  }
0x7f: {  	v29 =	vld.idx.msk [tilespmem:v14+s2+$0x0], $0xffff;
	_ =	sdelay $0x4  }
0x80: {  	v30 =	vadd.s32 $0x1, v14;
	vm6 =	vgt.s32 v29, v2  }
0x81: {  	v13 =	vsel vm6, v13, v30;
	v12 =	vsel vm6, v14, v12  }
0x82: {  	v14 =	vadd.s32 v12, v13  }
0x83: {  	v14 =	vshrl.u32 v14, $0x1;
	_ =	sdelay $0x4  }
0x84: {  	v31 =	vld.idx.msk [tilespmem:v14+s2+$0x0], $0xffff;
	_ =	sdelay $0x4  }
0x85: {  	v32 =	vadd.s32 $0x1, v14;
	vm7 =	vgt.s32 v31, v2  }
0x86: {  	v13 =	vsel vm7, v13, v32;
	v12 =	vsel vm7, v14, v12  }
0x87: {  	v14 =	vadd.s32 v12, v13  }
0x88: {  	v14 =	vshrl.u32 v14, $0x1;
	_ =	sdelay $0x4  }
0x89: {  	v33 =	vld.idx.msk [tilespmem:v14+s2+$0x0], $0xffff;
	_ =	sdelay $0x4  }
0x8a: {  	v34 =	vadd.s32 $0x1, v14;
	vm8 =	vgt.s32 v33, v2  }
0x8b: {  	v13 =	vsel vm8, v13, v34;
	v12 =	vsel vm8, v14, v12  }
0x8c: {  	v14 =	vadd.s32 v12, v13  }
0x8d: {  	v14 =	vshrl.u32 v14, $0x1;
	_ =	sdelay $0x4  }
0x8e: {  	v35 =	vld.idx.msk [tilespmem:v14+s2+$0x0], $0xffff;
	_ =	sdelay $0x4  }
0x8f: {  	v36 =	vadd.s32 $0x1, v14;
	vm9 =	vgt.s32 v35, v2  }
0x90: {  	v13 =	vsel vm9, v13, v36;
	v12 =	vsel vm9, v14, v12  }
0x91: {  	v14 =	vadd.s32 v12, v13  }
0x92: {  	v14 =	vshrl.u32 v14, $0x1;
	_ =	sdelay $0x4  }
0x93: {  	v37 =	vld.idx.msk [tilespmem:v14+s2+$0x0], $0xffff;
	_ =	sdelay $0x4  }
0x94: {  	v38 =	vadd.s32 $0x1, v14;
	vm10 =	vgt.s32 v37, v2  }
0x95: {  	v13 =	vsel vm10, v13, v38;
	v12 =	vsel vm10, v14, v12  }
0x96: {  	v14 =	vadd.s32 v12, v13  }
0x97: {  	v14 =	vshrl.u32 v14, $0x1;
	_ =	sdelay $0x4  }
0x98: {  	v39 =	vld.idx.msk [tilespmem:v14+s2+$0x0], $0xffff;
	_ =	sdelay $0x4  }
0x99: {  	v40 =	vadd.s32 $0x1, v14;
	vm11 =	vgt.s32 v39, v2  }
0x9a: {  	v13 =	vsel vm11, v13, v40;
	v12 =	vsel vm11, v14, v12  }
0x9b: {  	v12 =	vadd.s32 v12, v13  }
0x9c: {  	v12 =	vshrl.u32 v12, $0x1;
	_ =	sdelay $0x4  }
0x9d: {  	v41 =	vld.idx.msk [tilespmem:v12+s2+$0x0], $0xffff;
	_ =	sdelay $0x4  }
0x9e: {  	v12 =	vadd.s32 $0x1, v12;
	vm12 =	vgt.s32 v41, v2  }
0x9f: {  	v12 =	vsel vm12, v13, v12  }
0xa0: {  	[tilespmem:$0x1020] =	vst v12  }
0xa1: {  	v12 =	vld.idx.msk [tilespmem:v7+s2+$0x0], $0xffff;
	_ =	sdelay $0x4  }
0xa2: {  	vm13 =	vgt.s32 v12, v3  }
0xa3: {  	v12 =	vsel vm13, $0x400, v10;
	_ =	sdelay $0x4  }
0xa4: {  	v42 =	vld.idx.msk [tilespmem:v12+s2+$0x0], $0xffff;
	_ =	sdelay $0x4  }
0xa5: {  	v43 =	vsel vm13, $0x800, v9;
	vm14 =	vgt.s32 v42, v3  }
0xa6: {  	v44 =	vsel vm13, $0x0, v8;
	v45 =	vor.u32 $0x1, v12;
	v12 =	vsel vm14, v12, v43  }
0xa7: {  	v13 =	vsel vm14, v44, v45;
	v14 =	vadd.s32 $0xFFFFFFFF, v12  }
0xa8: {  	v15 =	vxor.u32 v14, v13  }
0xa9: {  	v14 =	vor.u32 v14, v13;
	v15 =	vshrl.u32 v15, $0x1  }
0xaa: {  	v14 =	vsub.s32 v14, v15;
	_ =	sdelay $0x4  }
0xab: {  	v15 =	vld.idx.msk [tilespmem:v14+s2+$0x0], $0xffff;
	_ =	sdelay $0x4  }
0xac: {  	v46 =	vor.u32 $0x1, v14;
	vm15 =	vgt.s32 v15, v3  }
0xad: {  	v13 =	vsel vm15, v13, v46;
	v12 =	vsel vm15, v14, v12  }
0xae: {  	v14 =	vxor.u32 v12, v13  }
0xaf: {  	v15 =	vand.u32 v12, v13;
	v14 =	vshrl.u32 v14, $0x1  }
0xb0: {  	v14 =	vadd.s32 v14, v15;
	_ =	sdelay $0x4  }
0xb1: {  	v15 =	vld.idx.msk [tilespmem:v14+s2+$0x0], $0xffff;
	_ =	sdelay $0x4  }
0xb2: {  	v47 =	vadd.s32 $0x1, v14;
	vm4 =	vgt.s32 v15, v3  }
0xb3: {  	v13 =	vsel vm4, v13, v47;
	v12 =	vsel vm4, v14, v12  }
0xb4: {  	v14 =	vadd.s32 v12, v13  }
0xb5: {  	v14 =	vshrl.u32 v14, $0x1;
	_ =	sdelay $0x4  }
0xb6: {  	v48 =	vld.idx.msk [tilespmem:v14+s2+$0x0], $0xffff;
	_ =	sdelay $0x4  }
0xb7: {  	v49 =	vadd.s32 $0x1, v14;
	vm5 =	vgt.s32 v48, v3  }
0xb8: {  	v13 =	vsel vm5, v13, v49;
	v12 =	vsel vm5, v14, v12  }
0xb9: {  	v14 =	vadd.s32 v12, v13  }
0xba: {  	v14 =	vshrl.u32 v14, $0x1;
	_ =	sdelay $0x4  }
0xbb: {  	v50 =	vld.idx.msk [tilespmem:v14+s2+$0x0], $0xffff;
	_ =	sdelay $0x4  }
0xbc: {  	v51 =	vadd.s32 $0x1, v14;
	vm6 =	vgt.s32 v50, v3  }
0xbd: {  	v13 =	vsel vm6, v13, v51;
	v12 =	vsel vm6, v14, v12  }
0xbe: {  	v14 =	vadd.s32 v12, v13  }
0xbf: {  	v14 =	vshrl.u32 v14, $0x1;
	_ =	sdelay $0x4  }
0xc0: {  	v52 =	vld.idx.msk [tilespmem:v14+s2+$0x0], $0xffff;
	_ =	sdelay $0x4  }
0xc1: {  	v53 =	vadd.s32 $0x1, v14;
	vm7 =	vgt.s32 v52, v3  }
0xc2: {  	v13 =	vsel vm7, v13, v53;
	v12 =	vsel vm7, v14, v12  }
0xc3: {  	v14 =	vadd.s32 v12, v13  }
0xc4: {  	v14 =	vshrl.u32 v14, $0x1;
	_ =	sdelay $0x4  }
0xc5: {  	v54 =	vld.idx.msk [tilespmem:v14+s2+$0x0], $0xffff;
	_ =	sdelay $0x4  }
0xc6: {  	v55 =	vadd.s32 $0x1, v14;
	vm8 =	vgt.s32 v54, v3  }
0xc7: {  	v13 =	vsel vm8, v13, v55;
	v12 =	vsel vm8, v14, v12  }
0xc8: {  	v14 =	vadd.s32 v12, v13  }
0xc9: {  	v14 =	vshrl.u32 v14, $0x1;
	_ =	sdelay $0x4  }
0xca: {  	v56 =	vld.idx.msk [tilespmem:v14+s2+$0x0], $0xffff;
	_ =	sdelay $0x4  }
0xcb: {  	v57 =	vadd.s32 $0x1, v14;
	vm9 =	vgt.s32 v56, v3  }
0xcc: {  	v13 =	vsel vm9, v13, v57;
	v12 =	vsel vm9, v14, v12  }
0xcd: {  	v14 =	vadd.s32 v12, v13  }
0xce: {  	v14 =	vshrl.u32 v14, $0x1;
	_ =	sdelay $0x4  }
0xcf: {  	v58 =	vld.idx.msk [tilespmem:v14+s2+$0x0], $0xffff;
	_ =	sdelay $0x4  }
0xd0: {  	v59 =	vadd.s32 $0x1, v14;
	vm10 =	vgt.s32 v58, v3  }
0xd1: {  	v13 =	vsel vm10, v13, v59;
	v12 =	vsel vm10, v14, v12  }
0xd2: {  	v14 =	vadd.s32 v12, v13  }
0xd3: {  	v14 =	vshrl.u32 v14, $0x1;
	_ =	sdelay $0x4  }
0xd4: {  	v60 =	vld.idx.msk [tilespmem:v14+s2+$0x0], $0xffff;
	_ =	sdelay $0x4  }
0xd5: {  	v61 =	vadd.s32 $0x1, v14;
	vm11 =	vgt.s32 v60, v3  }
0xd6: {  	v13 =	vsel vm11, v13, v61;
	v12 =	vsel vm11, v14, v12  }
0xd7: {  	v14 =	vadd.s32 v12, v13  }
0xd8: {  	v14 =	vshrl.u32 v14, $0x1;
	_ =	sdelay $0x4  }
0xd9: {  	v62 =	vld.idx.msk [tilespmem:v14+s2+$0x0], $0xffff;
	_ =	sdelay $0x4  }
0xda: {  	v63 =	vadd.s32 $0x1, v14;
	vm12 =	vgt.s32 v62, v3  }
0xdb: {  	v13 =	vsel vm12, v13, v63;
	v12 =	vsel vm12, v14, v12  }
0xdc: {  	v12 =	vadd.s32 v12, v13  }
0xdd: {  	v12 =	vshrl.u32 v12, $0x1;
	_ =	sdelay $0x4  }
0xde: {  	v17 =	vld.idx.msk [tilespmem:v12+s2+$0x0], $0xffff;
	_ =	sdelay $0x4  }
0xdf: {  	v12 =	vadd.s32 $0x1, v12;
	vm13 =	vgt.s32 v17, v3  }
0xe0: {  	v12 =	vsel vm13, v13, v12  }
0xe1: {  	[tilespmem:$0x1030] =	vst v12  }
0xe2: {  	v12 =	vld.idx.msk [tilespmem:v7+s2+$0x0], $0xffff;
	_ =	sdelay $0x4  }
0xe3: {  	vm14 =	vgt.s32 v12, v4  }
0xe4: {  	v12 =	vsel vm14, $0x400, v10;
	_ =	sdelay $0x4  }
0xe5: {  	v18 =	vld.idx.msk [tilespmem:v12+s2+$0x0], $0xffff;
	_ =	sdelay $0x4  }
0xe6: {  	v19 =	vsel vm14, $0x800, v9;
	vm15 =	vgt.s32 v18, v4  }
0xe7: {  	v20 =	vsel vm14, $0x0, v8;
	v21 =	vor.u32 $0x1, v12;
	v12 =	vsel vm15, v12, v19  }
0xe8: {  	v13 =	vsel vm15, v20, v21;
	v14 =	vadd.s32 $0xFFFFFFFF, v12  }
0xe9: {  	v15 =	vxor.u32 v14, v13  }
0xea: {  	v14 =	vor.u32 v14, v13;
	v15 =	vshrl.u32 v15, $0x1  }
0xeb: {  	v14 =	vsub.s32 v14, v15;
	_ =	sdelay $0x4  }
0xec: {  	v15 =	vld.idx.msk [tilespmem:v14+s2+$0x0], $0xffff;
	_ =	sdelay $0x4  }
0xed: {  	v22 =	vor.u32 $0x1, v14;
	vm4 =	vgt.s32 v15, v4  }
0xee: {  	v13 =	vsel vm4, v13, v22;
	v12 =	vsel vm4, v14, v12  }
0xef: {  	v14 =	vxor.u32 v12, v13  }
0xf0: {  	v15 =	vand.u32 v12, v13;
	v14 =	vshrl.u32 v14, $0x1  }
0xf1: {  	v14 =	vadd.s32 v14, v15;
	_ =	sdelay $0x4  }
0xf2: {  	v15 =	vld.idx.msk [tilespmem:v14+s2+$0x0], $0xffff;
	_ =	sdelay $0x4  }
0xf3: {  	v23 =	vadd.s32 $0x1, v14;
	vm5 =	vgt.s32 v15, v4  }
0xf4: {  	v13 =	vsel vm5, v13, v23;
	v12 =	vsel vm5, v14, v12  }
0xf5: {  	v14 =	vadd.s32 v12, v13  }
0xf6: {  	v14 =	vshrl.u32 v14, $0x1;
	_ =	sdelay $0x4  }
0xf7: {  	v24 =	vld.idx.msk [tilespmem:v14+s2+$0x0], $0xffff;
	_ =	sdelay $0x4  }
0xf8: {  	v25 =	vadd.s32 $0x1, v14;
	vm6 =	vgt.s32 v24, v4  }
0xf9: {  	v13 =	vsel vm6, v13, v25;
	v12 =	vsel vm6, v14, v12  }
0xfa: {  	v14 =	vadd.s32 v12, v13  }
0xfb: {  	v14 =	vshrl.u32 v14, $0x1;
	_ =	sdelay $0x4  }
0xfc: {  	v26 =	vld.idx.msk [tilespmem:v14+s2+$0x0], $0xffff;
	_ =	sdelay $0x4  }
0xfd: {  	v27 =	vadd.s32 $0x1, v14;
	vm7 =	vgt.s32 v26, v4  }
0xfe: {  	v13 =	vsel vm7, v13, v27;
	v12 =	vsel vm7, v14, v12  }
0xff: {  	v14 =	vadd.s32 v12, v13  }
0x100: {  	v14 =	vshrl.u32 v14, $0x1;
	_ =	sdelay $0x4  }
0x101: {  	v28 =	vld.idx.msk [tilespmem:v14+s2+$0x0], $0xffff;
	_ =	sdelay $0x4  }
0x102: {  	v29 =	vadd.s32 $0x1, v14;
	vm8 =	vgt.s32 v28, v4  }
0x103: {  	v13 =	vsel vm8, v13, v29;
	v12 =	vsel vm8, v14, v12  }
0x104: {  	v14 =	vadd.s32 v12, v13  }
0x105: {  	v14 =	vshrl.u32 v14, $0x1;
	_ =	sdelay $0x4  }
0x106: {  	v30 =	vld.idx.msk [tilespmem:v14+s2+$0x0], $0xffff;
	_ =	sdelay $0x4  }
0x107: {  	v31 =	vadd.s32 $0x1, v14;
	vm9 =	vgt.s32 v30, v4  }
0x108: {  	v13 =	vsel vm9, v13, v31;
	v12 =	vsel vm9, v14, v12  }
0x109: {  	v14 =	vadd.s32 v12, v13  }
0x10a: {  	v14 =	vshrl.u32 v14, $0x1;
	_ =	sdelay $0x4  }
0x10b: {  	v32 =	vld.idx.msk [tilespmem:v14+s2+$0x0], $0xffff;
	_ =	sdelay $0x4  }
0x10c: {  	v33 =	vadd.s32 $0x1, v14;
	vm10 =	vgt.s32 v32, v4  }
0x10d: {  	v13 =	vsel vm10, v13, v33;
	v12 =	vsel vm10, v14, v12  }
0x10e: {  	v14 =	vadd.s32 v12, v13  }
0x10f: {  	v14 =	vshrl.u32 v14, $0x1;
	_ =	sdelay $0x4  }
0x110: {  	v34 =	vld.idx.msk [tilespmem:v14+s2+$0x0], $0xffff;
	_ =	sdelay $0x4  }
0x111: {  	v35 =	vadd.s32 $0x1, v14;
	vm11 =	vgt.s32 v34, v4  }
0x112: {  	v13 =	vsel vm11, v13, v35;
	v12 =	vsel vm11, v14, v12  }
0x113: {  	v14 =	vadd.s32 v12, v13  }
0x114: {  	v14 =	vshrl.u32 v14, $0x1;
	_ =	sdelay $0x4  }
0x115: {  	v36 =	vld.idx.msk [tilespmem:v14+s2+$0x0], $0xffff;
	_ =	sdelay $0x4  }
0x116: {  	v37 =	vadd.s32 $0x1, v14;
	vm12 =	vgt.s32 v36, v4  }
0x117: {  	v13 =	vsel vm12, v13, v37;
	v12 =	vsel vm12, v14, v12  }
0x118: {  	v14 =	vadd.s32 v12, v13  }
0x119: {  	v14 =	vshrl.u32 v14, $0x1;
	_ =	sdelay $0x4  }
0x11a: {  	v38 =	vld.idx.msk [tilespmem:v14+s2+$0x0], $0xffff;
	_ =	sdelay $0x4  }
0x11b: {  	v39 =	vadd.s32 $0x1, v14;
	vm13 =	vgt.s32 v38, v4  }
0x11c: {  	v13 =	vsel vm13, v13, v39;
	v12 =	vsel vm13, v14, v12  }
0x11d: {  	v12 =	vadd.s32 v12, v13  }
0x11e: {  	v12 =	vshrl.u32 v12, $0x1;
	_ =	sdelay $0x4  }
0x11f: {  	v40 =	vld.idx.msk [tilespmem:v12+s2+$0x0], $0xffff;
	_ =	sdelay $0x4  }
0x120: {  	v12 =	vadd.s32 $0x1, v12;
	vm14 =	vgt.s32 v40, v4  }
0x121: {  	v12 =	vsel vm14, v13, v12  }
0x122: {  	[tilespmem:$0x1040] =	vst v12  }
0x123: {  	v12 =	vld.idx.msk [tilespmem:v7+s2+$0x0], $0xffff;
	_ =	sdelay $0x4  }
0x124: {  	vm15 =	vgt.s32 v12, v5  }
0x125: {  	v12 =	vsel vm15, $0x400, v10;
	_ =	sdelay $0x4  }
0x126: {  	v41 =	vld.idx.msk [tilespmem:v12+s2+$0x0], $0xffff;
	_ =	sdelay $0x4  }
0x127: {  	v42 =	vsel vm15, $0x800, v9;
	vm4 =	vgt.s32 v41, v5  }
0x128: {  	v43 =	vsel vm15, $0x0, v8;
	v44 =	vor.u32 $0x1, v12;
	v12 =	vsel vm4, v12, v42  }
0x129: {  	v13 =	vsel vm4, v43, v44;
	v14 =	vadd.s32 $0xFFFFFFFF, v12  }
0x12a: {  	v15 =	vxor.u32 v14, v13  }
0x12b: {  	v14 =	vor.u32 v14, v13;
	v15 =	vshrl.u32 v15, $0x1  }
0x12c: {  	v14 =	vsub.s32 v14, v15;
	_ =	sdelay $0x4  }
0x12d: {  	v15 =	vld.idx.msk [tilespmem:v14+s2+$0x0], $0xffff;
	_ =	sdelay $0x4  }
0x12e: {  	v45 =	vor.u32 $0x1, v14;
	vm5 =	vgt.s32 v15, v5  }
0x12f: {  	v13 =	vsel vm5, v13, v45;
	v12 =	vsel vm5, v14, v12  }
0x130: {  	v14 =	vxor.u32 v12, v13  }
0x131: {  	v15 =	vand.u32 v12, v13;
	v14 =	vshrl.u32 v14, $0x1  }
0x132: {  	v14 =	vadd.s32 v14, v15;
	_ =	sdelay $0x4  }
0x133: {  	v15 =	vld.idx.msk [tilespmem:v14+s2+$0x0], $0xffff;
	_ =	sdelay $0x4  }
0x134: {  	v46 =	vadd.s32 $0x1, v14;
	vm6 =	vgt.s32 v15, v5  }
0x135: {  	v13 =	vsel vm6, v13, v46;
	v12 =	vsel vm6, v14, v12  }
0x136: {  	v14 =	vadd.s32 v12, v13  }
0x137: {  	v14 =	vshrl.u32 v14, $0x1;
	_ =	sdelay $0x4  }
0x138: {  	v47 =	vld.idx.msk [tilespmem:v14+s2+$0x0], $0xffff;
	_ =	sdelay $0x4  }
0x139: {  	v48 =	vadd.s32 $0x1, v14;
	vm7 =	vgt.s32 v47, v5  }
0x13a: {  	v13 =	vsel vm7, v13, v48;
	v12 =	vsel vm7, v14, v12  }
0x13b: {  	v14 =	vadd.s32 v12, v13  }
0x13c: {  	v14 =	vshrl.u32 v14, $0x1;
	_ =	sdelay $0x4  }
0x13d: {  	v49 =	vld.idx.msk [tilespmem:v14+s2+$0x0], $0xffff;
	_ =	sdelay $0x4  }
0x13e: {  	v50 =	vadd.s32 $0x1, v14;
	vm8 =	vgt.s32 v49, v5  }
0x13f: {  	v13 =	vsel vm8, v13, v50;
	v12 =	vsel vm8, v14, v12  }
0x140: {  	v14 =	vadd.s32 v12, v13  }
0x141: {  	v14 =	vshrl.u32 v14, $0x1;
	_ =	sdelay $0x4  }
0x142: {  	v51 =	vld.idx.msk [tilespmem:v14+s2+$0x0], $0xffff;
	_ =	sdelay $0x4  }
0x143: {  	v52 =	vadd.s32 $0x1, v14;
	vm9 =	vgt.s32 v51, v5  }
0x144: {  	v13 =	vsel vm9, v13, v52;
	v12 =	vsel vm9, v14, v12  }
0x145: {  	v14 =	vadd.s32 v12, v13  }
0x146: {  	v14 =	vshrl.u32 v14, $0x1;
	_ =	sdelay $0x4  }
0x147: {  	v53 =	vld.idx.msk [tilespmem:v14+s2+$0x0], $0xffff;
	_ =	sdelay $0x4  }
0x148: {  	v54 =	vadd.s32 $0x1, v14;
	vm10 =	vgt.s32 v53, v5  }
0x149: {  	v13 =	vsel vm10, v13, v54;
	v12 =	vsel vm10, v14, v12  }
0x14a: {  	v14 =	vadd.s32 v12, v13  }
0x14b: {  	v14 =	vshrl.u32 v14, $0x1;
	_ =	sdelay $0x4  }
0x14c: {  	v55 =	vld.idx.msk [tilespmem:v14+s2+$0x0], $0xffff;
	_ =	sdelay $0x4  }
0x14d: {  	v56 =	vadd.s32 $0x1, v14;
	vm11 =	vgt.s32 v55, v5  }
0x14e: {  	v13 =	vsel vm11, v13, v56;
	v12 =	vsel vm11, v14, v12  }
0x14f: {  	v14 =	vadd.s32 v12, v13  }
0x150: {  	v14 =	vshrl.u32 v14, $0x1;
	_ =	sdelay $0x4  }
0x151: {  	v57 =	vld.idx.msk [tilespmem:v14+s2+$0x0], $0xffff;
	_ =	sdelay $0x4  }
0x152: {  	v58 =	vadd.s32 $0x1, v14;
	vm12 =	vgt.s32 v57, v5  }
0x153: {  	v13 =	vsel vm12, v13, v58;
	v12 =	vsel vm12, v14, v12  }
0x154: {  	v14 =	vadd.s32 v12, v13  }
0x155: {  	v14 =	vshrl.u32 v14, $0x1;
	_ =	sdelay $0x4  }
0x156: {  	v59 =	vld.idx.msk [tilespmem:v14+s2+$0x0], $0xffff;
	_ =	sdelay $0x4  }
0x157: {  	v60 =	vadd.s32 $0x1, v14;
	vm13 =	vgt.s32 v59, v5  }
0x158: {  	v13 =	vsel vm13, v13, v60;
	v12 =	vsel vm13, v14, v12  }
0x159: {  	v14 =	vadd.s32 v12, v13  }
0x15a: {  	v14 =	vshrl.u32 v14, $0x1;
	_ =	sdelay $0x4  }
0x15b: {  	v61 =	vld.idx.msk [tilespmem:v14+s2+$0x0], $0xffff;
	_ =	sdelay $0x4  }
0x15c: {  	v62 =	vadd.s32 $0x1, v14;
	vm14 =	vgt.s32 v61, v5  }
0x15d: {  	v13 =	vsel vm14, v13, v62;
	v12 =	vsel vm14, v14, v12  }
0x15e: {  	v12 =	vadd.s32 v12, v13  }
0x15f: {  	v12 =	vshrl.u32 v12, $0x1;
	_ =	sdelay $0x4  }
0x160: {  	v63 =	vld.idx.msk [tilespmem:v12+s2+$0x0], $0xffff;
	_ =	sdelay $0x2  }
.Ltmp2:
0x161: {  	_ = 	snop;
	(pc) =	sbr.rel .LBB2_2-.Ltmp2, $4  }
0x162: {  	_ = 	snop  }
0x163: {  	v12 =	vadd.s32 $0x1, v12;
	vm15 =	vgt.s32 v63, v5  }
0x164: {  	v12 =	vsel vm15, v13, v12  }
0x165: {  	s20 =	simm.s32 $0x1060;
	s21 =	smov.u32 s3;
	s22 =	simm.s32 $0x0;
	[tilespmem:$0x1041] =	vst v12  }
.LBB2_3:
0x166: {  	v13 =	vld [tilespmem:s23+$0x0];
	s23 =	sshll.u32 s22, $0x9  }
0x167: {  	s24 =	sor.u32 s3, s23  }
0x168: {  	s25 =	sor.u32 $0x10, s24  }
0x169: {  	v17 =	vor.u32 s24, v0;
	s28 =	sor.u32 $0x20, s24;
	s29 =	sor.u32 $0x30, s24;
	s30 =	sor.u32 $0x40, s24;
	v21 =	vor.u32 s25, v0  }
0x16a: {  	s26 =	sor.u32 $0x60, s24;
	v26 =	vor.u32 s28, v0;
	v30 =	vor.u32 s29, v0;
	v34 =	vor.u32 s30, v0  }
0x16b: {  	v43 =	vor.u32 s26, v0;
	s28 =	sor.u32 $0x70, s24;
	v16 =	vbroadcast v13, $0x0;
	v15 =	vbroadcast v13, $0x1  }
0x16c: {  	s30 =	sor.u32 $0x90, s24;
	v47 =	vor.u32 s28, v0;
	v14 =	vbroadcast v13, $0x2;
	v13 =	vbroadcast v13, $0x3  }
0x16d: {  	v56 =	vor.u32 s30, v0;
	vm0 =	vle.s32 v16, v17;
	vm9 =	vle.s32 v15, v17  }
0x16e: {  	vm10 =	vle.s32 v14, v17;
	vm11 =	vle.s32 v13, v17;
	vm12 =	vle.s32 v16, v21  }
0x16f: {  	vm13 =	vle.s32 v15, v21;
	vm14 =	vle.s32 v14, v21;
	vm15 =	vle.s32 v13, v21  }
0x170: {  	vm4 =	vle.s32 v16, v26;
	vm5 =	vle.s32 v15, v26;
	vm6 =	vle.s32 v14, v26  }
0x171: {  	vm7 =	vle.s32 v13, v26;
	vm8 =	vle.s32 v16, v30;
	v18 =	vsel vm0, $0x1, v11  }
0x172: {  	v19 =	vsel vm9, $0x1, v11;
	v20 =	vsel vm10, $0x1, v11;
	v62 =	vsel vm11, $0x1, v11  }
0x173: {  	v63 =	vsel vm12, $0x1, v11;
	v24 =	vsel vm13, $0x1, v11;
	v25 =	vsel vm14, $0x1, v11  }
0x174: {  	v22 =	vsel vm15, $0x1, v11;
	v27 =	vsel vm4, $0x1, v11;
	v28 =	vsel vm5, $0x1, v11  }
0x175: {  	v29 =	vsel vm6, $0x1, v11;
	v31 =	vsel vm7, $0x1, v11;
	v32 =	vsel vm8, $0x1, v11  }
0x176: {  	vm9 =	vle.s32 v15, v30;
	vm10 =	vle.s32 v14, v30;
	vm11 =	vle.s32 v13, v30  }
0x177: {  	vm12 =	vle.s32 v16, v34;
	vm13 =	vle.s32 v15, v34;
	vm14 =	vle.s32 v14, v34  }
0x178: {  	vm15 =	vle.s32 v13, v34;
	vm8 =	vle.s32 v16, v43;
	v18 =	vadd.s32 v18, v12  }
0x179: {  	v33 =	vsel vm9, $0x1, v11;
	v23 =	vsel vm10, $0x1, v11;
	v35 =	vsel vm11, $0x1, v11  }
0x17a: {  	v36 =	vsel vm12, $0x1, v11;
	v37 =	vsel vm13, $0x1, v11;
	v39 =	vsel vm15, $0x1, v11  }
0x17b: {  	v45 =	vsel vm8, $0x1, v11;
	vm9 =	vle.s32 v15, v43;
	vm10 =	vle.s32 v14, v43  }
0x17c: {  	vm11 =	vle.s32 v13, v43;
	vm12 =	vle.s32 v16, v47;
	vm13 =	vle.s32 v15, v47  }
0x17d: {  	vm15 =	vle.s32 v13, v47;
	vm8 =	vle.s32 v16, v56;
	v61 =	vadd.s32 v19, v18  }
0x17e: {  	v19 =	vadd.s32 v63, v12;
	v38 =	vadd.s32 v36, v12;
	v46 =	vsel vm9, $0x1, v11  }
0x17f: {  	v26 =	vsel vm10, $0x1, v11;
	v48 =	vsel vm11, $0x1, v11;
	v49 =	vsel vm12, $0x1, v11  }
0x180: {  	v50 =	vsel vm13, $0x1, v11;
	v52 =	vsel vm15, $0x1, v11;
	v58 =	vsel vm8, $0x1, v11  }
0x181: {  	vm9 =	vle.s32 v15, v56;
	vm10 =	vle.s32 v14, v56;
	vm11 =	vle.s32 v13, v56  }
0x182: {  	v17 =	vadd.s32 v20, v61;
	v18 =	vadd.s32 v24, v19;
	v19 =	vadd.s32 v27, v12  }
0x183: {  	v20 =	vadd.s32 v32, v12;
	v24 =	vsel vm14, $0x1, v11;
	v21 =	vadd.s32 v37, v38  }
0x184: {  	s28 =	sor.u32 $0xC0, s24;
	vm14 =	vle.s32 v14, v47;
	v51 =	vadd.s32 v49, v12;
	v59 =	vsel vm9, $0x1, v11  }
0x185: {  	v61 =	vsel vm11, $0x1, v11;
	v37 =	vor.u32 s28, v0;
	v17 =	vadd.s32 v62, v17  }
0x186: {  	s31 =	sor.u32 $0x50, s24;
	v18 =	vadd.s32 v25, v18;
	v19 =	vadd.s32 v28, v19;
	v20 =	vadd.s32 v33, v20  }
0x187: {  	s29 =	sor.u32 $0x80, s24;
	v25 =	vor.u32 s31, v0;
	v21 =	vadd.s32 v24, v21;
	v27 =	vsel vm14, $0x1, v11  }
0x188: {  	v28 =	vor.u32 s29, v0;
	v24 =	vadd.s32 v50, v51;
	vm8 =	vle.s32 v16, v37  }
0x189: {  	vm9 =	vle.s32 v15, v37;
	vm11 =	vle.s32 v13, v37;
	v18 =	vadd.s32 v22, v18  }
0x18a: {  	v19 =	vadd.s32 v29, v19;
	v20 =	vadd.s32 v23, v20;
	vm4 =	vle.s32 v16, v25  }
0x18b: {  	vm5 =	vle.s32 v15, v25;
	v21 =	vadd.s32 v39, v21;
	vm6 =	vle.s32 v14, v25  }
0x18c: {  	s31 =	sor.u32 $0xA0, s24;
	vm7 =	vle.s32 v13, v25;
	v23 =	vadd.s32 v45, v12;
	v24 =	vadd.s32 v27, v24  }
0x18d: {  	s28 =	sor.u32 $0x110, s24;
	v29 =	vsel vm10, $0x1, v11;
	v60 =	vor.u32 s31, v0;
	v39 =	vsel vm8, $0x1, v11  }
0x18e: {  	vm10 =	vle.s32 v14, v37;
	v37 =	vor.u32 s28, v0;
	v19 =	vadd.s32 v31, v19  }
0x18f: {  	v20 =	vadd.s32 v35, v20;
	v40 =	vsel vm4, $0x1, v11;
	v41 =	vsel vm5, $0x1, v11  }
0x190: {  	v42 =	vsel vm6, $0x1, v11;
	v44 =	vsel vm7, $0x1, v11;
	v23 =	vadd.s32 v46, v23  }
0x191: {  	vm4 =	vle.s32 v16, v28;
	vm5 =	vle.s32 v15, v28;
	v24 =	vadd.s32 v52, v24  }
0x192: {  	vm6 =	vle.s32 v14, v28;
	vm7 =	vle.s32 v13, v28;
	vm12 =	vle.s32 v16, v60  }
0x193: {  	s26 =	sor.u32 $0xB0, s24;
	s31 =	sor.u32 $0xF0, s24;
	vm13 =	vle.s32 v15, v60;
	vm14 =	vle.s32 v14, v60;
	vm15 =	vle.s32 v13, v60  }
0x194: {  	v31 =	vor.u32 s26, v0;
	v50 =	vor.u32 s31, v0;
	v22 =	vadd.s32 v40, v12  }
0x195: {  	v23 =	vadd.s32 v26, v23;
	v53 =	vsel vm4, $0x1, v11;
	v54 =	vsel vm5, $0x1, v11  }
0x196: {  	v55 =	vsel vm6, $0x1, v11;
	v57 =	vsel vm7, $0x1, v11;
	v26 =	vadd.s32 v58, v12  }
0x197: {  	v62 =	vsel vm12, $0x1, v11;
	v63 =	vsel vm13, $0x1, v11;
	v30 =	vsel vm14, $0x1, v11  }
0x198: {  	v33 =	vsel vm15, $0x1, v11;
	vm4 =	vle.s32 v16, v31;
	vm5 =	vle.s32 v15, v31  }
0x199: {  	vm6 =	vle.s32 v14, v31;
	vm7 =	vle.s32 v13, v31;
	v40 =	vsel vm9, $0x1, v11  }
0x19a: {  	vm8 =	vle.s32 v16, v50;
	vm9 =	vle.s32 v15, v50;
	v22 =	vadd.s32 v41, v22  }
0x19b: {  	v23 =	vadd.s32 v48, v23;
	v25 =	vadd.s32 v53, v12;
	v26 =	vadd.s32 v59, v26  }
0x19c: {  	s29 =	sor.u32 $0xD0, s24;
	v32 =	vadd.s32 v62, v12;
	v34 =	vsel vm4, $0x1, v11;
	v35 =	vsel vm5, $0x1, v11  }
0x19d: {  	v36 =	vsel vm6, $0x1, v11;
	v38 =	vsel vm7, $0x1, v11;
	v41 =	vor.u32 s29, v0  }
0x19e: {  	v52 =	vsel vm8, $0x1, v11;
	v53 =	vsel vm9, $0x1, v11;
	v22 =	vadd.s32 v42, v22  }
0x19f: {  	v25 =	vadd.s32 v54, v25;
	v26 =	vadd.s32 v29, v26;
	v27 =	vadd.s32 v63, v32  }
0x1a0: {  	v28 =	vadd.s32 v34, v12;
	v29 =	vadd.s32 v39, v12;
	v32 =	vsel vm10, $0x1, v11  }
0x1a1: {  	s30 =	sor.u32 $0xE0, s24;
	v42 =	vsel vm11, $0x1, v11;
	vm12 =	vle.s32 v16, v41;
	vm13 =	vle.s32 v15, v41  }
0x1a2: {  	s26 =	sor.u32 $0x100, s24;
	vm14 =	vle.s32 v14, v41;
	vm15 =	vle.s32 v13, v41;
	v34 =	vor.u32 s30, v0  }
0x1a3: {  	s29 =	sor.u32 $0x120, s24;
	vm10 =	vle.s32 v14, v50;
	vm11 =	vle.s32 v13, v50;
	v54 =	vor.u32 s26, v0  }
0x1a4: {  	v63 =	vor.u32 s29, v0;
	v22 =	vadd.s32 v44, v22;
	v25 =	vadd.s32 v55, v25  }
0x1a5: {  	v26 =	vadd.s32 v61, v26;
	v27 =	vadd.s32 v30, v27;
	v28 =	vadd.s32 v35, v28  }
0x1a6: {  	v29 =	vadd.s32 v40, v29;
	v43 =	vsel vm12, $0x1, v11;
	v44 =	vsel vm13, $0x1, v11  }
0x1a7: {  	v46 =	vsel vm15, $0x1, v11;
	vm4 =	vle.s32 v16, v34;
	vm5 =	vle.s32 v15, v34  }
0x1a8: {  	vm6 =	vle.s32 v14, v34;
	vm7 =	vle.s32 v13, v34;
	v35 =	vsel vm10, $0x1, v11  }
0x1a9: {  	v55 =	vsel vm11, $0x1, v11;
	vm12 =	vle.s32 v16, v54;
	vm13 =	vle.s32 v15, v54  }
0x1aa: {  	vm15 =	vle.s32 v13, v54;
	vm8 =	vle.s32 v16, v63;
	vm9 =	vle.s32 v15, v63  }
0x1ab: {  	vm10 =	vle.s32 v14, v63;
	vm11 =	vle.s32 v13, v63;
	v25 =	vadd.s32 v57, v25  }
0x1ac: {  	v27 =	vadd.s32 v33, v27;
	v28 =	vadd.s32 v36, v28;
	v29 =	vadd.s32 v32, v29  }
0x1ad: {  	v33 =	vsel vm14, $0x1, v11;
	v45 =	vadd.s32 v43, v12;
	v47 =	vsel vm4, $0x1, v11  }
0x1ae: {  	v48 =	vsel vm5, $0x1, v11;
	v49 =	vsel vm6, $0x1, v11;
	v51 =	vsel vm7, $0x1, v11  }
0x1af: {  	v32 =	vadd.s32 v52, v12;
	v56 =	vsel vm12, $0x1, v11;
	v57 =	vsel vm13, $0x1, v11  }
0x1b0: {  	vm14 =	vle.s32 v14, v54;
	v59 =	vsel vm15, $0x1, v11;
	vm4 =	vle.s32 v16, v37  }
0x1b1: {  	vm5 =	vle.s32 v15, v37;
	vm6 =	vle.s32 v14, v37;
	vm7 =	vle.s32 v13, v37  }
0x1b2: {  	v40 =	vsel vm8, $0x1, v11;
	v41 =	vsel vm9, $0x1, v11;
	v43 =	vsel vm11, $0x1, v11  }
0x1b3: {  	v28 =	vadd.s32 v38, v28;
	v29 =	vadd.s32 v42, v29;
	v30 =	vadd.s32 v44, v45  }
0x1b4: {  	v31 =	vadd.s32 v47, v12;
	v32 =	vadd.s32 v53, v32;
	v36 =	vsel vm14, $0x1, v11  }
0x1b5: {  	v58 =	vadd.s32 v56, v12;
	v60 =	vsel vm4, $0x1, v11;
	v61 =	vsel vm5, $0x1, v11  }
0x1b6: {  	s30 =	sor.u32 $0x130, s24;
	v62 =	vsel vm6, $0x1, v11;
	v39 =	vsel vm7, $0x1, v11;
	v38 =	vsel vm10, $0x1, v11  }
0x1b7: {  	v42 =	vor.u32 s30, v0;
	v30 =	vadd.s32 v33, v30;
	v31 =	vadd.s32 v48, v31  }
0x1b8: {  	v32 =	vadd.s32 v35, v32;
	v33 =	vadd.s32 v57, v58;
	v34 =	vadd.s32 v60, v12  }
0x1b9: {  	s31 =	sor.u32 $0x140, s24;
	v35 =	vadd.s32 v40, v12;
	vm12 =	vle.s32 v16, v42;
	vm13 =	vle.s32 v15, v42  }
0x1ba: {  	s30 =	sor.u32 $0x180, s24;
	vm14 =	vle.s32 v14, v42;
	vm15 =	vle.s32 v13, v42;
	v40 =	vor.u32 s31, v0  }
0x1bb: {  	v63 =	vor.u32 s30, v0;
	v30 =	vadd.s32 v46, v30;
	v31 =	vadd.s32 v49, v31  }
0x1bc: {  	v32 =	vadd.s32 v55, v32;
	v33 =	vadd.s32 v36, v33;
	v34 =	vadd.s32 v61, v34  }
0x1bd: {  	v35 =	vadd.s32 v41, v35;
	v44 =	vsel vm12, $0x1, v11;
	v45 =	vsel vm13, $0x1, v11  }
0x1be: {  	s28 =	sor.u32 $0x160, s24;
	v47 =	vsel vm15, $0x1, v11;
	vm4 =	vle.s32 v16, v40;
	vm5 =	vle.s32 v15, v40  }
0x1bf: {  	vm6 =	vle.s32 v14, v40;
	vm7 =	vle.s32 v13, v40;
	v55 =	vor.u32 s28, v0  }
0x1c0: {  	v31 =	vadd.s32 v51, v31;
	v33 =	vadd.s32 v59, v33;
	v34 =	vadd.s32 v62, v34  }
0x1c1: {  	s26 =	sor.u32 $0x150, s24;
	v35 =	vadd.s32 v38, v35;
	v46 =	vadd.s32 v44, v12;
	v48 =	vsel vm4, $0x1, v11  }
0x1c2: {  	v49 =	vsel vm5, $0x1, v11;
	v50 =	vsel vm6, $0x1, v11;
	v51 =	vor.u32 s26, v0  }
0x1c3: {  	s29 =	sor.u32 $0x170, s24;
	s28 =	sor.u32 $0x1B0, s24;
	v52 =	vsel vm7, $0x1, v11;
	vm12 =	vle.s32 v16, v55;
	vm13 =	vle.s32 v15, v55  }
0x1c4: {  	[tilespmem:s23+$0x10D0] =	vst v24;
	vm15 =	vle.s32 v13, v55;
	v59 =	vor.u32 s29, v0;
	v24 =	vor.u32 s28, v0  }
0x1c5: {  	v34 =	vadd.s32 v39, v34;
	v35 =	vadd.s32 v43, v35;
	v39 =	vsel vm14, $0x1, v11  }
0x1c6: {  	v36 =	vadd.s32 v45, v46;
	v37 =	vadd.s32 v48, v12;
	vm8 =	vle.s32 v16, v51  }
0x1c7: {  	vm9 =	vle.s32 v15, v51;
	vm10 =	vle.s32 v14, v51;
	vm11 =	vle.s32 v13, v51  }
0x1c8: {  	v57 =	vsel vm12, $0x1, v11;
	v58 =	vsel vm13, $0x1, v11;
	vm14 =	vle.s32 v14, v55  }
0x1c9: {  	s31 =	sor.u32 $0x190, s24;
	v43 =	vsel vm15, $0x1, v11;
	vm4 =	vle.s32 v16, v59;
	vm5 =	vle.s32 v15, v59  }
0x1ca: {  	s30 =	sor.u32 $0x1D0, s24;
	vm6 =	vle.s32 v14, v59;
	vm7 =	vle.s32 v13, v59;
	v51 =	vor.u32 s31, v0  }
0x1cb: {  	v46 =	vor.u32 s30, v0;
	v36 =	vadd.s32 v39, v36;
	v37 =	vadd.s32 v49, v37  }
0x1cc: {  	v53 =	vsel vm8, $0x1, v11;
	v54 =	vsel vm9, $0x1, v11;
	v41 =	vsel vm10, $0x1, v11  }
0x1cd: {  	v56 =	vsel vm11, $0x1, v11;
	v42 =	vsel vm14, $0x1, v11;
	v60 =	vsel vm4, $0x1, v11  }
0x1ce: {  	v61 =	vsel vm5, $0x1, v11;
	v62 =	vsel vm6, $0x1, v11;
	v48 =	vsel vm7, $0x1, v11  }
0x1cf: {  	vm8 =	vle.s32 v16, v63;
	vm9 =	vle.s32 v15, v63;
	vm10 =	vle.s32 v14, v63  }
0x1d0: {  	s29 =	sor.u32 $0x1C0, s24;
	vm11 =	vle.s32 v13, v63;
	vm12 =	vle.s32 v16, v51;
	vm13 =	vle.s32 v15, v51  }
0x1d1: {  	s31 =	sor.u32 $0x1E0, s24;
	vm14 =	vle.s32 v14, v51;
	vm15 =	vle.s32 v13, v51;
	v39 =	vor.u32 s29, v0  }
0x1d2: {  	v51 =	vor.u32 s31, v0;
	v36 =	vadd.s32 v47, v36;
	v37 =	vadd.s32 v50, v37  }
0x1d3: {  	v38 =	vadd.s32 v53, v12;
	v49 =	vsel vm8, $0x1, v11;
	v50 =	vsel vm9, $0x1, v11  }
0x1d4: {  	v44 =	vsel vm10, $0x1, v11;
	v55 =	vsel vm13, $0x1, v11;
	v59 =	vsel vm15, $0x1, v11  }
0x1d5: {  	vm8 =	vle.s32 v16, v24;
	vm9 =	vle.s32 v15, v24;
	vm10 =	vle.s32 v14, v24  }
0x1d6: {  	[tilespmem:s23+$0x10F0] =	vst v26;
	vm13 =	vle.s32 v15, v39;
	vm15 =	vle.s32 v13, v39;
	v37 =	vadd.s32 v52, v37  }
0x1d7: {  	[tilespmem:s23+$0x1100] =	vst v27;
	v38 =	vadd.s32 v54, v38;
	v52 =	vsel vm11, $0x1, v11;
	v54 =	vsel vm12, $0x1, v11  }
0x1d8: {  	[tilespmem:s23+$0x1110] =	vst v28;
	v26 =	vsel vm8, $0x1, v11;
	v27 =	vsel vm9, $0x1, v11;
	v28 =	vsel vm10, $0x1, v11  }
0x1d9: {  	vm11 =	vle.s32 v13, v24;
	vm12 =	vle.s32 v16, v39;
	v47 =	vsel vm15, $0x1, v11  }
0x1da: {  	s26 =	sor.u32 $0x1A0, s24;
	vm8 =	vle.s32 v16, v51;
	vm9 =	vle.s32 v15, v51;
	vm10 =	vle.s32 v14, v51  }
0x1db: {  	[tilespmem:s23+$0x1060] =	vst v17;
	v38 =	vadd.s32 v41, v38;
	v41 =	vadd.s32 v57, v12;
	v57 =	vor.u32 s26, v0  }
0x1dc: {  	[tilespmem:s23+$0x1090] =	vst v20;
	v20 =	vadd.s32 v26, v12;
	v38 =	vadd.s32 v56, v38;
	v40 =	vadd.s32 v58, v41  }
0x1dd: {  	[tilespmem:s23+$0x1070] =	vst v18;
	v41 =	vadd.s32 v60, v12;
	v56 =	vsel vm14, $0x1, v11;
	v58 =	vadd.s32 v54, v12  }
0x1de: {  	[tilespmem:s23+$0x10A0] =	vst v21;
	vm4 =	vle.s32 v16, v57;
	vm5 =	vle.s32 v15, v57;
	vm6 =	vle.s32 v14, v57  }
0x1df: {  	[tilespmem:s23+$0x1080] =	vst v19;
	vm7 =	vle.s32 v13, v57;
	v20 =	vadd.s32 v27, v20;
	vm14 =	vle.s32 v14, v39  }
0x1e0: {  	[tilespmem:s23+$0x10C0] =	vst v23;
	v54 =	vsel vm9, $0x1, v11;
	v40 =	vadd.s32 v42, v40;
	v41 =	vadd.s32 v61, v41  }
0x1e1: {  	[tilespmem:s23+$0x10B0] =	vst v22;
	v42 =	vadd.s32 v49, v12;
	v18 =	vadd.s32 v55, v58;
	v60 =	vsel vm4, $0x1, v11  }
0x1e2: {  	[tilespmem:s23+$0x10E0] =	vst v25;
	v63 =	vsel vm6, $0x1, v11;
	v25 =	vsel vm7, $0x1, v11;
	v20 =	vadd.s32 v28, v20  }
0x1e3: {  	[tilespmem:s23+$0x1120] =	vst v29;
	v45 =	vsel vm14, $0x1, v11;
	vm4 =	vle.s32 v16, v46;
	vm6 =	vle.s32 v14, v46  }
0x1e4: {  	[tilespmem:s23+$0x1130] =	vst v30;
	vm7 =	vle.s32 v13, v46;
	v55 =	vsel vm10, $0x1, v11;
	v40 =	vadd.s32 v43, v40  }
0x1e5: {  	[tilespmem:s23+$0x1150] =	vst v32;
	v41 =	vadd.s32 v62, v41;
	v42 =	vadd.s32 v50, v42;
	v18 =	vadd.s32 v56, v18  }
0x1e6: {  	[tilespmem:s23+$0x1140] =	vst v31;
	s24 =	sor.u32 $0x1F0, s24;
	v61 =	vadd.s32 v60, v12;
	v62 =	vsel vm5, $0x1, v11;
	v43 =	vsel vm12, $0x1, v11  }
0x1e7: {  	[tilespmem:s23+$0x1160] =	vst v33;
	vm5 =	vle.s32 v15, v46;
	v50 =	vsel vm6, $0x1, v11;
	v56 =	vor.u32 s24, v0  }
0x1e8: {  	[tilespmem:s23+$0x1170] =	vst v34;
	v41 =	vadd.s32 v48, v41;
	v53 =	vadd.s32 v44, v42;
	v18 =	vadd.s32 v59, v18  }
0x1e9: {  	[tilespmem:s23+$0x1180] =	vst v35;
	v19 =	vadd.s32 v62, v61;
	v42 =	vsel vm11, $0x1, v11;
	v44 =	vsel vm13, $0x1, v11  }
0x1ea: {  	[tilespmem:s23+$0x1190] =	vst v36;
	v23 =	vadd.s32 v43, v12;
	v48 =	vsel vm4, $0x1, v11;
	v49 =	vsel vm5, $0x1, v11  }
0x1eb: {  	[tilespmem:s23+$0x11A0] =	vst v37;
	vm11 =	vle.s32 v13, v51;
	vm12 =	vle.s32 v16, v56;
	vm13 =	vle.s32 v15, v56  }
0x1ec: {  	[tilespmem:s23+$0x11B0] =	vst v38;
	vm14 =	vle.s32 v14, v56;
	vm15 =	vle.s32 v13, v56;
	v17 =	vadd.s32 v52, v53  }
0x1ed: {  	[tilespmem:s23+$0x11C0] =	vst v40;
	v19 =	vadd.s32 v63, v19;
	v20 =	vadd.s32 v42, v20;
	v22 =	vadd.s32 v44, v23  }
0x1ee: {  	v23 =	vadd.s32 v48, v12;
	v52 =	vsel vm7, $0x1, v11;
	v53 =	vsel vm8, $0x1, v11;
	[tilespmem:s23+$0x11D0] =	vst v41  }
0x1ef: {  	[tilespmem:s23+$0x11F0] =	vst v18;
	v58 =	vsel vm11, $0x1, v11;
	v60 =	vsel vm12, $0x1, v11;
	v15 =	vsel vm13, $0x1, v11  }
0x1f0: {  	v14 =	vsel vm14, $0x1, v11;
	v19 =	vadd.s32 v25, v19;
	v22 =	vadd.s32 v45, v22;
	[tilespmem:s23+$0x11E0] =	vst v17  }
0x1f1: {  	v23 =	vadd.s32 v49, v23;
	v24 =	vadd.s32 v53, v12;
	[tilespmem:s23+$0x1210] =	vst v20;
	v61 =	vadd.s32 v60, v12  }
0x1f2: {  	v22 =	vadd.s32 v47, v22;
	v23 =	vadd.s32 v50, v23;
	v57 =	vadd.s32 v54, v24;
	[tilespmem:s23+$0x1200] =	vst v19  }
0x1f3: {  	v12 =	vadd.s32 v15, v61;
	v23 =	vadd.s32 v52, v23;
	v59 =	vadd.s32 v55, v57;
	[tilespmem:s23+$0x1220] =	vst v22  }
0x1f4: {  	v63 =	vsel vm15, $0x1, v11;
	v12 =	vadd.s32 v14, v12;
	[tilespmem:s23+$0x1230] =	vst v23;
	v62 =	vadd.s32 v58, v59  }
0x1f5: {  	v12 =	vadd.s32 v63, v12;
	[tilespmem:s23+$0x1240] =	vst v62  }
0x1f6: {  	[tilespmem:s23+$0x1250] =	vst v12  }
.LBB2_6:
0x1f7: {  	s22 =	sadd.s32 $0x1, s22  }
0x1f8: {  	p0 =	sne.s32 s22, $0x10  }
.Ltmp3:
0x1f9: {  	_ = 	snop;
	(pc) =	sbr.rel @!p0 .LBB2_7-.Ltmp3, $2  }
0x1fa: {  	_ =	sdelay $0x2  }
0x1fb: {  	s21 =	sadd.s32 $0x200, s21;
	s20 =	sadd.s32 $0x200, s20  }
.LBB2_2:
0x1fc: {  	v13 =	vld [tilespmem:s22+$0x1010];
	_ =	sdelay $0x4  }
0x1fd: {  	(v2sf) =	vpush v13, $0x0  }
0x1fe: {  	(v2sf) =	vpush v13, $0x1;
	_ =	sdelay $0xd  }
0x1ff: {  	s23 =	spop (v2sf)  }
0x200: {  	s24 =	spop (v2sf)  }
0x201: {  	s24 =	ssub.s32 s24, s23  }
0x202: {  	p0 =	sgt.s32 s24, $0x4  }
.Ltmp4:
0x203: {  	_ = 	snop;
	(pc) =	sbr.rel @!p0 .LBB2_3-.Ltmp4, $2  }
0x204: {  	_ =	sdelay $0x2  }
0x205: {  	v12 =	vbroadcast v13, $0x0  }
0x206: {  	v13 =	vbroadcast v13, $0x1;
	_ =	sdelay $0x1  }
0x207: {  	v14 =	vadd.s32 v13, v12  }
0x208: {  	v14 =	vshra.s32 v14, $0x1;
	_ =	sdelay $0x3  }
0x209: {  	s23 =	simm.s32 $0x0;
	v16 =	vmov s20;
	s24 =	smov.u32 s21;
	v15 =	vadd.s32 $0x1, v14  }
.LBB2_5:
0x20a: {  	v17 =	vld.idx.msk [tilespmem:v14+s2+$0x0], $0xffff;
	_ =	sdelay $0x3  }
0x20b: {  	v18 =	vor.u32 s24, v0  }
0x20c: {  	vm0 =	vgt.s32 v17, v18  }
0x20d: {  	v17 =	vsel vm0, v12, v15;
	v19 =	vsel vm0, v14, v13  }
0x20e: {  	v20 =	vadd.s32 v19, v17  }
0x20f: {  	v20 =	vshra.s32 v20, $0x1;
	_ =	sdelay $0x4  }
0x210: {  	v21 =	vld.idx.msk [tilespmem:v20+s2+$0x0], $0xffff;
	_ =	sdelay $0x4  }
0x211: {  	v42 =	vadd.s32 $0x1, v20;
	vm4 =	vgt.s32 v21, v18  }
0x212: {  	v17 =	vsel vm4, v17, v42;
	v19 =	vsel vm4, v20, v19  }
0x213: {  	v20 =	vadd.s32 v19, v17  }
0x214: {  	v20 =	vshra.s32 v20, $0x1;
	_ =	sdelay $0x4  }
0x215: {  	v43 =	vld.idx.msk [tilespmem:v20+s2+$0x0], $0xffff;
	_ =	sdelay $0x4  }
0x216: {  	v44 =	vadd.s32 $0x1, v20;
	vm5 =	vgt.s32 v43, v18  }
0x217: {  	v17 =	vsel vm5, v17, v44;
	v19 =	vsel vm5, v20, v19  }
0x218: {  	v20 =	vadd.s32 v19, v17  }
0x219: {  	v20 =	vshra.s32 v20, $0x1;
	_ =	sdelay $0x4  }
0x21a: {  	v45 =	vld.idx.msk [tilespmem:v20+s2+$0x0], $0xffff;
	_ =	sdelay $0x4  }
0x21b: {  	v46 =	vadd.s32 $0x1, v20;
	vm6 =	vgt.s32 v45, v18  }
0x21c: {  	v17 =	vsel vm6, v17, v46;
	v19 =	vsel vm6, v20, v19  }
0x21d: {  	v20 =	vadd.s32 v19, v17  }
0x21e: {  	v20 =	vshra.s32 v20, $0x1;
	_ =	sdelay $0x4  }
0x21f: {  	v47 =	vld.idx.msk [tilespmem:v20+s2+$0x0], $0xffff;
	_ =	sdelay $0x4  }
0x220: {  	v48 =	vadd.s32 $0x1, v20;
	vm7 =	vgt.s32 v47, v18  }
0x221: {  	v17 =	vsel vm7, v17, v48;
	v19 =	vsel vm7, v20, v19  }
0x222: {  	v20 =	vadd.s32 v19, v17  }
0x223: {  	v20 =	vshra.s32 v20, $0x1;
	_ =	sdelay $0x4  }
0x224: {  	v49 =	vld.idx.msk [tilespmem:v20+s2+$0x0], $0xffff;
	_ =	sdelay $0x4  }
0x225: {  	v50 =	vadd.s32 $0x1, v20;
	vm8 =	vgt.s32 v49, v18  }
0x226: {  	v17 =	vsel vm8, v17, v50;
	v19 =	vsel vm8, v20, v19  }
0x227: {  	v20 =	vadd.s32 v19, v17  }
0x228: {  	v20 =	vshra.s32 v20, $0x1;
	_ =	sdelay $0x4  }
0x229: {  	v51 =	vld.idx.msk [tilespmem:v20+s2+$0x0], $0xffff;
	_ =	sdelay $0x4  }
0x22a: {  	v52 =	vadd.s32 $0x1, v20;
	vm9 =	vgt.s32 v51, v18  }
0x22b: {  	v17 =	vsel vm9, v17, v52;
	v19 =	vsel vm9, v20, v19  }
0x22c: {  	v20 =	vadd.s32 v19, v17  }
0x22d: {  	v20 =	vshra.s32 v20, $0x1;
	_ =	sdelay $0x4  }
0x22e: {  	v53 =	vld.idx.msk [tilespmem:v20+s2+$0x0], $0xffff;
	_ =	sdelay $0x4  }
0x22f: {  	v54 =	vadd.s32 $0x1, v20;
	vm10 =	vgt.s32 v53, v18  }
0x230: {  	v17 =	vsel vm10, v17, v54;
	v19 =	vsel vm10, v20, v19  }
0x231: {  	v20 =	vadd.s32 v19, v17  }
0x232: {  	v20 =	vshra.s32 v20, $0x1;
	_ =	sdelay $0x4  }
0x233: {  	v55 =	vld.idx.msk [tilespmem:v20+s2+$0x0], $0xffff;
	_ =	sdelay $0x4  }
0x234: {  	v56 =	vadd.s32 $0x1, v20;
	vm11 =	vgt.s32 v55, v18  }
0x235: {  	v17 =	vsel vm11, v17, v56;
	v19 =	vsel vm11, v20, v19  }
0x236: {  	v20 =	vadd.s32 v19, v17  }
0x237: {  	v20 =	vshra.s32 v20, $0x1;
	_ =	sdelay $0x4  }
0x238: {  	v57 =	vld.idx.msk [tilespmem:v20+s2+$0x0], $0xffff;
	_ =	sdelay $0x4  }
0x239: {  	v58 =	vadd.s32 $0x1, v20;
	vm12 =	vgt.s32 v57, v18  }
0x23a: {  	v17 =	vsel vm12, v17, v58;
	v19 =	vsel vm12, v20, v19  }
0x23b: {  	v20 =	vadd.s32 v19, v17  }
0x23c: {  	v20 =	vshra.s32 v20, $0x1;
	_ =	sdelay $0x4  }
0x23d: {  	v59 =	vld.idx.msk [tilespmem:v20+s2+$0x0], $0xffff;
	_ =	sdelay $0x4  }
0x23e: {  	v60 =	vadd.s32 $0x1, v20;
	vm13 =	vgt.s32 v59, v18  }
0x23f: {  	v17 =	vsel vm13, v17, v60;
	v19 =	vsel vm13, v20, v19  }
0x240: {  	v20 =	vadd.s32 v19, v17  }
0x241: {  	v20 =	vshra.s32 v20, $0x1;
	_ =	sdelay $0x4  }
0x242: {  	v61 =	vld.idx.msk [tilespmem:v20+s2+$0x0], $0xffff;
	_ =	sdelay $0x4  }
0x243: {  	v62 =	vadd.s32 $0x1, v20;
	vm14 =	vgt.s32 v61, v18  }
0x244: {  	v17 =	vsel vm14, v17, v62;
	v19 =	vsel vm14, v20, v19  }
0x245: {  	v19 =	vadd.s32 v19, v17  }
0x246: {  	v19 =	vshra.s32 v19, $0x1;
	_ =	sdelay $0x4  }
0x247: {  	v63 =	vld.idx.msk [tilespmem:v19+s2+$0x0], $0xffff;
	_ =	sdelay $0x1  }
0x248: {  	p0 =	sne.s32 s23, $0x7C0  }
.Ltmp5:
0x249: {  	_ = 	snop;
	(pc) =	sbr.rel @p0 .LBB2_5-.Ltmp5, $4  }
0x24a: {  	_ = 	snop  }
0x24b: {  	vm15 =	vgt.s32 v63, v18;
	v18 =	vadd.s32 $0x1, v19  }
0x24c: {  	s25 =	sshra.s32 s23, $0x2;
	v17 =	vsel vm15, v17, v18  }
0x24d: {  	s24 =	sadd.s32 $0x10, s24;
	s23 =	sadd.s32 $0x40, s23;
	[tilespmem:v16+s25+$0x0 ss:$0x1] =	vst.idx.msk $0xffff, v17  }
.Ltmp6:
0x24e: {  	_ = 	snop;
	(pc) =	sbr.rel .LBB2_6-.Ltmp6, $1  }
0x24f: {  	_ =	sdelay $0x3  }
.LBB2_7:
.Ltmp7:
0x250: {  	(pc) =	sbr.rel .LBB2_8-.Ltmp7, $3  }
0x251: {  	_ =	sdelay $0x1  }
0x252: {  	[hbm4b:s5+s2] =	stream.linear.scatter [tilespmem:s14], [sflag:$0x1], $0x2000, $0x38;
	[tilespmem:$0x9060] =	vst v63  }
0x253: {  	s20 =	simm.s32 $0x10;
	s21 =	simm.s32 $0x3060;
	s22 =	smov.u32 s10  }
.LBB2_9:
0x254: {  	v13 =	vld [tilespmem:s23+$0x0];
	s23 =	sshll.u32 s20, $0x9  }
0x255: {  	s24 =	sor.u32 s3, s23  }
0x256: {  	s25 =	sor.u32 $0x10, s24  }
0x257: {  	v17 =	vor.u32 s24, v0;
	s28 =	sor.u32 $0x20, s24;
	s29 =	sor.u32 $0x30, s24;
	s30 =	sor.u32 $0x40, s24;
	v21 =	vor.u32 s25, v0  }
0x258: {  	s26 =	sor.u32 $0x60, s24;
	v26 =	vor.u32 s28, v0;
	v30 =	vor.u32 s29, v0;
	v34 =	vor.u32 s30, v0  }
0x259: {  	v43 =	vor.u32 s26, v0;
	s28 =	sor.u32 $0x70, s24;
	v16 =	vbroadcast v13, $0x0;
	v15 =	vbroadcast v13, $0x1  }
0x25a: {  	s30 =	sor.u32 $0x90, s24;
	v47 =	vor.u32 s28, v0;
	v14 =	vbroadcast v13, $0x2;
	v13 =	vbroadcast v13, $0x3  }
0x25b: {  	v56 =	vor.u32 s30, v0;
	vm0 =	vle.s32 v16, v17;
	vm9 =	vle.s32 v15, v17  }
0x25c: {  	vm10 =	vle.s32 v14, v17;
	vm11 =	vle.s32 v13, v17;
	vm12 =	vle.s32 v16, v21  }
0x25d: {  	vm13 =	vle.s32 v15, v21;
	vm14 =	vle.s32 v14, v21;
	vm15 =	vle.s32 v13, v21  }
0x25e: {  	vm4 =	vle.s32 v16, v26;
	vm5 =	vle.s32 v15, v26;
	vm6 =	vle.s32 v14, v26  }
0x25f: {  	vm7 =	vle.s32 v13, v26;
	vm8 =	vle.s32 v16, v30;
	v18 =	vsel vm0, $0x1, v11  }
0x260: {  	v19 =	vsel vm9, $0x1, v11;
	v20 =	vsel vm10, $0x1, v11;
	v62 =	vsel vm11, $0x1, v11  }
0x261: {  	v63 =	vsel vm12, $0x1, v11;
	v24 =	vsel vm13, $0x1, v11;
	v25 =	vsel vm14, $0x1, v11  }
0x262: {  	v22 =	vsel vm15, $0x1, v11;
	v27 =	vsel vm4, $0x1, v11;
	v28 =	vsel vm5, $0x1, v11  }
0x263: {  	v29 =	vsel vm6, $0x1, v11;
	v31 =	vsel vm7, $0x1, v11;
	v32 =	vsel vm8, $0x1, v11  }
0x264: {  	vm9 =	vle.s32 v15, v30;
	vm10 =	vle.s32 v14, v30;
	vm11 =	vle.s32 v13, v30  }
0x265: {  	vm12 =	vle.s32 v16, v34;
	vm13 =	vle.s32 v15, v34;
	vm14 =	vle.s32 v14, v34  }
0x266: {  	vm15 =	vle.s32 v13, v34;
	vm8 =	vle.s32 v16, v43;
	v18 =	vadd.s32 v18, v12  }
0x267: {  	v33 =	vsel vm9, $0x1, v11;
	v23 =	vsel vm10, $0x1, v11;
	v35 =	vsel vm11, $0x1, v11  }
0x268: {  	v36 =	vsel vm12, $0x1, v11;
	v37 =	vsel vm13, $0x1, v11;
	v39 =	vsel vm15, $0x1, v11  }
0x269: {  	v45 =	vsel vm8, $0x1, v11;
	vm9 =	vle.s32 v15, v43;
	vm10 =	vle.s32 v14, v43  }
0x26a: {  	vm11 =	vle.s32 v13, v43;
	vm12 =	vle.s32 v16, v47;
	vm13 =	vle.s32 v15, v47  }
0x26b: {  	vm15 =	vle.s32 v13, v47;
	vm8 =	vle.s32 v16, v56;
	v61 =	vadd.s32 v19, v18  }
0x26c: {  	v19 =	vadd.s32 v63, v12;
	v38 =	vadd.s32 v36, v12;
	v46 =	vsel vm9, $0x1, v11  }
0x26d: {  	v26 =	vsel vm10, $0x1, v11;
	v48 =	vsel vm11, $0x1, v11;
	v49 =	vsel vm12, $0x1, v11  }
0x26e: {  	v50 =	vsel vm13, $0x1, v11;
	v52 =	vsel vm15, $0x1, v11;
	v58 =	vsel vm8, $0x1, v11  }
0x26f: {  	vm9 =	vle.s32 v15, v56;
	vm10 =	vle.s32 v14, v56;
	vm11 =	vle.s32 v13, v56  }
0x270: {  	v17 =	vadd.s32 v20, v61;
	v18 =	vadd.s32 v24, v19;
	v19 =	vadd.s32 v27, v12  }
0x271: {  	v20 =	vadd.s32 v32, v12;
	v24 =	vsel vm14, $0x1, v11;
	v21 =	vadd.s32 v37, v38  }
0x272: {  	s28 =	sor.u32 $0xC0, s24;
	vm14 =	vle.s32 v14, v47;
	v51 =	vadd.s32 v49, v12;
	v59 =	vsel vm9, $0x1, v11  }
0x273: {  	v61 =	vsel vm11, $0x1, v11;
	v37 =	vor.u32 s28, v0;
	v17 =	vadd.s32 v62, v17  }
0x274: {  	s31 =	sor.u32 $0x50, s24;
	v18 =	vadd.s32 v25, v18;
	v19 =	vadd.s32 v28, v19;
	v20 =	vadd.s32 v33, v20  }
0x275: {  	s29 =	sor.u32 $0x80, s24;
	v25 =	vor.u32 s31, v0;
	v21 =	vadd.s32 v24, v21;
	v27 =	vsel vm14, $0x1, v11  }
0x276: {  	v28 =	vor.u32 s29, v0;
	v24 =	vadd.s32 v50, v51;
	vm8 =	vle.s32 v16, v37  }
0x277: {  	vm9 =	vle.s32 v15, v37;
	vm11 =	vle.s32 v13, v37;
	v18 =	vadd.s32 v22, v18  }
0x278: {  	v19 =	vadd.s32 v29, v19;
	v20 =	vadd.s32 v23, v20;
	vm4 =	vle.s32 v16, v25  }
0x279: {  	vm5 =	vle.s32 v15, v25;
	v21 =	vadd.s32 v39, v21;
	vm6 =	vle.s32 v14, v25  }
0x27a: {  	s31 =	sor.u32 $0xA0, s24;
	vm7 =	vle.s32 v13, v25;
	v23 =	vadd.s32 v45, v12;
	v24 =	vadd.s32 v27, v24  }
0x27b: {  	s28 =	sor.u32 $0x110, s24;
	v29 =	vsel vm10, $0x1, v11;
	v60 =	vor.u32 s31, v0;
	v39 =	vsel vm8, $0x1, v11  }
0x27c: {  	vm10 =	vle.s32 v14, v37;
	v37 =	vor.u32 s28, v0;
	v19 =	vadd.s32 v31, v19  }
0x27d: {  	v20 =	vadd.s32 v35, v20;
	v40 =	vsel vm4, $0x1, v11;
	v41 =	vsel vm5, $0x1, v11  }
0x27e: {  	v42 =	vsel vm6, $0x1, v11;
	v44 =	vsel vm7, $0x1, v11;
	v23 =	vadd.s32 v46, v23  }
0x27f: {  	vm4 =	vle.s32 v16, v28;
	vm5 =	vle.s32 v15, v28;
	v24 =	vadd.s32 v52, v24  }
0x280: {  	vm6 =	vle.s32 v14, v28;
	vm7 =	vle.s32 v13, v28;
	vm12 =	vle.s32 v16, v60  }
0x281: {  	s26 =	sor.u32 $0xB0, s24;
	s31 =	sor.u32 $0xF0, s24;
	vm13 =	vle.s32 v15, v60;
	vm14 =	vle.s32 v14, v60;
	vm15 =	vle.s32 v13, v60  }
0x282: {  	v31 =	vor.u32 s26, v0;
	v50 =	vor.u32 s31, v0;
	v22 =	vadd.s32 v40, v12  }
0x283: {  	v23 =	vadd.s32 v26, v23;
	v53 =	vsel vm4, $0x1, v11;
	v54 =	vsel vm5, $0x1, v11  }
0x284: {  	v55 =	vsel vm6, $0x1, v11;
	v57 =	vsel vm7, $0x1, v11;
	v26 =	vadd.s32 v58, v12  }
0x285: {  	v62 =	vsel vm12, $0x1, v11;
	v63 =	vsel vm13, $0x1, v11;
	v30 =	vsel vm14, $0x1, v11  }
0x286: {  	v33 =	vsel vm15, $0x1, v11;
	vm4 =	vle.s32 v16, v31;
	vm5 =	vle.s32 v15, v31  }
0x287: {  	vm6 =	vle.s32 v14, v31;
	vm7 =	vle.s32 v13, v31;
	v40 =	vsel vm9, $0x1, v11  }
0x288: {  	vm8 =	vle.s32 v16, v50;
	vm9 =	vle.s32 v15, v50;
	v22 =	vadd.s32 v41, v22  }
0x289: {  	v23 =	vadd.s32 v48, v23;
	v25 =	vadd.s32 v53, v12;
	v26 =	vadd.s32 v59, v26  }
0x28a: {  	s29 =	sor.u32 $0xD0, s24;
	v32 =	vadd.s32 v62, v12;
	v34 =	vsel vm4, $0x1, v11;
	v35 =	vsel vm5, $0x1, v11  }
0x28b: {  	v36 =	vsel vm6, $0x1, v11;
	v38 =	vsel vm7, $0x1, v11;
	v41 =	vor.u32 s29, v0  }
0x28c: {  	v52 =	vsel vm8, $0x1, v11;
	v53 =	vsel vm9, $0x1, v11;
	v22 =	vadd.s32 v42, v22  }
0x28d: {  	v25 =	vadd.s32 v54, v25;
	v26 =	vadd.s32 v29, v26;
	v27 =	vadd.s32 v63, v32  }
0x28e: {  	v28 =	vadd.s32 v34, v12;
	v29 =	vadd.s32 v39, v12;
	v32 =	vsel vm10, $0x1, v11  }
0x28f: {  	s30 =	sor.u32 $0xE0, s24;
	v42 =	vsel vm11, $0x1, v11;
	vm12 =	vle.s32 v16, v41;
	vm13 =	vle.s32 v15, v41  }
0x290: {  	s26 =	sor.u32 $0x100, s24;
	vm14 =	vle.s32 v14, v41;
	vm15 =	vle.s32 v13, v41;
	v34 =	vor.u32 s30, v0  }
0x291: {  	s29 =	sor.u32 $0x120, s24;
	vm10 =	vle.s32 v14, v50;
	vm11 =	vle.s32 v13, v50;
	v54 =	vor.u32 s26, v0  }
0x292: {  	v63 =	vor.u32 s29, v0;
	v22 =	vadd.s32 v44, v22;
	v25 =	vadd.s32 v55, v25  }
0x293: {  	v26 =	vadd.s32 v61, v26;
	v27 =	vadd.s32 v30, v27;
	v28 =	vadd.s32 v35, v28  }
0x294: {  	v29 =	vadd.s32 v40, v29;
	v43 =	vsel vm12, $0x1, v11;
	v44 =	vsel vm13, $0x1, v11  }
0x295: {  	v46 =	vsel vm15, $0x1, v11;
	vm4 =	vle.s32 v16, v34;
	vm5 =	vle.s32 v15, v34  }
0x296: {  	vm6 =	vle.s32 v14, v34;
	vm7 =	vle.s32 v13, v34;
	v35 =	vsel vm10, $0x1, v11  }
0x297: {  	v55 =	vsel vm11, $0x1, v11;
	vm12 =	vle.s32 v16, v54;
	vm13 =	vle.s32 v15, v54  }
0x298: {  	vm15 =	vle.s32 v13, v54;
	vm8 =	vle.s32 v16, v63;
	vm9 =	vle.s32 v15, v63  }
0x299: {  	vm10 =	vle.s32 v14, v63;
	vm11 =	vle.s32 v13, v63;
	v25 =	vadd.s32 v57, v25  }
0x29a: {  	v27 =	vadd.s32 v33, v27;
	v28 =	vadd.s32 v36, v28;
	v29 =	vadd.s32 v32, v29  }
0x29b: {  	v33 =	vsel vm14, $0x1, v11;
	v45 =	vadd.s32 v43, v12;
	v47 =	vsel vm4, $0x1, v11  }
0x29c: {  	v48 =	vsel vm5, $0x1, v11;
	v49 =	vsel vm6, $0x1, v11;
	v51 =	vsel vm7, $0x1, v11  }
0x29d: {  	v32 =	vadd.s32 v52, v12;
	v56 =	vsel vm12, $0x1, v11;
	v57 =	vsel vm13, $0x1, v11  }
0x29e: {  	vm14 =	vle.s32 v14, v54;
	v59 =	vsel vm15, $0x1, v11;
	vm4 =	vle.s32 v16, v37  }
0x29f: {  	vm5 =	vle.s32 v15, v37;
	vm6 =	vle.s32 v14, v37;
	vm7 =	vle.s32 v13, v37  }
0x2a0: {  	v40 =	vsel vm8, $0x1, v11;
	v41 =	vsel vm9, $0x1, v11;
	v43 =	vsel vm11, $0x1, v11  }
0x2a1: {  	v28 =	vadd.s32 v38, v28;
	v29 =	vadd.s32 v42, v29;
	v30 =	vadd.s32 v44, v45  }
0x2a2: {  	v31 =	vadd.s32 v47, v12;
	v32 =	vadd.s32 v53, v32;
	v36 =	vsel vm14, $0x1, v11  }
0x2a3: {  	v58 =	vadd.s32 v56, v12;
	v60 =	vsel vm4, $0x1, v11;
	v61 =	vsel vm5, $0x1, v11  }
0x2a4: {  	s30 =	sor.u32 $0x130, s24;
	v62 =	vsel vm6, $0x1, v11;
	v39 =	vsel vm7, $0x1, v11;
	v38 =	vsel vm10, $0x1, v11  }
0x2a5: {  	v42 =	vor.u32 s30, v0;
	v30 =	vadd.s32 v33, v30;
	v31 =	vadd.s32 v48, v31  }
0x2a6: {  	v32 =	vadd.s32 v35, v32;
	v33 =	vadd.s32 v57, v58;
	v34 =	vadd.s32 v60, v12  }
0x2a7: {  	s31 =	sor.u32 $0x140, s24;
	v35 =	vadd.s32 v40, v12;
	vm12 =	vle.s32 v16, v42;
	vm13 =	vle.s32 v15, v42  }
0x2a8: {  	s30 =	sor.u32 $0x180, s24;
	vm14 =	vle.s32 v14, v42;
	vm15 =	vle.s32 v13, v42;
	v40 =	vor.u32 s31, v0  }
0x2a9: {  	v63 =	vor.u32 s30, v0;
	v30 =	vadd.s32 v46, v30;
	v31 =	vadd.s32 v49, v31  }
0x2aa: {  	v32 =	vadd.s32 v55, v32;
	v33 =	vadd.s32 v36, v33;
	v34 =	vadd.s32 v61, v34  }
0x2ab: {  	v35 =	vadd.s32 v41, v35;
	v44 =	vsel vm12, $0x1, v11;
	v45 =	vsel vm13, $0x1, v11  }
0x2ac: {  	s28 =	sor.u32 $0x160, s24;
	v47 =	vsel vm15, $0x1, v11;
	vm4 =	vle.s32 v16, v40;
	vm5 =	vle.s32 v15, v40  }
0x2ad: {  	vm6 =	vle.s32 v14, v40;
	vm7 =	vle.s32 v13, v40;
	v55 =	vor.u32 s28, v0  }
0x2ae: {  	v31 =	vadd.s32 v51, v31;
	v33 =	vadd.s32 v59, v33;
	v34 =	vadd.s32 v62, v34  }
0x2af: {  	s26 =	sor.u32 $0x150, s24;
	v35 =	vadd.s32 v38, v35;
	v46 =	vadd.s32 v44, v12;
	v48 =	vsel vm4, $0x1, v11  }
0x2b0: {  	v49 =	vsel vm5, $0x1, v11;
	v50 =	vsel vm6, $0x1, v11;
	v51 =	vor.u32 s26, v0  }
0x2b1: {  	s29 =	sor.u32 $0x170, s24;
	s28 =	sor.u32 $0x1B0, s24;
	v52 =	vsel vm7, $0x1, v11;
	vm12 =	vle.s32 v16, v55;
	vm13 =	vle.s32 v15, v55  }
0x2b2: {  	[tilespmem:s23+$0x10D0] =	vst v24;
	vm15 =	vle.s32 v13, v55;
	v59 =	vor.u32 s29, v0;
	v24 =	vor.u32 s28, v0  }
0x2b3: {  	v34 =	vadd.s32 v39, v34;
	v35 =	vadd.s32 v43, v35;
	v39 =	vsel vm14, $0x1, v11  }
0x2b4: {  	v36 =	vadd.s32 v45, v46;
	v37 =	vadd.s32 v48, v12;
	vm8 =	vle.s32 v16, v51  }
0x2b5: {  	vm9 =	vle.s32 v15, v51;
	vm10 =	vle.s32 v14, v51;
	vm11 =	vle.s32 v13, v51  }
0x2b6: {  	v57 =	vsel vm12, $0x1, v11;
	v58 =	vsel vm13, $0x1, v11;
	vm14 =	vle.s32 v14, v55  }
0x2b7: {  	s31 =	sor.u32 $0x190, s24;
	v43 =	vsel vm15, $0x1, v11;
	vm4 =	vle.s32 v16, v59;
	vm5 =	vle.s32 v15, v59  }
0x2b8: {  	s30 =	sor.u32 $0x1D0, s24;
	vm6 =	vle.s32 v14, v59;
	vm7 =	vle.s32 v13, v59;
	v51 =	vor.u32 s31, v0  }
0x2b9: {  	v46 =	vor.u32 s30, v0;
	v36 =	vadd.s32 v39, v36;
	v37 =	vadd.s32 v49, v37  }
0x2ba: {  	v53 =	vsel vm8, $0x1, v11;
	v54 =	vsel vm9, $0x1, v11;
	v41 =	vsel vm10, $0x1, v11  }
0x2bb: {  	v56 =	vsel vm11, $0x1, v11;
	v42 =	vsel vm14, $0x1, v11;
	v60 =	vsel vm4, $0x1, v11  }
0x2bc: {  	v61 =	vsel vm5, $0x1, v11;
	v62 =	vsel vm6, $0x1, v11;
	v48 =	vsel vm7, $0x1, v11  }
0x2bd: {  	vm8 =	vle.s32 v16, v63;
	vm9 =	vle.s32 v15, v63;
	vm10 =	vle.s32 v14, v63  }
0x2be: {  	s29 =	sor.u32 $0x1C0, s24;
	vm11 =	vle.s32 v13, v63;
	vm12 =	vle.s32 v16, v51;
	vm13 =	vle.s32 v15, v51  }
0x2bf: {  	s31 =	sor.u32 $0x1E0, s24;
	vm14 =	vle.s32 v14, v51;
	vm15 =	vle.s32 v13, v51;
	v39 =	vor.u32 s29, v0  }
0x2c0: {  	v51 =	vor.u32 s31, v0;
	v36 =	vadd.s32 v47, v36;
	v37 =	vadd.s32 v50, v37  }
0x2c1: {  	v38 =	vadd.s32 v53, v12;
	v49 =	vsel vm8, $0x1, v11;
	v50 =	vsel vm9, $0x1, v11  }
0x2c2: {  	v44 =	vsel vm10, $0x1, v11;
	v55 =	vsel vm13, $0x1, v11;
	v59 =	vsel vm15, $0x1, v11  }
0x2c3: {  	vm8 =	vle.s32 v16, v24;
	vm9 =	vle.s32 v15, v24;
	vm10 =	vle.s32 v14, v24  }
0x2c4: {  	[tilespmem:s23+$0x10F0] =	vst v26;
	vm13 =	vle.s32 v15, v39;
	vm15 =	vle.s32 v13, v39;
	v37 =	vadd.s32 v52, v37  }
0x2c5: {  	[tilespmem:s23+$0x1100] =	vst v27;
	v38 =	vadd.s32 v54, v38;
	v52 =	vsel vm11, $0x1, v11;
	v54 =	vsel vm12, $0x1, v11  }
0x2c6: {  	[tilespmem:s23+$0x1110] =	vst v28;
	v26 =	vsel vm8, $0x1, v11;
	v27 =	vsel vm9, $0x1, v11;
	v28 =	vsel vm10, $0x1, v11  }
0x2c7: {  	vm11 =	vle.s32 v13, v24;
	vm12 =	vle.s32 v16, v39;
	v47 =	vsel vm15, $0x1, v11  }
0x2c8: {  	s26 =	sor.u32 $0x1A0, s24;
	vm8 =	vle.s32 v16, v51;
	vm9 =	vle.s32 v15, v51;
	vm10 =	vle.s32 v14, v51  }
0x2c9: {  	[tilespmem:s23+$0x1060] =	vst v17;
	v38 =	vadd.s32 v41, v38;
	v41 =	vadd.s32 v57, v12;
	v57 =	vor.u32 s26, v0  }
0x2ca: {  	[tilespmem:s23+$0x1090] =	vst v20;
	v20 =	vadd.s32 v26, v12;
	v38 =	vadd.s32 v56, v38;
	v40 =	vadd.s32 v58, v41  }
0x2cb: {  	[tilespmem:s23+$0x1070] =	vst v18;
	v41 =	vadd.s32 v60, v12;
	v56 =	vsel vm14, $0x1, v11;
	v58 =	vadd.s32 v54, v12  }
0x2cc: {  	[tilespmem:s23+$0x10A0] =	vst v21;
	vm4 =	vle.s32 v16, v57;
	vm5 =	vle.s32 v15, v57;
	vm6 =	vle.s32 v14, v57  }
0x2cd: {  	[tilespmem:s23+$0x1080] =	vst v19;
	vm7 =	vle.s32 v13, v57;
	v20 =	vadd.s32 v27, v20;
	vm14 =	vle.s32 v14, v39  }
0x2ce: {  	[tilespmem:s23+$0x10C0] =	vst v23;
	v54 =	vsel vm9, $0x1, v11;
	v40 =	vadd.s32 v42, v40;
	v41 =	vadd.s32 v61, v41  }
0x2cf: {  	[tilespmem:s23+$0x10B0] =	vst v22;
	v42 =	vadd.s32 v49, v12;
	v18 =	vadd.s32 v55, v58;
	v60 =	vsel vm4, $0x1, v11  }
0x2d0: {  	[tilespmem:s23+$0x10E0] =	vst v25;
	v63 =	vsel vm6, $0x1, v11;
	v25 =	vsel vm7, $0x1, v11;
	v20 =	vadd.s32 v28, v20  }
0x2d1: {  	[tilespmem:s23+$0x1120] =	vst v29;
	v45 =	vsel vm14, $0x1, v11;
	vm4 =	vle.s32 v16, v46;
	vm6 =	vle.s32 v14, v46  }
0x2d2: {  	[tilespmem:s23+$0x1130] =	vst v30;
	vm7 =	vle.s32 v13, v46;
	v55 =	vsel vm10, $0x1, v11;
	v40 =	vadd.s32 v43, v40  }
0x2d3: {  	[tilespmem:s23+$0x1150] =	vst v32;
	v41 =	vadd.s32 v62, v41;
	v42 =	vadd.s32 v50, v42;
	v18 =	vadd.s32 v56, v18  }
0x2d4: {  	[tilespmem:s23+$0x1140] =	vst v31;
	s24 =	sor.u32 $0x1F0, s24;
	v61 =	vadd.s32 v60, v12;
	v62 =	vsel vm5, $0x1, v11;
	v43 =	vsel vm12, $0x1, v11  }
0x2d5: {  	[tilespmem:s23+$0x1160] =	vst v33;
	vm5 =	vle.s32 v15, v46;
	v50 =	vsel vm6, $0x1, v11;
	v56 =	vor.u32 s24, v0  }
0x2d6: {  	[tilespmem:s23+$0x1170] =	vst v34;
	v41 =	vadd.s32 v48, v41;
	v53 =	vadd.s32 v44, v42;
	v18 =	vadd.s32 v59, v18  }
0x2d7: {  	[tilespmem:s23+$0x1180] =	vst v35;
	v19 =	vadd.s32 v62, v61;
	v42 =	vsel vm11, $0x1, v11;
	v44 =	vsel vm13, $0x1, v11  }
0x2d8: {  	[tilespmem:s23+$0x1190] =	vst v36;
	v23 =	vadd.s32 v43, v12;
	v48 =	vsel vm4, $0x1, v11;
	v49 =	vsel vm5, $0x1, v11  }
0x2d9: {  	[tilespmem:s23+$0x11A0] =	vst v37;
	vm11 =	vle.s32 v13, v51;
	vm12 =	vle.s32 v16, v56;
	vm13 =	vle.s32 v15, v56  }
0x2da: {  	[tilespmem:s23+$0x11B0] =	vst v38;
	vm14 =	vle.s32 v14, v56;
	vm15 =	vle.s32 v13, v56;
	v17 =	vadd.s32 v52, v53  }
0x2db: {  	[tilespmem:s23+$0x11C0] =	vst v40;
	v19 =	vadd.s32 v63, v19;
	v20 =	vadd.s32 v42, v20;
	v22 =	vadd.s32 v44, v23  }
0x2dc: {  	v23 =	vadd.s32 v48, v12;
	v52 =	vsel vm7, $0x1, v11;
	v53 =	vsel vm8, $0x1, v11;
	[tilespmem:s23+$0x11D0] =	vst v41  }
0x2dd: {  	[tilespmem:s23+$0x11F0] =	vst v18;
	v58 =	vsel vm11, $0x1, v11;
	v60 =	vsel vm12, $0x1, v11;
	v15 =	vsel vm13, $0x1, v11  }
0x2de: {  	v14 =	vsel vm14, $0x1, v11;
	v19 =	vadd.s32 v25, v19;
	v22 =	vadd.s32 v45, v22;
	[tilespmem:s23+$0x11E0] =	vst v17  }
0x2df: {  	v23 =	vadd.s32 v49, v23;
	v24 =	vadd.s32 v53, v12;
	[tilespmem:s23+$0x1210] =	vst v20;
	v61 =	vadd.s32 v60, v12  }
0x2e0: {  	v22 =	vadd.s32 v47, v22;
	v23 =	vadd.s32 v50, v23;
	v57 =	vadd.s32 v54, v24;
	[tilespmem:s23+$0x1200] =	vst v19  }
0x2e1: {  	v12 =	vadd.s32 v15, v61;
	v23 =	vadd.s32 v52, v23;
	v59 =	vadd.s32 v55, v57;
	[tilespmem:s23+$0x1220] =	vst v22  }
0x2e2: {  	v63 =	vsel vm15, $0x1, v11;
	v12 =	vadd.s32 v14, v12;
	[tilespmem:s23+$0x1230] =	vst v23;
	v62 =	vadd.s32 v58, v59  }
0x2e3: {  	v12 =	vadd.s32 v63, v12;
	[tilespmem:s23+$0x1240] =	vst v62  }
0x2e4: {  	[tilespmem:s23+$0x1250] =	vst v12  }
.LBB2_12:
0x2e5: {  	s20 =	sadd.s32 $0x1, s20  }
0x2e6: {  	p0 =	sne.s32 s20, $0x20  }
.Ltmp8:
0x2e7: {  	_ = 	snop;
	(pc) =	sbr.rel @!p0 .LBB2_13-.Ltmp8, $2  }
0x2e8: {  	_ =	sdelay $0x2  }
0x2e9: {  	s22 =	sadd.s32 $0x200, s22;
	s21 =	sadd.s32 $0x200, s21  }
.LBB2_8:
0x2ea: {  	v13 =	vld [tilespmem:s20+$0x1010];
	_ =	sdelay $0x4  }
0x2eb: {  	(v2sf) =	vpush v13, $0x0  }
0x2ec: {  	(v2sf) =	vpush v13, $0x1;
	_ =	sdelay $0xd  }
0x2ed: {  	s23 =	spop (v2sf)  }
0x2ee: {  	s24 =	spop (v2sf)  }
0x2ef: {  	s24 =	ssub.s32 s24, s23  }
0x2f0: {  	p0 =	sgt.s32 s24, $0x4  }
.Ltmp9:
0x2f1: {  	_ = 	snop;
	(pc) =	sbr.rel @!p0 .LBB2_9-.Ltmp9, $2  }
0x2f2: {  	_ =	sdelay $0x2  }
0x2f3: {  	v12 =	vbroadcast v13, $0x0  }
0x2f4: {  	v13 =	vbroadcast v13, $0x1;
	_ =	sdelay $0x1  }
0x2f5: {  	v14 =	vadd.s32 v13, v12  }
0x2f6: {  	v14 =	vshra.s32 v14, $0x1;
	_ =	sdelay $0x3  }
0x2f7: {  	s23 =	simm.s32 $0x0;
	v16 =	vmov s21;
	s24 =	smov.u32 s22;
	v15 =	vadd.s32 $0x1, v14  }
.LBB2_11:
0x2f8: {  	v17 =	vld.idx.msk [tilespmem:v14+s2+$0x0], $0xffff;
	_ =	sdelay $0x3  }
0x2f9: {  	v18 =	vor.u32 s24, v0  }
0x2fa: {  	vm0 =	vgt.s32 v17, v18  }
0x2fb: {  	v17 =	vsel vm0, v12, v15;
	v19 =	vsel vm0, v14, v13  }
0x2fc: {  	v20 =	vadd.s32 v19, v17  }
0x2fd: {  	v20 =	vshra.s32 v20, $0x1;
	_ =	sdelay $0x4  }
0x2fe: {  	v21 =	vld.idx.msk [tilespmem:v20+s2+$0x0], $0xffff;
	_ =	sdelay $0x4  }
0x2ff: {  	v42 =	vadd.s32 $0x1, v20;
	vm4 =	vgt.s32 v21, v18  }
0x300: {  	v17 =	vsel vm4, v17, v42;
	v19 =	vsel vm4, v20, v19  }
0x301: {  	v20 =	vadd.s32 v19, v17  }
0x302: {  	v20 =	vshra.s32 v20, $0x1;
	_ =	sdelay $0x4  }
0x303: {  	v43 =	vld.idx.msk [tilespmem:v20+s2+$0x0], $0xffff;
	_ =	sdelay $0x4  }
0x304: {  	v44 =	vadd.s32 $0x1, v20;
	vm5 =	vgt.s32 v43, v18  }
0x305: {  	v17 =	vsel vm5, v17, v44;
	v19 =	vsel vm5, v20, v19  }
0x306: {  	v20 =	vadd.s32 v19, v17  }
0x307: {  	v20 =	vshra.s32 v20, $0x1;
	_ =	sdelay $0x4  }
0x308: {  	v45 =	vld.idx.msk [tilespmem:v20+s2+$0x0], $0xffff;
	_ =	sdelay $0x4  }
0x309: {  	v46 =	vadd.s32 $0x1, v20;
	vm6 =	vgt.s32 v45, v18  }
0x30a: {  	v17 =	vsel vm6, v17, v46;
	v19 =	vsel vm6, v20, v19  }
0x30b: {  	v20 =	vadd.s32 v19, v17  }
0x30c: {  	v20 =	vshra.s32 v20, $0x1;
	_ =	sdelay $0x4  }
0x30d: {  	v47 =	vld.idx.msk [tilespmem:v20+s2+$0x0], $0xffff;
	_ =	sdelay $0x4  }
0x30e: {  	v48 =	vadd.s32 $0x1, v20;
	vm7 =	vgt.s32 v47, v18  }
0x30f: {  	v17 =	vsel vm7, v17, v48;
	v19 =	vsel vm7, v20, v19  }
0x310: {  	v20 =	vadd.s32 v19, v17  }
0x311: {  	v20 =	vshra.s32 v20, $0x1;
	_ =	sdelay $0x4  }
0x312: {  	v49 =	vld.idx.msk [tilespmem:v20+s2+$0x0], $0xffff;
	_ =	sdelay $0x4  }
0x313: {  	v50 =	vadd.s32 $0x1, v20;
	vm8 =	vgt.s32 v49, v18  }
0x314: {  	v17 =	vsel vm8, v17, v50;
	v19 =	vsel vm8, v20, v19  }
0x315: {  	v20 =	vadd.s32 v19, v17  }
0x316: {  	v20 =	vshra.s32 v20, $0x1;
	_ =	sdelay $0x4  }
0x317: {  	v51 =	vld.idx.msk [tilespmem:v20+s2+$0x0], $0xffff;
	_ =	sdelay $0x4  }
0x318: {  	v52 =	vadd.s32 $0x1, v20;
	vm9 =	vgt.s32 v51, v18  }
0x319: {  	v17 =	vsel vm9, v17, v52;
	v19 =	vsel vm9, v20, v19  }
0x31a: {  	v20 =	vadd.s32 v19, v17  }
0x31b: {  	v20 =	vshra.s32 v20, $0x1;
	_ =	sdelay $0x4  }
0x31c: {  	v53 =	vld.idx.msk [tilespmem:v20+s2+$0x0], $0xffff;
	_ =	sdelay $0x4  }
0x31d: {  	v54 =	vadd.s32 $0x1, v20;
	vm10 =	vgt.s32 v53, v18  }
0x31e: {  	v17 =	vsel vm10, v17, v54;
	v19 =	vsel vm10, v20, v19  }
0x31f: {  	v20 =	vadd.s32 v19, v17  }
0x320: {  	v20 =	vshra.s32 v20, $0x1;
	_ =	sdelay $0x4  }
0x321: {  	v55 =	vld.idx.msk [tilespmem:v20+s2+$0x0], $0xffff;
	_ =	sdelay $0x4  }
0x322: {  	v56 =	vadd.s32 $0x1, v20;
	vm11 =	vgt.s32 v55, v18  }
0x323: {  	v17 =	vsel vm11, v17, v56;
	v19 =	vsel vm11, v20, v19  }
0x324: {  	v20 =	vadd.s32 v19, v17  }
0x325: {  	v20 =	vshra.s32 v20, $0x1;
	_ =	sdelay $0x4  }
0x326: {  	v57 =	vld.idx.msk [tilespmem:v20+s2+$0x0], $0xffff;
	_ =	sdelay $0x4  }
0x327: {  	v58 =	vadd.s32 $0x1, v20;
	vm12 =	vgt.s32 v57, v18  }
0x328: {  	v17 =	vsel vm12, v17, v58;
	v19 =	vsel vm12, v20, v19  }
0x329: {  	v20 =	vadd.s32 v19, v17  }
0x32a: {  	v20 =	vshra.s32 v20, $0x1;
	_ =	sdelay $0x4  }
0x32b: {  	v59 =	vld.idx.msk [tilespmem:v20+s2+$0x0], $0xffff;
	_ =	sdelay $0x4  }
0x32c: {  	v60 =	vadd.s32 $0x1, v20;
	vm13 =	vgt.s32 v59, v18  }
0x32d: {  	v17 =	vsel vm13, v17, v60;
	v19 =	vsel vm13, v20, v19  }
0x32e: {  	v20 =	vadd.s32 v19, v17  }
0x32f: {  	v20 =	vshra.s32 v20, $0x1;
	_ =	sdelay $0x4  }
0x330: {  	v61 =	vld.idx.msk [tilespmem:v20+s2+$0x0], $0xffff;
	_ =	sdelay $0x4  }
0x331: {  	v62 =	vadd.s32 $0x1, v20;
	vm14 =	vgt.s32 v61, v18  }
0x332: {  	v17 =	vsel vm14, v17, v62;
	v19 =	vsel vm14, v20, v19  }
0x333: {  	v19 =	vadd.s32 v19, v17  }
0x334: {  	v19 =	vshra.s32 v19, $0x1;
	_ =	sdelay $0x4  }
0x335: {  	v63 =	vld.idx.msk [tilespmem:v19+s2+$0x0], $0xffff;
	_ =	sdelay $0x1  }
0x336: {  	p0 =	sne.s32 s23, $0x7C0  }
.Ltmp10:
0x337: {  	_ = 	snop;
	(pc) =	sbr.rel @p0 .LBB2_11-.Ltmp10, $4  }
0x338: {  	_ = 	snop  }
0x339: {  	vm15 =	vgt.s32 v63, v18;
	v18 =	vadd.s32 $0x1, v19  }
0x33a: {  	s25 =	sshra.s32 s23, $0x2;
	v17 =	vsel vm15, v17, v18  }
0x33b: {  	s24 =	sadd.s32 $0x10, s24;
	s23 =	sadd.s32 $0x40, s23;
	[tilespmem:v16+s25+$0x0 ss:$0x1] =	vst.idx.msk $0xffff, v17  }
.Ltmp11:
0x33c: {  	_ = 	snop;
	(pc) =	sbr.rel .LBB2_12-.Ltmp11, $1  }
0x33d: {  	_ =	sdelay $0x3  }
.LBB2_13:
.Ltmp12:
0x33e: {  	(pc) =	sbr.rel .LBB2_14-.Ltmp12, $3  }
0x33f: {  	_ =	sdelay $0x1  }
0x340: {  	[hbm4b:s6+s2] =	stream.linear.scatter [tilespmem:s15], [sflag:$0x1], $0x2000, $0x38;
	[tilespmem:$0x9060] =	vst v63  }
0x341: {  	s20 =	simm.s32 $0x20;
	s21 =	simm.s32 $0x5060;
	s22 =	smov.u32 s11  }
.LBB2_15:
0x342: {  	v13 =	vld [tilespmem:s23+$0x0];
	s23 =	sshll.u32 s20, $0x9  }
0x343: {  	s24 =	sor.u32 s3, s23  }
0x344: {  	s25 =	sor.u32 $0x10, s24  }
0x345: {  	v17 =	vor.u32 s24, v0;
	s28 =	sor.u32 $0x20, s24;
	s29 =	sor.u32 $0x30, s24;
	s30 =	sor.u32 $0x40, s24;
	v21 =	vor.u32 s25, v0  }
0x346: {  	s26 =	sor.u32 $0x60, s24;
	v26 =	vor.u32 s28, v0;
	v30 =	vor.u32 s29, v0;
	v34 =	vor.u32 s30, v0  }
0x347: {  	v43 =	vor.u32 s26, v0;
	s28 =	sor.u32 $0x70, s24;
	v16 =	vbroadcast v13, $0x0;
	v15 =	vbroadcast v13, $0x1  }
0x348: {  	s30 =	sor.u32 $0x90, s24;
	v47 =	vor.u32 s28, v0;
	v14 =	vbroadcast v13, $0x2;
	v13 =	vbroadcast v13, $0x3  }
0x349: {  	v56 =	vor.u32 s30, v0;
	vm0 =	vle.s32 v16, v17;
	vm9 =	vle.s32 v15, v17  }
0x34a: {  	vm10 =	vle.s32 v14, v17;
	vm11 =	vle.s32 v13, v17;
	vm12 =	vle.s32 v16, v21  }
0x34b: {  	vm13 =	vle.s32 v15, v21;
	vm14 =	vle.s32 v14, v21;
	vm15 =	vle.s32 v13, v21  }
0x34c: {  	vm4 =	vle.s32 v16, v26;
	vm5 =	vle.s32 v15, v26;
	vm6 =	vle.s32 v14, v26  }
0x34d: {  	vm7 =	vle.s32 v13, v26;
	vm8 =	vle.s32 v16, v30;
	v18 =	vsel vm0, $0x1, v11  }
0x34e: {  	v19 =	vsel vm9, $0x1, v11;
	v20 =	vsel vm10, $0x1, v11;
	v62 =	vsel vm11, $0x1, v11  }
0x34f: {  	v63 =	vsel vm12, $0x1, v11;
	v24 =	vsel vm13, $0x1, v11;
	v25 =	vsel vm14, $0x1, v11  }
0x350: {  	v22 =	vsel vm15, $0x1, v11;
	v27 =	vsel vm4, $0x1, v11;
	v28 =	vsel vm5, $0x1, v11  }
0x351: {  	v29 =	vsel vm6, $0x1, v11;
	v31 =	vsel vm7, $0x1, v11;
	v32 =	vsel vm8, $0x1, v11  }
0x352: {  	vm9 =	vle.s32 v15, v30;
	vm10 =	vle.s32 v14, v30;
	vm11 =	vle.s32 v13, v30  }
0x353: {  	vm12 =	vle.s32 v16, v34;
	vm13 =	vle.s32 v15, v34;
	vm14 =	vle.s32 v14, v34  }
0x354: {  	vm15 =	vle.s32 v13, v34;
	vm8 =	vle.s32 v16, v43;
	v18 =	vadd.s32 v18, v12  }
0x355: {  	v33 =	vsel vm9, $0x1, v11;
	v23 =	vsel vm10, $0x1, v11;
	v35 =	vsel vm11, $0x1, v11  }
0x356: {  	v36 =	vsel vm12, $0x1, v11;
	v37 =	vsel vm13, $0x1, v11;
	v39 =	vsel vm15, $0x1, v11  }
0x357: {  	v45 =	vsel vm8, $0x1, v11;
	vm9 =	vle.s32 v15, v43;
	vm10 =	vle.s32 v14, v43  }
0x358: {  	vm11 =	vle.s32 v13, v43;
	vm12 =	vle.s32 v16, v47;
	vm13 =	vle.s32 v15, v47  }
0x359: {  	vm15 =	vle.s32 v13, v47;
	vm8 =	vle.s32 v16, v56;
	v61 =	vadd.s32 v19, v18  }
0x35a: {  	v19 =	vadd.s32 v63, v12;
	v38 =	vadd.s32 v36, v12;
	v46 =	vsel vm9, $0x1, v11  }
0x35b: {  	v26 =	vsel vm10, $0x1, v11;
	v48 =	vsel vm11, $0x1, v11;
	v49 =	vsel vm12, $0x1, v11  }
0x35c: {  	v50 =	vsel vm13, $0x1, v11;
	v52 =	vsel vm15, $0x1, v11;
	v58 =	vsel vm8, $0x1, v11  }
0x35d: {  	vm9 =	vle.s32 v15, v56;
	vm10 =	vle.s32 v14, v56;
	vm11 =	vle.s32 v13, v56  }
0x35e: {  	v17 =	vadd.s32 v20, v61;
	v18 =	vadd.s32 v24, v19;
	v19 =	vadd.s32 v27, v12  }
0x35f: {  	v20 =	vadd.s32 v32, v12;
	v24 =	vsel vm14, $0x1, v11;
	v21 =	vadd.s32 v37, v38  }
0x360: {  	s28 =	sor.u32 $0xC0, s24;
	vm14 =	vle.s32 v14, v47;
	v51 =	vadd.s32 v49, v12;
	v59 =	vsel vm9, $0x1, v11  }
0x361: {  	v61 =	vsel vm11, $0x1, v11;
	v37 =	vor.u32 s28, v0;
	v17 =	vadd.s32 v62, v17  }
0x362: {  	s31 =	sor.u32 $0x50, s24;
	v18 =	vadd.s32 v25, v18;
	v19 =	vadd.s32 v28, v19;
	v20 =	vadd.s32 v33, v20  }
0x363: {  	s29 =	sor.u32 $0x80, s24;
	v25 =	vor.u32 s31, v0;
	v21 =	vadd.s32 v24, v21;
	v27 =	vsel vm14, $0x1, v11  }
0x364: {  	v28 =	vor.u32 s29, v0;
	v24 =	vadd.s32 v50, v51;
	vm8 =	vle.s32 v16, v37  }
0x365: {  	vm9 =	vle.s32 v15, v37;
	vm11 =	vle.s32 v13, v37;
	v18 =	vadd.s32 v22, v18  }
0x366: {  	v19 =	vadd.s32 v29, v19;
	v20 =	vadd.s32 v23, v20;
	vm4 =	vle.s32 v16, v25  }
0x367: {  	vm5 =	vle.s32 v15, v25;
	v21 =	vadd.s32 v39, v21;
	vm6 =	vle.s32 v14, v25  }
0x368: {  	s31 =	sor.u32 $0xA0, s24;
	vm7 =	vle.s32 v13, v25;
	v23 =	vadd.s32 v45, v12;
	v24 =	vadd.s32 v27, v24  }
0x369: {  	s28 =	sor.u32 $0x110, s24;
	v29 =	vsel vm10, $0x1, v11;
	v60 =	vor.u32 s31, v0;
	v39 =	vsel vm8, $0x1, v11  }
0x36a: {  	vm10 =	vle.s32 v14, v37;
	v37 =	vor.u32 s28, v0;
	v19 =	vadd.s32 v31, v19  }
0x36b: {  	v20 =	vadd.s32 v35, v20;
	v40 =	vsel vm4, $0x1, v11;
	v41 =	vsel vm5, $0x1, v11  }
0x36c: {  	v42 =	vsel vm6, $0x1, v11;
	v44 =	vsel vm7, $0x1, v11;
	v23 =	vadd.s32 v46, v23  }
0x36d: {  	vm4 =	vle.s32 v16, v28;
	vm5 =	vle.s32 v15, v28;
	v24 =	vadd.s32 v52, v24  }
0x36e: {  	vm6 =	vle.s32 v14, v28;
	vm7 =	vle.s32 v13, v28;
	vm12 =	vle.s32 v16, v60  }
0x36f: {  	s26 =	sor.u32 $0xB0, s24;
	s31 =	sor.u32 $0xF0, s24;
	vm13 =	vle.s32 v15, v60;
	vm14 =	vle.s32 v14, v60;
	vm15 =	vle.s32 v13, v60  }
0x370: {  	v31 =	vor.u32 s26, v0;
	v50 =	vor.u32 s31, v0;
	v22 =	vadd.s32 v40, v12  }
0x371: {  	v23 =	vadd.s32 v26, v23;
	v53 =	vsel vm4, $0x1, v11;
	v54 =	vsel vm5, $0x1, v11  }
0x372: {  	v55 =	vsel vm6, $0x1, v11;
	v57 =	vsel vm7, $0x1, v11;
	v26 =	vadd.s32 v58, v12  }
0x373: {  	v62 =	vsel vm12, $0x1, v11;
	v63 =	vsel vm13, $0x1, v11;
	v30 =	vsel vm14, $0x1, v11  }
0x374: {  	v33 =	vsel vm15, $0x1, v11;
	vm4 =	vle.s32 v16, v31;
	vm5 =	vle.s32 v15, v31  }
0x375: {  	vm6 =	vle.s32 v14, v31;
	vm7 =	vle.s32 v13, v31;
	v40 =	vsel vm9, $0x1, v11  }
0x376: {  	vm8 =	vle.s32 v16, v50;
	vm9 =	vle.s32 v15, v50;
	v22 =	vadd.s32 v41, v22  }
0x377: {  	v23 =	vadd.s32 v48, v23;
	v25 =	vadd.s32 v53, v12;
	v26 =	vadd.s32 v59, v26  }
0x378: {  	s29 =	sor.u32 $0xD0, s24;
	v32 =	vadd.s32 v62, v12;
	v34 =	vsel vm4, $0x1, v11;
	v35 =	vsel vm5, $0x1, v11  }
0x379: {  	v36 =	vsel vm6, $0x1, v11;
	v38 =	vsel vm7, $0x1, v11;
	v41 =	vor.u32 s29, v0  }
0x37a: {  	v52 =	vsel vm8, $0x1, v11;
	v53 =	vsel vm9, $0x1, v11;
	v22 =	vadd.s32 v42, v22  }
0x37b: {  	v25 =	vadd.s32 v54, v25;
	v26 =	vadd.s32 v29, v26;
	v27 =	vadd.s32 v63, v32  }
0x37c: {  	v28 =	vadd.s32 v34, v12;
	v29 =	vadd.s32 v39, v12;
	v32 =	vsel vm10, $0x1, v11  }
0x37d: {  	s30 =	sor.u32 $0xE0, s24;
	v42 =	vsel vm11, $0x1, v11;
	vm12 =	vle.s32 v16, v41;
	vm13 =	vle.s32 v15, v41  }
0x37e: {  	s26 =	sor.u32 $0x100, s24;
	vm14 =	vle.s32 v14, v41;
	vm15 =	vle.s32 v13, v41;
	v34 =	vor.u32 s30, v0  }
0x37f: {  	s29 =	sor.u32 $0x120, s24;
	vm10 =	vle.s32 v14, v50;
	vm11 =	vle.s32 v13, v50;
	v54 =	vor.u32 s26, v0  }
0x380: {  	v63 =	vor.u32 s29, v0;
	v22 =	vadd.s32 v44, v22;
	v25 =	vadd.s32 v55, v25  }
0x381: {  	v26 =	vadd.s32 v61, v26;
	v27 =	vadd.s32 v30, v27;
	v28 =	vadd.s32 v35, v28  }
0x382: {  	v29 =	vadd.s32 v40, v29;
	v43 =	vsel vm12, $0x1, v11;
	v44 =	vsel vm13, $0x1, v11  }
0x383: {  	v46 =	vsel vm15, $0x1, v11;
	vm4 =	vle.s32 v16, v34;
	vm5 =	vle.s32 v15, v34  }
0x384: {  	vm6 =	vle.s32 v14, v34;
	vm7 =	vle.s32 v13, v34;
	v35 =	vsel vm10, $0x1, v11  }
0x385: {  	v55 =	vsel vm11, $0x1, v11;
	vm12 =	vle.s32 v16, v54;
	vm13 =	vle.s32 v15, v54  }
0x386: {  	vm15 =	vle.s32 v13, v54;
	vm8 =	vle.s32 v16, v63;
	vm9 =	vle.s32 v15, v63  }
0x387: {  	vm10 =	vle.s32 v14, v63;
	vm11 =	vle.s32 v13, v63;
	v25 =	vadd.s32 v57, v25  }
0x388: {  	v27 =	vadd.s32 v33, v27;
	v28 =	vadd.s32 v36, v28;
	v29 =	vadd.s32 v32, v29  }
0x389: {  	v33 =	vsel vm14, $0x1, v11;
	v45 =	vadd.s32 v43, v12;
	v47 =	vsel vm4, $0x1, v11  }
0x38a: {  	v48 =	vsel vm5, $0x1, v11;
	v49 =	vsel vm6, $0x1, v11;
	v51 =	vsel vm7, $0x1, v11  }
0x38b: {  	v32 =	vadd.s32 v52, v12;
	v56 =	vsel vm12, $0x1, v11;
	v57 =	vsel vm13, $0x1, v11  }
0x38c: {  	vm14 =	vle.s32 v14, v54;
	v59 =	vsel vm15, $0x1, v11;
	vm4 =	vle.s32 v16, v37  }
0x38d: {  	vm5 =	vle.s32 v15, v37;
	vm6 =	vle.s32 v14, v37;
	vm7 =	vle.s32 v13, v37  }
0x38e: {  	v40 =	vsel vm8, $0x1, v11;
	v41 =	vsel vm9, $0x1, v11;
	v43 =	vsel vm11, $0x1, v11  }
0x38f: {  	v28 =	vadd.s32 v38, v28;
	v29 =	vadd.s32 v42, v29;
	v30 =	vadd.s32 v44, v45  }
0x390: {  	v31 =	vadd.s32 v47, v12;
	v32 =	vadd.s32 v53, v32;
	v36 =	vsel vm14, $0x1, v11  }
0x391: {  	v58 =	vadd.s32 v56, v12;
	v60 =	vsel vm4, $0x1, v11;
	v61 =	vsel vm5, $0x1, v11  }
0x392: {  	s30 =	sor.u32 $0x130, s24;
	v62 =	vsel vm6, $0x1, v11;
	v39 =	vsel vm7, $0x1, v11;
	v38 =	vsel vm10, $0x1, v11  }
0x393: {  	v42 =	vor.u32 s30, v0;
	v30 =	vadd.s32 v33, v30;
	v31 =	vadd.s32 v48, v31  }
0x394: {  	v32 =	vadd.s32 v35, v32;
	v33 =	vadd.s32 v57, v58;
	v34 =	vadd.s32 v60, v12  }
0x395: {  	s31 =	sor.u32 $0x140, s24;
	v35 =	vadd.s32 v40, v12;
	vm12 =	vle.s32 v16, v42;
	vm13 =	vle.s32 v15, v42  }
0x396: {  	s30 =	sor.u32 $0x180, s24;
	vm14 =	vle.s32 v14, v42;
	vm15 =	vle.s32 v13, v42;
	v40 =	vor.u32 s31, v0  }
0x397: {  	v63 =	vor.u32 s30, v0;
	v30 =	vadd.s32 v46, v30;
	v31 =	vadd.s32 v49, v31  }
0x398: {  	v32 =	vadd.s32 v55, v32;
	v33 =	vadd.s32 v36, v33;
	v34 =	vadd.s32 v61, v34  }
0x399: {  	v35 =	vadd.s32 v41, v35;
	v44 =	vsel vm12, $0x1, v11;
	v45 =	vsel vm13, $0x1, v11  }
0x39a: {  	s28 =	sor.u32 $0x160, s24;
	v47 =	vsel vm15, $0x1, v11;
	vm4 =	vle.s32 v16, v40;
	vm5 =	vle.s32 v15, v40  }
0x39b: {  	vm6 =	vle.s32 v14, v40;
	vm7 =	vle.s32 v13, v40;
	v55 =	vor.u32 s28, v0  }
0x39c: {  	v31 =	vadd.s32 v51, v31;
	v33 =	vadd.s32 v59, v33;
	v34 =	vadd.s32 v62, v34  }
0x39d: {  	s26 =	sor.u32 $0x150, s24;
	v35 =	vadd.s32 v38, v35;
	v46 =	vadd.s32 v44, v12;
	v48 =	vsel vm4, $0x1, v11  }
0x39e: {  	v49 =	vsel vm5, $0x1, v11;
	v50 =	vsel vm6, $0x1, v11;
	v51 =	vor.u32 s26, v0  }
0x39f: {  	s29 =	sor.u32 $0x170, s24;
	s28 =	sor.u32 $0x1B0, s24;
	v52 =	vsel vm7, $0x1, v11;
	vm12 =	vle.s32 v16, v55;
	vm13 =	vle.s32 v15, v55  }
0x3a0: {  	[tilespmem:s23+$0x10D0] =	vst v24;
	vm15 =	vle.s32 v13, v55;
	v59 =	vor.u32 s29, v0;
	v24 =	vor.u32 s28, v0  }
0x3a1: {  	v34 =	vadd.s32 v39, v34;
	v35 =	vadd.s32 v43, v35;
	v39 =	vsel vm14, $0x1, v11  }
0x3a2: {  	v36 =	vadd.s32 v45, v46;
	v37 =	vadd.s32 v48, v12;
	vm8 =	vle.s32 v16, v51  }
0x3a3: {  	vm9 =	vle.s32 v15, v51;
	vm10 =	vle.s32 v14, v51;
	vm11 =	vle.s32 v13, v51  }
0x3a4: {  	v57 =	vsel vm12, $0x1, v11;
	v58 =	vsel vm13, $0x1, v11;
	vm14 =	vle.s32 v14, v55  }
0x3a5: {  	s31 =	sor.u32 $0x190, s24;
	v43 =	vsel vm15, $0x1, v11;
	vm4 =	vle.s32 v16, v59;
	vm5 =	vle.s32 v15, v59  }
0x3a6: {  	s30 =	sor.u32 $0x1D0, s24;
	vm6 =	vle.s32 v14, v59;
	vm7 =	vle.s32 v13, v59;
	v51 =	vor.u32 s31, v0  }
0x3a7: {  	v46 =	vor.u32 s30, v0;
	v36 =	vadd.s32 v39, v36;
	v37 =	vadd.s32 v49, v37  }
0x3a8: {  	v53 =	vsel vm8, $0x1, v11;
	v54 =	vsel vm9, $0x1, v11;
	v41 =	vsel vm10, $0x1, v11  }
0x3a9: {  	v56 =	vsel vm11, $0x1, v11;
	v42 =	vsel vm14, $0x1, v11;
	v60 =	vsel vm4, $0x1, v11  }
0x3aa: {  	v61 =	vsel vm5, $0x1, v11;
	v62 =	vsel vm6, $0x1, v11;
	v48 =	vsel vm7, $0x1, v11  }
0x3ab: {  	vm8 =	vle.s32 v16, v63;
	vm9 =	vle.s32 v15, v63;
	vm10 =	vle.s32 v14, v63  }
0x3ac: {  	s29 =	sor.u32 $0x1C0, s24;
	vm11 =	vle.s32 v13, v63;
	vm12 =	vle.s32 v16, v51;
	vm13 =	vle.s32 v15, v51  }
0x3ad: {  	s31 =	sor.u32 $0x1E0, s24;
	vm14 =	vle.s32 v14, v51;
	vm15 =	vle.s32 v13, v51;
	v39 =	vor.u32 s29, v0  }
0x3ae: {  	v51 =	vor.u32 s31, v0;
	v36 =	vadd.s32 v47, v36;
	v37 =	vadd.s32 v50, v37  }
0x3af: {  	v38 =	vadd.s32 v53, v12;
	v49 =	vsel vm8, $0x1, v11;
	v50 =	vsel vm9, $0x1, v11  }
0x3b0: {  	v44 =	vsel vm10, $0x1, v11;
	v55 =	vsel vm13, $0x1, v11;
	v59 =	vsel vm15, $0x1, v11  }
0x3b1: {  	vm8 =	vle.s32 v16, v24;
	vm9 =	vle.s32 v15, v24;
	vm10 =	vle.s32 v14, v24  }
0x3b2: {  	[tilespmem:s23+$0x10F0] =	vst v26;
	vm13 =	vle.s32 v15, v39;
	vm15 =	vle.s32 v13, v39;
	v37 =	vadd.s32 v52, v37  }
0x3b3: {  	[tilespmem:s23+$0x1100] =	vst v27;
	v38 =	vadd.s32 v54, v38;
	v52 =	vsel vm11, $0x1, v11;
	v54 =	vsel vm12, $0x1, v11  }
0x3b4: {  	[tilespmem:s23+$0x1110] =	vst v28;
	v26 =	vsel vm8, $0x1, v11;
	v27 =	vsel vm9, $0x1, v11;
	v28 =	vsel vm10, $0x1, v11  }
0x3b5: {  	vm11 =	vle.s32 v13, v24;
	vm12 =	vle.s32 v16, v39;
	v47 =	vsel vm15, $0x1, v11  }
0x3b6: {  	s26 =	sor.u32 $0x1A0, s24;
	vm8 =	vle.s32 v16, v51;
	vm9 =	vle.s32 v15, v51;
	vm10 =	vle.s32 v14, v51  }
0x3b7: {  	[tilespmem:s23+$0x1060] =	vst v17;
	v38 =	vadd.s32 v41, v38;
	v41 =	vadd.s32 v57, v12;
	v57 =	vor.u32 s26, v0  }
0x3b8: {  	[tilespmem:s23+$0x1090] =	vst v20;
	v20 =	vadd.s32 v26, v12;
	v38 =	vadd.s32 v56, v38;
	v40 =	vadd.s32 v58, v41  }
0x3b9: {  	[tilespmem:s23+$0x1070] =	vst v18;
	v41 =	vadd.s32 v60, v12;
	v56 =	vsel vm14, $0x1, v11;
	v58 =	vadd.s32 v54, v12  }
0x3ba: {  	[tilespmem:s23+$0x10A0] =	vst v21;
	vm4 =	vle.s32 v16, v57;
	vm5 =	vle.s32 v15, v57;
	vm6 =	vle.s32 v14, v57  }
0x3bb: {  	[tilespmem:s23+$0x1080] =	vst v19;
	vm7 =	vle.s32 v13, v57;
	v20 =	vadd.s32 v27, v20;
	vm14 =	vle.s32 v14, v39  }
0x3bc: {  	[tilespmem:s23+$0x10C0] =	vst v23;
	v54 =	vsel vm9, $0x1, v11;
	v40 =	vadd.s32 v42, v40;
	v41 =	vadd.s32 v61, v41  }
0x3bd: {  	[tilespmem:s23+$0x10B0] =	vst v22;
	v42 =	vadd.s32 v49, v12;
	v18 =	vadd.s32 v55, v58;
	v60 =	vsel vm4, $0x1, v11  }
0x3be: {  	[tilespmem:s23+$0x10E0] =	vst v25;
	v63 =	vsel vm6, $0x1, v11;
	v25 =	vsel vm7, $0x1, v11;
	v20 =	vadd.s32 v28, v20  }
0x3bf: {  	[tilespmem:s23+$0x1120] =	vst v29;
	v45 =	vsel vm14, $0x1, v11;
	vm4 =	vle.s32 v16, v46;
	vm6 =	vle.s32 v14, v46  }
0x3c0: {  	[tilespmem:s23+$0x1130] =	vst v30;
	vm7 =	vle.s32 v13, v46;
	v55 =	vsel vm10, $0x1, v11;
	v40 =	vadd.s32 v43, v40  }
0x3c1: {  	[tilespmem:s23+$0x1150] =	vst v32;
	v41 =	vadd.s32 v62, v41;
	v42 =	vadd.s32 v50, v42;
	v18 =	vadd.s32 v56, v18  }
0x3c2: {  	[tilespmem:s23+$0x1140] =	vst v31;
	s24 =	sor.u32 $0x1F0, s24;
	v61 =	vadd.s32 v60, v12;
	v62 =	vsel vm5, $0x1, v11;
	v43 =	vsel vm12, $0x1, v11  }
0x3c3: {  	[tilespmem:s23+$0x1160] =	vst v33;
	vm5 =	vle.s32 v15, v46;
	v50 =	vsel vm6, $0x1, v11;
	v56 =	vor.u32 s24, v0  }
0x3c4: {  	[tilespmem:s23+$0x1170] =	vst v34;
	v41 =	vadd.s32 v48, v41;
	v53 =	vadd.s32 v44, v42;
	v18 =	vadd.s32 v59, v18  }
0x3c5: {  	[tilespmem:s23+$0x1180] =	vst v35;
	v19 =	vadd.s32 v62, v61;
	v42 =	vsel vm11, $0x1, v11;
	v44 =	vsel vm13, $0x1, v11  }
0x3c6: {  	[tilespmem:s23+$0x1190] =	vst v36;
	v23 =	vadd.s32 v43, v12;
	v48 =	vsel vm4, $0x1, v11;
	v49 =	vsel vm5, $0x1, v11  }
0x3c7: {  	[tilespmem:s23+$0x11A0] =	vst v37;
	vm11 =	vle.s32 v13, v51;
	vm12 =	vle.s32 v16, v56;
	vm13 =	vle.s32 v15, v56  }
0x3c8: {  	[tilespmem:s23+$0x11B0] =	vst v38;
	vm14 =	vle.s32 v14, v56;
	vm15 =	vle.s32 v13, v56;
	v17 =	vadd.s32 v52, v53  }
0x3c9: {  	[tilespmem:s23+$0x11C0] =	vst v40;
	v19 =	vadd.s32 v63, v19;
	v20 =	vadd.s32 v42, v20;
	v22 =	vadd.s32 v44, v23  }
0x3ca: {  	v23 =	vadd.s32 v48, v12;
	v52 =	vsel vm7, $0x1, v11;
	v53 =	vsel vm8, $0x1, v11;
	[tilespmem:s23+$0x11D0] =	vst v41  }
0x3cb: {  	[tilespmem:s23+$0x11F0] =	vst v18;
	v58 =	vsel vm11, $0x1, v11;
	v60 =	vsel vm12, $0x1, v11;
	v15 =	vsel vm13, $0x1, v11  }
0x3cc: {  	v14 =	vsel vm14, $0x1, v11;
	v19 =	vadd.s32 v25, v19;
	v22 =	vadd.s32 v45, v22;
	[tilespmem:s23+$0x11E0] =	vst v17  }
0x3cd: {  	v23 =	vadd.s32 v49, v23;
	v24 =	vadd.s32 v53, v12;
	[tilespmem:s23+$0x1210] =	vst v20;
	v61 =	vadd.s32 v60, v12  }
0x3ce: {  	v22 =	vadd.s32 v47, v22;
	v23 =	vadd.s32 v50, v23;
	v57 =	vadd.s32 v54, v24;
	[tilespmem:s23+$0x1200] =	vst v19  }
0x3cf: {  	v12 =	vadd.s32 v15, v61;
	v23 =	vadd.s32 v52, v23;
	v59 =	vadd.s32 v55, v57;
	[tilespmem:s23+$0x1220] =	vst v22  }
0x3d0: {  	v63 =	vsel vm15, $0x1, v11;
	v12 =	vadd.s32 v14, v12;
	[tilespmem:s23+$0x1230] =	vst v23;
	v62 =	vadd.s32 v58, v59  }
0x3d1: {  	v12 =	vadd.s32 v63, v12;
	[tilespmem:s23+$0x1240] =	vst v62  }
0x3d2: {  	[tilespmem:s23+$0x1250] =	vst v12  }
.LBB2_18:
0x3d3: {  	s20 =	sadd.s32 $0x1, s20  }
0x3d4: {  	p0 =	sne.s32 s20, $0x30  }
.Ltmp13:
0x3d5: {  	_ = 	snop;
	(pc) =	sbr.rel @!p0 .LBB2_19-.Ltmp13, $2  }
0x3d6: {  	_ =	sdelay $0x2  }
0x3d7: {  	s22 =	sadd.s32 $0x200, s22;
	s21 =	sadd.s32 $0x200, s21  }
.LBB2_14:
0x3d8: {  	v13 =	vld [tilespmem:s20+$0x1010];
	_ =	sdelay $0x4  }
0x3d9: {  	(v2sf) =	vpush v13, $0x0  }
0x3da: {  	(v2sf) =	vpush v13, $0x1;
	_ =	sdelay $0xd  }
0x3db: {  	s23 =	spop (v2sf)  }
0x3dc: {  	s24 =	spop (v2sf)  }
0x3dd: {  	s24 =	ssub.s32 s24, s23  }
0x3de: {  	p0 =	sgt.s32 s24, $0x4  }
.Ltmp14:
0x3df: {  	_ = 	snop;
	(pc) =	sbr.rel @!p0 .LBB2_15-.Ltmp14, $2  }
0x3e0: {  	_ =	sdelay $0x2  }
0x3e1: {  	v12 =	vbroadcast v13, $0x0  }
0x3e2: {  	v13 =	vbroadcast v13, $0x1;
	_ =	sdelay $0x1  }
0x3e3: {  	v14 =	vadd.s32 v13, v12  }
0x3e4: {  	v14 =	vshra.s32 v14, $0x1;
	_ =	sdelay $0x3  }
0x3e5: {  	s23 =	simm.s32 $0x0;
	v16 =	vmov s21;
	s24 =	smov.u32 s22;
	v15 =	vadd.s32 $0x1, v14  }
.LBB2_17:
0x3e6: {  	v17 =	vld.idx.msk [tilespmem:v14+s2+$0x0], $0xffff;
	_ =	sdelay $0x3  }
0x3e7: {  	v18 =	vor.u32 s24, v0  }
0x3e8: {  	vm0 =	vgt.s32 v17, v18  }
0x3e9: {  	v17 =	vsel vm0, v12, v15;
	v19 =	vsel vm0, v14, v13  }
0x3ea: {  	v20 =	vadd.s32 v19, v17  }
0x3eb: {  	v20 =	vshra.s32 v20, $0x1;
	_ =	sdelay $0x4  }
0x3ec: {  	v21 =	vld.idx.msk [tilespmem:v20+s2+$0x0], $0xffff;
	_ =	sdelay $0x4  }
0x3ed: {  	v42 =	vadd.s32 $0x1, v20;
	vm4 =	vgt.s32 v21, v18  }
0x3ee: {  	v17 =	vsel vm4, v17, v42;
	v19 =	vsel vm4, v20, v19  }
0x3ef: {  	v20 =	vadd.s32 v19, v17  }
0x3f0: {  	v20 =	vshra.s32 v20, $0x1;
	_ =	sdelay $0x4  }
0x3f1: {  	v43 =	vld.idx.msk [tilespmem:v20+s2+$0x0], $0xffff;
	_ =	sdelay $0x4  }
0x3f2: {  	v44 =	vadd.s32 $0x1, v20;
	vm5 =	vgt.s32 v43, v18  }
0x3f3: {  	v17 =	vsel vm5, v17, v44;
	v19 =	vsel vm5, v20, v19  }
0x3f4: {  	v20 =	vadd.s32 v19, v17  }
0x3f5: {  	v20 =	vshra.s32 v20, $0x1;
	_ =	sdelay $0x4  }
0x3f6: {  	v45 =	vld.idx.msk [tilespmem:v20+s2+$0x0], $0xffff;
	_ =	sdelay $0x4  }
0x3f7: {  	v46 =	vadd.s32 $0x1, v20;
	vm6 =	vgt.s32 v45, v18  }
0x3f8: {  	v17 =	vsel vm6, v17, v46;
	v19 =	vsel vm6, v20, v19  }
0x3f9: {  	v20 =	vadd.s32 v19, v17  }
0x3fa: {  	v20 =	vshra.s32 v20, $0x1;
	_ =	sdelay $0x4  }
0x3fb: {  	v47 =	vld.idx.msk [tilespmem:v20+s2+$0x0], $0xffff;
	_ =	sdelay $0x4  }
0x3fc: {  	v48 =	vadd.s32 $0x1, v20;
	vm7 =	vgt.s32 v47, v18  }
0x3fd: {  	v17 =	vsel vm7, v17, v48;
	v19 =	vsel vm7, v20, v19  }
0x3fe: {  	v20 =	vadd.s32 v19, v17  }
0x3ff: {  	v20 =	vshra.s32 v20, $0x1;
	_ =	sdelay $0x4  }
0x400: {  	v49 =	vld.idx.msk [tilespmem:v20+s2+$0x0], $0xffff;
	_ =	sdelay $0x4  }
0x401: {  	v50 =	vadd.s32 $0x1, v20;
	vm8 =	vgt.s32 v49, v18  }
0x402: {  	v17 =	vsel vm8, v17, v50;
	v19 =	vsel vm8, v20, v19  }
0x403: {  	v20 =	vadd.s32 v19, v17  }
0x404: {  	v20 =	vshra.s32 v20, $0x1;
	_ =	sdelay $0x4  }
0x405: {  	v51 =	vld.idx.msk [tilespmem:v20+s2+$0x0], $0xffff;
	_ =	sdelay $0x4  }
0x406: {  	v52 =	vadd.s32 $0x1, v20;
	vm9 =	vgt.s32 v51, v18  }
0x407: {  	v17 =	vsel vm9, v17, v52;
	v19 =	vsel vm9, v20, v19  }
0x408: {  	v20 =	vadd.s32 v19, v17  }
0x409: {  	v20 =	vshra.s32 v20, $0x1;
	_ =	sdelay $0x4  }
0x40a: {  	v53 =	vld.idx.msk [tilespmem:v20+s2+$0x0], $0xffff;
	_ =	sdelay $0x4  }
0x40b: {  	v54 =	vadd.s32 $0x1, v20;
	vm10 =	vgt.s32 v53, v18  }
0x40c: {  	v17 =	vsel vm10, v17, v54;
	v19 =	vsel vm10, v20, v19  }
0x40d: {  	v20 =	vadd.s32 v19, v17  }
0x40e: {  	v20 =	vshra.s32 v20, $0x1;
	_ =	sdelay $0x4  }
0x40f: {  	v55 =	vld.idx.msk [tilespmem:v20+s2+$0x0], $0xffff;
	_ =	sdelay $0x4  }
0x410: {  	v56 =	vadd.s32 $0x1, v20;
	vm11 =	vgt.s32 v55, v18  }
0x411: {  	v17 =	vsel vm11, v17, v56;
	v19 =	vsel vm11, v20, v19  }
0x412: {  	v20 =	vadd.s32 v19, v17  }
0x413: {  	v20 =	vshra.s32 v20, $0x1;
	_ =	sdelay $0x4  }
0x414: {  	v57 =	vld.idx.msk [tilespmem:v20+s2+$0x0], $0xffff;
	_ =	sdelay $0x4  }
0x415: {  	v58 =	vadd.s32 $0x1, v20;
	vm12 =	vgt.s32 v57, v18  }
0x416: {  	v17 =	vsel vm12, v17, v58;
	v19 =	vsel vm12, v20, v19  }
0x417: {  	v20 =	vadd.s32 v19, v17  }
0x418: {  	v20 =	vshra.s32 v20, $0x1;
	_ =	sdelay $0x4  }
0x419: {  	v59 =	vld.idx.msk [tilespmem:v20+s2+$0x0], $0xffff;
	_ =	sdelay $0x4  }
0x41a: {  	v60 =	vadd.s32 $0x1, v20;
	vm13 =	vgt.s32 v59, v18  }
0x41b: {  	v17 =	vsel vm13, v17, v60;
	v19 =	vsel vm13, v20, v19  }
0x41c: {  	v20 =	vadd.s32 v19, v17  }
0x41d: {  	v20 =	vshra.s32 v20, $0x1;
	_ =	sdelay $0x4  }
0x41e: {  	v61 =	vld.idx.msk [tilespmem:v20+s2+$0x0], $0xffff;
	_ =	sdelay $0x4  }
0x41f: {  	v62 =	vadd.s32 $0x1, v20;
	vm14 =	vgt.s32 v61, v18  }
0x420: {  	v17 =	vsel vm14, v17, v62;
	v19 =	vsel vm14, v20, v19  }
0x421: {  	v19 =	vadd.s32 v19, v17  }
0x422: {  	v19 =	vshra.s32 v19, $0x1;
	_ =	sdelay $0x4  }
0x423: {  	v63 =	vld.idx.msk [tilespmem:v19+s2+$0x0], $0xffff;
	_ =	sdelay $0x1  }
0x424: {  	p0 =	sne.s32 s23, $0x7C0  }
.Ltmp15:
0x425: {  	_ = 	snop;
	(pc) =	sbr.rel @p0 .LBB2_17-.Ltmp15, $4  }
0x426: {  	_ = 	snop  }
0x427: {  	vm15 =	vgt.s32 v63, v18;
	v18 =	vadd.s32 $0x1, v19  }
0x428: {  	s25 =	sshra.s32 s23, $0x2;
	v17 =	vsel vm15, v17, v18  }
0x429: {  	s24 =	sadd.s32 $0x10, s24;
	s23 =	sadd.s32 $0x40, s23;
	[tilespmem:v16+s25+$0x0 ss:$0x1] =	vst.idx.msk $0xffff, v17  }
.Ltmp16:
0x42a: {  	_ = 	snop;
	(pc) =	sbr.rel .LBB2_18-.Ltmp16, $1  }
0x42b: {  	_ =	sdelay $0x3  }
.LBB2_19:
.Ltmp17:
0x42c: {  	(pc) =	sbr.rel .LBB2_20-.Ltmp17, $3  }
0x42d: {  	_ =	sdelay $0x1  }
0x42e: {  	[hbm4b:s7+s2] =	stream.linear.scatter [tilespmem:s16], [sflag:$0x1], $0x2000, $0x38;
	[tilespmem:$0x9060] =	vst v63  }
0x42f: {  	s20 =	simm.s32 $0x30;
	s21 =	simm.s32 $0x7060;
	s22 =	smov.u32 s12  }
.LBB2_21:
0x430: {  	v13 =	vld [tilespmem:s23+$0x0];
	s23 =	sshll.u32 s20, $0x9  }
0x431: {  	s24 =	sor.u32 s3, s23  }
0x432: {  	s25 =	sor.u32 $0x10, s24  }
0x433: {  	v17 =	vor.u32 s24, v0;
	s28 =	sor.u32 $0x20, s24;
	s29 =	sor.u32 $0x30, s24;
	s30 =	sor.u32 $0x40, s24;
	v21 =	vor.u32 s25, v0  }
0x434: {  	s26 =	sor.u32 $0x60, s24;
	v26 =	vor.u32 s28, v0;
	v30 =	vor.u32 s29, v0;
	v34 =	vor.u32 s30, v0  }
0x435: {  	v43 =	vor.u32 s26, v0;
	s28 =	sor.u32 $0x70, s24;
	v16 =	vbroadcast v13, $0x0;
	v15 =	vbroadcast v13, $0x1  }
0x436: {  	s30 =	sor.u32 $0x90, s24;
	v47 =	vor.u32 s28, v0;
	v14 =	vbroadcast v13, $0x2;
	v13 =	vbroadcast v13, $0x3  }
0x437: {  	v56 =	vor.u32 s30, v0;
	vm0 =	vle.s32 v16, v17;
	vm9 =	vle.s32 v15, v17  }
0x438: {  	vm10 =	vle.s32 v14, v17;
	vm11 =	vle.s32 v13, v17;
	vm12 =	vle.s32 v16, v21  }
0x439: {  	vm13 =	vle.s32 v15, v21;
	vm14 =	vle.s32 v14, v21;
	vm15 =	vle.s32 v13, v21  }
0x43a: {  	vm4 =	vle.s32 v16, v26;
	vm5 =	vle.s32 v15, v26;
	vm6 =	vle.s32 v14, v26  }
0x43b: {  	vm7 =	vle.s32 v13, v26;
	vm8 =	vle.s32 v16, v30;
	v18 =	vsel vm0, $0x1, v11  }
0x43c: {  	v19 =	vsel vm9, $0x1, v11;
	v20 =	vsel vm10, $0x1, v11;
	v62 =	vsel vm11, $0x1, v11  }
0x43d: {  	v63 =	vsel vm12, $0x1, v11;
	v24 =	vsel vm13, $0x1, v11;
	v25 =	vsel vm14, $0x1, v11  }
0x43e: {  	v22 =	vsel vm15, $0x1, v11;
	v27 =	vsel vm4, $0x1, v11;
	v28 =	vsel vm5, $0x1, v11  }
0x43f: {  	v29 =	vsel vm6, $0x1, v11;
	v31 =	vsel vm7, $0x1, v11;
	v32 =	vsel vm8, $0x1, v11  }
0x440: {  	vm9 =	vle.s32 v15, v30;
	vm10 =	vle.s32 v14, v30;
	vm11 =	vle.s32 v13, v30  }
0x441: {  	vm12 =	vle.s32 v16, v34;
	vm13 =	vle.s32 v15, v34;
	vm14 =	vle.s32 v14, v34  }
0x442: {  	vm15 =	vle.s32 v13, v34;
	vm8 =	vle.s32 v16, v43;
	v18 =	vadd.s32 v18, v12  }
0x443: {  	v33 =	vsel vm9, $0x1, v11;
	v23 =	vsel vm10, $0x1, v11;
	v35 =	vsel vm11, $0x1, v11  }
0x444: {  	v36 =	vsel vm12, $0x1, v11;
	v37 =	vsel vm13, $0x1, v11;
	v39 =	vsel vm15, $0x1, v11  }
0x445: {  	v45 =	vsel vm8, $0x1, v11;
	vm9 =	vle.s32 v15, v43;
	vm10 =	vle.s32 v14, v43  }
0x446: {  	vm11 =	vle.s32 v13, v43;
	vm12 =	vle.s32 v16, v47;
	vm13 =	vle.s32 v15, v47  }
0x447: {  	vm15 =	vle.s32 v13, v47;
	vm8 =	vle.s32 v16, v56;
	v61 =	vadd.s32 v19, v18  }
0x448: {  	v19 =	vadd.s32 v63, v12;
	v38 =	vadd.s32 v36, v12;
	v46 =	vsel vm9, $0x1, v11  }
0x449: {  	v26 =	vsel vm10, $0x1, v11;
	v48 =	vsel vm11, $0x1, v11;
	v49 =	vsel vm12, $0x1, v11  }
0x44a: {  	v50 =	vsel vm13, $0x1, v11;
	v52 =	vsel vm15, $0x1, v11;
	v58 =	vsel vm8, $0x1, v11  }
0x44b: {  	vm9 =	vle.s32 v15, v56;
	vm10 =	vle.s32 v14, v56;
	vm11 =	vle.s32 v13, v56  }
0x44c: {  	v17 =	vadd.s32 v20, v61;
	v18 =	vadd.s32 v24, v19;
	v19 =	vadd.s32 v27, v12  }
0x44d: {  	v20 =	vadd.s32 v32, v12;
	v24 =	vsel vm14, $0x1, v11;
	v21 =	vadd.s32 v37, v38  }
0x44e: {  	s28 =	sor.u32 $0xC0, s24;
	vm14 =	vle.s32 v14, v47;
	v51 =	vadd.s32 v49, v12;
	v59 =	vsel vm9, $0x1, v11  }
0x44f: {  	v61 =	vsel vm11, $0x1, v11;
	v37 =	vor.u32 s28, v0;
	v17 =	vadd.s32 v62, v17  }
0x450: {  	s31 =	sor.u32 $0x50, s24;
	v18 =	vadd.s32 v25, v18;
	v19 =	vadd.s32 v28, v19;
	v20 =	vadd.s32 v33, v20  }
0x451: {  	s29 =	sor.u32 $0x80, s24;
	v25 =	vor.u32 s31, v0;
	v21 =	vadd.s32 v24, v21;
	v27 =	vsel vm14, $0x1, v11  }
0x452: {  	v28 =	vor.u32 s29, v0;
	v24 =	vadd.s32 v50, v51;
	vm8 =	vle.s32 v16, v37  }
0x453: {  	vm9 =	vle.s32 v15, v37;
	vm11 =	vle.s32 v13, v37;
	v18 =	vadd.s32 v22, v18  }
0x454: {  	v19 =	vadd.s32 v29, v19;
	v20 =	vadd.s32 v23, v20;
	vm4 =	vle.s32 v16, v25  }
0x455: {  	vm5 =	vle.s32 v15, v25;
	v21 =	vadd.s32 v39, v21;
	vm6 =	vle.s32 v14, v25  }
0x456: {  	s31 =	sor.u32 $0xA0, s24;
	vm7 =	vle.s32 v13, v25;
	v23 =	vadd.s32 v45, v12;
	v24 =	vadd.s32 v27, v24  }
0x457: {  	s28 =	sor.u32 $0x110, s24;
	v29 =	vsel vm10, $0x1, v11;
	v60 =	vor.u32 s31, v0;
	v39 =	vsel vm8, $0x1, v11  }
0x458: {  	vm10 =	vle.s32 v14, v37;
	v37 =	vor.u32 s28, v0;
	v19 =	vadd.s32 v31, v19  }
0x459: {  	v20 =	vadd.s32 v35, v20;
	v40 =	vsel vm4, $0x1, v11;
	v41 =	vsel vm5, $0x1, v11  }
0x45a: {  	v42 =	vsel vm6, $0x1, v11;
	v44 =	vsel vm7, $0x1, v11;
	v23 =	vadd.s32 v46, v23  }
0x45b: {  	vm4 =	vle.s32 v16, v28;
	vm5 =	vle.s32 v15, v28;
	v24 =	vadd.s32 v52, v24  }
0x45c: {  	vm6 =	vle.s32 v14, v28;
	vm7 =	vle.s32 v13, v28;
	vm12 =	vle.s32 v16, v60  }
0x45d: {  	s26 =	sor.u32 $0xB0, s24;
	s31 =	sor.u32 $0xF0, s24;
	vm13 =	vle.s32 v15, v60;
	vm14 =	vle.s32 v14, v60;
	vm15 =	vle.s32 v13, v60  }
0x45e: {  	v31 =	vor.u32 s26, v0;
	v50 =	vor.u32 s31, v0;
	v22 =	vadd.s32 v40, v12  }
0x45f: {  	v23 =	vadd.s32 v26, v23;
	v53 =	vsel vm4, $0x1, v11;
	v54 =	vsel vm5, $0x1, v11  }
0x460: {  	v55 =	vsel vm6, $0x1, v11;
	v57 =	vsel vm7, $0x1, v11;
	v26 =	vadd.s32 v58, v12  }
0x461: {  	v62 =	vsel vm12, $0x1, v11;
	v63 =	vsel vm13, $0x1, v11;
	v30 =	vsel vm14, $0x1, v11  }
0x462: {  	v33 =	vsel vm15, $0x1, v11;
	vm4 =	vle.s32 v16, v31;
	vm5 =	vle.s32 v15, v31  }
0x463: {  	vm6 =	vle.s32 v14, v31;
	vm7 =	vle.s32 v13, v31;
	v40 =	vsel vm9, $0x1, v11  }
0x464: {  	vm8 =	vle.s32 v16, v50;
	vm9 =	vle.s32 v15, v50;
	v22 =	vadd.s32 v41, v22  }
0x465: {  	v23 =	vadd.s32 v48, v23;
	v25 =	vadd.s32 v53, v12;
	v26 =	vadd.s32 v59, v26  }
0x466: {  	s29 =	sor.u32 $0xD0, s24;
	v32 =	vadd.s32 v62, v12;
	v34 =	vsel vm4, $0x1, v11;
	v35 =	vsel vm5, $0x1, v11  }
0x467: {  	v36 =	vsel vm6, $0x1, v11;
	v38 =	vsel vm7, $0x1, v11;
	v41 =	vor.u32 s29, v0  }
0x468: {  	v52 =	vsel vm8, $0x1, v11;
	v53 =	vsel vm9, $0x1, v11;
	v22 =	vadd.s32 v42, v22  }
0x469: {  	v25 =	vadd.s32 v54, v25;
	v26 =	vadd.s32 v29, v26;
	v27 =	vadd.s32 v63, v32  }
0x46a: {  	v28 =	vadd.s32 v34, v12;
	v29 =	vadd.s32 v39, v12;
	v32 =	vsel vm10, $0x1, v11  }
0x46b: {  	s30 =	sor.u32 $0xE0, s24;
	v42 =	vsel vm11, $0x1, v11;
	vm12 =	vle.s32 v16, v41;
	vm13 =	vle.s32 v15, v41  }
0x46c: {  	s26 =	sor.u32 $0x100, s24;
	vm14 =	vle.s32 v14, v41;
	vm15 =	vle.s32 v13, v41;
	v34 =	vor.u32 s30, v0  }
0x46d: {  	s29 =	sor.u32 $0x120, s24;
	vm10 =	vle.s32 v14, v50;
	vm11 =	vle.s32 v13, v50;
	v54 =	vor.u32 s26, v0  }
0x46e: {  	v63 =	vor.u32 s29, v0;
	v22 =	vadd.s32 v44, v22;
	v25 =	vadd.s32 v55, v25  }
0x46f: {  	v26 =	vadd.s32 v61, v26;
	v27 =	vadd.s32 v30, v27;
	v28 =	vadd.s32 v35, v28  }
0x470: {  	v29 =	vadd.s32 v40, v29;
	v43 =	vsel vm12, $0x1, v11;
	v44 =	vsel vm13, $0x1, v11  }
0x471: {  	v46 =	vsel vm15, $0x1, v11;
	vm4 =	vle.s32 v16, v34;
	vm5 =	vle.s32 v15, v34  }
0x472: {  	vm6 =	vle.s32 v14, v34;
	vm7 =	vle.s32 v13, v34;
	v35 =	vsel vm10, $0x1, v11  }
0x473: {  	v55 =	vsel vm11, $0x1, v11;
	vm12 =	vle.s32 v16, v54;
	vm13 =	vle.s32 v15, v54  }
0x474: {  	vm15 =	vle.s32 v13, v54;
	vm8 =	vle.s32 v16, v63;
	vm9 =	vle.s32 v15, v63  }
0x475: {  	vm10 =	vle.s32 v14, v63;
	vm11 =	vle.s32 v13, v63;
	v25 =	vadd.s32 v57, v25  }
0x476: {  	v27 =	vadd.s32 v33, v27;
	v28 =	vadd.s32 v36, v28;
	v29 =	vadd.s32 v32, v29  }
0x477: {  	v33 =	vsel vm14, $0x1, v11;
	v45 =	vadd.s32 v43, v12;
	v47 =	vsel vm4, $0x1, v11  }
0x478: {  	v48 =	vsel vm5, $0x1, v11;
	v49 =	vsel vm6, $0x1, v11;
	v51 =	vsel vm7, $0x1, v11  }
0x479: {  	v32 =	vadd.s32 v52, v12;
	v56 =	vsel vm12, $0x1, v11;
	v57 =	vsel vm13, $0x1, v11  }
0x47a: {  	vm14 =	vle.s32 v14, v54;
	v59 =	vsel vm15, $0x1, v11;
	vm4 =	vle.s32 v16, v37  }
0x47b: {  	vm5 =	vle.s32 v15, v37;
	vm6 =	vle.s32 v14, v37;
	vm7 =	vle.s32 v13, v37  }
0x47c: {  	v40 =	vsel vm8, $0x1, v11;
	v41 =	vsel vm9, $0x1, v11;
	v43 =	vsel vm11, $0x1, v11  }
0x47d: {  	v28 =	vadd.s32 v38, v28;
	v29 =	vadd.s32 v42, v29;
	v30 =	vadd.s32 v44, v45  }
0x47e: {  	v31 =	vadd.s32 v47, v12;
	v32 =	vadd.s32 v53, v32;
	v36 =	vsel vm14, $0x1, v11  }
0x47f: {  	v58 =	vadd.s32 v56, v12;
	v60 =	vsel vm4, $0x1, v11;
	v61 =	vsel vm5, $0x1, v11  }
0x480: {  	s30 =	sor.u32 $0x130, s24;
	v62 =	vsel vm6, $0x1, v11;
	v39 =	vsel vm7, $0x1, v11;
	v38 =	vsel vm10, $0x1, v11  }
0x481: {  	v42 =	vor.u32 s30, v0;
	v30 =	vadd.s32 v33, v30;
	v31 =	vadd.s32 v48, v31  }
0x482: {  	v32 =	vadd.s32 v35, v32;
	v33 =	vadd.s32 v57, v58;
	v34 =	vadd.s32 v60, v12  }
0x483: {  	s31 =	sor.u32 $0x140, s24;
	v35 =	vadd.s32 v40, v12;
	vm12 =	vle.s32 v16, v42;
	vm13 =	vle.s32 v15, v42  }
0x484: {  	s30 =	sor.u32 $0x180, s24;
	vm14 =	vle.s32 v14, v42;
	vm15 =	vle.s32 v13, v42;
	v40 =	vor.u32 s31, v0  }
0x485: {  	v63 =	vor.u32 s30, v0;
	v30 =	vadd.s32 v46, v30;
	v31 =	vadd.s32 v49, v31  }
0x486: {  	v32 =	vadd.s32 v55, v32;
	v33 =	vadd.s32 v36, v33;
	v34 =	vadd.s32 v61, v34  }
0x487: {  	v35 =	vadd.s32 v41, v35;
	v44 =	vsel vm12, $0x1, v11;
	v45 =	vsel vm13, $0x1, v11  }
0x488: {  	s28 =	sor.u32 $0x160, s24;
	v47 =	vsel vm15, $0x1, v11;
	vm4 =	vle.s32 v16, v40;
	vm5 =	vle.s32 v15, v40  }
0x489: {  	vm6 =	vle.s32 v14, v40;
	vm7 =	vle.s32 v13, v40;
	v55 =	vor.u32 s28, v0  }
0x48a: {  	v31 =	vadd.s32 v51, v31;
	v33 =	vadd.s32 v59, v33;
	v34 =	vadd.s32 v62, v34  }
0x48b: {  	s26 =	sor.u32 $0x150, s24;
	v35 =	vadd.s32 v38, v35;
	v46 =	vadd.s32 v44, v12;
	v48 =	vsel vm4, $0x1, v11  }
0x48c: {  	v49 =	vsel vm5, $0x1, v11;
	v50 =	vsel vm6, $0x1, v11;
	v51 =	vor.u32 s26, v0  }
0x48d: {  	s29 =	sor.u32 $0x170, s24;
	s28 =	sor.u32 $0x1B0, s24;
	v52 =	vsel vm7, $0x1, v11;
	vm12 =	vle.s32 v16, v55;
	vm13 =	vle.s32 v15, v55  }
0x48e: {  	[tilespmem:s23+$0x10D0] =	vst v24;
	vm15 =	vle.s32 v13, v55;
	v59 =	vor.u32 s29, v0;
	v24 =	vor.u32 s28, v0  }
0x48f: {  	v34 =	vadd.s32 v39, v34;
	v35 =	vadd.s32 v43, v35;
	v39 =	vsel vm14, $0x1, v11  }
0x490: {  	v36 =	vadd.s32 v45, v46;
	v37 =	vadd.s32 v48, v12;
	vm8 =	vle.s32 v16, v51  }
0x491: {  	vm9 =	vle.s32 v15, v51;
	vm10 =	vle.s32 v14, v51;
	vm11 =	vle.s32 v13, v51  }
0x492: {  	v57 =	vsel vm12, $0x1, v11;
	v58 =	vsel vm13, $0x1, v11;
	vm14 =	vle.s32 v14, v55  }
0x493: {  	s31 =	sor.u32 $0x190, s24;
	v43 =	vsel vm15, $0x1, v11;
	vm4 =	vle.s32 v16, v59;
	vm5 =	vle.s32 v15, v59  }
0x494: {  	s30 =	sor.u32 $0x1D0, s24;
	vm6 =	vle.s32 v14, v59;
	vm7 =	vle.s32 v13, v59;
	v51 =	vor.u32 s31, v0  }
0x495: {  	v46 =	vor.u32 s30, v0;
	v36 =	vadd.s32 v39, v36;
	v37 =	vadd.s32 v49, v37  }
0x496: {  	v53 =	vsel vm8, $0x1, v11;
	v54 =	vsel vm9, $0x1, v11;
	v41 =	vsel vm10, $0x1, v11  }
0x497: {  	v56 =	vsel vm11, $0x1, v11;
	v42 =	vsel vm14, $0x1, v11;
	v60 =	vsel vm4, $0x1, v11  }
0x498: {  	v61 =	vsel vm5, $0x1, v11;
	v62 =	vsel vm6, $0x1, v11;
	v48 =	vsel vm7, $0x1, v11  }
0x499: {  	vm8 =	vle.s32 v16, v63;
	vm9 =	vle.s32 v15, v63;
	vm10 =	vle.s32 v14, v63  }
0x49a: {  	s29 =	sor.u32 $0x1C0, s24;
	vm11 =	vle.s32 v13, v63;
	vm12 =	vle.s32 v16, v51;
	vm13 =	vle.s32 v15, v51  }
0x49b: {  	s31 =	sor.u32 $0x1E0, s24;
	vm14 =	vle.s32 v14, v51;
	vm15 =	vle.s32 v13, v51;
	v39 =	vor.u32 s29, v0  }
0x49c: {  	v51 =	vor.u32 s31, v0;
	v36 =	vadd.s32 v47, v36;
	v37 =	vadd.s32 v50, v37  }
0x49d: {  	v38 =	vadd.s32 v53, v12;
	v49 =	vsel vm8, $0x1, v11;
	v50 =	vsel vm9, $0x1, v11  }
0x49e: {  	v44 =	vsel vm10, $0x1, v11;
	v55 =	vsel vm13, $0x1, v11;
	v59 =	vsel vm15, $0x1, v11  }
0x49f: {  	vm8 =	vle.s32 v16, v24;
	vm9 =	vle.s32 v15, v24;
	vm10 =	vle.s32 v14, v24  }
0x4a0: {  	[tilespmem:s23+$0x10F0] =	vst v26;
	vm13 =	vle.s32 v15, v39;
	vm15 =	vle.s32 v13, v39;
	v37 =	vadd.s32 v52, v37  }
0x4a1: {  	[tilespmem:s23+$0x1100] =	vst v27;
	v38 =	vadd.s32 v54, v38;
	v52 =	vsel vm11, $0x1, v11;
	v54 =	vsel vm12, $0x1, v11  }
0x4a2: {  	[tilespmem:s23+$0x1110] =	vst v28;
	v26 =	vsel vm8, $0x1, v11;
	v27 =	vsel vm9, $0x1, v11;
	v28 =	vsel vm10, $0x1, v11  }
0x4a3: {  	vm11 =	vle.s32 v13, v24;
	vm12 =	vle.s32 v16, v39;
	v47 =	vsel vm15, $0x1, v11  }
0x4a4: {  	s26 =	sor.u32 $0x1A0, s24;
	vm8 =	vle.s32 v16, v51;
	vm9 =	vle.s32 v15, v51;
	vm10 =	vle.s32 v14, v51  }
0x4a5: {  	[tilespmem:s23+$0x1060] =	vst v17;
	v38 =	vadd.s32 v41, v38;
	v41 =	vadd.s32 v57, v12;
	v57 =	vor.u32 s26, v0  }
0x4a6: {  	[tilespmem:s23+$0x1090] =	vst v20;
	v20 =	vadd.s32 v26, v12;
	v38 =	vadd.s32 v56, v38;
	v40 =	vadd.s32 v58, v41  }
0x4a7: {  	[tilespmem:s23+$0x1070] =	vst v18;
	v41 =	vadd.s32 v60, v12;
	v56 =	vsel vm14, $0x1, v11;
	v58 =	vadd.s32 v54, v12  }
0x4a8: {  	[tilespmem:s23+$0x10A0] =	vst v21;
	vm4 =	vle.s32 v16, v57;
	vm5 =	vle.s32 v15, v57;
	vm6 =	vle.s32 v14, v57  }
0x4a9: {  	[tilespmem:s23+$0x1080] =	vst v19;
	vm7 =	vle.s32 v13, v57;
	v20 =	vadd.s32 v27, v20;
	vm14 =	vle.s32 v14, v39  }
0x4aa: {  	[tilespmem:s23+$0x10C0] =	vst v23;
	v54 =	vsel vm9, $0x1, v11;
	v40 =	vadd.s32 v42, v40;
	v41 =	vadd.s32 v61, v41  }
0x4ab: {  	[tilespmem:s23+$0x10B0] =	vst v22;
	v42 =	vadd.s32 v49, v12;
	v18 =	vadd.s32 v55, v58;
	v60 =	vsel vm4, $0x1, v11  }
0x4ac: {  	[tilespmem:s23+$0x10E0] =	vst v25;
	v63 =	vsel vm6, $0x1, v11;
	v25 =	vsel vm7, $0x1, v11;
	v20 =	vadd.s32 v28, v20  }
0x4ad: {  	[tilespmem:s23+$0x1120] =	vst v29;
	v45 =	vsel vm14, $0x1, v11;
	vm4 =	vle.s32 v16, v46;
	vm6 =	vle.s32 v14, v46  }
0x4ae: {  	[tilespmem:s23+$0x1130] =	vst v30;
	vm7 =	vle.s32 v13, v46;
	v55 =	vsel vm10, $0x1, v11;
	v40 =	vadd.s32 v43, v40  }
0x4af: {  	[tilespmem:s23+$0x1150] =	vst v32;
	v41 =	vadd.s32 v62, v41;
	v42 =	vadd.s32 v50, v42;
	v18 =	vadd.s32 v56, v18  }
0x4b0: {  	[tilespmem:s23+$0x1140] =	vst v31;
	s24 =	sor.u32 $0x1F0, s24;
	v61 =	vadd.s32 v60, v12;
	v62 =	vsel vm5, $0x1, v11;
	v43 =	vsel vm12, $0x1, v11  }
0x4b1: {  	[tilespmem:s23+$0x1160] =	vst v33;
	vm5 =	vle.s32 v15, v46;
	v50 =	vsel vm6, $0x1, v11;
	v56 =	vor.u32 s24, v0  }
0x4b2: {  	[tilespmem:s23+$0x1170] =	vst v34;
	v41 =	vadd.s32 v48, v41;
	v53 =	vadd.s32 v44, v42;
	v18 =	vadd.s32 v59, v18  }
0x4b3: {  	[tilespmem:s23+$0x1180] =	vst v35;
	v19 =	vadd.s32 v62, v61;
	v42 =	vsel vm11, $0x1, v11;
	v44 =	vsel vm13, $0x1, v11  }
0x4b4: {  	[tilespmem:s23+$0x1190] =	vst v36;
	v23 =	vadd.s32 v43, v12;
	v48 =	vsel vm4, $0x1, v11;
	v49 =	vsel vm5, $0x1, v11  }
0x4b5: {  	[tilespmem:s23+$0x11A0] =	vst v37;
	vm11 =	vle.s32 v13, v51;
	vm12 =	vle.s32 v16, v56;
	vm13 =	vle.s32 v15, v56  }
0x4b6: {  	[tilespmem:s23+$0x11B0] =	vst v38;
	vm14 =	vle.s32 v14, v56;
	vm15 =	vle.s32 v13, v56;
	v17 =	vadd.s32 v52, v53  }
0x4b7: {  	[tilespmem:s23+$0x11C0] =	vst v40;
	v19 =	vadd.s32 v63, v19;
	v20 =	vadd.s32 v42, v20;
	v22 =	vadd.s32 v44, v23  }
0x4b8: {  	v23 =	vadd.s32 v48, v12;
	v52 =	vsel vm7, $0x1, v11;
	v53 =	vsel vm8, $0x1, v11;
	[tilespmem:s23+$0x11D0] =	vst v41  }
0x4b9: {  	[tilespmem:s23+$0x11F0] =	vst v18;
	v58 =	vsel vm11, $0x1, v11;
	v60 =	vsel vm12, $0x1, v11;
	v15 =	vsel vm13, $0x1, v11  }
0x4ba: {  	v14 =	vsel vm14, $0x1, v11;
	v19 =	vadd.s32 v25, v19;
	v22 =	vadd.s32 v45, v22;
	[tilespmem:s23+$0x11E0] =	vst v17  }
0x4bb: {  	v23 =	vadd.s32 v49, v23;
	v24 =	vadd.s32 v53, v12;
	[tilespmem:s23+$0x1210] =	vst v20;
	v61 =	vadd.s32 v60, v12  }
0x4bc: {  	v22 =	vadd.s32 v47, v22;
	v23 =	vadd.s32 v50, v23;
	v57 =	vadd.s32 v54, v24;
	[tilespmem:s23+$0x1200] =	vst v19  }
0x4bd: {  	v12 =	vadd.s32 v15, v61;
	v23 =	vadd.s32 v52, v23;
	v59 =	vadd.s32 v55, v57;
	[tilespmem:s23+$0x1220] =	vst v22  }
0x4be: {  	v63 =	vsel vm15, $0x1, v11;
	v12 =	vadd.s32 v14, v12;
	[tilespmem:s23+$0x1230] =	vst v23;
	v62 =	vadd.s32 v58, v59  }
0x4bf: {  	v12 =	vadd.s32 v63, v12;
	[tilespmem:s23+$0x1240] =	vst v62  }
0x4c0: {  	[tilespmem:s23+$0x1250] =	vst v12  }
.LBB2_24:
0x4c1: {  	s20 =	sadd.s32 $0x1, s20  }
0x4c2: {  	p0 =	sne.s32 s20, $0x40  }
.Ltmp18:
0x4c3: {  	_ = 	snop;
	(pc) =	sbr.rel @!p0 .LBB2_25-.Ltmp18, $2  }
0x4c4: {  	_ =	sdelay $0x2  }
0x4c5: {  	s22 =	sadd.s32 $0x200, s22;
	s21 =	sadd.s32 $0x200, s21  }
.LBB2_20:
0x4c6: {  	v13 =	vld [tilespmem:s20+$0x1010];
	_ =	sdelay $0x4  }
0x4c7: {  	(v2sf) =	vpush v13, $0x0  }
0x4c8: {  	(v2sf) =	vpush v13, $0x1;
	_ =	sdelay $0xd  }
0x4c9: {  	s23 =	spop (v2sf)  }
0x4ca: {  	s24 =	spop (v2sf)  }
0x4cb: {  	s24 =	ssub.s32 s24, s23  }
0x4cc: {  	p0 =	sgt.s32 s24, $0x4  }
.Ltmp19:
0x4cd: {  	_ = 	snop;
	(pc) =	sbr.rel @!p0 .LBB2_21-.Ltmp19, $2  }
0x4ce: {  	_ =	sdelay $0x2  }
0x4cf: {  	v12 =	vbroadcast v13, $0x0  }
0x4d0: {  	v13 =	vbroadcast v13, $0x1;
	_ =	sdelay $0x1  }
0x4d1: {  	v14 =	vadd.s32 v13, v12  }
0x4d2: {  	v14 =	vshra.s32 v14, $0x1;
	_ =	sdelay $0x3  }
0x4d3: {  	s23 =	simm.s32 $0x0;
	v16 =	vmov s21;
	s24 =	smov.u32 s22;
	v15 =	vadd.s32 $0x1, v14  }
.LBB2_23:
0x4d4: {  	v17 =	vld.idx.msk [tilespmem:v14+s2+$0x0], $0xffff;
	_ =	sdelay $0x3  }
0x4d5: {  	v18 =	vor.u32 s24, v0  }
0x4d6: {  	vm0 =	vgt.s32 v17, v18  }
0x4d7: {  	v17 =	vsel vm0, v12, v15;
	v19 =	vsel vm0, v14, v13  }
0x4d8: {  	v20 =	vadd.s32 v19, v17  }
0x4d9: {  	v20 =	vshra.s32 v20, $0x1;
	_ =	sdelay $0x4  }
0x4da: {  	v21 =	vld.idx.msk [tilespmem:v20+s2+$0x0], $0xffff;
	_ =	sdelay $0x4  }
0x4db: {  	v42 =	vadd.s32 $0x1, v20;
	vm4 =	vgt.s32 v21, v18  }
0x4dc: {  	v17 =	vsel vm4, v17, v42;
	v19 =	vsel vm4, v20, v19  }
0x4dd: {  	v20 =	vadd.s32 v19, v17  }
0x4de: {  	v20 =	vshra.s32 v20, $0x1;
	_ =	sdelay $0x4  }
0x4df: {  	v43 =	vld.idx.msk [tilespmem:v20+s2+$0x0], $0xffff;
	_ =	sdelay $0x4  }
0x4e0: {  	v44 =	vadd.s32 $0x1, v20;
	vm5 =	vgt.s32 v43, v18  }
0x4e1: {  	v17 =	vsel vm5, v17, v44;
	v19 =	vsel vm5, v20, v19  }
0x4e2: {  	v20 =	vadd.s32 v19, v17  }
0x4e3: {  	v20 =	vshra.s32 v20, $0x1;
	_ =	sdelay $0x4  }
0x4e4: {  	v45 =	vld.idx.msk [tilespmem:v20+s2+$0x0], $0xffff;
	_ =	sdelay $0x4  }
0x4e5: {  	v46 =	vadd.s32 $0x1, v20;
	vm6 =	vgt.s32 v45, v18  }
0x4e6: {  	v17 =	vsel vm6, v17, v46;
	v19 =	vsel vm6, v20, v19  }
0x4e7: {  	v20 =	vadd.s32 v19, v17  }
0x4e8: {  	v20 =	vshra.s32 v20, $0x1;
	_ =	sdelay $0x4  }
0x4e9: {  	v47 =	vld.idx.msk [tilespmem:v20+s2+$0x0], $0xffff;
	_ =	sdelay $0x4  }
0x4ea: {  	v48 =	vadd.s32 $0x1, v20;
	vm7 =	vgt.s32 v47, v18  }
0x4eb: {  	v17 =	vsel vm7, v17, v48;
	v19 =	vsel vm7, v20, v19  }
0x4ec: {  	v20 =	vadd.s32 v19, v17  }
0x4ed: {  	v20 =	vshra.s32 v20, $0x1;
	_ =	sdelay $0x4  }
0x4ee: {  	v49 =	vld.idx.msk [tilespmem:v20+s2+$0x0], $0xffff;
	_ =	sdelay $0x4  }
0x4ef: {  	v50 =	vadd.s32 $0x1, v20;
	vm8 =	vgt.s32 v49, v18  }
0x4f0: {  	v17 =	vsel vm8, v17, v50;
	v19 =	vsel vm8, v20, v19  }
0x4f1: {  	v20 =	vadd.s32 v19, v17  }
0x4f2: {  	v20 =	vshra.s32 v20, $0x1;
	_ =	sdelay $0x4  }
0x4f3: {  	v51 =	vld.idx.msk [tilespmem:v20+s2+$0x0], $0xffff;
	_ =	sdelay $0x4  }
0x4f4: {  	v52 =	vadd.s32 $0x1, v20;
	vm9 =	vgt.s32 v51, v18  }
0x4f5: {  	v17 =	vsel vm9, v17, v52;
	v19 =	vsel vm9, v20, v19  }
0x4f6: {  	v20 =	vadd.s32 v19, v17  }
0x4f7: {  	v20 =	vshra.s32 v20, $0x1;
	_ =	sdelay $0x4  }
0x4f8: {  	v53 =	vld.idx.msk [tilespmem:v20+s2+$0x0], $0xffff;
	_ =	sdelay $0x4  }
0x4f9: {  	v54 =	vadd.s32 $0x1, v20;
	vm10 =	vgt.s32 v53, v18  }
0x4fa: {  	v17 =	vsel vm10, v17, v54;
	v19 =	vsel vm10, v20, v19  }
0x4fb: {  	v20 =	vadd.s32 v19, v17  }
0x4fc: {  	v20 =	vshra.s32 v20, $0x1;
	_ =	sdelay $0x4  }
0x4fd: {  	v55 =	vld.idx.msk [tilespmem:v20+s2+$0x0], $0xffff;
	_ =	sdelay $0x4  }
0x4fe: {  	v56 =	vadd.s32 $0x1, v20;
	vm11 =	vgt.s32 v55, v18  }
0x4ff: {  	v17 =	vsel vm11, v17, v56;
	v19 =	vsel vm11, v20, v19  }
0x500: {  	v20 =	vadd.s32 v19, v17  }
0x501: {  	v20 =	vshra.s32 v20, $0x1;
	_ =	sdelay $0x4  }
0x502: {  	v57 =	vld.idx.msk [tilespmem:v20+s2+$0x0], $0xffff;
	_ =	sdelay $0x4  }
0x503: {  	v58 =	vadd.s32 $0x1, v20;
	vm12 =	vgt.s32 v57, v18  }
0x504: {  	v17 =	vsel vm12, v17, v58;
	v19 =	vsel vm12, v20, v19  }
0x505: {  	v20 =	vadd.s32 v19, v17  }
0x506: {  	v20 =	vshra.s32 v20, $0x1;
	_ =	sdelay $0x4  }
0x507: {  	v59 =	vld.idx.msk [tilespmem:v20+s2+$0x0], $0xffff;
	_ =	sdelay $0x4  }
0x508: {  	v60 =	vadd.s32 $0x1, v20;
	vm13 =	vgt.s32 v59, v18  }
0x509: {  	v17 =	vsel vm13, v17, v60;
	v19 =	vsel vm13, v20, v19  }
0x50a: {  	v20 =	vadd.s32 v19, v17  }
0x50b: {  	v20 =	vshra.s32 v20, $0x1;
	_ =	sdelay $0x4  }
0x50c: {  	v61 =	vld.idx.msk [tilespmem:v20+s2+$0x0], $0xffff;
	_ =	sdelay $0x4  }
0x50d: {  	v62 =	vadd.s32 $0x1, v20;
	vm14 =	vgt.s32 v61, v18  }
0x50e: {  	v17 =	vsel vm14, v17, v62;
	v19 =	vsel vm14, v20, v19  }
0x50f: {  	v19 =	vadd.s32 v19, v17  }
0x510: {  	v19 =	vshra.s32 v19, $0x1;
	_ =	sdelay $0x4  }
0x511: {  	v63 =	vld.idx.msk [tilespmem:v19+s2+$0x0], $0xffff;
	_ =	sdelay $0x1  }
0x512: {  	p0 =	sne.s32 s23, $0x7C0  }
.Ltmp20:
0x513: {  	_ = 	snop;
	(pc) =	sbr.rel @p0 .LBB2_23-.Ltmp20, $4  }
0x514: {  	_ = 	snop  }
0x515: {  	vm15 =	vgt.s32 v63, v18;
	v18 =	vadd.s32 $0x1, v19  }
0x516: {  	s25 =	sshra.s32 s23, $0x2;
	v17 =	vsel vm15, v17, v18  }
0x517: {  	s24 =	sadd.s32 $0x10, s24;
	s23 =	sadd.s32 $0x40, s23;
	[tilespmem:v16+s25+$0x0 ss:$0x1] =	vst.idx.msk $0xffff, v17  }
.Ltmp21:
0x518: {  	_ = 	snop;
	(pc) =	sbr.rel .LBB2_24-.Ltmp21, $1  }
0x519: {  	_ =	sdelay $0x3  }
.LBB2_26:
0x51a: {  	_ =	sfence.sel $0x180000  }
0x51b: {  	[bflag:$0x0] =	sbarrier.arrive $0xFFFF  }
0x51c: {  	p0 =	sne.s32 s1, $0x0;
	_ =	strace $0x90000047  }
0x51d: {  	s0 =	sadd.s32 @!p0 $0x100000, s0;
	[bflag:$0x2] =	sbarrier.arrive $0xFFFF  }
0x51e: {  	[sflag:s0] =	ssyncadd.tile.s32 @!p0 $0x1;
	_ =	shalt  }
.Lfunc_end2:
_tile_overlayer_lowered:
.L_overlay_start_2:
0x51f: {  	(tag) =	ssettag $0x2  }
0x520: {  	s0 =	rddreg [dreg:$0x0];
	s2 =	stileid.u32  }
0x521: {  	s1 =	rddreg [dreg:$0x1];
	p0 =	sne.s32 s2, $0x0  }
0x522: {  	s3 =	rddreg [dreg:$0x2];
	[bflag:$0x3] =	sbarrier.arrive $0xFFFF;
	s2 =	simm.s32 @!p0 $0x1C02  }
0x523: {  	[timem:s3], [sflag:s2] =	dma.local @!p0 [hbm:s0], s1  }
0x524: {  	s0 =	simm.s32 @!p0 $0x2  }
0x525: {  	_ =	swait.ge @!p0 [sflag:s0], s1  }
0x526: {  	s1 =	ssub.s32 @!p0 $0x0, s1;
	[sflag:s0] =	ssyncset.done @!p0 $0x0  }
0x527: {  	[sflag:s0] =	ssyncadd.s32 @!p0 s1  }
0x528: {  	[bflag:$0x3] =	sbarrier.arrive $0xFFFF  }
0x529: {  	_ =	shalt  }

</sc_bundles>
